<compile_context>
chip_gen: v7x
topology: tpu7x:2x2x1
jax: 0.10.2.dev20260603
libtpu: 0.0.44.dev20260713+nightly
codegen_flags: <defaults>
</compile_context>

<pallas_src>
import functools

import jax
import jax.numpy as jnp
from jax import lax
from jax.experimental import pallas as pl
from jax.experimental.pallas import tpu as pltpu, tpu_sc as plsc

HIDDEN = 64
LANES = 16
NUM_CORES = 2
NUM_SUBCORES = 16
NW = NUM_CORES * NUM_SUBCORES

SEQ = 200
BATCH = 4096
ST = SEQ // 8
BT = BATCH // 128
SI_PER_UNIT = 4
UNIT_ROWS = SI_PER_UNIT * 128
N_UNITS = ST * BT * (8 // SI_PER_UNIT)
UPW = N_UNITS // NW
NBUF = 2


def _coords(ug):
    st = ug // 64
    rem = ug % 64
    j = rem // 2
    half = rem % 2
    return st, j, half


def _emb_body(seq_hbm, pid_hbm, tok_hbm, pos_hbm, out_hbm,
              idxb0, idxb1, pidxb0, pidxb1, trows0, trows1, hbuf,
              isem0, isem1, psem0, psem1, tsem0, tsem1, osem):
    idxb = [idxb0, idxb1]
    pidxb = [pidxb0, pidxb1]
    trows = [trows0, trows1]
    isem = [isem0, isem1]
    psem = [psem0, psem1]
    tsem = [tsem0, tsem1]

    wid = lax.axis_index("s") * NUM_CORES + lax.axis_index("c")
    u0 = wid * UPW
    u_end = u0 + UPW

    iota16 = lax.iota(jnp.int32, LANES)
    hb_const = [(iota16 + 16 * hb) * 128 for hb in range(HIDDEN // LANES)]

    def stage(b, ug):
        st, j, half = _coords(ug)
        sl = pl.ds(UNIT_ROWS * half, UNIT_ROWS)
        pltpu.async_copy(seq_hbm.at[st, j, sl], idxb[b], isem[b])
        pltpu.async_copy(pid_hbm.at[st, j, sl], pidxb[b], isem[b])

    def wait_idx(b):
        pltpu.make_async_copy(seq_hbm.at[0, 0, pl.ds(0, UNIT_ROWS)],
                              idxb[b], isem[b]).wait()
        pltpu.make_async_copy(pid_hbm.at[0, 0, pl.ds(0, UNIT_ROWS)],
                              pidxb[b], isem[b]).wait()

    def start_pos(b):
        pltpu.async_copy(pos_hbm.at[pidxb[b]], trows[b], psem[b])

    def wait_pos(b):
        pltpu.make_async_copy(pos_hbm.at[pidxb[b]], trows[b], psem[b]).wait()

    def out_copies(u, start):
        st, j, half = _coords(u)
        for sp in range(SI_PER_UNIT):
            for ht in range(8):
                cp = pltpu.make_async_copy(
                    hbuf.at[sp, pl.ds(ht * 1024, 1024)],
                    out_hbm.at[st * 8 + SI_PER_UNIT * half + sp, ht, j],
                    osem)
                if start:
                    cp.start()
                else:
                    cp.wait()

    stage(0, u0)
    stage(1, u0 + 1)
    wait_idx(0)
    start_pos(0)

    def group_body(g, carry):
        for b in range(NBUF):
            u = u0 + g * NBUF + b
            nb = (b + 1) % NBUF

            wait_pos(b)
            tok_cp = pltpu.async_copy(tok_hbm.at[idxb[b]], trows[b],
                                      tsem[b], add=True)

            @pl.when(u + 1 < u_end)
            def _():
                wait_idx(nb)
                start_pos(nb)

            tok_cp.wait()

            @pl.when(u > u0)
            def _():
                out_copies(u, start=False)

            def row_body(r, c):
                sp = r // 128
                bi = r - sp * 128
                spv = jnp.full((LANES,), sp, jnp.int32)
                for hb in range(HIDDEN // LANES):
                    v = trows[b][r, pl.ds(16 * hb, LANES)]
                    idxv = hb_const[hb] + bi
                    plsc.store_scatter(hbuf, [spv, idxv], v)
                return c

            lax.fori_loop(0, UNIT_ROWS, row_body, 0, unroll=False)

            out_copies(u, start=True)

            @pl.when(u + 2 < u_end)
            def _():
                stage(b, u + 2)
        return carry

    lax.fori_loop(0, UPW // NBUF, group_body, 0, unroll=False)
    out_copies(u_end - 1, start=False)


def kernel(sequence, position_ids, token_table, pos_table):
    seq_r = (sequence.T.reshape(ST, 8, BT, 128).transpose(0, 2, 1, 3)
             .reshape(ST, BT, 1024).astype(jnp.int32))
    pid_r = (position_ids.T.reshape(ST, 8, BT, 128).transpose(0, 2, 1, 3)
             .reshape(ST, BT, 1024).astype(jnp.int32))

    mesh = plsc.VectorSubcoreMesh(core_axis_name="c", subcore_axis_name="s",
                                  num_cores=NUM_CORES, num_subcores=NUM_SUBCORES)
    scratch = (
        [pltpu.VMEM((UNIT_ROWS,), jnp.int32) for _ in range(2 * NBUF)]
        + [pltpu.VMEM((UNIT_ROWS, HIDDEN), jnp.float32) for _ in range(NBUF)]
        + [pltpu.VMEM((SI_PER_UNIT, 8 * 1024), jnp.float32)]
        + [pltpu.SemaphoreType.DMA for _ in range(3 * NBUF + 1)]
    )
    emb = functools.partial(
        pl.kernel,
        out_type=jax.ShapeDtypeStruct((SEQ, 8, BT, 1024), jnp.float32),
        mesh=mesh,
        scratch_types=scratch,
        compiler_params=pltpu.CompilerParams(use_tc_tiling_on_sc=False,
                                             needs_layout_passes=False),
    )(_emb_body)

    x = emb(seq_r, pid_r, token_table, pos_table)
    return (x.reshape(SEQ, 8, BT, 8, 128).transpose(2, 4, 0, 1, 3)
            .reshape(BATCH, SEQ, HIDDEN))

# --- scband reference (transcript-rebuilt; emitter-appended) ---
"""Pipeline reference for scband-bertembedding-60911226192476 (READ-ONLY COPY).

The authoritative reference and input builder live on the scoring server;
editing this copy changes nothing except your own understanding.
"""

import jax, jax.numpy as jnp
import numpy as np

VOCAB = 1000000
N_DATASETS = 200
HIDDEN = 64
BATCH = 4096
SEQ = 200
PAD_ID = 0


def setup_inputs(seed: int = 0) -> dict:
    key = jax.random.key(seed)
    k1, k2, k3, k4 = jax.random.split(key, 4)
    sequence = jax.random.randint(k1, (BATCH, SEQ), 0, VOCAB, dtype=jnp.int64) if jax.config.read('jax_enable_x64') else jax.random.randint(k1, (BATCH, SEQ), 0, VOCAB, dtype=jnp.int32)
    position_ids = jax.random.randint(k2, (BATCH, SEQ), 0, N_DATASETS, dtype=jnp.int32)
    # learned parameters: token embedding table (padding_idx=0 row zeroed, as torch does) and positional table
    token_table = jax.random.normal(k3, (VOCAB, HIDDEN), dtype=jnp.float32) * 0.02
    token_table = token_table.at[PAD_ID].set(0.0)
    pos_table = jax.random.normal(k4, (N_DATASETS, HIDDEN), dtype=jnp.float32) * 0.02
    return {
        'sequence': sequence,
        'position_ids': position_ids,
        'token_table': token_table,
        'pos_table': pos_table,
    }


def reference(sequence, position_ids, token_table, pos_table):
    # sequence = sequence.long(); x = token(sequence) + position(position_ids)
    seq = sequence.astype(jnp.int32)
    tok = jnp.take(token_table, seq, axis=0)
    pos = jnp.take(pos_table, position_ids.astype(jnp.int32), axis=0)
    x = tok + pos
    # dropout is identity in eval mode; cast to config.dtype (float32)
    return x.astype(jnp.float32)

if __name__ == "__main__":
    import jax
    _d = setup_inputs()
    print(jax.jit(kernel)(*tuple(_d.values())))

</pallas_src>

<mosaic_0001>
#map = affine_map<(d0, d1) -> (0, 0, 0)>
#map1 = affine_map<(d0, d1) -> (0, 0)>
#map2 = affine_map<(d0, d1) -> (0, 0, 0, 0)>
module attributes {stable_mosaic.version = 14 : i64} {
  func.func @_emb_body(%arg0: i32, %arg1: i32, %arg2: memref<25x32x1024xi32, #tpu.memory_space<hbm>>, %arg3: memref<25x32x1024xi32, #tpu.memory_space<hbm>>, %arg4: memref<1000000x64xf32, #tpu.memory_space<hbm>>, %arg5: memref<200x64xf32, #tpu.memory_space<hbm>>, %arg6: memref<200x8x32x1024xf32, #tpu.memory_space<hbm>>, %arg7: memref<512xi32, #tpu.memory_space<vmem>>, %arg8: memref<512xi32, #tpu.memory_space<vmem>>, %arg9: memref<512xi32, #tpu.memory_space<vmem>>, %arg10: memref<512xi32, #tpu.memory_space<vmem>>, %arg11: memref<512x64xf32, #tpu.memory_space<vmem>>, %arg12: memref<512x64xf32, #tpu.memory_space<vmem>>, %arg13: memref<4x8192xf32, #tpu.memory_space<vmem>>, %arg14: memref<!tpu.dma_semaphore, #tpu.memory_space<semaphore_mem>>, %arg15: memref<!tpu.dma_semaphore, #tpu.memory_space<semaphore_mem>>, %arg16: memref<!tpu.dma_semaphore, #tpu.memory_space<semaphore_mem>>, %arg17: memref<!tpu.dma_semaphore, #tpu.memory_space<semaphore_mem>>, %arg18: memref<!tpu.dma_semaphore, #tpu.memory_space<semaphore_mem>>, %arg19: memref<!tpu.dma_semaphore, #tpu.memory_space<semaphore_mem>>, %arg20: memref<!tpu.dma_semaphore, #tpu.memory_space<semaphore_mem>>) attributes {dimension_semantics = [#tpu.dimension_semantics<core_parallel>, #tpu.dimension_semantics<subcore_parallel>], iteration_bounds = array<i64: 2, 16>, scalar_prefetch = 0 : i64, scratch_operands = 14 : i64, tpu.core_type = #tpu.core_type<sc_vector_subcore>, window_params = [{transform_indices = #map}, {transform_indices = #map}, {transform_indices = #map1}, {transform_indices = #map1}, {transform_indices = #map2}]} {
    %mul3A = arith.constant 2 : i32
    %mul3A_0 = arith.muli %arg1, %mul3A : i32
    %add3A = arith.addi %mul3A_0, %arg0 : i32
    %mul3A_1 = arith.constant 50 : i32
    %mul3A_2 = arith.muli %add3A, %mul3A_1 : i32
    %add3A_3 = arith.constant 50 : i32
    %add3A_4 = arith.addi %mul3A_2, %add3A_3 : i32
    %iota3A = tpu.iota {dimensions = array<i32: 0>} : vector<16xi32>
    %add3A_5 = arith.constant 0 : i32
    %add3A_6 = vector.broadcast %add3A_5 : i32 to vector<16xi32>
    %add3A_7 = arith.addi %iota3A, %add3A_6 : vector<16xi32>
    %mul3A_8 = arith.constant 128 : i32
    %mul3A_9 = vector.broadcast %mul3A_8 : i32 to vector<16xi32>
    %mul3A_10 = arith.muli %add3A_7, %mul3A_9 : vector<16xi32>
    %add3A_11 = arith.constant 16 : i32
    %add3A_12 = vector.broadcast %add3A_11 : i32 to vector<16xi32>
    %add3A_13 = arith.addi %iota3A, %add3A_12 : vector<16xi32>
    %mul3A_14 = arith.constant 128 : i32
    %mul3A_15 = vector.broadcast %mul3A_14 : i32 to vector<16xi32>
    %mul3A_16 = arith.muli %add3A_13, %mul3A_15 : vector<16xi32>
    %add3A_17 = arith.constant 32 : i32
    %add3A_18 = vector.broadcast %add3A_17 : i32 to vector<16xi32>
    %add3A_19 = arith.addi %iota3A, %add3A_18 : vector<16xi32>
    %mul3A_20 = arith.constant 128 : i32
    %mul3A_21 = vector.broadcast %mul3A_20 : i32 to vector<16xi32>
    %mul3A_22 = arith.muli %add3A_19, %mul3A_21 : vector<16xi32>
    %add3A_23 = arith.constant 48 : i32
    %add3A_24 = vector.broadcast %add3A_23 : i32 to vector<16xi32>
    %add3A_25 = arith.addi %iota3A, %add3A_24 : vector<16xi32>
    %mul3A_26 = arith.constant 128 : i32
    %mul3A_27 = vector.broadcast %mul3A_26 : i32 to vector<16xi32>
    %mul3A_28 = arith.muli %add3A_25, %mul3A_27 : vector<16xi32>
    %jit3A = arith.constant 64 : i32
    %div3A = arith.divsi %mul3A_2, %jit3A : i32
    %sign3A = arith.constant 0 : i32
    %sign3A_29 = arith.cmpi sgt, %mul3A_2, %sign3A : i32
    %sign3A_30 = arith.extui %sign3A_29 : i1 to i32
    %sign3A_31 = arith.constant 0 : i32
    %sign3A_32 = arith.cmpi slt, %mul3A_2, %sign3A_31 : i32
    %sign3A_33 = arith.extui %sign3A_32 : i1 to i32
    %sign3A_34 = arith.subi %sign3A_30, %sign3A_33 : i32
    %sign3A_35 = arith.constant 0 : i32
    %sign3A_36 = arith.cmpi sgt, %jit3A, %sign3A_35 : i32
    %sign3A_37 = arith.extui %sign3A_36 : i1 to i32
    %sign3A_38 = arith.constant 0 : i32
    %sign3A_39 = arith.cmpi slt, %jit3A, %sign3A_38 : i32
    %sign3A_40 = arith.extui %sign3A_39 : i1 to i32
    %sign3A_41 = arith.subi %sign3A_37, %sign3A_40 : i32
    %ne3A = arith.cmpi ne, %sign3A_34, %sign3A_41 : i32
    %rem3A = arith.remsi %mul3A_2, %jit3A : i32
    %ne3A_42 = arith.constant 0 : i32
    %ne3A_43 = arith.cmpi ne, %rem3A, %ne3A_42 : i32
    %and3A = arith.andi %ne3A, %ne3A_43 : i1
    %sub3A = arith.constant 1 : i32
    %sub3A_44 = arith.subi %div3A, %sub3A : i32
    %select_n3A = arith.select %and3A, %sub3A_44, %div3A : i32
    %jit3A_45 = arith.constant 64 : i32
    %eq3A = arith.constant 0 : i32
    %eq3A_46 = arith.cmpi eq, %jit3A_45, %eq3A : i32
    %jit3A_47 = arith.constant 1 : i32
    %select_n3A_48 = arith.select %eq3A_46, %jit3A_47, %jit3A_45 : i32
    %rem3A_49 = arith.remsi %mul3A_2, %select_n3A_48 : i32
    %ne3A_50 = arith.constant 0 : i32
    %ne3A_51 = arith.cmpi ne, %rem3A_49, %ne3A_50 : i32
    %lt3A = arith.constant 0 : i32
    %lt3A_52 = arith.cmpi slt, %rem3A_49, %lt3A : i32
    %lt3A_53 = arith.constant 0 : i32
    %lt3A_54 = arith.cmpi slt, %select_n3A_48, %lt3A_53 : i32
    %ne3A_55 = arith.xori %lt3A_52, %lt3A_54 : i1
    %and3A_56 = arith.andi %ne3A_55, %ne3A_51 : i1
    %add3A_57 = arith.addi %rem3A_49, %select_n3A_48 : i32
    %select_n3A_58 = arith.select %and3A_56, %add3A_57, %rem3A_49 : i32
    %jit3A_59 = arith.constant 2 : i32
    %div3A_60 = arith.divsi %select_n3A_58, %jit3A_59 : i32
    %sign3A_61 = arith.constant 0 : i32
    %sign3A_62 = arith.cmpi sgt, %select_n3A_58, %sign3A_61 : i32
    %sign3A_63 = arith.extui %sign3A_62 : i1 to i32
    %sign3A_64 = arith.constant 0 : i32
    %sign3A_65 = arith.cmpi slt, %select_n3A_58, %sign3A_64 : i32
    %sign3A_66 = arith.extui %sign3A_65 : i1 to i32
    %sign3A_67 = arith.subi %sign3A_63, %sign3A_66 : i32
    %sign3A_68 = arith.constant 0 : i32
    %sign3A_69 = arith.cmpi sgt, %jit3A_59, %sign3A_68 : i32
    %sign3A_70 = arith.extui %sign3A_69 : i1 to i32
    %sign3A_71 = arith.constant 0 : i32
    %sign3A_72 = arith.cmpi slt, %jit3A_59, %sign3A_71 : i32
    %sign3A_73 = arith.extui %sign3A_72 : i1 to i32
    %sign3A_74 = arith.subi %sign3A_70, %sign3A_73 : i32
    %ne3A_75 = arith.cmpi ne, %sign3A_67, %sign3A_74 : i32
    %rem3A_76 = arith.remsi %select_n3A_58, %jit3A_59 : i32
    %ne3A_77 = arith.constant 0 : i32
    %ne3A_78 = arith.cmpi ne, %rem3A_76, %ne3A_77 : i32
    %and3A_79 = arith.andi %ne3A_75, %ne3A_78 : i1
    %sub3A_80 = arith.constant 1 : i32
    %sub3A_81 = arith.subi %div3A_60, %sub3A_80 : i32
    %select_n3A_82 = arith.select %and3A_79, %sub3A_81, %div3A_60 : i32
    %jit3A_83 = arith.constant 2 : i32
    %eq3A_84 = arith.constant 0 : i32
    %eq3A_85 = arith.cmpi eq, %jit3A_83, %eq3A_84 : i32
    %jit3A_86 = arith.constant 1 : i32
    %select_n3A_87 = arith.select %eq3A_85, %jit3A_86, %jit3A_83 : i32
    %rem3A_88 = arith.remsi %select_n3A_58, %select_n3A_87 : i32
    %ne3A_89 = arith.constant 0 : i32
    %ne3A_90 = arith.cmpi ne, %rem3A_88, %ne3A_89 : i32
    %lt3A_91 = arith.constant 0 : i32
    %lt3A_92 = arith.cmpi slt, %rem3A_88, %lt3A_91 : i32
    %lt3A_93 = arith.constant 0 : i32
    %lt3A_94 = arith.cmpi slt, %select_n3A_87, %lt3A_93 : i32
    %ne3A_95 = arith.xori %lt3A_92, %lt3A_94 : i1
    %and3A_96 = arith.andi %ne3A_95, %ne3A_90 : i1
    %add3A_97 = arith.addi %rem3A_88, %select_n3A_87 : i32
    %select_n3A_98 = arith.select %and3A_96, %add3A_97, %rem3A_88 : i32
    %mul3A_99 = arith.constant 512 : i32
    %mul3A_100 = arith.muli %mul3A_99, %select_n3A_98 : i32
    %dma_start3A = tpu.memref_slice %arg2[%select_n3A, %select_n3A_82, %mul3A_100] : memref<25x32x1024xi32, #tpu.memory_space<hbm>> -> memref<1x1x512xi32, #tpu.memory_space<hbm>>
    %dma_start3A_101 = tpu.memref_squeeze %dma_start3A : memref<1x1x512xi32, #tpu.memory_space<hbm>> -> memref<512xi32, #tpu.memory_space<hbm>>
    %dma_start3A_102 = tpu.memref_slice %arg2[%select_n3A, %select_n3A_82, %mul3A_100] : memref<25x32x1024xi32, #tpu.memory_space<hbm>> -> memref<1x1x512xi32, #tpu.memory_space<hbm>>
    %dma_start3A_103 = tpu.memref_squeeze %dma_start3A_102 : memref<1x1x512xi32, #tpu.memory_space<hbm>> -> memref<512xi32, #tpu.memory_space<hbm>>
    tpu.enqueue_dma source(%dma_start3A_103 : memref<512xi32, #tpu.memory_space<hbm>>) target(%arg7 : memref<512xi32, #tpu.memory_space<vmem>>) target_semaphore(%arg14 : memref<!tpu.dma_semaphore, #tpu.memory_space<semaphore_mem>>)
    %dma_start3A_104 = tpu.memref_slice %arg3[%select_n3A, %select_n3A_82, %mul3A_100] : memref<25x32x1024xi32, #tpu.memory_space<hbm>> -> memref<1x1x512xi32, #tpu.memory_space<hbm>>
    %dma_start3A_105 = tpu.memref_squeeze %dma_start3A_104 : memref<1x1x512xi32, #tpu.memory_space<hbm>> -> memref<512xi32, #tpu.memory_space<hbm>>
    %dma_start3A_106 = tpu.memref_slice %arg3[%select_n3A, %select_n3A_82, %mul3A_100] : memref<25x32x1024xi32, #tpu.memory_space<hbm>> -> memref<1x1x512xi32, #tpu.memory_space<hbm>>
    %dma_start3A_107 = tpu.memref_squeeze %dma_start3A_106 : memref<1x1x512xi32, #tpu.memory_space<hbm>> -> memref<512xi32, #tpu.memory_space<hbm>>
    tpu.enqueue_dma source(%dma_start3A_107 : memref<512xi32, #tpu.memory_space<hbm>>) target(%arg9 : memref<512xi32, #tpu.memory_space<vmem>>) target_semaphore(%arg14 : memref<!tpu.dma_semaphore, #tpu.memory_space<semaphore_mem>>)
    %add3A_108 = arith.constant 1 : i32
    %add3A_109 = arith.addi %mul3A_2, %add3A_108 : i32
    %jit3A_110 = arith.constant 64 : i32
    %div3A_111 = arith.divsi %add3A_109, %jit3A_110 : i32
    %sign3A_112 = arith.constant 0 : i32
    %sign3A_113 = arith.cmpi sgt, %add3A_109, %sign3A_112 : i32
    %sign3A_114 = arith.extui %sign3A_113 : i1 to i32
    %sign3A_115 = arith.constant 0 : i32
    %sign3A_116 = arith.cmpi slt, %add3A_109, %sign3A_115 : i32
    %sign3A_117 = arith.extui %sign3A_116 : i1 to i32
    %sign3A_118 = arith.subi %sign3A_114, %sign3A_117 : i32
    %sign3A_119 = arith.constant 0 : i32
    %sign3A_120 = arith.cmpi sgt, %jit3A_110, %sign3A_119 : i32
    %sign3A_121 = arith.extui %sign3A_120 : i1 to i32
    %sign3A_122 = arith.constant 0 : i32
    %sign3A_123 = arith.cmpi slt, %jit3A_110, %sign3A_122 : i32
    %sign3A_124 = arith.extui %sign3A_123 : i1 to i32
    %sign3A_125 = arith.subi %sign3A_121, %sign3A_124 : i32
    %ne3A_126 = arith.cmpi ne, %sign3A_118, %sign3A_125 : i32
    %rem3A_127 = arith.remsi %add3A_109, %jit3A_110 : i32
    %ne3A_128 = arith.constant 0 : i32
    %ne3A_129 = arith.cmpi ne, %rem3A_127, %ne3A_128 : i32
    %and3A_130 = arith.andi %ne3A_126, %ne3A_129 : i1
    %sub3A_131 = arith.constant 1 : i32
    %sub3A_132 = arith.subi %div3A_111, %sub3A_131 : i32
    %select_n3A_133 = arith.select %and3A_130, %sub3A_132, %div3A_111 : i32
    %jit3A_134 = arith.constant 64 : i32
    %eq3A_135 = arith.constant 0 : i32
    %eq3A_136 = arith.cmpi eq, %jit3A_134, %eq3A_135 : i32
    %jit3A_137 = arith.constant 1 : i32
    %select_n3A_138 = arith.select %eq3A_136, %jit3A_137, %jit3A_134 : i32
    %rem3A_139 = arith.remsi %add3A_109, %select_n3A_138 : i32
    %ne3A_140 = arith.constant 0 : i32
    %ne3A_141 = arith.cmpi ne, %rem3A_139, %ne3A_140 : i32
    %lt3A_142 = arith.constant 0 : i32
    %lt3A_143 = arith.cmpi slt, %rem3A_139, %lt3A_142 : i32
    %lt3A_144 = arith.constant 0 : i32
    %lt3A_145 = arith.cmpi slt, %select_n3A_138, %lt3A_144 : i32
    %ne3A_146 = arith.xori %lt3A_143, %lt3A_145 : i1
    %and3A_147 = arith.andi %ne3A_146, %ne3A_141 : i1
    %add3A_148 = arith.addi %rem3A_139, %select_n3A_138 : i32
    %select_n3A_149 = arith.select %and3A_147, %add3A_148, %rem3A_139 : i32
    %jit3A_150 = arith.constant 2 : i32
    %div3A_151 = arith.divsi %select_n3A_149, %jit3A_150 : i32
    %sign3A_152 = arith.constant 0 : i32
    %sign3A_153 = arith.cmpi sgt, %select_n3A_149, %sign3A_152 : i32
    %sign3A_154 = arith.extui %sign3A_153 : i1 to i32
    %sign3A_155 = arith.constant 0 : i32
    %sign3A_156 = arith.cmpi slt, %select_n3A_149, %sign3A_155 : i32
    %sign3A_157 = arith.extui %sign3A_156 : i1 to i32
    %sign3A_158 = arith.subi %sign3A_154, %sign3A_157 : i32
    %sign3A_159 = arith.constant 0 : i32
    %sign3A_160 = arith.cmpi sgt, %jit3A_150, %sign3A_159 : i32
    %sign3A_161 = arith.extui %sign3A_160 : i1 to i32
    %sign3A_162 = arith.constant 0 : i32
    %sign3A_163 = arith.cmpi slt, %jit3A_150, %sign3A_162 : i32
    %sign3A_164 = arith.extui %sign3A_163 : i1 to i32
    %sign3A_165 = arith.subi %sign3A_161, %sign3A_164 : i32
    %ne3A_166 = arith.cmpi ne, %sign3A_158, %sign3A_165 : i32
    %rem3A_167 = arith.remsi %select_n3A_149, %jit3A_150 : i32
    %ne3A_168 = arith.constant 0 : i32
    %ne3A_169 = arith.cmpi ne, %rem3A_167, %ne3A_168 : i32
    %and3A_170 = arith.andi %ne3A_166, %ne3A_169 : i1
    %sub3A_171 = arith.constant 1 : i32
    %sub3A_172 = arith.subi %div3A_151, %sub3A_171 : i32
    %select_n3A_173 = arith.select %and3A_170, %sub3A_172, %div3A_151 : i32
    %jit3A_174 = arith.constant 2 : i32
    %eq3A_175 = arith.constant 0 : i32
    %eq3A_176 = arith.cmpi eq, %jit3A_174, %eq3A_175 : i32
    %jit3A_177 = arith.constant 1 : i32
    %select_n3A_178 = arith.select %eq3A_176, %jit3A_177, %jit3A_174 : i32
    %rem3A_179 = arith.remsi %select_n3A_149, %select_n3A_178 : i32
    %ne3A_180 = arith.constant 0 : i32
    %ne3A_181 = arith.cmpi ne, %rem3A_179, %ne3A_180 : i32
    %lt3A_182 = arith.constant 0 : i32
    %lt3A_183 = arith.cmpi slt, %rem3A_179, %lt3A_182 : i32
    %lt3A_184 = arith.constant 0 : i32
    %lt3A_185 = arith.cmpi slt, %select_n3A_178, %lt3A_184 : i32
    %ne3A_186 = arith.xori %lt3A_183, %lt3A_185 : i1
    %and3A_187 = arith.andi %ne3A_186, %ne3A_181 : i1
    %add3A_188 = arith.addi %rem3A_179, %select_n3A_178 : i32
    %select_n3A_189 = arith.select %and3A_187, %add3A_188, %rem3A_179 : i32
    %mul3A_190 = arith.constant 512 : i32
    %mul3A_191 = arith.muli %mul3A_190, %select_n3A_189 : i32
    %dma_start3A_192 = tpu.memref_slice %arg2[%select_n3A_133, %select_n3A_173, %mul3A_191] : memref<25x32x1024xi32, #tpu.memory_space<hbm>> -> memref<1x1x512xi32, #tpu.memory_space<hbm>>
    %dma_start3A_193 = tpu.memref_squeeze %dma_start3A_192 : memref<1x1x512xi32, #tpu.memory_space<hbm>> -> memref<512xi32, #tpu.memory_space<hbm>>
    %dma_start3A_194 = tpu.memref_slice %arg2[%select_n3A_133, %select_n3A_173, %mul3A_191] : memref<25x32x1024xi32, #tpu.memory_space<hbm>> -> memref<1x1x512xi32, #tpu.memory_space<hbm>>
    %dma_start3A_195 = tpu.memref_squeeze %dma_start3A_194 : memref<1x1x512xi32, #tpu.memory_space<hbm>> -> memref<512xi32, #tpu.memory_space<hbm>>
    tpu.enqueue_dma source(%dma_start3A_195 : memref<512xi32, #tpu.memory_space<hbm>>) target(%arg8 : memref<512xi32, #tpu.memory_space<vmem>>) target_semaphore(%arg15 : memref<!tpu.dma_semaphore, #tpu.memory_space<semaphore_mem>>)
    %dma_start3A_196 = tpu.memref_slice %arg3[%select_n3A_133, %select_n3A_173, %mul3A_191] : memref<25x32x1024xi32, #tpu.memory_space<hbm>> -> memref<1x1x512xi32, #tpu.memory_space<hbm>>
    %dma_start3A_197 = tpu.memref_squeeze %dma_start3A_196 : memref<1x1x512xi32, #tpu.memory_space<hbm>> -> memref<512xi32, #tpu.memory_space<hbm>>
    %dma_start3A_198 = tpu.memref_slice %arg3[%select_n3A_133, %select_n3A_173, %mul3A_191] : memref<25x32x1024xi32, #tpu.memory_space<hbm>> -> memref<1x1x512xi32, #tpu.memory_space<hbm>>
    %dma_start3A_199 = tpu.memref_squeeze %dma_start3A_198 : memref<1x1x512xi32, #tpu.memory_space<hbm>> -> memref<512xi32, #tpu.memory_space<hbm>>
    tpu.enqueue_dma source(%dma_start3A_199 : memref<512xi32, #tpu.memory_space<hbm>>) target(%arg10 : memref<512xi32, #tpu.memory_space<vmem>>) target_semaphore(%arg15 : memref<!tpu.dma_semaphore, #tpu.memory_space<semaphore_mem>>)
    %dma_wait3A = arith.constant 0 : i32
    %dma_wait3A_200 = arith.constant 0 : i32
    %dma_wait3A_201 = arith.constant 0 : i32
    %dma_wait3A_202 = tpu.memref_slice %arg2[%dma_wait3A, %dma_wait3A_200, %dma_wait3A_201] : memref<25x32x1024xi32, #tpu.memory_space<hbm>> -> memref<1x1x512xi32, #tpu.memory_space<hbm>>
    %dma_wait3A_203 = tpu.memref_squeeze %dma_wait3A_202 : memref<1x1x512xi32, #tpu.memory_space<hbm>> -> memref<512xi32, #tpu.memory_space<hbm>>
    %dma_wait3A_204 = arith.constant 0 : i32
    %dma_wait3A_205 = tpu.memref_slice %arg2[%dma_wait3A, %dma_wait3A_200, %dma_wait3A_204] : memref<25x32x1024xi32, #tpu.memory_space<hbm>> -> memref<1x1x512xi32, #tpu.memory_space<hbm>>
    %dma_wait3A_206 = tpu.memref_squeeze %dma_wait3A_205 : memref<1x1x512xi32, #tpu.memory_space<hbm>> -> memref<512xi32, #tpu.memory_space<hbm>>
    tpu.wait_dma2 semaphore(%arg14 : memref<!tpu.dma_semaphore, #tpu.memory_space<semaphore_mem>>) src(%dma_wait3A_206 : memref<512xi32, #tpu.memory_space<hbm>>) dst(%arg7 : memref<512xi32, #tpu.memory_space<vmem>>)
    %dma_wait3A_207 = arith.constant 0 : i32
    %dma_wait3A_208 = arith.constant 0 : i32
    %dma_wait3A_209 = arith.constant 0 : i32
    %dma_wait3A_210 = tpu.memref_slice %arg3[%dma_wait3A_207, %dma_wait3A_208, %dma_wait3A_209] : memref<25x32x1024xi32, #tpu.memory_space<hbm>> -> memref<1x1x512xi32, #tpu.memory_space<hbm>>
    %dma_wait3A_211 = tpu.memref_squeeze %dma_wait3A_210 : memref<1x1x512xi32, #tpu.memory_space<hbm>> -> memref<512xi32, #tpu.memory_space<hbm>>
    %dma_wait3A_212 = arith.constant 0 : i32
    %dma_wait3A_213 = tpu.memref_slice %arg3[%dma_wait3A_207, %dma_wait3A_208, %dma_wait3A_212] : memref<25x32x1024xi32, #tpu.memory_space<hbm>> -> memref<1x1x512xi32, #tpu.memory_space<hbm>>
    %dma_wait3A_214 = tpu.memref_squeeze %dma_wait3A_213 : memref<1x1x512xi32, #tpu.memory_space<hbm>> -> memref<512xi32, #tpu.memory_space<hbm>>
    tpu.wait_dma2 semaphore(%arg14 : memref<!tpu.dma_semaphore, #tpu.memory_space<semaphore_mem>>) src(%dma_wait3A_214 : memref<512xi32, #tpu.memory_space<hbm>>) dst(%arg9 : memref<512xi32, #tpu.memory_space<vmem>>)
    %dma_start3A_215 = arith.constant 0 : i32
    %dma_start3A_216 = arith.constant 0 : i32
    %dma_start3A_217 = tpu.memref_slice %arg5[%dma_start3A_215, %dma_start3A_216] : memref<200x64xf32, #tpu.memory_space<hbm>> -> memref<200x64xf32, #tpu.memory_space<hbm>>
    tpu.enqueue_indirect_dma source(%dma_start3A_217 : memref<200x64xf32, #tpu.memory_space<hbm>>) target(%arg11 : memref<512x64xf32, #tpu.memory_space<vmem>>) offsets(%arg9 : memref<512xi32, #tpu.memory_space<vmem>>) semaphore(%arg16 : memref<!tpu.dma_semaphore, #tpu.memory_space<semaphore_mem>>)
    %scan3A = arith.constant 0 : i32
    %scan3A_218 = arith.constant 0 : i32
    %scan3A_219 = arith.constant 25 : i32
    %scan3A_220 = arith.addi %scan3A_218, %scan3A_219 : i32
    %scan3A_221 = arith.constant 1 : i32
    scf.for %scan3A_977 = %scan3A_218 to %scan3A_220 step %scan3A_221  : i32 {
      %mul3A_978 = arith.constant 2 : i32
      %mul3A_979 = arith.muli %scan3A_977, %mul3A_978 : i32
      %add3A_980 = arith.addi %mul3A_2, %mul3A_979 : i32
      %add3A_981 = arith.constant 0 : i32
      %add3A_982 = arith.addi %add3A_980, %add3A_981 : i32
      %dma_wait3A_983 = arith.constant 0 : i32
      %dma_wait3A_984 = arith.constant 0 : i32
      %dma_wait3A_985 = tpu.memref_slice %arg5[%dma_wait3A_983, %dma_wait3A_984] : memref<200x64xf32, #tpu.memory_space<hbm>> -> memref<200x64xf32, #tpu.memory_space<hbm>>
      tpu.wait_indirect_dma semaphore(%arg16 : memref<!tpu.dma_semaphore, #tpu.memory_space<semaphore_mem>>) src(%dma_wait3A_985 : memref<200x64xf32, #tpu.memory_space<hbm>>) dst(%arg11 : memref<512x64xf32, #tpu.memory_space<vmem>>)
      %dma_start3A_986 = arith.constant 0 : i32
      %dma_start3A_987 = arith.constant 0 : i32
      %dma_start3A_988 = tpu.memref_slice %arg4[%dma_start3A_986, %dma_start3A_987] : memref<1000000x64xf32, #tpu.memory_space<hbm>> -> memref<1000000x64xf32, #tpu.memory_space<hbm>>
      tpu.enqueue_indirect_dma source(%dma_start3A_988 : memref<1000000x64xf32, #tpu.memory_space<hbm>>) target(%arg11 : memref<512x64xf32, #tpu.memory_space<vmem>>) offsets(%arg7 : memref<512xi32, #tpu.memory_space<vmem>>) semaphore(%arg18 : memref<!tpu.dma_semaphore, #tpu.memory_space<semaphore_mem>>) {add = true}
      %add3A_989 = arith.constant 1 : i32
      %add3A_990 = arith.addi %add3A_982, %add3A_989 : i32
      %lt3A_991 = arith.cmpi slt, %add3A_990, %add3A_4 : i32
      %convert_element_type3A = arith.extui %lt3A_991 : i1 to i32
      %cond3A = arith.constant 0 : i32
      %cond3A_992 = arith.cmpi ne, %convert_element_type3A, %cond3A : i32
      scf.if %cond3A_992 {
        %dma_wait3A_2551 = arith.constant 0 : i32
        %dma_wait3A_2552 = arith.constant 0 : i32
        %dma_wait3A_2553 = arith.constant 0 : i32
        %dma_wait3A_2554 = tpu.memref_slice %arg2[%dma_wait3A_2551, %dma_wait3A_2552, %dma_wait3A_2553] : memref<25x32x1024xi32, #tpu.memory_space<hbm>> -> memref<1x1x512xi32, #tpu.memory_space<hbm>>
        %dma_wait3A_2555 = tpu.memref_squeeze %dma_wait3A_2554 : memref<1x1x512xi32, #tpu.memory_space<hbm>> -> memref<512xi32, #tpu.memory_space<hbm>>
        %dma_wait3A_2556 = arith.constant 0 : i32
        %dma_wait3A_2557 = tpu.memref_slice %arg2[%dma_wait3A_2551, %dma_wait3A_2552, %dma_wait3A_2556] : memref<25x32x1024xi32, #tpu.memory_space<hbm>> -> memref<1x1x512xi32, #tpu.memory_space<hbm>>
        %dma_wait3A_2558 = tpu.memref_squeeze %dma_wait3A_2557 : memref<1x1x512xi32, #tpu.memory_space<hbm>> -> memref<512xi32, #tpu.memory_space<hbm>>
        tpu.wait_dma2 semaphore(%arg15 : memref<!tpu.dma_semaphore, #tpu.memory_space<semaphore_mem>>) src(%dma_wait3A_2558 : memref<512xi32, #tpu.memory_space<hbm>>) dst(%arg8 : memref<512xi32, #tpu.memory_space<vmem>>)
        %dma_wait3A_2559 = arith.constant 0 : i32
        %dma_wait3A_2560 = arith.constant 0 : i32
        %dma_wait3A_2561 = arith.constant 0 : i32
        %dma_wait3A_2562 = tpu.memref_slice %arg3[%dma_wait3A_2559, %dma_wait3A_2560, %dma_wait3A_2561] : memref<25x32x1024xi32, #tpu.memory_space<hbm>> -> memref<1x1x512xi32, #tpu.memory_space<hbm>>
        %dma_wait3A_2563 = tpu.memref_squeeze %dma_wait3A_2562 : memref<1x1x512xi32, #tpu.memory_space<hbm>> -> memref<512xi32, #tpu.memory_space<hbm>>
        %dma_wait3A_2564 = arith.constant 0 : i32
        %dma_wait3A_2565 = tpu.memref_slice %arg3[%dma_wait3A_2559, %dma_wait3A_2560, %dma_wait3A_2564] : memref<25x32x1024xi32, #tpu.memory_space<hbm>> -> memref<1x1x512xi32, #tpu.memory_space<hbm>>
        %dma_wait3A_2566 = tpu.memref_squeeze %dma_wait3A_2565 : memref<1x1x512xi32, #tpu.memory_space<hbm>> -> memref<512xi32, #tpu.memory_space<hbm>>
        tpu.wait_dma2 semaphore(%arg15 : memref<!tpu.dma_semaphore, #tpu.memory_space<semaphore_mem>>) src(%dma_wait3A_2566 : memref<512xi32, #tpu.memory_space<hbm>>) dst(%arg10 : memref<512xi32, #tpu.memory_space<vmem>>)
        %dma_start3A_2567 = arith.constant 0 : i32
        %dma_start3A_2568 = arith.constant 0 : i32
        %dma_start3A_2569 = tpu.memref_slice %arg5[%dma_start3A_2567, %dma_start3A_2568] : memref<200x64xf32, #tpu.memory_space<hbm>> -> memref<200x64xf32, #tpu.memory_space<hbm>>
        tpu.enqueue_indirect_dma source(%dma_start3A_2569 : memref<200x64xf32, #tpu.memory_space<hbm>>) target(%arg12 : memref<512x64xf32, #tpu.memory_space<vmem>>) offsets(%arg10 : memref<512xi32, #tpu.memory_space<vmem>>) semaphore(%arg17 : memref<!tpu.dma_semaphore, #tpu.memory_space<semaphore_mem>>)
      } else {
      }
      %dma_wait3A_993 = arith.constant 0 : i32
      %dma_wait3A_994 = arith.constant 0 : i32
      %dma_wait3A_995 = tpu.memref_slice %arg4[%dma_wait3A_993, %dma_wait3A_994] : memref<1000000x64xf32, #tpu.memory_space<hbm>> -> memref<1000000x64xf32, #tpu.memory_space<hbm>>
      tpu.wait_indirect_dma semaphore(%arg18 : memref<!tpu.dma_semaphore, #tpu.memory_space<semaphore_mem>>) src(%dma_wait3A_995 : memref<1000000x64xf32, #tpu.memory_space<hbm>>) dst(%arg11 : memref<512x64xf32, #tpu.memory_space<vmem>>)
      %gt3A = arith.cmpi sgt, %add3A_982, %mul3A_2 : i32
      %convert_element_type3A_996 = arith.extui %gt3A : i1 to i32
      %cond3A_997 = arith.constant 0 : i32
      %cond3A_998 = arith.cmpi ne, %convert_element_type3A_996, %cond3A_997 : i32
      scf.if %cond3A_998 {
        %jit3A_2551 = arith.constant 64 : i32
        %div3A_2552 = arith.divsi %add3A_982, %jit3A_2551 : i32
        %sign3A_2553 = arith.constant 0 : i32
        %sign3A_2554 = arith.cmpi sgt, %add3A_982, %sign3A_2553 : i32
        %sign3A_2555 = arith.extui %sign3A_2554 : i1 to i32
        %sign3A_2556 = arith.constant 0 : i32
        %sign3A_2557 = arith.cmpi slt, %add3A_982, %sign3A_2556 : i32
        %sign3A_2558 = arith.extui %sign3A_2557 : i1 to i32
        %sign3A_2559 = arith.subi %sign3A_2555, %sign3A_2558 : i32
        %sign3A_2560 = arith.constant 0 : i32
        %sign3A_2561 = arith.cmpi sgt, %jit3A_2551, %sign3A_2560 : i32
        %sign3A_2562 = arith.extui %sign3A_2561 : i1 to i32
        %sign3A_2563 = arith.constant 0 : i32
        %sign3A_2564 = arith.cmpi slt, %jit3A_2551, %sign3A_2563 : i32
        %sign3A_2565 = arith.extui %sign3A_2564 : i1 to i32
        %sign3A_2566 = arith.subi %sign3A_2562, %sign3A_2565 : i32
        %ne3A_2567 = arith.cmpi ne, %sign3A_2559, %sign3A_2566 : i32
        %rem3A_2568 = arith.remsi %add3A_982, %jit3A_2551 : i32
        %ne3A_2569 = arith.constant 0 : i32
        %ne3A_2570 = arith.cmpi ne, %rem3A_2568, %ne3A_2569 : i32
        %and3A_2571 = arith.andi %ne3A_2567, %ne3A_2570 : i1
        %sub3A_2572 = arith.constant 1 : i32
        %sub3A_2573 = arith.subi %div3A_2552, %sub3A_2572 : i32
        %select_n3A_2574 = arith.select %and3A_2571, %sub3A_2573, %div3A_2552 : i32
        %jit3A_2575 = arith.constant 64 : i32
        %eq3A_2576 = arith.constant 0 : i32
        %eq3A_2577 = arith.cmpi eq, %jit3A_2575, %eq3A_2576 : i32
        %jit3A_2578 = arith.constant 1 : i32
        %select_n3A_2579 = arith.select %eq3A_2577, %jit3A_2578, %jit3A_2575 : i32
        %rem3A_2580 = arith.remsi %add3A_982, %select_n3A_2579 : i32
        %ne3A_2581 = arith.constant 0 : i32
        %ne3A_2582 = arith.cmpi ne, %rem3A_2580, %ne3A_2581 : i32
        %lt3A_2583 = arith.constant 0 : i32
        %lt3A_2584 = arith.cmpi slt, %rem3A_2580, %lt3A_2583 : i32
        %lt3A_2585 = arith.constant 0 : i32
        %lt3A_2586 = arith.cmpi slt, %select_n3A_2579, %lt3A_2585 : i32
        %ne3A_2587 = arith.xori %lt3A_2584, %lt3A_2586 : i1
        %and3A_2588 = arith.andi %ne3A_2587, %ne3A_2582 : i1
        %add3A_2589 = arith.addi %rem3A_2580, %select_n3A_2579 : i32
        %select_n3A_2590 = arith.select %and3A_2588, %add3A_2589, %rem3A_2580 : i32
        %jit3A_2591 = arith.constant 2 : i32
        %div3A_2592 = arith.divsi %select_n3A_2590, %jit3A_2591 : i32
        %sign3A_2593 = arith.constant 0 : i32
        %sign3A_2594 = arith.cmpi sgt, %select_n3A_2590, %sign3A_2593 : i32
        %sign3A_2595 = arith.extui %sign3A_2594 : i1 to i32
        %sign3A_2596 = arith.constant 0 : i32
        %sign3A_2597 = arith.cmpi slt, %select_n3A_2590, %sign3A_2596 : i32
        %sign3A_2598 = arith.extui %sign3A_2597 : i1 to i32
        %sign3A_2599 = arith.subi %sign3A_2595, %sign3A_2598 : i32
        %sign3A_2600 = arith.constant 0 : i32
        %sign3A_2601 = arith.cmpi sgt, %jit3A_2591, %sign3A_2600 : i32
        %sign3A_2602 = arith.extui %sign3A_2601 : i1 to i32
        %sign3A_2603 = arith.constant 0 : i32
        %sign3A_2604 = arith.cmpi slt, %jit3A_2591, %sign3A_2603 : i32
        %sign3A_2605 = arith.extui %sign3A_2604 : i1 to i32
        %sign3A_2606 = arith.subi %sign3A_2602, %sign3A_2605 : i32
        %ne3A_2607 = arith.cmpi ne, %sign3A_2599, %sign3A_2606 : i32
        %rem3A_2608 = arith.remsi %select_n3A_2590, %jit3A_2591 : i32
        %ne3A_2609 = arith.constant 0 : i32
        %ne3A_2610 = arith.cmpi ne, %rem3A_2608, %ne3A_2609 : i32
        %and3A_2611 = arith.andi %ne3A_2607, %ne3A_2610 : i1
        %sub3A_2612 = arith.constant 1 : i32
        %sub3A_2613 = arith.subi %div3A_2592, %sub3A_2612 : i32
        %select_n3A_2614 = arith.select %and3A_2611, %sub3A_2613, %div3A_2592 : i32
        %jit3A_2615 = arith.constant 2 : i32
        %eq3A_2616 = arith.constant 0 : i32
        %eq3A_2617 = arith.cmpi eq, %jit3A_2615, %eq3A_2616 : i32
        %jit3A_2618 = arith.constant 1 : i32
        %select_n3A_2619 = arith.select %eq3A_2617, %jit3A_2618, %jit3A_2615 : i32
        %rem3A_2620 = arith.remsi %select_n3A_2590, %select_n3A_2619 : i32
        %ne3A_2621 = arith.constant 0 : i32
        %ne3A_2622 = arith.cmpi ne, %rem3A_2620, %ne3A_2621 : i32
        %lt3A_2623 = arith.constant 0 : i32
        %lt3A_2624 = arith.cmpi slt, %rem3A_2620, %lt3A_2623 : i32
        %lt3A_2625 = arith.constant 0 : i32
        %lt3A_2626 = arith.cmpi slt, %select_n3A_2619, %lt3A_2625 : i32
        %ne3A_2627 = arith.xori %lt3A_2624, %lt3A_2626 : i1
        %and3A_2628 = arith.andi %ne3A_2627, %ne3A_2622 : i1
        %add3A_2629 = arith.addi %rem3A_2620, %select_n3A_2619 : i32
        %select_n3A_2630 = arith.select %and3A_2628, %add3A_2629, %rem3A_2620 : i32
        %mul3A_2631 = arith.constant 8 : i32
        %mul3A_2632 = arith.muli %select_n3A_2574, %mul3A_2631 : i32
        %mul3A_2633 = arith.constant 4 : i32
        %mul3A_2634 = arith.muli %mul3A_2633, %select_n3A_2630 : i32
        %add3A_2635 = arith.addi %mul3A_2632, %mul3A_2634 : i32
        %add3A_2636 = arith.constant 0 : i32
        %add3A_2637 = arith.addi %add3A_2635, %add3A_2636 : i32
        %dma_wait3A_2638 = arith.constant 0 : i32
        %dma_wait3A_2639 = arith.constant 0 : i32
        %dma_wait3A_2640 = arith.constant 0 : i32
        %dma_wait3A_2641 = tpu.memref_slice %arg13[%dma_wait3A_2638, %dma_wait3A_2640] : memref<4x8192xf32, #tpu.memory_space<vmem>> -> memref<1x1024xf32, #tpu.memory_space<vmem>>
        %dma_wait3A_2642 = tpu.memref_squeeze %dma_wait3A_2641 : memref<1x1024xf32, #tpu.memory_space<vmem>> -> memref<1024xf32, #tpu.memory_space<vmem>>
        %dma_wait3A_2643 = arith.constant 0 : i32
        %dma_wait3A_2644 = tpu.memref_slice %arg6[%add3A_2637, %dma_wait3A_2639, %select_n3A_2614, %dma_wait3A_2643] : memref<200x8x32x1024xf32, #tpu.memory_space<hbm>> -> memref<1x1x1x1024xf32, #tpu.memory_space<hbm>>
        %dma_wait3A_2645 = tpu.memref_squeeze %dma_wait3A_2644 : memref<1x1x1x1024xf32, #tpu.memory_space<hbm>> -> memref<1024xf32, #tpu.memory_space<hbm>>
        %dma_wait3A_2646 = arith.constant 0 : i32
        %dma_wait3A_2647 = tpu.memref_slice %arg6[%add3A_2637, %dma_wait3A_2639, %select_n3A_2614, %dma_wait3A_2646] : memref<200x8x32x1024xf32, #tpu.memory_space<hbm>> -> memref<1x1x1x1024xf32, #tpu.memory_space<hbm>>
        %dma_wait3A_2648 = tpu.memref_squeeze %dma_wait3A_2647 : memref<1x1x1x1024xf32, #tpu.memory_space<hbm>> -> memref<1024xf32, #tpu.memory_space<hbm>>
        %dma_wait3A_2649 = arith.constant 0 : i32
        %dma_wait3A_2650 = tpu.memref_slice %arg13[%dma_wait3A_2638, %dma_wait3A_2649] : memref<4x8192xf32, #tpu.memory_space<vmem>> -> memref<1x1024xf32, #tpu.memory_space<vmem>>
        %dma_wait3A_2651 = tpu.memref_squeeze %dma_wait3A_2650 : memref<1x1024xf32, #tpu.memory_space<vmem>> -> memref<1024xf32, #tpu.memory_space<vmem>>
        tpu.wait_dma2 semaphore(%arg20 : memref<!tpu.dma_semaphore, #tpu.memory_space<semaphore_mem>>) src(%dma_wait3A_2651 : memref<1024xf32, #tpu.memory_space<vmem>>) dst(%dma_wait3A_2648 : memref<1024xf32, #tpu.memory_space<hbm>>)
        %mul3A_2652 = arith.constant 8 : i32
        %mul3A_2653 = arith.muli %select_n3A_2574, %mul3A_2652 : i32
        %mul3A_2654 = arith.constant 4 : i32
        %mul3A_2655 = arith.muli %mul3A_2654, %select_n3A_2630 : i32
        %add3A_2656 = arith.addi %mul3A_2653, %mul3A_2655 : i32
        %add3A_2657 = arith.constant 0 : i32
        %add3A_2658 = arith.addi %add3A_2656, %add3A_2657 : i32
        %dma_wait3A_2659 = arith.constant 0 : i32
        %dma_wait3A_2660 = arith.constant 1 : i32
        %dma_wait3A_2661 = arith.constant 1024 : i32
        %dma_wait3A_2662 = tpu.memref_slice %arg13[%dma_wait3A_2659, %dma_wait3A_2661] : memref<4x8192xf32, #tpu.memory_space<vmem>> -> memref<1x1024xf32, #tpu.memory_space<vmem>>
        %dma_wait3A_2663 = tpu.memref_squeeze %dma_wait3A_2662 : memref<1x1024xf32, #tpu.memory_space<vmem>> -> memref<1024xf32, #tpu.memory_space<vmem>>
        %dma_wait3A_2664 = arith.constant 0 : i32
        %dma_wait3A_2665 = tpu.memref_slice %arg6[%add3A_2658, %dma_wait3A_2660, %select_n3A_2614, %dma_wait3A_2664] : memref<200x8x32x1024xf32, #tpu.memory_space<hbm>> -> memref<1x1x1x1024xf32, #tpu.memory_space<hbm>>
        %dma_wait3A_2666 = tpu.memref_squeeze %dma_wait3A_2665 : memref<1x1x1x1024xf32, #tpu.memory_space<hbm>> -> memref<1024xf32, #tpu.memory_space<hbm>>
        %dma_wait3A_2667 = arith.constant 0 : i32
        %dma_wait3A_2668 = tpu.memref_slice %arg6[%add3A_2658, %dma_wait3A_2660, %select_n3A_2614, %dma_wait3A_2667] : memref<200x8x32x1024xf32, #tpu.memory_space<hbm>> -> memref<1x1x1x1024xf32, #tpu.memory_space<hbm>>
        %dma_wait3A_2669 = tpu.memref_squeeze %dma_wait3A_2668 : memref<1x1x1x1024xf32, #tpu.memory_space<hbm>> -> memref<1024xf32, #tpu.memory_space<hbm>>
        %dma_wait3A_2670 = arith.constant 1024 : i32
        %dma_wait3A_2671 = tpu.memref_slice %arg13[%dma_wait3A_2659, %dma_wait3A_2670] : memref<4x8192xf32, #tpu.memory_space<vmem>> -> memref<1x1024xf32, #tpu.memory_space<vmem>>
        %dma_wait3A_2672 = tpu.memref_squeeze %dma_wait3A_2671 : memref<1x1024xf32, #tpu.memory_space<vmem>> -> memref<1024xf32, #tpu.memory_space<vmem>>
        tpu.wait_dma2 semaphore(%arg20 : memref<!tpu.dma_semaphore, #tpu.memory_space<semaphore_mem>>) src(%dma_wait3A_2672 : memref<1024xf32, #tpu.memory_space<vmem>>) dst(%dma_wait3A_2669 : memref<1024xf32, #tpu.memory_space<hbm>>)
        %mul3A_2673 = arith.constant 8 : i32
        %mul3A_2674 = arith.muli %select_n3A_2574, %mul3A_2673 : i32
        %mul3A_2675 = arith.constant 4 : i32
        %mul3A_2676 = arith.muli %mul3A_2675, %select_n3A_2630 : i32
        %add3A_2677 = arith.addi %mul3A_2674, %mul3A_2676 : i32
        %add3A_2678 = arith.constant 0 : i32
        %add3A_2679 = arith.addi %add3A_2677, %add3A_2678 : i32
        %dma_wait3A_2680 = arith.constant 0 : i32
        %dma_wait3A_2681 = arith.constant 2 : i32
        %dma_wait3A_2682 = arith.constant 2048 : i32
        %dma_wait3A_2683 = tpu.memref_slice %arg13[%dma_wait3A_2680, %dma_wait3A_2682] : memref<4x8192xf32, #tpu.memory_space<vmem>> -> memref<1x1024xf32, #tpu.memory_space<vmem>>
        %dma_wait3A_2684 = tpu.memref_squeeze %dma_wait3A_2683 : memref<1x1024xf32, #tpu.memory_space<vmem>> -> memref<1024xf32, #tpu.memory_space<vmem>>
        %dma_wait3A_2685 = arith.constant 0 : i32
        %dma_wait3A_2686 = tpu.memref_slice %arg6[%add3A_2679, %dma_wait3A_2681, %select_n3A_2614, %dma_wait3A_2685] : memref<200x8x32x1024xf32, #tpu.memory_space<hbm>> -> memref<1x1x1x1024xf32, #tpu.memory_space<hbm>>
        %dma_wait3A_2687 = tpu.memref_squeeze %dma_wait3A_2686 : memref<1x1x1x1024xf32, #tpu.memory_space<hbm>> -> memref<1024xf32, #tpu.memory_space<hbm>>
        %dma_wait3A_2688 = arith.constant 0 : i32
        %dma_wait3A_2689 = tpu.memref_slice %arg6[%add3A_2679, %dma_wait3A_2681, %select_n3A_2614, %dma_wait3A_2688] : memref<200x8x32x1024xf32, #tpu.memory_space<hbm>> -> memref<1x1x1x1024xf32, #tpu.memory_space<hbm>>
        %dma_wait3A_2690 = tpu.memref_squeeze %dma_wait3A_2689 : memref<1x1x1x1024xf32, #tpu.memory_space<hbm>> -> memref<1024xf32, #tpu.memory_space<hbm>>
        %dma_wait3A_2691 = arith.constant 2048 : i32
        %dma_wait3A_2692 = tpu.memref_slice %arg13[%dma_wait3A_2680, %dma_wait3A_2691] : memref<4x8192xf32, #tpu.memory_space<vmem>> -> memref<1x1024xf32, #tpu.memory_space<vmem>>
        %dma_wait3A_2693 = tpu.memref_squeeze %dma_wait3A_2692 : memref<1x1024xf32, #tpu.memory_space<vmem>> -> memref<1024xf32, #tpu.memory_space<vmem>>
        tpu.wait_dma2 semaphore(%arg20 : memref<!tpu.dma_semaphore, #tpu.memory_space<semaphore_mem>>) src(%dma_wait3A_2693 : memref<1024xf32, #tpu.memory_space<vmem>>) dst(%dma_wait3A_2690 : memref<1024xf32, #tpu.memory_space<hbm>>)
        %mul3A_2694 = arith.constant 8 : i32
        %mul3A_2695 = arith.muli %select_n3A_2574, %mul3A_2694 : i32
        %mul3A_2696 = arith.constant 4 : i32
        %mul3A_2697 = arith.muli %mul3A_2696, %select_n3A_2630 : i32
        %add3A_2698 = arith.addi %mul3A_2695, %mul3A_2697 : i32
        %add3A_2699 = arith.constant 0 : i32
        %add3A_2700 = arith.addi %add3A_2698, %add3A_2699 : i32
        %dma_wait3A_2701 = arith.constant 0 : i32
        %dma_wait3A_2702 = arith.constant 3 : i32
        %dma_wait3A_2703 = arith.constant 3072 : i32
        %dma_wait3A_2704 = tpu.memref_slice %arg13[%dma_wait3A_2701, %dma_wait3A_2703] : memref<4x8192xf32, #tpu.memory_space<vmem>> -> memref<1x1024xf32, #tpu.memory_space<vmem>>
        %dma_wait3A_2705 = tpu.memref_squeeze %dma_wait3A_2704 : memref<1x1024xf32, #tpu.memory_space<vmem>> -> memref<1024xf32, #tpu.memory_space<vmem>>
        %dma_wait3A_2706 = arith.constant 0 : i32
        %dma_wait3A_2707 = tpu.memref_slice %arg6[%add3A_2700, %dma_wait3A_2702, %select_n3A_2614, %dma_wait3A_2706] : memref<200x8x32x1024xf32, #tpu.memory_space<hbm>> -> memref<1x1x1x1024xf32, #tpu.memory_space<hbm>>
        %dma_wait3A_2708 = tpu.memref_squeeze %dma_wait3A_2707 : memref<1x1x1x1024xf32, #tpu.memory_space<hbm>> -> memref<1024xf32, #tpu.memory_space<hbm>>
        %dma_wait3A_2709 = arith.constant 0 : i32
        %dma_wait3A_2710 = tpu.memref_slice %arg6[%add3A_2700, %dma_wait3A_2702, %select_n3A_2614, %dma_wait3A_2709] : memref<200x8x32x1024xf32, #tpu.memory_space<hbm>> -> memref<1x1x1x1024xf32, #tpu.memory_space<hbm>>
        %dma_wait3A_2711 = tpu.memref_squeeze %dma_wait3A_2710 : memref<1x1x1x1024xf32, #tpu.memory_space<hbm>> -> memref<1024xf32, #tpu.memory_space<hbm>>
        %dma_wait3A_2712 = arith.constant 3072 : i32
        %dma_wait3A_2713 = tpu.memref_slice %arg13[%dma_wait3A_2701, %dma_wait3A_2712] : memref<4x8192xf32, #tpu.memory_space<vmem>> -> memref<1x1024xf32, #tpu.memory_space<vmem>>
        %dma_wait3A_2714 = tpu.memref_squeeze %dma_wait3A_2713 : memref<1x1024xf32, #tpu.memory_space<vmem>> -> memref<1024xf32, #tpu.memory_space<vmem>>
        tpu.wait_dma2 semaphore(%arg20 : memref<!tpu.dma_semaphore, #tpu.memory_space<semaphore_mem>>) src(%dma_wait3A_2714 : memref<1024xf32, #tpu.memory_space<vmem>>) dst(%dma_wait3A_2711 : memref<1024xf32, #tpu.memory_space<hbm>>)
        %mul3A_2715 = arith.constant 8 : i32
        %mul3A_2716 = arith.muli %select_n3A_2574, %mul3A_2715 : i32
        %mul3A_2717 = arith.constant 4 : i32
        %mul3A_2718 = arith.muli %mul3A_2717, %select_n3A_2630 : i32
        %add3A_2719 = arith.addi %mul3A_2716, %mul3A_2718 : i32
        %add3A_2720 = arith.constant 0 : i32
        %add3A_2721 = arith.addi %add3A_2719, %add3A_2720 : i32
        %dma_wait3A_2722 = arith.constant 0 : i32
        %dma_wait3A_2723 = arith.constant 4 : i32
        %dma_wait3A_2724 = arith.constant 4096 : i32
        %dma_wait3A_2725 = tpu.memref_slice %arg13[%dma_wait3A_2722, %dma_wait3A_2724] : memref<4x8192xf32, #tpu.memory_space<vmem>> -> memref<1x1024xf32, #tpu.memory_space<vmem>>
        %dma_wait3A_2726 = tpu.memref_squeeze %dma_wait3A_2725 : memref<1x1024xf32, #tpu.memory_space<vmem>> -> memref<1024xf32, #tpu.memory_space<vmem>>
        %dma_wait3A_2727 = arith.constant 0 : i32
        %dma_wait3A_2728 = tpu.memref_slice %arg6[%add3A_2721, %dma_wait3A_2723, %select_n3A_2614, %dma_wait3A_2727] : memref<200x8x32x1024xf32, #tpu.memory_space<hbm>> -> memref<1x1x1x1024xf32, #tpu.memory_space<hbm>>
        %dma_wait3A_2729 = tpu.memref_squeeze %dma_wait3A_2728 : memref<1x1x1x1024xf32, #tpu.memory_space<hbm>> -> memref<1024xf32, #tpu.memory_space<hbm>>
        %dma_wait3A_2730 = arith.constant 0 : i32
        %dma_wait3A_2731 = tpu.memref_slice %arg6[%add3A_2721, %dma_wait3A_2723, %select_n3A_2614, %dma_wait3A_2730] : memref<200x8x32x1024xf32, #tpu.memory_space<hbm>> -> memref<1x1x1x1024xf32, #tpu.memory_space<hbm>>
        %dma_wait3A_2732 = tpu.memref_squeeze %dma_wait3A_2731 : memref<1x1x1x1024xf32, #tpu.memory_space<hbm>> -> memref<1024xf32, #tpu.memory_space<hbm>>
        %dma_wait3A_2733 = arith.constant 4096 : i32
        %dma_wait3A_2734 = tpu.memref_slice %arg13[%dma_wait3A_2722, %dma_wait3A_2733] : memref<4x8192xf32, #tpu.memory_space<vmem>> -> memref<1x1024xf32, #tpu.memory_space<vmem>>
        %dma_wait3A_2735 = tpu.memref_squeeze %dma_wait3A_2734 : memref<1x1024xf32, #tpu.memory_space<vmem>> -> memref<1024xf32, #tpu.memory_space<vmem>>
        tpu.wait_dma2 semaphore(%arg20 : memref<!tpu.dma_semaphore, #tpu.memory_space<semaphore_mem>>) src(%dma_wait3A_2735 : memref<1024xf32, #tpu.memory_space<vmem>>) dst(%dma_wait3A_2732 : memref<1024xf32, #tpu.memory_space<hbm>>)
        %mul3A_2736 = arith.constant 8 : i32
        %mul3A_2737 = arith.muli %select_n3A_2574, %mul3A_2736 : i32
        %mul3A_2738 = arith.constant 4 : i32
        %mul3A_2739 = arith.muli %mul3A_2738, %select_n3A_2630 : i32
        %add3A_2740 = arith.addi %mul3A_2737, %mul3A_2739 : i32
        %add3A_2741 = arith.constant 0 : i32
        %add3A_2742 = arith.addi %add3A_2740, %add3A_2741 : i32
        %dma_wait3A_2743 = arith.constant 0 : i32
        %dma_wait3A_2744 = arith.constant 5 : i32
        %dma_wait3A_2745 = arith.constant 5120 : i32
        %dma_wait3A_2746 = tpu.memref_slice %arg13[%dma_wait3A_2743, %dma_wait3A_2745] : memref<4x8192xf32, #tpu.memory_space<vmem>> -> memref<1x1024xf32, #tpu.memory_space<vmem>>
        %dma_wait3A_2747 = tpu.memref_squeeze %dma_wait3A_2746 : memref<1x1024xf32, #tpu.memory_space<vmem>> -> memref<1024xf32, #tpu.memory_space<vmem>>
        %dma_wait3A_2748 = arith.constant 0 : i32
        %dma_wait3A_2749 = tpu.memref_slice %arg6[%add3A_2742, %dma_wait3A_2744, %select_n3A_2614, %dma_wait3A_2748] : memref<200x8x32x1024xf32, #tpu.memory_space<hbm>> -> memref<1x1x1x1024xf32, #tpu.memory_space<hbm>>
        %dma_wait3A_2750 = tpu.memref_squeeze %dma_wait3A_2749 : memref<1x1x1x1024xf32, #tpu.memory_space<hbm>> -> memref<1024xf32, #tpu.memory_space<hbm>>
        %dma_wait3A_2751 = arith.constant 0 : i32
        %dma_wait3A_2752 = tpu.memref_slice %arg6[%add3A_2742, %dma_wait3A_2744, %select_n3A_2614, %dma_wait3A_2751] : memref<200x8x32x1024xf32, #tpu.memory_space<hbm>> -> memref<1x1x1x1024xf32, #tpu.memory_space<hbm>>
        %dma_wait3A_2753 = tpu.memref_squeeze %dma_wait3A_2752 : memref<1x1x1x1024xf32, #tpu.memory_space<hbm>> -> memref<1024xf32, #tpu.memory_space<hbm>>
        %dma_wait3A_2754 = arith.constant 5120 : i32
        %dma_wait3A_2755 = tpu.memref_slice %arg13[%dma_wait3A_2743, %dma_wait3A_2754] : memref<4x8192xf32, #tpu.memory_space<vmem>> -> memref<1x1024xf32, #tpu.memory_space<vmem>>
        %dma_wait3A_2756 = tpu.memref_squeeze %dma_wait3A_2755 : memref<1x1024xf32, #tpu.memory_space<vmem>> -> memref<1024xf32, #tpu.memory_space<vmem>>
        tpu.wait_dma2 semaphore(%arg20 : memref<!tpu.dma_semaphore, #tpu.memory_space<semaphore_mem>>) src(%dma_wait3A_2756 : memref<1024xf32, #tpu.memory_space<vmem>>) dst(%dma_wait3A_2753 : memref<1024xf32, #tpu.memory_space<hbm>>)
        %mul3A_2757 = arith.constant 8 : i32
        %mul3A_2758 = arith.muli %select_n3A_2574, %mul3A_2757 : i32
        %mul3A_2759 = arith.constant 4 : i32
        %mul3A_2760 = arith.muli %mul3A_2759, %select_n3A_2630 : i32
        %add3A_2761 = arith.addi %mul3A_2758, %mul3A_2760 : i32
        %add3A_2762 = arith.constant 0 : i32
        %add3A_2763 = arith.addi %add3A_2761, %add3A_2762 : i32
        %dma_wait3A_2764 = arith.constant 0 : i32
        %dma_wait3A_2765 = arith.constant 6 : i32
        %dma_wait3A_2766 = arith.constant 6144 : i32
        %dma_wait3A_2767 = tpu.memref_slice %arg13[%dma_wait3A_2764, %dma_wait3A_2766] : memref<4x8192xf32, #tpu.memory_space<vmem>> -> memref<1x1024xf32, #tpu.memory_space<vmem>>
        %dma_wait3A_2768 = tpu.memref_squeeze %dma_wait3A_2767 : memref<1x1024xf32, #tpu.memory_space<vmem>> -> memref<1024xf32, #tpu.memory_space<vmem>>
        %dma_wait3A_2769 = arith.constant 0 : i32
        %dma_wait3A_2770 = tpu.memref_slice %arg6[%add3A_2763, %dma_wait3A_2765, %select_n3A_2614, %dma_wait3A_2769] : memref<200x8x32x1024xf32, #tpu.memory_space<hbm>> -> memref<1x1x1x1024xf32, #tpu.memory_space<hbm>>
        %dma_wait3A_2771 = tpu.memref_squeeze %dma_wait3A_2770 : memref<1x1x1x1024xf32, #tpu.memory_space<hbm>> -> memref<1024xf32, #tpu.memory_space<hbm>>
        %dma_wait3A_2772 = arith.constant 0 : i32
        %dma_wait3A_2773 = tpu.memref_slice %arg6[%add3A_2763, %dma_wait3A_2765, %select_n3A_2614, %dma_wait3A_2772] : memref<200x8x32x1024xf32, #tpu.memory_space<hbm>> -> memref<1x1x1x1024xf32, #tpu.memory_space<hbm>>
        %dma_wait3A_2774 = tpu.memref_squeeze %dma_wait3A_2773 : memref<1x1x1x1024xf32, #tpu.memory_space<hbm>> -> memref<1024xf32, #tpu.memory_space<hbm>>
        %dma_wait3A_2775 = arith.constant 6144 : i32
        %dma_wait3A_2776 = tpu.memref_slice %arg13[%dma_wait3A_2764, %dma_wait3A_2775] : memref<4x8192xf32, #tpu.memory_space<vmem>> -> memref<1x1024xf32, #tpu.memory_space<vmem>>
        %dma_wait3A_2777 = tpu.memref_squeeze %dma_wait3A_2776 : memref<1x1024xf32, #tpu.memory_space<vmem>> -> memref<1024xf32, #tpu.memory_space<vmem>>
        tpu.wait_dma2 semaphore(%arg20 : memref<!tpu.dma_semaphore, #tpu.memory_space<semaphore_mem>>) src(%dma_wait3A_2777 : memref<1024xf32, #tpu.memory_space<vmem>>) dst(%dma_wait3A_2774 : memref<1024xf32, #tpu.memory_space<hbm>>)
        %mul3A_2778 = arith.constant 8 : i32
        %mul3A_2779 = arith.muli %select_n3A_2574, %mul3A_2778 : i32
        %mul3A_2780 = arith.constant 4 : i32
        %mul3A_2781 = arith.muli %mul3A_2780, %select_n3A_2630 : i32
        %add3A_2782 = arith.addi %mul3A_2779, %mul3A_2781 : i32
        %add3A_2783 = arith.constant 0 : i32
        %add3A_2784 = arith.addi %add3A_2782, %add3A_2783 : i32
        %dma_wait3A_2785 = arith.constant 0 : i32
        %dma_wait3A_2786 = arith.constant 7 : i32
        %dma_wait3A_2787 = arith.constant 7168 : i32
        %dma_wait3A_2788 = tpu.memref_slice %arg13[%dma_wait3A_2785, %dma_wait3A_2787] : memref<4x8192xf32, #tpu.memory_space<vmem>> -> memref<1x1024xf32, #tpu.memory_space<vmem>>
        %dma_wait3A_2789 = tpu.memref_squeeze %dma_wait3A_2788 : memref<1x1024xf32, #tpu.memory_space<vmem>> -> memref<1024xf32, #tpu.memory_space<vmem>>
        %dma_wait3A_2790 = arith.constant 0 : i32
        %dma_wait3A_2791 = tpu.memref_slice %arg6[%add3A_2784, %dma_wait3A_2786, %select_n3A_2614, %dma_wait3A_2790] : memref<200x8x32x1024xf32, #tpu.memory_space<hbm>> -> memref<1x1x1x1024xf32, #tpu.memory_space<hbm>>
        %dma_wait3A_2792 = tpu.memref_squeeze %dma_wait3A_2791 : memref<1x1x1x1024xf32, #tpu.memory_space<hbm>> -> memref<1024xf32, #tpu.memory_space<hbm>>
        %dma_wait3A_2793 = arith.constant 0 : i32
        %dma_wait3A_2794 = tpu.memref_slice %arg6[%add3A_2784, %dma_wait3A_2786, %select_n3A_2614, %dma_wait3A_2793] : memref<200x8x32x1024xf32, #tpu.memory_space<hbm>> -> memref<1x1x1x1024xf32, #tpu.memory_space<hbm>>
        %dma_wait3A_2795 = tpu.memref_squeeze %dma_wait3A_2794 : memref<1x1x1x1024xf32, #tpu.memory_space<hbm>> -> memref<1024xf32, #tpu.memory_space<hbm>>
        %dma_wait3A_2796 = arith.constant 7168 : i32
        %dma_wait3A_2797 = tpu.memref_slice %arg13[%dma_wait3A_2785, %dma_wait3A_2796] : memref<4x8192xf32, #tpu.memory_space<vmem>> -> memref<1x1024xf32, #tpu.memory_space<vmem>>
        %dma_wait3A_2798 = tpu.memref_squeeze %dma_wait3A_2797 : memref<1x1024xf32, #tpu.memory_space<vmem>> -> memref<1024xf32, #tpu.memory_space<vmem>>
        tpu.wait_dma2 semaphore(%arg20 : memref<!tpu.dma_semaphore, #tpu.memory_space<semaphore_mem>>) src(%dma_wait3A_2798 : memref<1024xf32, #tpu.memory_space<vmem>>) dst(%dma_wait3A_2795 : memref<1024xf32, #tpu.memory_space<hbm>>)
        %mul3A_2799 = arith.constant 8 : i32
        %mul3A_2800 = arith.muli %select_n3A_2574, %mul3A_2799 : i32
        %mul3A_2801 = arith.constant 4 : i32
        %mul3A_2802 = arith.muli %mul3A_2801, %select_n3A_2630 : i32
        %add3A_2803 = arith.addi %mul3A_2800, %mul3A_2802 : i32
        %add3A_2804 = arith.constant 1 : i32
        %add3A_2805 = arith.addi %add3A_2803, %add3A_2804 : i32
        %dma_wait3A_2806 = arith.constant 1 : i32
        %dma_wait3A_2807 = arith.constant 0 : i32
        %dma_wait3A_2808 = arith.constant 0 : i32
        %dma_wait3A_2809 = tpu.memref_slice %arg13[%dma_wait3A_2806, %dma_wait3A_2808] : memref<4x8192xf32, #tpu.memory_space<vmem>> -> memref<1x1024xf32, #tpu.memory_space<vmem>>
        %dma_wait3A_2810 = tpu.memref_squeeze %dma_wait3A_2809 : memref<1x1024xf32, #tpu.memory_space<vmem>> -> memref<1024xf32, #tpu.memory_space<vmem>>
        %dma_wait3A_2811 = arith.constant 0 : i32
        %dma_wait3A_2812 = tpu.memref_slice %arg6[%add3A_2805, %dma_wait3A_2807, %select_n3A_2614, %dma_wait3A_2811] : memref<200x8x32x1024xf32, #tpu.memory_space<hbm>> -> memref<1x1x1x1024xf32, #tpu.memory_space<hbm>>
        %dma_wait3A_2813 = tpu.memref_squeeze %dma_wait3A_2812 : memref<1x1x1x1024xf32, #tpu.memory_space<hbm>> -> memref<1024xf32, #tpu.memory_space<hbm>>
        %dma_wait3A_2814 = arith.constant 0 : i32
        %dma_wait3A_2815 = tpu.memref_slice %arg6[%add3A_2805, %dma_wait3A_2807, %select_n3A_2614, %dma_wait3A_2814] : memref<200x8x32x1024xf32, #tpu.memory_space<hbm>> -> memref<1x1x1x1024xf32, #tpu.memory_space<hbm>>
        %dma_wait3A_2816 = tpu.memref_squeeze %dma_wait3A_2815 : memref<1x1x1x1024xf32, #tpu.memory_space<hbm>> -> memref<1024xf32, #tpu.memory_space<hbm>>
        %dma_wait3A_2817 = arith.constant 0 : i32
        %dma_wait3A_2818 = tpu.memref_slice %arg13[%dma_wait3A_2806, %dma_wait3A_2817] : memref<4x8192xf32, #tpu.memory_space<vmem>> -> memref<1x1024xf32, #tpu.memory_space<vmem>>
        %dma_wait3A_2819 = tpu.memref_squeeze %dma_wait3A_2818 : memref<1x1024xf32, #tpu.memory_space<vmem>> -> memref<1024xf32, #tpu.memory_space<vmem>>
        tpu.wait_dma2 semaphore(%arg20 : memref<!tpu.dma_semaphore, #tpu.memory_space<semaphore_mem>>) src(%dma_wait3A_2819 : memref<1024xf32, #tpu.memory_space<vmem>>) dst(%dma_wait3A_2816 : memref<1024xf32, #tpu.memory_space<hbm>>)
        %mul3A_2820 = arith.constant 8 : i32
        %mul3A_2821 = arith.muli %select_n3A_2574, %mul3A_2820 : i32
        %mul3A_2822 = arith.constant 4 : i32
        %mul3A_2823 = arith.muli %mul3A_2822, %select_n3A_2630 : i32
        %add3A_2824 = arith.addi %mul3A_2821, %mul3A_2823 : i32
        %add3A_2825 = arith.constant 1 : i32
        %add3A_2826 = arith.addi %add3A_2824, %add3A_2825 : i32
        %dma_wait3A_2827 = arith.constant 1 : i32
        %dma_wait3A_2828 = arith.constant 1 : i32
        %dma_wait3A_2829 = arith.constant 1024 : i32
        %dma_wait3A_2830 = tpu.memref_slice %arg13[%dma_wait3A_2827, %dma_wait3A_2829] : memref<4x8192xf32, #tpu.memory_space<vmem>> -> memref<1x1024xf32, #tpu.memory_space<vmem>>
        %dma_wait3A_2831 = tpu.memref_squeeze %dma_wait3A_2830 : memref<1x1024xf32, #tpu.memory_space<vmem>> -> memref<1024xf32, #tpu.memory_space<vmem>>
        %dma_wait3A_2832 = arith.constant 0 : i32
        %dma_wait3A_2833 = tpu.memref_slice %arg6[%add3A_2826, %dma_wait3A_2828, %select_n3A_2614, %dma_wait3A_2832] : memref<200x8x32x1024xf32, #tpu.memory_space<hbm>> -> memref<1x1x1x1024xf32, #tpu.memory_space<hbm>>
        %dma_wait3A_2834 = tpu.memref_squeeze %dma_wait3A_2833 : memref<1x1x1x1024xf32, #tpu.memory_space<hbm>> -> memref<1024xf32, #tpu.memory_space<hbm>>
        %dma_wait3A_2835 = arith.constant 0 : i32
        %dma_wait3A_2836 = tpu.memref_slice %arg6[%add3A_2826, %dma_wait3A_2828, %select_n3A_2614, %dma_wait3A_2835] : memref<200x8x32x1024xf32, #tpu.memory_space<hbm>> -> memref<1x1x1x1024xf32, #tpu.memory_space<hbm>>
        %dma_wait3A_2837 = tpu.memref_squeeze %dma_wait3A_2836 : memref<1x1x1x1024xf32, #tpu.memory_space<hbm>> -> memref<1024xf32, #tpu.memory_space<hbm>>
        %dma_wait3A_2838 = arith.constant 1024 : i32
        %dma_wait3A_2839 = tpu.memref_slice %arg13[%dma_wait3A_2827, %dma_wait3A_2838] : memref<4x8192xf32, #tpu.memory_space<vmem>> -> memref<1x1024xf32, #tpu.memory_space<vmem>>
        %dma_wait3A_2840 = tpu.memref_squeeze %dma_wait3A_2839 : memref<1x1024xf32, #tpu.memory_space<vmem>> -> memref<1024xf32, #tpu.memory_space<vmem>>
        tpu.wait_dma2 semaphore(%arg20 : memref<!tpu.dma_semaphore, #tpu.memory_space<semaphore_mem>>) src(%dma_wait3A_2840 : memref<1024xf32, #tpu.memory_space<vmem>>) dst(%dma_wait3A_2837 : memref<1024xf32, #tpu.memory_space<hbm>>)
        %mul3A_2841 = arith.constant 8 : i32
        %mul3A_2842 = arith.muli %select_n3A_2574, %mul3A_2841 : i32
        %mul3A_2843 = arith.constant 4 : i32
        %mul3A_2844 = arith.muli %mul3A_2843, %select_n3A_2630 : i32
        %add3A_2845 = arith.addi %mul3A_2842, %mul3A_2844 : i32
        %add3A_2846 = arith.constant 1 : i32
        %add3A_2847 = arith.addi %add3A_2845, %add3A_2846 : i32
        %dma_wait3A_2848 = arith.constant 1 : i32
        %dma_wait3A_2849 = arith.constant 2 : i32
        %dma_wait3A_2850 = arith.constant 2048 : i32
        %dma_wait3A_2851 = tpu.memref_slice %arg13[%dma_wait3A_2848, %dma_wait3A_2850] : memref<4x8192xf32, #tpu.memory_space<vmem>> -> memref<1x1024xf32, #tpu.memory_space<vmem>>
        %dma_wait3A_2852 = tpu.memref_squeeze %dma_wait3A_2851 : memref<1x1024xf32, #tpu.memory_space<vmem>> -> memref<1024xf32, #tpu.memory_space<vmem>>
        %dma_wait3A_2853 = arith.constant 0 : i32
        %dma_wait3A_2854 = tpu.memref_slice %arg6[%add3A_2847, %dma_wait3A_2849, %select_n3A_2614, %dma_wait3A_2853] : memref<200x8x32x1024xf32, #tpu.memory_space<hbm>> -> memref<1x1x1x1024xf32, #tpu.memory_space<hbm>>
        %dma_wait3A_2855 = tpu.memref_squeeze %dma_wait3A_2854 : memref<1x1x1x1024xf32, #tpu.memory_space<hbm>> -> memref<1024xf32, #tpu.memory_space<hbm>>
        %dma_wait3A_2856 = arith.constant 0 : i32
        %dma_wait3A_2857 = tpu.memref_slice %arg6[%add3A_2847, %dma_wait3A_2849, %select_n3A_2614, %dma_wait3A_2856] : memref<200x8x32x1024xf32, #tpu.memory_space<hbm>> -> memref<1x1x1x1024xf32, #tpu.memory_space<hbm>>
        %dma_wait3A_2858 = tpu.memref_squeeze %dma_wait3A_2857 : memref<1x1x1x1024xf32, #tpu.memory_space<hbm>> -> memref<1024xf32, #tpu.memory_space<hbm>>
        %dma_wait3A_2859 = arith.constant 2048 : i32
        %dma_wait3A_2860 = tpu.memref_slice %arg13[%dma_wait3A_2848, %dma_wait3A_2859] : memref<4x8192xf32, #tpu.memory_space<vmem>> -> memref<1x1024xf32, #tpu.memory_space<vmem>>
        %dma_wait3A_2861 = tpu.memref_squeeze %dma_wait3A_2860 : memref<1x1024xf32, #tpu.memory_space<vmem>> -> memref<1024xf32, #tpu.memory_space<vmem>>
        tpu.wait_dma2 semaphore(%arg20 : memref<!tpu.dma_semaphore, #tpu.memory_space<semaphore_mem>>) src(%dma_wait3A_2861 : memref<1024xf32, #tpu.memory_space<vmem>>) dst(%dma_wait3A_2858 : memref<1024xf32, #tpu.memory_space<hbm>>)
        %mul3A_2862 = arith.constant 8 : i32
        %mul3A_2863 = arith.muli %select_n3A_2574, %mul3A_2862 : i32
        %mul3A_2864 = arith.constant 4 : i32
        %mul3A_2865 = arith.muli %mul3A_2864, %select_n3A_2630 : i32
        %add3A_2866 = arith.addi %mul3A_2863, %mul3A_2865 : i32
        %add3A_2867 = arith.constant 1 : i32
        %add3A_2868 = arith.addi %add3A_2866, %add3A_2867 : i32
        %dma_wait3A_2869 = arith.constant 1 : i32
        %dma_wait3A_2870 = arith.constant 3 : i32
        %dma_wait3A_2871 = arith.constant 3072 : i32
        %dma_wait3A_2872 = tpu.memref_slice %arg13[%dma_wait3A_2869, %dma_wait3A_2871] : memref<4x8192xf32, #tpu.memory_space<vmem>> -> memref<1x1024xf32, #tpu.memory_space<vmem>>
        %dma_wait3A_2873 = tpu.memref_squeeze %dma_wait3A_2872 : memref<1x1024xf32, #tpu.memory_space<vmem>> -> memref<1024xf32, #tpu.memory_space<vmem>>
        %dma_wait3A_2874 = arith.constant 0 : i32
        %dma_wait3A_2875 = tpu.memref_slice %arg6[%add3A_2868, %dma_wait3A_2870, %select_n3A_2614, %dma_wait3A_2874] : memref<200x8x32x1024xf32, #tpu.memory_space<hbm>> -> memref<1x1x1x1024xf32, #tpu.memory_space<hbm>>
        %dma_wait3A_2876 = tpu.memref_squeeze %dma_wait3A_2875 : memref<1x1x1x1024xf32, #tpu.memory_space<hbm>> -> memref<1024xf32, #tpu.memory_space<hbm>>
        %dma_wait3A_2877 = arith.constant 0 : i32
        %dma_wait3A_2878 = tpu.memref_slice %arg6[%add3A_2868, %dma_wait3A_2870, %select_n3A_2614, %dma_wait3A_2877] : memref<200x8x32x1024xf32, #tpu.memory_space<hbm>> -> memref<1x1x1x1024xf32, #tpu.memory_space<hbm>>
        %dma_wait3A_2879 = tpu.memref_squeeze %dma_wait3A_2878 : memref<1x1x1x1024xf32, #tpu.memory_space<hbm>> -> memref<1024xf32, #tpu.memory_space<hbm>>
        %dma_wait3A_2880 = arith.constant 3072 : i32
        %dma_wait3A_2881 = tpu.memref_slice %arg13[%dma_wait3A_2869, %dma_wait3A_2880] : memref<4x8192xf32, #tpu.memory_space<vmem>> -> memref<1x1024xf32, #tpu.memory_space<vmem>>
        %dma_wait3A_2882 = tpu.memref_squeeze %dma_wait3A_2881 : memref<1x1024xf32, #tpu.memory_space<vmem>> -> memref<1024xf32, #tpu.memory_space<vmem>>
        tpu.wait_dma2 semaphore(%arg20 : memref<!tpu.dma_semaphore, #tpu.memory_space<semaphore_mem>>) src(%dma_wait3A_2882 : memref<1024xf32, #tpu.memory_space<vmem>>) dst(%dma_wait3A_2879 : memref<1024xf32, #tpu.memory_space<hbm>>)
        %mul3A_2883 = arith.constant 8 : i32
        %mul3A_2884 = arith.muli %select_n3A_2574, %mul3A_2883 : i32
        %mul3A_2885 = arith.constant 4 : i32
        %mul3A_2886 = arith.muli %mul3A_2885, %select_n3A_2630 : i32
        %add3A_2887 = arith.addi %mul3A_2884, %mul3A_2886 : i32
        %add3A_2888 = arith.constant 1 : i32
        %add3A_2889 = arith.addi %add3A_2887, %add3A_2888 : i32
        %dma_wait3A_2890 = arith.constant 1 : i32
        %dma_wait3A_2891 = arith.constant 4 : i32
        %dma_wait3A_2892 = arith.constant 4096 : i32
        %dma_wait3A_2893 = tpu.memref_slice %arg13[%dma_wait3A_2890, %dma_wait3A_2892] : memref<4x8192xf32, #tpu.memory_space<vmem>> -> memref<1x1024xf32, #tpu.memory_space<vmem>>
        %dma_wait3A_2894 = tpu.memref_squeeze %dma_wait3A_2893 : memref<1x1024xf32, #tpu.memory_space<vmem>> -> memref<1024xf32, #tpu.memory_space<vmem>>
        %dma_wait3A_2895 = arith.constant 0 : i32
        %dma_wait3A_2896 = tpu.memref_slice %arg6[%add3A_2889, %dma_wait3A_2891, %select_n3A_2614, %dma_wait3A_2895] : memref<200x8x32x1024xf32, #tpu.memory_space<hbm>> -> memref<1x1x1x1024xf32, #tpu.memory_space<hbm>>
        %dma_wait3A_2897 = tpu.memref_squeeze %dma_wait3A_2896 : memref<1x1x1x1024xf32, #tpu.memory_space<hbm>> -> memref<1024xf32, #tpu.memory_space<hbm>>
        %dma_wait3A_2898 = arith.constant 0 : i32
        %dma_wait3A_2899 = tpu.memref_slice %arg6[%add3A_2889, %dma_wait3A_2891, %select_n3A_2614, %dma_wait3A_2898] : memref<200x8x32x1024xf32, #tpu.memory_space<hbm>> -> memref<1x1x1x1024xf32, #tpu.memory_space<hbm>>
        %dma_wait3A_2900 = tpu.memref_squeeze %dma_wait3A_2899 : memref<1x1x1x1024xf32, #tpu.memory_space<hbm>> -> memref<1024xf32, #tpu.memory_space<hbm>>
        %dma_wait3A_2901 = arith.constant 4096 : i32
        %dma_wait3A_2902 = tpu.memref_slice %arg13[%dma_wait3A_2890, %dma_wait3A_2901] : memref<4x8192xf32, #tpu.memory_space<vmem>> -> memref<1x1024xf32, #tpu.memory_space<vmem>>
        %dma_wait3A_2903 = tpu.memref_squeeze %dma_wait3A_2902 : memref<1x1024xf32, #tpu.memory_space<vmem>> -> memref<1024xf32, #tpu.memory_space<vmem>>
        tpu.wait_dma2 semaphore(%arg20 : memref<!tpu.dma_semaphore, #tpu.memory_space<semaphore_mem>>) src(%dma_wait3A_2903 : memref<1024xf32, #tpu.memory_space<vmem>>) dst(%dma_wait3A_2900 : memref<1024xf32, #tpu.memory_space<hbm>>)
        %mul3A_2904 = arith.constant 8 : i32
        %mul3A_2905 = arith.muli %select_n3A_2574, %mul3A_2904 : i32
        %mul3A_2906 = arith.constant 4 : i32
        %mul3A_2907 = arith.muli %mul3A_2906, %select_n3A_2630 : i32
        %add3A_2908 = arith.addi %mul3A_2905, %mul3A_2907 : i32
        %add3A_2909 = arith.constant 1 : i32
        %add3A_2910 = arith.addi %add3A_2908, %add3A_2909 : i32
        %dma_wait3A_2911 = arith.constant 1 : i32
        %dma_wait3A_2912 = arith.constant 5 : i32
        %dma_wait3A_2913 = arith.constant 5120 : i32
        %dma_wait3A_2914 = tpu.memref_slice %arg13[%dma_wait3A_2911, %dma_wait3A_2913] : memref<4x8192xf32, #tpu.memory_space<vmem>> -> memref<1x1024xf32, #tpu.memory_space<vmem>>
        %dma_wait3A_2915 = tpu.memref_squeeze %dma_wait3A_2914 : memref<1x1024xf32, #tpu.memory_space<vmem>> -> memref<1024xf32, #tpu.memory_space<vmem>>
        %dma_wait3A_2916 = arith.constant 0 : i32
        %dma_wait3A_2917 = tpu.memref_slice %arg6[%add3A_2910, %dma_wait3A_2912, %select_n3A_2614, %dma_wait3A_2916] : memref<200x8x32x1024xf32, #tpu.memory_space<hbm>> -> memref<1x1x1x1024xf32, #tpu.memory_space<hbm>>
        %dma_wait3A_2918 = tpu.memref_squeeze %dma_wait3A_2917 : memref<1x1x1x1024xf32, #tpu.memory_space<hbm>> -> memref<1024xf32, #tpu.memory_space<hbm>>
        %dma_wait3A_2919 = arith.constant 0 : i32
        %dma_wait3A_2920 = tpu.memref_slice %arg6[%add3A_2910, %dma_wait3A_2912, %select_n3A_2614, %dma_wait3A_2919] : memref<200x8x32x1024xf32, #tpu.memory_space<hbm>> -> memref<1x1x1x1024xf32, #tpu.memory_space<hbm>>
        %dma_wait3A_2921 = tpu.memref_squeeze %dma_wait3A_2920 : memref<1x1x1x1024xf32, #tpu.memory_space<hbm>> -> memref<1024xf32, #tpu.memory_space<hbm>>
        %dma_wait3A_2922 = arith.constant 5120 : i32
        %dma_wait3A_2923 = tpu.memref_slice %arg13[%dma_wait3A_2911, %dma_wait3A_2922] : memref<4x8192xf32, #tpu.memory_space<vmem>> -> memref<1x1024xf32, #tpu.memory_space<vmem>>
        %dma_wait3A_2924 = tpu.memref_squeeze %dma_wait3A_2923 : memref<1x1024xf32, #tpu.memory_space<vmem>> -> memref<1024xf32, #tpu.memory_space<vmem>>
        tpu.wait_dma2 semaphore(%arg20 : memref<!tpu.dma_semaphore, #tpu.memory_space<semaphore_mem>>) src(%dma_wait3A_2924 : memref<1024xf32, #tpu.memory_space<vmem>>) dst(%dma_wait3A_2921 : memref<1024xf32, #tpu.memory_space<hbm>>)
        %mul3A_2925 = arith.constant 8 : i32
        %mul3A_2926 = arith.muli %select_n3A_2574, %mul3A_2925 : i32
        %mul3A_2927 = arith.constant 4 : i32
        %mul3A_2928 = arith.muli %mul3A_2927, %select_n3A_2630 : i32
        %add3A_2929 = arith.addi %mul3A_2926, %mul3A_2928 : i32
        %add3A_2930 = arith.constant 1 : i32
        %add3A_2931 = arith.addi %add3A_2929, %add3A_2930 : i32
        %dma_wait3A_2932 = arith.constant 1 : i32
        %dma_wait3A_2933 = arith.constant 6 : i32
        %dma_wait3A_2934 = arith.constant 6144 : i32
        %dma_wait3A_2935 = tpu.memref_slice %arg13[%dma_wait3A_2932, %dma_wait3A_2934] : memref<4x8192xf32, #tpu.memory_space<vmem>> -> memref<1x1024xf32, #tpu.memory_space<vmem>>
        %dma_wait3A_2936 = tpu.memref_squeeze %dma_wait3A_2935 : memref<1x1024xf32, #tpu.memory_space<vmem>> -> memref<1024xf32, #tpu.memory_space<vmem>>
        %dma_wait3A_2937 = arith.constant 0 : i32
        %dma_wait3A_2938 = tpu.memref_slice %arg6[%add3A_2931, %dma_wait3A_2933, %select_n3A_2614, %dma_wait3A_2937] : memref<200x8x32x1024xf32, #tpu.memory_space<hbm>> -> memref<1x1x1x1024xf32, #tpu.memory_space<hbm>>
        %dma_wait3A_2939 = tpu.memref_squeeze %dma_wait3A_2938 : memref<1x1x1x1024xf32, #tpu.memory_space<hbm>> -> memref<1024xf32, #tpu.memory_space<hbm>>
        %dma_wait3A_2940 = arith.constant 0 : i32
        %dma_wait3A_2941 = tpu.memref_slice %arg6[%add3A_2931, %dma_wait3A_2933, %select_n3A_2614, %dma_wait3A_2940] : memref<200x8x32x1024xf32, #tpu.memory_space<hbm>> -> memref<1x1x1x1024xf32, #tpu.memory_space<hbm>>
        %dma_wait3A_2942 = tpu.memref_squeeze %dma_wait3A_2941 : memref<1x1x1x1024xf32, #tpu.memory_space<hbm>> -> memref<1024xf32, #tpu.memory_space<hbm>>
        %dma_wait3A_2943 = arith.constant 6144 : i32
        %dma_wait3A_2944 = tpu.memref_slice %arg13[%dma_wait3A_2932, %dma_wait3A_2943] : memref<4x8192xf32, #tpu.memory_space<vmem>> -> memref<1x1024xf32, #tpu.memory_space<vmem>>
        %dma_wait3A_2945 = tpu.memref_squeeze %dma_wait3A_2944 : memref<1x1024xf32, #tpu.memory_space<vmem>> -> memref<1024xf32, #tpu.memory_space<vmem>>
        tpu.wait_dma2 semaphore(%arg20 : memref<!tpu.dma_semaphore, #tpu.memory_space<semaphore_mem>>) src(%dma_wait3A_2945 : memref<1024xf32, #tpu.memory_space<vmem>>) dst(%dma_wait3A_2942 : memref<1024xf32, #tpu.memory_space<hbm>>)
        %mul3A_2946 = arith.constant 8 : i32
        %mul3A_2947 = arith.muli %select_n3A_2574, %mul3A_2946 : i32
        %mul3A_2948 = arith.constant 4 : i32
        %mul3A_2949 = arith.muli %mul3A_2948, %select_n3A_2630 : i32
        %add3A_2950 = arith.addi %mul3A_2947, %mul3A_2949 : i32
        %add3A_2951 = arith.constant 1 : i32
        %add3A_2952 = arith.addi %add3A_2950, %add3A_2951 : i32
        %dma_wait3A_2953 = arith.constant 1 : i32
        %dma_wait3A_2954 = arith.constant 7 : i32
        %dma_wait3A_2955 = arith.constant 7168 : i32
        %dma_wait3A_2956 = tpu.memref_slice %arg13[%dma_wait3A_2953, %dma_wait3A_2955] : memref<4x8192xf32, #tpu.memory_space<vmem>> -> memref<1x1024xf32, #tpu.memory_space<vmem>>
        %dma_wait3A_2957 = tpu.memref_squeeze %dma_wait3A_2956 : memref<1x1024xf32, #tpu.memory_space<vmem>> -> memref<1024xf32, #tpu.memory_space<vmem>>
        %dma_wait3A_2958 = arith.constant 0 : i32
        %dma_wait3A_2959 = tpu.memref_slice %arg6[%add3A_2952, %dma_wait3A_2954, %select_n3A_2614, %dma_wait3A_2958] : memref<200x8x32x1024xf32, #tpu.memory_space<hbm>> -> memref<1x1x1x1024xf32, #tpu.memory_space<hbm>>
        %dma_wait3A_2960 = tpu.memref_squeeze %dma_wait3A_2959 : memref<1x1x1x1024xf32, #tpu.memory_space<hbm>> -> memref<1024xf32, #tpu.memory_space<hbm>>
        %dma_wait3A_2961 = arith.constant 0 : i32
        %dma_wait3A_2962 = tpu.memref_slice %arg6[%add3A_2952, %dma_wait3A_2954, %select_n3A_2614, %dma_wait3A_2961] : memref<200x8x32x1024xf32, #tpu.memory_space<hbm>> -> memref<1x1x1x1024xf32, #tpu.memory_space<hbm>>
        %dma_wait3A_2963 = tpu.memref_squeeze %dma_wait3A_2962 : memref<1x1x1x1024xf32, #tpu.memory_space<hbm>> -> memref<1024xf32, #tpu.memory_space<hbm>>
        %dma_wait3A_2964 = arith.constant 7168 : i32
        %dma_wait3A_2965 = tpu.memref_slice %arg13[%dma_wait3A_2953, %dma_wait3A_2964] : memref<4x8192xf32, #tpu.memory_space<vmem>> -> memref<1x1024xf32, #tpu.memory_space<vmem>>
        %dma_wait3A_2966 = tpu.memref_squeeze %dma_wait3A_2965 : memref<1x1024xf32, #tpu.memory_space<vmem>> -> memref<1024xf32, #tpu.memory_space<vmem>>
        tpu.wait_dma2 semaphore(%arg20 : memref<!tpu.dma_semaphore, #tpu.memory_space<semaphore_mem>>) src(%dma_wait3A_2966 : memref<1024xf32, #tpu.memory_space<vmem>>) dst(%dma_wait3A_2963 : memref<1024xf32, #tpu.memory_space<hbm>>)
        %mul3A_2967 = arith.constant 8 : i32
        %mul3A_2968 = arith.muli %select_n3A_2574, %mul3A_2967 : i32
        %mul3A_2969 = arith.constant 4 : i32
        %mul3A_2970 = arith.muli %mul3A_2969, %select_n3A_2630 : i32
        %add3A_2971 = arith.addi %mul3A_2968, %mul3A_2970 : i32
        %add3A_2972 = arith.constant 2 : i32
        %add3A_2973 = arith.addi %add3A_2971, %add3A_2972 : i32
        %dma_wait3A_2974 = arith.constant 2 : i32
        %dma_wait3A_2975 = arith.constant 0 : i32
        %dma_wait3A_2976 = arith.constant 0 : i32
        %dma_wait3A_2977 = tpu.memref_slice %arg13[%dma_wait3A_2974, %dma_wait3A_2976] : memref<4x8192xf32, #tpu.memory_space<vmem>> -> memref<1x1024xf32, #tpu.memory_space<vmem>>
        %dma_wait3A_2978 = tpu.memref_squeeze %dma_wait3A_2977 : memref<1x1024xf32, #tpu.memory_space<vmem>> -> memref<1024xf32, #tpu.memory_space<vmem>>
        %dma_wait3A_2979 = arith.constant 0 : i32
        %dma_wait3A_2980 = tpu.memref_slice %arg6[%add3A_2973, %dma_wait3A_2975, %select_n3A_2614, %dma_wait3A_2979] : memref<200x8x32x1024xf32, #tpu.memory_space<hbm>> -> memref<1x1x1x1024xf32, #tpu.memory_space<hbm>>
        %dma_wait3A_2981 = tpu.memref_squeeze %dma_wait3A_2980 : memref<1x1x1x1024xf32, #tpu.memory_space<hbm>> -> memref<1024xf32, #tpu.memory_space<hbm>>
        %dma_wait3A_2982 = arith.constant 0 : i32
        %dma_wait3A_2983 = tpu.memref_slice %arg6[%add3A_2973, %dma_wait3A_2975, %select_n3A_2614, %dma_wait3A_2982] : memref<200x8x32x1024xf32, #tpu.memory_space<hbm>> -> memref<1x1x1x1024xf32, #tpu.memory_space<hbm>>
        %dma_wait3A_2984 = tpu.memref_squeeze %dma_wait3A_2983 : memref<1x1x1x1024xf32, #tpu.memory_space<hbm>> -> memref<1024xf32, #tpu.memory_space<hbm>>
        %dma_wait3A_2985 = arith.constant 0 : i32
        %dma_wait3A_2986 = tpu.memref_slice %arg13[%dma_wait3A_2974, %dma_wait3A_2985] : memref<4x8192xf32, #tpu.memory_space<vmem>> -> memref<1x1024xf32, #tpu.memory_space<vmem>>
        %dma_wait3A_2987 = tpu.memref_squeeze %dma_wait3A_2986 : memref<1x1024xf32, #tpu.memory_space<vmem>> -> memref<1024xf32, #tpu.memory_space<vmem>>
        tpu.wait_dma2 semaphore(%arg20 : memref<!tpu.dma_semaphore, #tpu.memory_space<semaphore_mem>>) src(%dma_wait3A_2987 : memref<1024xf32, #tpu.memory_space<vmem>>) dst(%dma_wait3A_2984 : memref<1024xf32, #tpu.memory_space<hbm>>)
        %mul3A_2988 = arith.constant 8 : i32
        %mul3A_2989 = arith.muli %select_n3A_2574, %mul3A_2988 : i32
        %mul3A_2990 = arith.constant 4 : i32
        %mul3A_2991 = arith.muli %mul3A_2990, %select_n3A_2630 : i32
        %add3A_2992 = arith.addi %mul3A_2989, %mul3A_2991 : i32
        %add3A_2993 = arith.constant 2 : i32
        %add3A_2994 = arith.addi %add3A_2992, %add3A_2993 : i32
        %dma_wait3A_2995 = arith.constant 2 : i32
        %dma_wait3A_2996 = arith.constant 1 : i32
        %dma_wait3A_2997 = arith.constant 1024 : i32
        %dma_wait3A_2998 = tpu.memref_slice %arg13[%dma_wait3A_2995, %dma_wait3A_2997] : memref<4x8192xf32, #tpu.memory_space<vmem>> -> memref<1x1024xf32, #tpu.memory_space<vmem>>
        %dma_wait3A_2999 = tpu.memref_squeeze %dma_wait3A_2998 : memref<1x1024xf32, #tpu.memory_space<vmem>> -> memref<1024xf32, #tpu.memory_space<vmem>>
        %dma_wait3A_3000 = arith.constant 0 : i32
        %dma_wait3A_3001 = tpu.memref_slice %arg6[%add3A_2994, %dma_wait3A_2996, %select_n3A_2614, %dma_wait3A_3000] : memref<200x8x32x1024xf32, #tpu.memory_space<hbm>> -> memref<1x1x1x1024xf32, #tpu.memory_space<hbm>>
        %dma_wait3A_3002 = tpu.memref_squeeze %dma_wait3A_3001 : memref<1x1x1x1024xf32, #tpu.memory_space<hbm>> -> memref<1024xf32, #tpu.memory_space<hbm>>
        %dma_wait3A_3003 = arith.constant 0 : i32
        %dma_wait3A_3004 = tpu.memref_slice %arg6[%add3A_2994, %dma_wait3A_2996, %select_n3A_2614, %dma_wait3A_3003] : memref<200x8x32x1024xf32, #tpu.memory_space<hbm>> -> memref<1x1x1x1024xf32, #tpu.memory_space<hbm>>
        %dma_wait3A_3005 = tpu.memref_squeeze %dma_wait3A_3004 : memref<1x1x1x1024xf32, #tpu.memory_space<hbm>> -> memref<1024xf32, #tpu.memory_space<hbm>>
        %dma_wait3A_3006 = arith.constant 1024 : i32
        %dma_wait3A_3007 = tpu.memref_slice %arg13[%dma_wait3A_2995, %dma_wait3A_3006] : memref<4x8192xf32, #tpu.memory_space<vmem>> -> memref<1x1024xf32, #tpu.memory_space<vmem>>
        %dma_wait3A_3008 = tpu.memref_squeeze %dma_wait3A_3007 : memref<1x1024xf32, #tpu.memory_space<vmem>> -> memref<1024xf32, #tpu.memory_space<vmem>>
        tpu.wait_dma2 semaphore(%arg20 : memref<!tpu.dma_semaphore, #tpu.memory_space<semaphore_mem>>) src(%dma_wait3A_3008 : memref<1024xf32, #tpu.memory_space<vmem>>) dst(%dma_wait3A_3005 : memref<1024xf32, #tpu.memory_space<hbm>>)
        %mul3A_3009 = arith.constant 8 : i32
        %mul3A_3010 = arith.muli %select_n3A_2574, %mul3A_3009 : i32
        %mul3A_3011 = arith.constant 4 : i32
        %mul3A_3012 = arith.muli %mul3A_3011, %select_n3A_2630 : i32
        %add3A_3013 = arith.addi %mul3A_3010, %mul3A_3012 : i32
        %add3A_3014 = arith.constant 2 : i32
        %add3A_3015 = arith.addi %add3A_3013, %add3A_3014 : i32
        %dma_wait3A_3016 = arith.constant 2 : i32
        %dma_wait3A_3017 = arith.constant 2 : i32
        %dma_wait3A_3018 = arith.constant 2048 : i32
        %dma_wait3A_3019 = tpu.memref_slice %arg13[%dma_wait3A_3016, %dma_wait3A_3018] : memref<4x8192xf32, #tpu.memory_space<vmem>> -> memref<1x1024xf32, #tpu.memory_space<vmem>>
        %dma_wait3A_3020 = tpu.memref_squeeze %dma_wait3A_3019 : memref<1x1024xf32, #tpu.memory_space<vmem>> -> memref<1024xf32, #tpu.memory_space<vmem>>
        %dma_wait3A_3021 = arith.constant 0 : i32
        %dma_wait3A_3022 = tpu.memref_slice %arg6[%add3A_3015, %dma_wait3A_3017, %select_n3A_2614, %dma_wait3A_3021] : memref<200x8x32x1024xf32, #tpu.memory_space<hbm>> -> memref<1x1x1x1024xf32, #tpu.memory_space<hbm>>
        %dma_wait3A_3023 = tpu.memref_squeeze %dma_wait3A_3022 : memref<1x1x1x1024xf32, #tpu.memory_space<hbm>> -> memref<1024xf32, #tpu.memory_space<hbm>>
        %dma_wait3A_3024 = arith.constant 0 : i32
        %dma_wait3A_3025 = tpu.memref_slice %arg6[%add3A_3015, %dma_wait3A_3017, %select_n3A_2614, %dma_wait3A_3024] : memref<200x8x32x1024xf32, #tpu.memory_space<hbm>> -> memref<1x1x1x1024xf32, #tpu.memory_space<hbm>>
        %dma_wait3A_3026 = tpu.memref_squeeze %dma_wait3A_3025 : memref<1x1x1x1024xf32, #tpu.memory_space<hbm>> -> memref<1024xf32, #tpu.memory_space<hbm>>
        %dma_wait3A_3027 = arith.constant 2048 : i32
        %dma_wait3A_3028 = tpu.memref_slice %arg13[%dma_wait3A_3016, %dma_wait3A_3027] : memref<4x8192xf32, #tpu.memory_space<vmem>> -> memref<1x1024xf32, #tpu.memory_space<vmem>>
        %dma_wait3A_3029 = tpu.memref_squeeze %dma_wait3A_3028 : memref<1x1024xf32, #tpu.memory_space<vmem>> -> memref<1024xf32, #tpu.memory_space<vmem>>
        tpu.wait_dma2 semaphore(%arg20 : memref<!tpu.dma_semaphore, #tpu.memory_space<semaphore_mem>>) src(%dma_wait3A_3029 : memref<1024xf32, #tpu.memory_space<vmem>>) dst(%dma_wait3A_3026 : memref<1024xf32, #tpu.memory_space<hbm>>)
        %mul3A_3030 = arith.constant 8 : i32
        %mul3A_3031 = arith.muli %select_n3A_2574, %mul3A_3030 : i32
        %mul3A_3032 = arith.constant 4 : i32
        %mul3A_3033 = arith.muli %mul3A_3032, %select_n3A_2630 : i32
        %add3A_3034 = arith.addi %mul3A_3031, %mul3A_3033 : i32
        %add3A_3035 = arith.constant 2 : i32
        %add3A_3036 = arith.addi %add3A_3034, %add3A_3035 : i32
        %dma_wait3A_3037 = arith.constant 2 : i32
        %dma_wait3A_3038 = arith.constant 3 : i32
        %dma_wait3A_3039 = arith.constant 3072 : i32
        %dma_wait3A_3040 = tpu.memref_slice %arg13[%dma_wait3A_3037, %dma_wait3A_3039] : memref<4x8192xf32, #tpu.memory_space<vmem>> -> memref<1x1024xf32, #tpu.memory_space<vmem>>
        %dma_wait3A_3041 = tpu.memref_squeeze %dma_wait3A_3040 : memref<1x1024xf32, #tpu.memory_space<vmem>> -> memref<1024xf32, #tpu.memory_space<vmem>>
        %dma_wait3A_3042 = arith.constant 0 : i32
        %dma_wait3A_3043 = tpu.memref_slice %arg6[%add3A_3036, %dma_wait3A_3038, %select_n3A_2614, %dma_wait3A_3042] : memref<200x8x32x1024xf32, #tpu.memory_space<hbm>> -> memref<1x1x1x1024xf32, #tpu.memory_space<hbm>>
        %dma_wait3A_3044 = tpu.memref_squeeze %dma_wait3A_3043 : memref<1x1x1x1024xf32, #tpu.memory_space<hbm>> -> memref<1024xf32, #tpu.memory_space<hbm>>
        %dma_wait3A_3045 = arith.constant 0 : i32
        %dma_wait3A_3046 = tpu.memref_slice %arg6[%add3A_3036, %dma_wait3A_3038, %select_n3A_2614, %dma_wait3A_3045] : memref<200x8x32x1024xf32, #tpu.memory_space<hbm>> -> memref<1x1x1x1024xf32, #tpu.memory_space<hbm>>
        %dma_wait3A_3047 = tpu.memref_squeeze %dma_wait3A_3046 : memref<1x1x1x1024xf32, #tpu.memory_space<hbm>> -> memref<1024xf32, #tpu.memory_space<hbm>>
        %dma_wait3A_3048 = arith.constant 3072 : i32
        %dma_wait3A_3049 = tpu.memref_slice %arg13[%dma_wait3A_3037, %dma_wait3A_3048] : memref<4x8192xf32, #tpu.memory_space<vmem>> -> memref<1x1024xf32, #tpu.memory_space<vmem>>
        %dma_wait3A_3050 = tpu.memref_squeeze %dma_wait3A_3049 : memref<1x1024xf32, #tpu.memory_space<vmem>> -> memref<1024xf32, #tpu.memory_space<vmem>>
        tpu.wait_dma2 semaphore(%arg20 : memref<!tpu.dma_semaphore, #tpu.memory_space<semaphore_mem>>) src(%dma_wait3A_3050 : memref<1024xf32, #tpu.memory_space<vmem>>) dst(%dma_wait3A_3047 : memref<1024xf32, #tpu.memory_space<hbm>>)
        %mul3A_3051 = arith.constant 8 : i32
        %mul3A_3052 = arith.muli %select_n3A_2574, %mul3A_3051 : i32
        %mul3A_3053 = arith.constant 4 : i32
        %mul3A_3054 = arith.muli %mul3A_3053, %select_n3A_2630 : i32
        %add3A_3055 = arith.addi %mul3A_3052, %mul3A_3054 : i32
        %add3A_3056 = arith.constant 2 : i32
        %add3A_3057 = arith.addi %add3A_3055, %add3A_3056 : i32
        %dma_wait3A_3058 = arith.constant 2 : i32
        %dma_wait3A_3059 = arith.constant 4 : i32
        %dma_wait3A_3060 = arith.constant 4096 : i32
        %dma_wait3A_3061 = tpu.memref_slice %arg13[%dma_wait3A_3058, %dma_wait3A_3060] : memref<4x8192xf32, #tpu.memory_space<vmem>> -> memref<1x1024xf32, #tpu.memory_space<vmem>>
        %dma_wait3A_3062 = tpu.memref_squeeze %dma_wait3A_3061 : memref<1x1024xf32, #tpu.memory_space<vmem>> -> memref<1024xf32, #tpu.memory_space<vmem>>
        %dma_wait3A_3063 = arith.constant 0 : i32
        %dma_wait3A_3064 = tpu.memref_slice %arg6[%add3A_3057, %dma_wait3A_3059, %select_n3A_2614, %dma_wait3A_3063] : memref<200x8x32x1024xf32, #tpu.memory_space<hbm>> -> memref<1x1x1x1024xf32, #tpu.memory_space<hbm>>
        %dma_wait3A_3065 = tpu.memref_squeeze %dma_wait3A_3064 : memref<1x1x1x1024xf32, #tpu.memory_space<hbm>> -> memref<1024xf32, #tpu.memory_space<hbm>>
        %dma_wait3A_3066 = arith.constant 0 : i32
        %dma_wait3A_3067 = tpu.memref_slice %arg6[%add3A_3057, %dma_wait3A_3059, %select_n3A_2614, %dma_wait3A_3066] : memref<200x8x32x1024xf32, #tpu.memory_space<hbm>> -> memref<1x1x1x1024xf32, #tpu.memory_space<hbm>>
        %dma_wait3A_3068 = tpu.memref_squeeze %dma_wait3A_3067 : memref<1x1x1x1024xf32, #tpu.memory_space<hbm>> -> memref<1024xf32, #tpu.memory_space<hbm>>
        %dma_wait3A_3069 = arith.constant 4096 : i32
        %dma_wait3A_3070 = tpu.memref_slice %arg13[%dma_wait3A_3058, %dma_wait3A_3069] : memref<4x8192xf32, #tpu.memory_space<vmem>> -> memref<1x1024xf32, #tpu.memory_space<vmem>>
        %dma_wait3A_3071 = tpu.memref_squeeze %dma_wait3A_3070 : memref<1x1024xf32, #tpu.memory_space<vmem>> -> memref<1024xf32, #tpu.memory_space<vmem>>
        tpu.wait_dma2 semaphore(%arg20 : memref<!tpu.dma_semaphore, #tpu.memory_space<semaphore_mem>>) src(%dma_wait3A_3071 : memref<1024xf32, #tpu.memory_space<vmem>>) dst(%dma_wait3A_3068 : memref<1024xf32, #tpu.memory_space<hbm>>)
        %mul3A_3072 = arith.constant 8 : i32
        %mul3A_3073 = arith.muli %select_n3A_2574, %mul3A_3072 : i32
        %mul3A_3074 = arith.constant 4 : i32
        %mul3A_3075 = arith.muli %mul3A_3074, %select_n3A_2630 : i32
        %add3A_3076 = arith.addi %mul3A_3073, %mul3A_3075 : i32
        %add3A_3077 = arith.constant 2 : i32
        %add3A_3078 = arith.addi %add3A_3076, %add3A_3077 : i32
        %dma_wait3A_3079 = arith.constant 2 : i32
        %dma_wait3A_3080 = arith.constant 5 : i32
        %dma_wait3A_3081 = arith.constant 5120 : i32
        %dma_wait3A_3082 = tpu.memref_slice %arg13[%dma_wait3A_3079, %dma_wait3A_3081] : memref<4x8192xf32, #tpu.memory_space<vmem>> -> memref<1x1024xf32, #tpu.memory_space<vmem>>
        %dma_wait3A_3083 = tpu.memref_squeeze %dma_wait3A_3082 : memref<1x1024xf32, #tpu.memory_space<vmem>> -> memref<1024xf32, #tpu.memory_space<vmem>>
        %dma_wait3A_3084 = arith.constant 0 : i32
        %dma_wait3A_3085 = tpu.memref_slice %arg6[%add3A_3078, %dma_wait3A_3080, %select_n3A_2614, %dma_wait3A_3084] : memref<200x8x32x1024xf32, #tpu.memory_space<hbm>> -> memref<1x1x1x1024xf32, #tpu.memory_space<hbm>>
        %dma_wait3A_3086 = tpu.memref_squeeze %dma_wait3A_3085 : memref<1x1x1x1024xf32, #tpu.memory_space<hbm>> -> memref<1024xf32, #tpu.memory_space<hbm>>
        %dma_wait3A_3087 = arith.constant 0 : i32
        %dma_wait3A_3088 = tpu.memref_slice %arg6[%add3A_3078, %dma_wait3A_3080, %select_n3A_2614, %dma_wait3A_3087] : memref<200x8x32x1024xf32, #tpu.memory_space<hbm>> -> memref<1x1x1x1024xf32, #tpu.memory_space<hbm>>
        %dma_wait3A_3089 = tpu.memref_squeeze %dma_wait3A_3088 : memref<1x1x1x1024xf32, #tpu.memory_space<hbm>> -> memref<1024xf32, #tpu.memory_space<hbm>>
        %dma_wait3A_3090 = arith.constant 5120 : i32
        %dma_wait3A_3091 = tpu.memref_slice %arg13[%dma_wait3A_3079, %dma_wait3A_3090] : memref<4x8192xf32, #tpu.memory_space<vmem>> -> memref<1x1024xf32, #tpu.memory_space<vmem>>
        %dma_wait3A_3092 = tpu.memref_squeeze %dma_wait3A_3091 : memref<1x1024xf32, #tpu.memory_space<vmem>> -> memref<1024xf32, #tpu.memory_space<vmem>>
        tpu.wait_dma2 semaphore(%arg20 : memref<!tpu.dma_semaphore, #tpu.memory_space<semaphore_mem>>) src(%dma_wait3A_3092 : memref<1024xf32, #tpu.memory_space<vmem>>) dst(%dma_wait3A_3089 : memref<1024xf32, #tpu.memory_space<hbm>>)
        %mul3A_3093 = arith.constant 8 : i32
        %mul3A_3094 = arith.muli %select_n3A_2574, %mul3A_3093 : i32
        %mul3A_3095 = arith.constant 4 : i32
        %mul3A_3096 = arith.muli %mul3A_3095, %select_n3A_2630 : i32
        %add3A_3097 = arith.addi %mul3A_3094, %mul3A_3096 : i32
        %add3A_3098 = arith.constant 2 : i32
        %add3A_3099 = arith.addi %add3A_3097, %add3A_3098 : i32
        %dma_wait3A_3100 = arith.constant 2 : i32
        %dma_wait3A_3101 = arith.constant 6 : i32
        %dma_wait3A_3102 = arith.constant 6144 : i32
        %dma_wait3A_3103 = tpu.memref_slice %arg13[%dma_wait3A_3100, %dma_wait3A_3102] : memref<4x8192xf32, #tpu.memory_space<vmem>> -> memref<1x1024xf32, #tpu.memory_space<vmem>>
        %dma_wait3A_3104 = tpu.memref_squeeze %dma_wait3A_3103 : memref<1x1024xf32, #tpu.memory_space<vmem>> -> memref<1024xf32, #tpu.memory_space<vmem>>
        %dma_wait3A_3105 = arith.constant 0 : i32
        %dma_wait3A_3106 = tpu.memref_slice %arg6[%add3A_3099, %dma_wait3A_3101, %select_n3A_2614, %dma_wait3A_3105] : memref<200x8x32x1024xf32, #tpu.memory_space<hbm>> -> memref<1x1x1x1024xf32, #tpu.memory_space<hbm>>
        %dma_wait3A_3107 = tpu.memref_squeeze %dma_wait3A_3106 : memref<1x1x1x1024xf32, #tpu.memory_space<hbm>> -> memref<1024xf32, #tpu.memory_space<hbm>>
        %dma_wait3A_3108 = arith.constant 0 : i32
        %dma_wait3A_3109 = tpu.memref_slice %arg6[%add3A_3099, %dma_wait3A_3101, %select_n3A_2614, %dma_wait3A_3108] : memref<200x8x32x1024xf32, #tpu.memory_space<hbm>> -> memref<1x1x1x1024xf32, #tpu.memory_space<hbm>>
        %dma_wait3A_3110 = tpu.memref_squeeze %dma_wait3A_3109 : memref<1x1x1x1024xf32, #tpu.memory_space<hbm>> -> memref<1024xf32, #tpu.memory_space<hbm>>
        %dma_wait3A_3111 = arith.constant 6144 : i32
        %dma_wait3A_3112 = tpu.memref_slice %arg13[%dma_wait3A_3100, %dma_wait3A_3111] : memref<4x8192xf32, #tpu.memory_space<vmem>> -> memref<1x1024xf32, #tpu.memory_space<vmem>>
        %dma_wait3A_3113 = tpu.memref_squeeze %dma_wait3A_3112 : memref<1x1024xf32, #tpu.memory_space<vmem>> -> memref<1024xf32, #tpu.memory_space<vmem>>
        tpu.wait_dma2 semaphore(%arg20 : memref<!tpu.dma_semaphore, #tpu.memory_space<semaphore_mem>>) src(%dma_wait3A_3113 : memref<1024xf32, #tpu.memory_space<vmem>>) dst(%dma_wait3A_3110 : memref<1024xf32, #tpu.memory_space<hbm>>)
        %mul3A_3114 = arith.constant 8 : i32
        %mul3A_3115 = arith.muli %select_n3A_2574, %mul3A_3114 : i32
        %mul3A_3116 = arith.constant 4 : i32
        %mul3A_3117 = arith.muli %mul3A_3116, %select_n3A_2630 : i32
        %add3A_3118 = arith.addi %mul3A_3115, %mul3A_3117 : i32
        %add3A_3119 = arith.constant 2 : i32
        %add3A_3120 = arith.addi %add3A_3118, %add3A_3119 : i32
        %dma_wait3A_3121 = arith.constant 2 : i32
        %dma_wait3A_3122 = arith.constant 7 : i32
        %dma_wait3A_3123 = arith.constant 7168 : i32
        %dma_wait3A_3124 = tpu.memref_slice %arg13[%dma_wait3A_3121, %dma_wait3A_3123] : memref<4x8192xf32, #tpu.memory_space<vmem>> -> memref<1x1024xf32, #tpu.memory_space<vmem>>
        %dma_wait3A_3125 = tpu.memref_squeeze %dma_wait3A_3124 : memref<1x1024xf32, #tpu.memory_space<vmem>> -> memref<1024xf32, #tpu.memory_space<vmem>>
        %dma_wait3A_3126 = arith.constant 0 : i32
        %dma_wait3A_3127 = tpu.memref_slice %arg6[%add3A_3120, %dma_wait3A_3122, %select_n3A_2614, %dma_wait3A_3126] : memref<200x8x32x1024xf32, #tpu.memory_space<hbm>> -> memref<1x1x1x1024xf32, #tpu.memory_space<hbm>>
        %dma_wait3A_3128 = tpu.memref_squeeze %dma_wait3A_3127 : memref<1x1x1x1024xf32, #tpu.memory_space<hbm>> -> memref<1024xf32, #tpu.memory_space<hbm>>
        %dma_wait3A_3129 = arith.constant 0 : i32
        %dma_wait3A_3130 = tpu.memref_slice %arg6[%add3A_3120, %dma_wait3A_3122, %select_n3A_2614, %dma_wait3A_3129] : memref<200x8x32x1024xf32, #tpu.memory_space<hbm>> -> memref<1x1x1x1024xf32, #tpu.memory_space<hbm>>
        %dma_wait3A_3131 = tpu.memref_squeeze %dma_wait3A_3130 : memref<1x1x1x1024xf32, #tpu.memory_space<hbm>> -> memref<1024xf32, #tpu.memory_space<hbm>>
        %dma_wait3A_3132 = arith.constant 7168 : i32
        %dma_wait3A_3133 = tpu.memref_slice %arg13[%dma_wait3A_3121, %dma_wait3A_3132] : memref<4x8192xf32, #tpu.memory_space<vmem>> -> memref<1x1024xf32, #tpu.memory_space<vmem>>
        %dma_wait3A_3134 = tpu.memref_squeeze %dma_wait3A_3133 : memref<1x1024xf32, #tpu.memory_space<vmem>> -> memref<1024xf32, #tpu.memory_space<vmem>>
        tpu.wait_dma2 semaphore(%arg20 : memref<!tpu.dma_semaphore, #tpu.memory_space<semaphore_mem>>) src(%dma_wait3A_3134 : memref<1024xf32, #tpu.memory_space<vmem>>) dst(%dma_wait3A_3131 : memref<1024xf32, #tpu.memory_space<hbm>>)
        %mul3A_3135 = arith.constant 8 : i32
        %mul3A_3136 = arith.muli %select_n3A_2574, %mul3A_3135 : i32
        %mul3A_3137 = arith.constant 4 : i32
        %mul3A_3138 = arith.muli %mul3A_3137, %select_n3A_2630 : i32
        %add3A_3139 = arith.addi %mul3A_3136, %mul3A_3138 : i32
        %add3A_3140 = arith.constant 3 : i32
        %add3A_3141 = arith.addi %add3A_3139, %add3A_3140 : i32
        %dma_wait3A_3142 = arith.constant 3 : i32
        %dma_wait3A_3143 = arith.constant 0 : i32
        %dma_wait3A_3144 = arith.constant 0 : i32
        %dma_wait3A_3145 = tpu.memref_slice %arg13[%dma_wait3A_3142, %dma_wait3A_3144] : memref<4x8192xf32, #tpu.memory_space<vmem>> -> memref<1x1024xf32, #tpu.memory_space<vmem>>
        %dma_wait3A_3146 = tpu.memref_squeeze %dma_wait3A_3145 : memref<1x1024xf32, #tpu.memory_space<vmem>> -> memref<1024xf32, #tpu.memory_space<vmem>>
        %dma_wait3A_3147 = arith.constant 0 : i32
        %dma_wait3A_3148 = tpu.memref_slice %arg6[%add3A_3141, %dma_wait3A_3143, %select_n3A_2614, %dma_wait3A_3147] : memref<200x8x32x1024xf32, #tpu.memory_space<hbm>> -> memref<1x1x1x1024xf32, #tpu.memory_space<hbm>>
        %dma_wait3A_3149 = tpu.memref_squeeze %dma_wait3A_3148 : memref<1x1x1x1024xf32, #tpu.memory_space<hbm>> -> memref<1024xf32, #tpu.memory_space<hbm>>
        %dma_wait3A_3150 = arith.constant 0 : i32
        %dma_wait3A_3151 = tpu.memref_slice %arg6[%add3A_3141, %dma_wait3A_3143, %select_n3A_2614, %dma_wait3A_3150] : memref<200x8x32x1024xf32, #tpu.memory_space<hbm>> -> memref<1x1x1x1024xf32, #tpu.memory_space<hbm>>
        %dma_wait3A_3152 = tpu.memref_squeeze %dma_wait3A_3151 : memref<1x1x1x1024xf32, #tpu.memory_space<hbm>> -> memref<1024xf32, #tpu.memory_space<hbm>>
        %dma_wait3A_3153 = arith.constant 0 : i32
        %dma_wait3A_3154 = tpu.memref_slice %arg13[%dma_wait3A_3142, %dma_wait3A_3153] : memref<4x8192xf32, #tpu.memory_space<vmem>> -> memref<1x1024xf32, #tpu.memory_space<vmem>>
        %dma_wait3A_3155 = tpu.memref_squeeze %dma_wait3A_3154 : memref<1x1024xf32, #tpu.memory_space<vmem>> -> memref<1024xf32, #tpu.memory_space<vmem>>
        tpu.wait_dma2 semaphore(%arg20 : memref<!tpu.dma_semaphore, #tpu.memory_space<semaphore_mem>>) src(%dma_wait3A_3155 : memref<1024xf32, #tpu.memory_space<vmem>>) dst(%dma_wait3A_3152 : memref<1024xf32, #tpu.memory_space<hbm>>)
        %mul3A_3156 = arith.constant 8 : i32
        %mul3A_3157 = arith.muli %select_n3A_2574, %mul3A_3156 : i32
        %mul3A_3158 = arith.constant 4 : i32
        %mul3A_3159 = arith.muli %mul3A_3158, %select_n3A_2630 : i32
        %add3A_3160 = arith.addi %mul3A_3157, %mul3A_3159 : i32
        %add3A_3161 = arith.constant 3 : i32
        %add3A_3162 = arith.addi %add3A_3160, %add3A_3161 : i32
        %dma_wait3A_3163 = arith.constant 3 : i32
        %dma_wait3A_3164 = arith.constant 1 : i32
        %dma_wait3A_3165 = arith.constant 1024 : i32
        %dma_wait3A_3166 = tpu.memref_slice %arg13[%dma_wait3A_3163, %dma_wait3A_3165] : memref<4x8192xf32, #tpu.memory_space<vmem>> -> memref<1x1024xf32, #tpu.memory_space<vmem>>
        %dma_wait3A_3167 = tpu.memref_squeeze %dma_wait3A_3166 : memref<1x1024xf32, #tpu.memory_space<vmem>> -> memref<1024xf32, #tpu.memory_space<vmem>>
        %dma_wait3A_3168 = arith.constant 0 : i32
        %dma_wait3A_3169 = tpu.memref_slice %arg6[%add3A_3162, %dma_wait3A_3164, %select_n3A_2614, %dma_wait3A_3168] : memref<200x8x32x1024xf32, #tpu.memory_space<hbm>> -> memref<1x1x1x1024xf32, #tpu.memory_space<hbm>>
        %dma_wait3A_3170 = tpu.memref_squeeze %dma_wait3A_3169 : memref<1x1x1x1024xf32, #tpu.memory_space<hbm>> -> memref<1024xf32, #tpu.memory_space<hbm>>
        %dma_wait3A_3171 = arith.constant 0 : i32
        %dma_wait3A_3172 = tpu.memref_slice %arg6[%add3A_3162, %dma_wait3A_3164, %select_n3A_2614, %dma_wait3A_3171] : memref<200x8x32x1024xf32, #tpu.memory_space<hbm>> -> memref<1x1x1x1024xf32, #tpu.memory_space<hbm>>
        %dma_wait3A_3173 = tpu.memref_squeeze %dma_wait3A_3172 : memref<1x1x1x1024xf32, #tpu.memory_space<hbm>> -> memref<1024xf32, #tpu.memory_space<hbm>>
        %dma_wait3A_3174 = arith.constant 1024 : i32
        %dma_wait3A_3175 = tpu.memref_slice %arg13[%dma_wait3A_3163, %dma_wait3A_3174] : memref<4x8192xf32, #tpu.memory_space<vmem>> -> memref<1x1024xf32, #tpu.memory_space<vmem>>
        %dma_wait3A_3176 = tpu.memref_squeeze %dma_wait3A_3175 : memref<1x1024xf32, #tpu.memory_space<vmem>> -> memref<1024xf32, #tpu.memory_space<vmem>>
        tpu.wait_dma2 semaphore(%arg20 : memref<!tpu.dma_semaphore, #tpu.memory_space<semaphore_mem>>) src(%dma_wait3A_3176 : memref<1024xf32, #tpu.memory_space<vmem>>) dst(%dma_wait3A_3173 : memref<1024xf32, #tpu.memory_space<hbm>>)
        %mul3A_3177 = arith.constant 8 : i32
        %mul3A_3178 = arith.muli %select_n3A_2574, %mul3A_3177 : i32
        %mul3A_3179 = arith.constant 4 : i32
        %mul3A_3180 = arith.muli %mul3A_3179, %select_n3A_2630 : i32
        %add3A_3181 = arith.addi %mul3A_3178, %mul3A_3180 : i32
        %add3A_3182 = arith.constant 3 : i32
        %add3A_3183 = arith.addi %add3A_3181, %add3A_3182 : i32
        %dma_wait3A_3184 = arith.constant 3 : i32
        %dma_wait3A_3185 = arith.constant 2 : i32
        %dma_wait3A_3186 = arith.constant 2048 : i32
        %dma_wait3A_3187 = tpu.memref_slice %arg13[%dma_wait3A_3184, %dma_wait3A_3186] : memref<4x8192xf32, #tpu.memory_space<vmem>> -> memref<1x1024xf32, #tpu.memory_space<vmem>>
        %dma_wait3A_3188 = tpu.memref_squeeze %dma_wait3A_3187 : memref<1x1024xf32, #tpu.memory_space<vmem>> -> memref<1024xf32, #tpu.memory_space<vmem>>
        %dma_wait3A_3189 = arith.constant 0 : i32
        %dma_wait3A_3190 = tpu.memref_slice %arg6[%add3A_3183, %dma_wait3A_3185, %select_n3A_2614, %dma_wait3A_3189] : memref<200x8x32x1024xf32, #tpu.memory_space<hbm>> -> memref<1x1x1x1024xf32, #tpu.memory_space<hbm>>
        %dma_wait3A_3191 = tpu.memref_squeeze %dma_wait3A_3190 : memref<1x1x1x1024xf32, #tpu.memory_space<hbm>> -> memref<1024xf32, #tpu.memory_space<hbm>>
        %dma_wait3A_3192 = arith.constant 0 : i32
        %dma_wait3A_3193 = tpu.memref_slice %arg6[%add3A_3183, %dma_wait3A_3185, %select_n3A_2614, %dma_wait3A_3192] : memref<200x8x32x1024xf32, #tpu.memory_space<hbm>> -> memref<1x1x1x1024xf32, #tpu.memory_space<hbm>>
        %dma_wait3A_3194 = tpu.memref_squeeze %dma_wait3A_3193 : memref<1x1x1x1024xf32, #tpu.memory_space<hbm>> -> memref<1024xf32, #tpu.memory_space<hbm>>
        %dma_wait3A_3195 = arith.constant 2048 : i32
        %dma_wait3A_3196 = tpu.memref_slice %arg13[%dma_wait3A_3184, %dma_wait3A_3195] : memref<4x8192xf32, #tpu.memory_space<vmem>> -> memref<1x1024xf32, #tpu.memory_space<vmem>>
        %dma_wait3A_3197 = tpu.memref_squeeze %dma_wait3A_3196 : memref<1x1024xf32, #tpu.memory_space<vmem>> -> memref<1024xf32, #tpu.memory_space<vmem>>
        tpu.wait_dma2 semaphore(%arg20 : memref<!tpu.dma_semaphore, #tpu.memory_space<semaphore_mem>>) src(%dma_wait3A_3197 : memref<1024xf32, #tpu.memory_space<vmem>>) dst(%dma_wait3A_3194 : memref<1024xf32, #tpu.memory_space<hbm>>)
        %mul3A_3198 = arith.constant 8 : i32
        %mul3A_3199 = arith.muli %select_n3A_2574, %mul3A_3198 : i32
        %mul3A_3200 = arith.constant 4 : i32
        %mul3A_3201 = arith.muli %mul3A_3200, %select_n3A_2630 : i32
        %add3A_3202 = arith.addi %mul3A_3199, %mul3A_3201 : i32
        %add3A_3203 = arith.constant 3 : i32
        %add3A_3204 = arith.addi %add3A_3202, %add3A_3203 : i32
        %dma_wait3A_3205 = arith.constant 3 : i32
        %dma_wait3A_3206 = arith.constant 3 : i32
        %dma_wait3A_3207 = arith.constant 3072 : i32
        %dma_wait3A_3208 = tpu.memref_slice %arg13[%dma_wait3A_3205, %dma_wait3A_3207] : memref<4x8192xf32, #tpu.memory_space<vmem>> -> memref<1x1024xf32, #tpu.memory_space<vmem>>
        %dma_wait3A_3209 = tpu.memref_squeeze %dma_wait3A_3208 : memref<1x1024xf32, #tpu.memory_space<vmem>> -> memref<1024xf32, #tpu.memory_space<vmem>>
        %dma_wait3A_3210 = arith.constant 0 : i32
        %dma_wait3A_3211 = tpu.memref_slice %arg6[%add3A_3204, %dma_wait3A_3206, %select_n3A_2614, %dma_wait3A_3210] : memref<200x8x32x1024xf32, #tpu.memory_space<hbm>> -> memref<1x1x1x1024xf32, #tpu.memory_space<hbm>>
        %dma_wait3A_3212 = tpu.memref_squeeze %dma_wait3A_3211 : memref<1x1x1x1024xf32, #tpu.memory_space<hbm>> -> memref<1024xf32, #tpu.memory_space<hbm>>
        %dma_wait3A_3213 = arith.constant 0 : i32
        %dma_wait3A_3214 = tpu.memref_slice %arg6[%add3A_3204, %dma_wait3A_3206, %select_n3A_2614, %dma_wait3A_3213] : memref<200x8x32x1024xf32, #tpu.memory_space<hbm>> -> memref<1x1x1x1024xf32, #tpu.memory_space<hbm>>
        %dma_wait3A_3215 = tpu.memref_squeeze %dma_wait3A_3214 : memref<1x1x1x1024xf32, #tpu.memory_space<hbm>> -> memref<1024xf32, #tpu.memory_space<hbm>>
        %dma_wait3A_3216 = arith.constant 3072 : i32
        %dma_wait3A_3217 = tpu.memref_slice %arg13[%dma_wait3A_3205, %dma_wait3A_3216] : memref<4x8192xf32, #tpu.memory_space<vmem>> -> memref<1x1024xf32, #tpu.memory_space<vmem>>
        %dma_wait3A_3218 = tpu.memref_squeeze %dma_wait3A_3217 : memref<1x1024xf32, #tpu.memory_space<vmem>> -> memref<1024xf32, #tpu.memory_space<vmem>>
        tpu.wait_dma2 semaphore(%arg20 : memref<!tpu.dma_semaphore, #tpu.memory_space<semaphore_mem>>) src(%dma_wait3A_3218 : memref<1024xf32, #tpu.memory_space<vmem>>) dst(%dma_wait3A_3215 : memref<1024xf32, #tpu.memory_space<hbm>>)
        %mul3A_3219 = arith.constant 8 : i32
        %mul3A_3220 = arith.muli %select_n3A_2574, %mul3A_3219 : i32
        %mul3A_3221 = arith.constant 4 : i32
        %mul3A_3222 = arith.muli %mul3A_3221, %select_n3A_2630 : i32
        %add3A_3223 = arith.addi %mul3A_3220, %mul3A_3222 : i32
        %add3A_3224 = arith.constant 3 : i32
        %add3A_3225 = arith.addi %add3A_3223, %add3A_3224 : i32
        %dma_wait3A_3226 = arith.constant 3 : i32
        %dma_wait3A_3227 = arith.constant 4 : i32
        %dma_wait3A_3228 = arith.constant 4096 : i32
        %dma_wait3A_3229 = tpu.memref_slice %arg13[%dma_wait3A_3226, %dma_wait3A_3228] : memref<4x8192xf32, #tpu.memory_space<vmem>> -> memref<1x1024xf32, #tpu.memory_space<vmem>>
        %dma_wait3A_3230 = tpu.memref_squeeze %dma_wait3A_3229 : memref<1x1024xf32, #tpu.memory_space<vmem>> -> memref<1024xf32, #tpu.memory_space<vmem>>
        %dma_wait3A_3231 = arith.constant 0 : i32
        %dma_wait3A_3232 = tpu.memref_slice %arg6[%add3A_3225, %dma_wait3A_3227, %select_n3A_2614, %dma_wait3A_3231] : memref<200x8x32x1024xf32, #tpu.memory_space<hbm>> -> memref<1x1x1x1024xf32, #tpu.memory_space<hbm>>
        %dma_wait3A_3233 = tpu.memref_squeeze %dma_wait3A_3232 : memref<1x1x1x1024xf32, #tpu.memory_space<hbm>> -> memref<1024xf32, #tpu.memory_space<hbm>>
        %dma_wait3A_3234 = arith.constant 0 : i32
        %dma_wait3A_3235 = tpu.memref_slice %arg6[%add3A_3225, %dma_wait3A_3227, %select_n3A_2614, %dma_wait3A_3234] : memref<200x8x32x1024xf32, #tpu.memory_space<hbm>> -> memref<1x1x1x1024xf32, #tpu.memory_space<hbm>>
        %dma_wait3A_3236 = tpu.memref_squeeze %dma_wait3A_3235 : memref<1x1x1x1024xf32, #tpu.memory_space<hbm>> -> memref<1024xf32, #tpu.memory_space<hbm>>
        %dma_wait3A_3237 = arith.constant 4096 : i32
        %dma_wait3A_3238 = tpu.memref_slice %arg13[%dma_wait3A_3226, %dma_wait3A_3237] : memref<4x8192xf32, #tpu.memory_space<vmem>> -> memref<1x1024xf32, #tpu.memory_space<vmem>>
        %dma_wait3A_3239 = tpu.memref_squeeze %dma_wait3A_3238 : memref<1x1024xf32, #tpu.memory_space<vmem>> -> memref<1024xf32, #tpu.memory_space<vmem>>
        tpu.wait_dma2 semaphore(%arg20 : memref<!tpu.dma_semaphore, #tpu.memory_space<semaphore_mem>>) src(%dma_wait3A_3239 : memref<1024xf32, #tpu.memory_space<vmem>>) dst(%dma_wait3A_3236 : memref<1024xf32, #tpu.memory_space<hbm>>)
        %mul3A_3240 = arith.constant 8 : i32
        %mul3A_3241 = arith.muli %select_n3A_2574, %mul3A_3240 : i32
        %mul3A_3242 = arith.constant 4 : i32
        %mul3A_3243 = arith.muli %mul3A_3242, %select_n3A_2630 : i32
        %add3A_3244 = arith.addi %mul3A_3241, %mul3A_3243 : i32
        %add3A_3245 = arith.constant 3 : i32
        %add3A_3246 = arith.addi %add3A_3244, %add3A_3245 : i32
        %dma_wait3A_3247 = arith.constant 3 : i32
        %dma_wait3A_3248 = arith.constant 5 : i32
        %dma_wait3A_3249 = arith.constant 5120 : i32
        %dma_wait3A_3250 = tpu.memref_slice %arg13[%dma_wait3A_3247, %dma_wait3A_3249] : memref<4x8192xf32, #tpu.memory_space<vmem>> -> memref<1x1024xf32, #tpu.memory_space<vmem>>
        %dma_wait3A_3251 = tpu.memref_squeeze %dma_wait3A_3250 : memref<1x1024xf32, #tpu.memory_space<vmem>> -> memref<1024xf32, #tpu.memory_space<vmem>>
        %dma_wait3A_3252 = arith.constant 0 : i32
        %dma_wait3A_3253 = tpu.memref_slice %arg6[%add3A_3246, %dma_wait3A_3248, %select_n3A_2614, %dma_wait3A_3252] : memref<200x8x32x1024xf32, #tpu.memory_space<hbm>> -> memref<1x1x1x1024xf32, #tpu.memory_space<hbm>>
        %dma_wait3A_3254 = tpu.memref_squeeze %dma_wait3A_3253 : memref<1x1x1x1024xf32, #tpu.memory_space<hbm>> -> memref<1024xf32, #tpu.memory_space<hbm>>
        %dma_wait3A_3255 = arith.constant 0 : i32
        %dma_wait3A_3256 = tpu.memref_slice %arg6[%add3A_3246, %dma_wait3A_3248, %select_n3A_2614, %dma_wait3A_3255] : memref<200x8x32x1024xf32, #tpu.memory_space<hbm>> -> memref<1x1x1x1024xf32, #tpu.memory_space<hbm>>
        %dma_wait3A_3257 = tpu.memref_squeeze %dma_wait3A_3256 : memref<1x1x1x1024xf32, #tpu.memory_space<hbm>> -> memref<1024xf32, #tpu.memory_space<hbm>>
        %dma_wait3A_3258 = arith.constant 5120 : i32
        %dma_wait3A_3259 = tpu.memref_slice %arg13[%dma_wait3A_3247, %dma_wait3A_3258] : memref<4x8192xf32, #tpu.memory_space<vmem>> -> memref<1x1024xf32, #tpu.memory_space<vmem>>
        %dma_wait3A_3260 = tpu.memref_squeeze %dma_wait3A_3259 : memref<1x1024xf32, #tpu.memory_space<vmem>> -> memref<1024xf32, #tpu.memory_space<vmem>>
        tpu.wait_dma2 semaphore(%arg20 : memref<!tpu.dma_semaphore, #tpu.memory_space<semaphore_mem>>) src(%dma_wait3A_3260 : memref<1024xf32, #tpu.memory_space<vmem>>) dst(%dma_wait3A_3257 : memref<1024xf32, #tpu.memory_space<hbm>>)
        %mul3A_3261 = arith.constant 8 : i32
        %mul3A_3262 = arith.muli %select_n3A_2574, %mul3A_3261 : i32
        %mul3A_3263 = arith.constant 4 : i32
        %mul3A_3264 = arith.muli %mul3A_3263, %select_n3A_2630 : i32
        %add3A_3265 = arith.addi %mul3A_3262, %mul3A_3264 : i32
        %add3A_3266 = arith.constant 3 : i32
        %add3A_3267 = arith.addi %add3A_3265, %add3A_3266 : i32
        %dma_wait3A_3268 = arith.constant 3 : i32
        %dma_wait3A_3269 = arith.constant 6 : i32
        %dma_wait3A_3270 = arith.constant 6144 : i32
        %dma_wait3A_3271 = tpu.memref_slice %arg13[%dma_wait3A_3268, %dma_wait3A_3270] : memref<4x8192xf32, #tpu.memory_space<vmem>> -> memref<1x1024xf32, #tpu.memory_space<vmem>>
        %dma_wait3A_3272 = tpu.memref_squeeze %dma_wait3A_3271 : memref<1x1024xf32, #tpu.memory_space<vmem>> -> memref<1024xf32, #tpu.memory_space<vmem>>
        %dma_wait3A_3273 = arith.constant 0 : i32
        %dma_wait3A_3274 = tpu.memref_slice %arg6[%add3A_3267, %dma_wait3A_3269, %select_n3A_2614, %dma_wait3A_3273] : memref<200x8x32x1024xf32, #tpu.memory_space<hbm>> -> memref<1x1x1x1024xf32, #tpu.memory_space<hbm>>
        %dma_wait3A_3275 = tpu.memref_squeeze %dma_wait3A_3274 : memref<1x1x1x1024xf32, #tpu.memory_space<hbm>> -> memref<1024xf32, #tpu.memory_space<hbm>>
        %dma_wait3A_3276 = arith.constant 0 : i32
        %dma_wait3A_3277 = tpu.memref_slice %arg6[%add3A_3267, %dma_wait3A_3269, %select_n3A_2614, %dma_wait3A_3276] : memref<200x8x32x1024xf32, #tpu.memory_space<hbm>> -> memref<1x1x1x1024xf32, #tpu.memory_space<hbm>>
        %dma_wait3A_3278 = tpu.memref_squeeze %dma_wait3A_3277 : memref<1x1x1x1024xf32, #tpu.memory_space<hbm>> -> memref<1024xf32, #tpu.memory_space<hbm>>
        %dma_wait3A_3279 = arith.constant 6144 : i32
        %dma_wait3A_3280 = tpu.memref_slice %arg13[%dma_wait3A_3268, %dma_wait3A_3279] : memref<4x8192xf32, #tpu.memory_space<vmem>> -> memref<1x1024xf32, #tpu.memory_space<vmem>>
        %dma_wait3A_3281 = tpu.memref_squeeze %dma_wait3A_3280 : memref<1x1024xf32, #tpu.memory_space<vmem>> -> memref<1024xf32, #tpu.memory_space<vmem>>
        tpu.wait_dma2 semaphore(%arg20 : memref<!tpu.dma_semaphore, #tpu.memory_space<semaphore_mem>>) src(%dma_wait3A_3281 : memref<1024xf32, #tpu.memory_space<vmem>>) dst(%dma_wait3A_3278 : memref<1024xf32, #tpu.memory_space<hbm>>)
        %mul3A_3282 = arith.constant 8 : i32
        %mul3A_3283 = arith.muli %select_n3A_2574, %mul3A_3282 : i32
        %mul3A_3284 = arith.constant 4 : i32
        %mul3A_3285 = arith.muli %mul3A_3284, %select_n3A_2630 : i32
        %add3A_3286 = arith.addi %mul3A_3283, %mul3A_3285 : i32
        %add3A_3287 = arith.constant 3 : i32
        %add3A_3288 = arith.addi %add3A_3286, %add3A_3287 : i32
        %dma_wait3A_3289 = arith.constant 3 : i32
        %dma_wait3A_3290 = arith.constant 7 : i32
        %dma_wait3A_3291 = arith.constant 7168 : i32
        %dma_wait3A_3292 = tpu.memref_slice %arg13[%dma_wait3A_3289, %dma_wait3A_3291] : memref<4x8192xf32, #tpu.memory_space<vmem>> -> memref<1x1024xf32, #tpu.memory_space<vmem>>
        %dma_wait3A_3293 = tpu.memref_squeeze %dma_wait3A_3292 : memref<1x1024xf32, #tpu.memory_space<vmem>> -> memref<1024xf32, #tpu.memory_space<vmem>>
        %dma_wait3A_3294 = arith.constant 0 : i32
        %dma_wait3A_3295 = tpu.memref_slice %arg6[%add3A_3288, %dma_wait3A_3290, %select_n3A_2614, %dma_wait3A_3294] : memref<200x8x32x1024xf32, #tpu.memory_space<hbm>> -> memref<1x1x1x1024xf32, #tpu.memory_space<hbm>>
        %dma_wait3A_3296 = tpu.memref_squeeze %dma_wait3A_3295 : memref<1x1x1x1024xf32, #tpu.memory_space<hbm>> -> memref<1024xf32, #tpu.memory_space<hbm>>
        %dma_wait3A_3297 = arith.constant 0 : i32
        %dma_wait3A_3298 = tpu.memref_slice %arg6[%add3A_3288, %dma_wait3A_3290, %select_n3A_2614, %dma_wait3A_3297] : memref<200x8x32x1024xf32, #tpu.memory_space<hbm>> -> memref<1x1x1x1024xf32, #tpu.memory_space<hbm>>
        %dma_wait3A_3299 = tpu.memref_squeeze %dma_wait3A_3298 : memref<1x1x1x1024xf32, #tpu.memory_space<hbm>> -> memref<1024xf32, #tpu.memory_space<hbm>>
        %dma_wait3A_3300 = arith.constant 7168 : i32
        %dma_wait3A_3301 = tpu.memref_slice %arg13[%dma_wait3A_3289, %dma_wait3A_3300] : memref<4x8192xf32, #tpu.memory_space<vmem>> -> memref<1x1024xf32, #tpu.memory_space<vmem>>
        %dma_wait3A_3302 = tpu.memref_squeeze %dma_wait3A_3301 : memref<1x1024xf32, #tpu.memory_space<vmem>> -> memref<1024xf32, #tpu.memory_space<vmem>>
        tpu.wait_dma2 semaphore(%arg20 : memref<!tpu.dma_semaphore, #tpu.memory_space<semaphore_mem>>) src(%dma_wait3A_3302 : memref<1024xf32, #tpu.memory_space<vmem>>) dst(%dma_wait3A_3299 : memref<1024xf32, #tpu.memory_space<hbm>>)
      } else {
      }
      %scan3A_999 = arith.constant 0 : i32
      %scan3A_1000 = arith.constant 0 : i32
      %scan3A_1001 = arith.constant 512 : i32
      %scan3A_1002 = arith.addi %scan3A_1000, %scan3A_1001 : i32
      %scan3A_1003 = arith.constant 1 : i32
      scf.for %scan3A_2551 = %scan3A_1000 to %scan3A_1002 step %scan3A_1003  : i32 {
        %jit3A_2552 = arith.constant 128 : i32
        %div3A_2553 = arith.divsi %scan3A_2551, %jit3A_2552 : i32
        %sign3A_2554 = arith.constant 0 : i32
        %sign3A_2555 = arith.cmpi sgt, %scan3A_2551, %sign3A_2554 : i32
        %sign3A_2556 = arith.extui %sign3A_2555 : i1 to i32
        %sign3A_2557 = arith.constant 0 : i32
        %sign3A_2558 = arith.cmpi slt, %scan3A_2551, %sign3A_2557 : i32
        %sign3A_2559 = arith.extui %sign3A_2558 : i1 to i32
        %sign3A_2560 = arith.subi %sign3A_2556, %sign3A_2559 : i32
        %sign3A_2561 = arith.constant 0 : i32
        %sign3A_2562 = arith.cmpi sgt, %jit3A_2552, %sign3A_2561 : i32
        %sign3A_2563 = arith.extui %sign3A_2562 : i1 to i32
        %sign3A_2564 = arith.constant 0 : i32
        %sign3A_2565 = arith.cmpi slt, %jit3A_2552, %sign3A_2564 : i32
        %sign3A_2566 = arith.extui %sign3A_2565 : i1 to i32
        %sign3A_2567 = arith.subi %sign3A_2563, %sign3A_2566 : i32
        %ne3A_2568 = arith.cmpi ne, %sign3A_2560, %sign3A_2567 : i32
        %rem3A_2569 = arith.remsi %scan3A_2551, %jit3A_2552 : i32
        %ne3A_2570 = arith.constant 0 : i32
        %ne3A_2571 = arith.cmpi ne, %rem3A_2569, %ne3A_2570 : i32
        %and3A_2572 = arith.andi %ne3A_2568, %ne3A_2571 : i1
        %sub3A_2573 = arith.constant 1 : i32
        %sub3A_2574 = arith.subi %div3A_2553, %sub3A_2573 : i32
        %select_n3A_2575 = arith.select %and3A_2572, %sub3A_2574, %div3A_2553 : i32
        %mul3A_2576 = arith.constant 128 : i32
        %mul3A_2577 = arith.muli %select_n3A_2575, %mul3A_2576 : i32
        %sub3A_2578 = arith.subi %scan3A_2551, %mul3A_2577 : i32
        %broadcast_in_dim3A = vector.broadcast %select_n3A_2575 : i32 to vector<16xi32>
        %get3A = arith.index_cast %scan3A_2551 : i32 to index
        %get3A_2579 = arith.constant 0 : index
        %get3A_2580 = tpu.vector_load %arg11[%get3A, %get3A_2579] {strides = array<i32>} : memref<512x64xf32, #tpu.memory_space<vmem>>, vector<16xf32>,
        %add3A_2581 = vector.broadcast %sub3A_2578 : i32 to vector<16xi32>
        %add3A_2582 = arith.addi %mul3A_10, %add3A_2581 : vector<16xi32>
        tpu.vector_store_idx %arg13[%broadcast_in_dim3A, %add3A_2582], %get3A_2580 : memref<4x8192xf32, #tpu.memory_space<vmem>>[vector<16xi32>, vector<16xi32>], vector<16xf32>,
        %get3A_2583 = arith.index_cast %scan3A_2551 : i32 to index
        %get3A_2584 = arith.constant 16 : index
        %get3A_2585 = tpu.vector_load %arg11[%get3A_2583, %get3A_2584] {strides = array<i32>} : memref<512x64xf32, #tpu.memory_space<vmem>>, vector<16xf32>,
        %add3A_2586 = vector.broadcast %sub3A_2578 : i32 to vector<16xi32>
        %add3A_2587 = arith.addi %mul3A_16, %add3A_2586 : vector<16xi32>
        tpu.vector_store_idx %arg13[%broadcast_in_dim3A, %add3A_2587], %get3A_2585 : memref<4x8192xf32, #tpu.memory_space<vmem>>[vector<16xi32>, vector<16xi32>], vector<16xf32>,
        %get3A_2588 = arith.index_cast %scan3A_2551 : i32 to index
        %get3A_2589 = arith.constant 32 : index
        %get3A_2590 = tpu.vector_load %arg11[%get3A_2588, %get3A_2589] {strides = array<i32>} : memref<512x64xf32, #tpu.memory_space<vmem>>, vector<16xf32>,
        %add3A_2591 = vector.broadcast %sub3A_2578 : i32 to vector<16xi32>
        %add3A_2592 = arith.addi %mul3A_22, %add3A_2591 : vector<16xi32>
        tpu.vector_store_idx %arg13[%broadcast_in_dim3A, %add3A_2592], %get3A_2590 : memref<4x8192xf32, #tpu.memory_space<vmem>>[vector<16xi32>, vector<16xi32>], vector<16xf32>,
        %get3A_2593 = arith.index_cast %scan3A_2551 : i32 to index
        %get3A_2594 = arith.constant 48 : index
        %get3A_2595 = tpu.vector_load %arg11[%get3A_2593, %get3A_2594] {strides = array<i32>} : memref<512x64xf32, #tpu.memory_space<vmem>>, vector<16xf32>,
        %add3A_2596 = vector.broadcast %sub3A_2578 : i32 to vector<16xi32>
        %add3A_2597 = arith.addi %mul3A_28, %add3A_2596 : vector<16xi32>
        tpu.vector_store_idx %arg13[%broadcast_in_dim3A, %add3A_2597], %get3A_2595 : memref<4x8192xf32, #tpu.memory_space<vmem>>[vector<16xi32>, vector<16xi32>], vector<16xf32>,
      }
      %scan3A_1004 = arith.constant 512 : i32
      %jit3A_1005 = arith.constant 64 : i32
      %div3A_1006 = arith.divsi %add3A_982, %jit3A_1005 : i32
      %sign3A_1007 = arith.constant 0 : i32
      %sign3A_1008 = arith.cmpi sgt, %add3A_982, %sign3A_1007 : i32
      %sign3A_1009 = arith.extui %sign3A_1008 : i1 to i32
      %sign3A_1010 = arith.constant 0 : i32
      %sign3A_1011 = arith.cmpi slt, %add3A_982, %sign3A_1010 : i32
      %sign3A_1012 = arith.extui %sign3A_1011 : i1 to i32
      %sign3A_1013 = arith.subi %sign3A_1009, %sign3A_1012 : i32
      %sign3A_1014 = arith.constant 0 : i32
      %sign3A_1015 = arith.cmpi sgt, %jit3A_1005, %sign3A_1014 : i32
      %sign3A_1016 = arith.extui %sign3A_1015 : i1 to i32
      %sign3A_1017 = arith.constant 0 : i32
      %sign3A_1018 = arith.cmpi slt, %jit3A_1005, %sign3A_1017 : i32
      %sign3A_1019 = arith.extui %sign3A_1018 : i1 to i32
      %sign3A_1020 = arith.subi %sign3A_1016, %sign3A_1019 : i32
      %ne3A_1021 = arith.cmpi ne, %sign3A_1013, %sign3A_1020 : i32
      %rem3A_1022 = arith.remsi %add3A_982, %jit3A_1005 : i32
      %ne3A_1023 = arith.constant 0 : i32
      %ne3A_1024 = arith.cmpi ne, %rem3A_1022, %ne3A_1023 : i32
      %and3A_1025 = arith.andi %ne3A_1021, %ne3A_1024 : i1
      %sub3A_1026 = arith.constant 1 : i32
      %sub3A_1027 = arith.subi %div3A_1006, %sub3A_1026 : i32
      %select_n3A_1028 = arith.select %and3A_1025, %sub3A_1027, %div3A_1006 : i32
      %jit3A_1029 = arith.constant 64 : i32
      %eq3A_1030 = arith.constant 0 : i32
      %eq3A_1031 = arith.cmpi eq, %jit3A_1029, %eq3A_1030 : i32
      %jit3A_1032 = arith.constant 1 : i32
      %select_n3A_1033 = arith.select %eq3A_1031, %jit3A_1032, %jit3A_1029 : i32
      %rem3A_1034 = arith.remsi %add3A_982, %select_n3A_1033 : i32
      %ne3A_1035 = arith.constant 0 : i32
      %ne3A_1036 = arith.cmpi ne, %rem3A_1034, %ne3A_1035 : i32
      %lt3A_1037 = arith.constant 0 : i32
      %lt3A_1038 = arith.cmpi slt, %rem3A_1034, %lt3A_1037 : i32
      %lt3A_1039 = arith.constant 0 : i32
      %lt3A_1040 = arith.cmpi slt, %select_n3A_1033, %lt3A_1039 : i32
      %ne3A_1041 = arith.xori %lt3A_1038, %lt3A_1040 : i1
      %and3A_1042 = arith.andi %ne3A_1041, %ne3A_1036 : i1
      %add3A_1043 = arith.addi %rem3A_1034, %select_n3A_1033 : i32
      %select_n3A_1044 = arith.select %and3A_1042, %add3A_1043, %rem3A_1034 : i32
      %jit3A_1045 = arith.constant 2 : i32
      %div3A_1046 = arith.divsi %select_n3A_1044, %jit3A_1045 : i32
      %sign3A_1047 = arith.constant 0 : i32
      %sign3A_1048 = arith.cmpi sgt, %select_n3A_1044, %sign3A_1047 : i32
      %sign3A_1049 = arith.extui %sign3A_1048 : i1 to i32
      %sign3A_1050 = arith.constant 0 : i32
      %sign3A_1051 = arith.cmpi slt, %select_n3A_1044, %sign3A_1050 : i32
      %sign3A_1052 = arith.extui %sign3A_1051 : i1 to i32
      %sign3A_1053 = arith.subi %sign3A_1049, %sign3A_1052 : i32
      %sign3A_1054 = arith.constant 0 : i32
      %sign3A_1055 = arith.cmpi sgt, %jit3A_1045, %sign3A_1054 : i32
      %sign3A_1056 = arith.extui %sign3A_1055 : i1 to i32
      %sign3A_1057 = arith.constant 0 : i32
      %sign3A_1058 = arith.cmpi slt, %jit3A_1045, %sign3A_1057 : i32
      %sign3A_1059 = arith.extui %sign3A_1058 : i1 to i32
      %sign3A_1060 = arith.subi %sign3A_1056, %sign3A_1059 : i32
      %ne3A_1061 = arith.cmpi ne, %sign3A_1053, %sign3A_1060 : i32
      %rem3A_1062 = arith.remsi %select_n3A_1044, %jit3A_1045 : i32
      %ne3A_1063 = arith.constant 0 : i32
      %ne3A_1064 = arith.cmpi ne, %rem3A_1062, %ne3A_1063 : i32
      %and3A_1065 = arith.andi %ne3A_1061, %ne3A_1064 : i1
      %sub3A_1066 = arith.constant 1 : i32
      %sub3A_1067 = arith.subi %div3A_1046, %sub3A_1066 : i32
      %select_n3A_1068 = arith.select %and3A_1065, %sub3A_1067, %div3A_1046 : i32
      %jit3A_1069 = arith.constant 2 : i32
      %eq3A_1070 = arith.constant 0 : i32
      %eq3A_1071 = arith.cmpi eq, %jit3A_1069, %eq3A_1070 : i32
      %jit3A_1072 = arith.constant 1 : i32
      %select_n3A_1073 = arith.select %eq3A_1071, %jit3A_1072, %jit3A_1069 : i32
      %rem3A_1074 = arith.remsi %select_n3A_1044, %select_n3A_1073 : i32
      %ne3A_1075 = arith.constant 0 : i32
      %ne3A_1076 = arith.cmpi ne, %rem3A_1074, %ne3A_1075 : i32
      %lt3A_1077 = arith.constant 0 : i32
      %lt3A_1078 = arith.cmpi slt, %rem3A_1074, %lt3A_1077 : i32
      %lt3A_1079 = arith.constant 0 : i32
      %lt3A_1080 = arith.cmpi slt, %select_n3A_1073, %lt3A_1079 : i32
      %ne3A_1081 = arith.xori %lt3A_1078, %lt3A_1080 : i1
      %and3A_1082 = arith.andi %ne3A_1081, %ne3A_1076 : i1
      %add3A_1083 = arith.addi %rem3A_1074, %select_n3A_1073 : i32
      %select_n3A_1084 = arith.select %and3A_1082, %add3A_1083, %rem3A_1074 : i32
      %mul3A_1085 = arith.constant 8 : i32
      %mul3A_1086 = arith.muli %select_n3A_1028, %mul3A_1085 : i32
      %mul3A_1087 = arith.constant 4 : i32
      %mul3A_1088 = arith.muli %mul3A_1087, %select_n3A_1084 : i32
      %add3A_1089 = arith.addi %mul3A_1086, %mul3A_1088 : i32
      %add3A_1090 = arith.constant 0 : i32
      %add3A_1091 = arith.addi %add3A_1089, %add3A_1090 : i32
      %dma_start3A_1092 = arith.constant 0 : i32
      %dma_start3A_1093 = arith.constant 0 : i32
      %dma_start3A_1094 = arith.constant 0 : i32
      %dma_start3A_1095 = tpu.memref_slice %arg13[%dma_start3A_1092, %dma_start3A_1094] : memref<4x8192xf32, #tpu.memory_space<vmem>> -> memref<1x1024xf32, #tpu.memory_space<vmem>>
      %dma_start3A_1096 = tpu.memref_squeeze %dma_start3A_1095 : memref<1x1024xf32, #tpu.memory_space<vmem>> -> memref<1024xf32, #tpu.memory_space<vmem>>
      %dma_start3A_1097 = arith.constant 0 : i32
      %dma_start3A_1098 = tpu.memref_slice %arg6[%add3A_1091, %dma_start3A_1093, %select_n3A_1068, %dma_start3A_1097] : memref<200x8x32x1024xf32, #tpu.memory_space<hbm>> -> memref<1x1x1x1024xf32, #tpu.memory_space<hbm>>
      %dma_start3A_1099 = tpu.memref_squeeze %dma_start3A_1098 : memref<1x1x1x1024xf32, #tpu.memory_space<hbm>> -> memref<1024xf32, #tpu.memory_space<hbm>>
      %dma_start3A_1100 = arith.constant 0 : i32
      %dma_start3A_1101 = tpu.memref_slice %arg6[%add3A_1091, %dma_start3A_1093, %select_n3A_1068, %dma_start3A_1100] : memref<200x8x32x1024xf32, #tpu.memory_space<hbm>> -> memref<1x1x1x1024xf32, #tpu.memory_space<hbm>>
      %dma_start3A_1102 = tpu.memref_squeeze %dma_start3A_1101 : memref<1x1x1x1024xf32, #tpu.memory_space<hbm>> -> memref<1024xf32, #tpu.memory_space<hbm>>
      %dma_start3A_1103 = arith.constant 0 : i32
      %dma_start3A_1104 = tpu.memref_slice %arg13[%dma_start3A_1092, %dma_start3A_1103] : memref<4x8192xf32, #tpu.memory_space<vmem>> -> memref<1x1024xf32, #tpu.memory_space<vmem>>
      %dma_start3A_1105 = tpu.memref_squeeze %dma_start3A_1104 : memref<1x1024xf32, #tpu.memory_space<vmem>> -> memref<1024xf32, #tpu.memory_space<vmem>>
      tpu.enqueue_dma source(%dma_start3A_1105 : memref<1024xf32, #tpu.memory_space<vmem>>) target(%dma_start3A_1102 : memref<1024xf32, #tpu.memory_space<hbm>>) target_semaphore(%arg20 : memref<!tpu.dma_semaphore, #tpu.memory_space<semaphore_mem>>)
      %mul3A_1106 = arith.constant 8 : i32
      %mul3A_1107 = arith.muli %select_n3A_1028, %mul3A_1106 : i32
      %mul3A_1108 = arith.constant 4 : i32
      %mul3A_1109 = arith.muli %mul3A_1108, %select_n3A_1084 : i32
      %add3A_1110 = arith.addi %mul3A_1107, %mul3A_1109 : i32
      %add3A_1111 = arith.constant 0 : i32
      %add3A_1112 = arith.addi %add3A_1110, %add3A_1111 : i32
      %dma_start3A_1113 = arith.constant 0 : i32
      %dma_start3A_1114 = arith.constant 1 : i32
      %dma_start3A_1115 = arith.constant 1024 : i32
      %dma_start3A_1116 = tpu.memref_slice %arg13[%dma_start3A_1113, %dma_start3A_1115] : memref<4x8192xf32, #tpu.memory_space<vmem>> -> memref<1x1024xf32, #tpu.memory_space<vmem>>
      %dma_start3A_1117 = tpu.memref_squeeze %dma_start3A_1116 : memref<1x1024xf32, #tpu.memory_space<vmem>> -> memref<1024xf32, #tpu.memory_space<vmem>>
      %dma_start3A_1118 = arith.constant 0 : i32
      %dma_start3A_1119 = tpu.memref_slice %arg6[%add3A_1112, %dma_start3A_1114, %select_n3A_1068, %dma_start3A_1118] : memref<200x8x32x1024xf32, #tpu.memory_space<hbm>> -> memref<1x1x1x1024xf32, #tpu.memory_space<hbm>>
      %dma_start3A_1120 = tpu.memref_squeeze %dma_start3A_1119 : memref<1x1x1x1024xf32, #tpu.memory_space<hbm>> -> memref<1024xf32, #tpu.memory_space<hbm>>
      %dma_start3A_1121 = arith.constant 0 : i32
      %dma_start3A_1122 = tpu.memref_slice %arg6[%add3A_1112, %dma_start3A_1114, %select_n3A_1068, %dma_start3A_1121] : memref<200x8x32x1024xf32, #tpu.memory_space<hbm>> -> memref<1x1x1x1024xf32, #tpu.memory_space<hbm>>
      %dma_start3A_1123 = tpu.memref_squeeze %dma_start3A_1122 : memref<1x1x1x1024xf32, #tpu.memory_space<hbm>> -> memref<1024xf32, #tpu.memory_space<hbm>>
      %dma_start3A_1124 = arith.constant 1024 : i32
      %dma_start3A_1125 = tpu.memref_slice %arg13[%dma_start3A_1113, %dma_start3A_1124] : memref<4x8192xf32, #tpu.memory_space<vmem>> -> memref<1x1024xf32, #tpu.memory_space<vmem>>
      %dma_start3A_1126 = tpu.memref_squeeze %dma_start3A_1125 : memref<1x1024xf32, #tpu.memory_space<vmem>> -> memref<1024xf32, #tpu.memory_space<vmem>>
      tpu.enqueue_dma source(%dma_start3A_1126 : memref<1024xf32, #tpu.memory_space<vmem>>) target(%dma_start3A_1123 : memref<1024xf32, #tpu.memory_space<hbm>>) target_semaphore(%arg20 : memref<!tpu.dma_semaphore, #tpu.memory_space<semaphore_mem>>)
      %mul3A_1127 = arith.constant 8 : i32
      %mul3A_1128 = arith.muli %select_n3A_1028, %mul3A_1127 : i32
      %mul3A_1129 = arith.constant 4 : i32
      %mul3A_1130 = arith.muli %mul3A_1129, %select_n3A_1084 : i32
      %add3A_1131 = arith.addi %mul3A_1128, %mul3A_1130 : i32
      %add3A_1132 = arith.constant 0 : i32
      %add3A_1133 = arith.addi %add3A_1131, %add3A_1132 : i32
      %dma_start3A_1134 = arith.constant 0 : i32
      %dma_start3A_1135 = arith.constant 2 : i32
      %dma_start3A_1136 = arith.constant 2048 : i32
      %dma_start3A_1137 = tpu.memref_slice %arg13[%dma_start3A_1134, %dma_start3A_1136] : memref<4x8192xf32, #tpu.memory_space<vmem>> -> memref<1x1024xf32, #tpu.memory_space<vmem>>
      %dma_start3A_1138 = tpu.memref_squeeze %dma_start3A_1137 : memref<1x1024xf32, #tpu.memory_space<vmem>> -> memref<1024xf32, #tpu.memory_space<vmem>>
      %dma_start3A_1139 = arith.constant 0 : i32
      %dma_start3A_1140 = tpu.memref_slice %arg6[%add3A_1133, %dma_start3A_1135, %select_n3A_1068, %dma_start3A_1139] : memref<200x8x32x1024xf32, #tpu.memory_space<hbm>> -> memref<1x1x1x1024xf32, #tpu.memory_space<hbm>>
      %dma_start3A_1141 = tpu.memref_squeeze %dma_start3A_1140 : memref<1x1x1x1024xf32, #tpu.memory_space<hbm>> -> memref<1024xf32, #tpu.memory_space<hbm>>
      %dma_start3A_1142 = arith.constant 0 : i32
      %dma_start3A_1143 = tpu.memref_slice %arg6[%add3A_1133, %dma_start3A_1135, %select_n3A_1068, %dma_start3A_1142] : memref<200x8x32x1024xf32, #tpu.memory_space<hbm>> -> memref<1x1x1x1024xf32, #tpu.memory_space<hbm>>
      %dma_start3A_1144 = tpu.memref_squeeze %dma_start3A_1143 : memref<1x1x1x1024xf32, #tpu.memory_space<hbm>> -> memref<1024xf32, #tpu.memory_space<hbm>>
      %dma_start3A_1145 = arith.constant 2048 : i32
      %dma_start3A_1146 = tpu.memref_slice %arg13[%dma_start3A_1134, %dma_start3A_1145] : memref<4x8192xf32, #tpu.memory_space<vmem>> -> memref<1x1024xf32, #tpu.memory_space<vmem>>
      %dma_start3A_1147 = tpu.memref_squeeze %dma_start3A_1146 : memref<1x1024xf32, #tpu.memory_space<vmem>> -> memref<1024xf32, #tpu.memory_space<vmem>>
      tpu.enqueue_dma source(%dma_start3A_1147 : memref<1024xf32, #tpu.memory_space<vmem>>) target(%dma_start3A_1144 : memref<1024xf32, #tpu.memory_space<hbm>>) target_semaphore(%arg20 : memref<!tpu.dma_semaphore, #tpu.memory_space<semaphore_mem>>)
      %mul3A_1148 = arith.constant 8 : i32
      %mul3A_1149 = arith.muli %select_n3A_1028, %mul3A_1148 : i32
      %mul3A_1150 = arith.constant 4 : i32
      %mul3A_1151 = arith.muli %mul3A_1150, %select_n3A_1084 : i32
      %add3A_1152 = arith.addi %mul3A_1149, %mul3A_1151 : i32
      %add3A_1153 = arith.constant 0 : i32
      %add3A_1154 = arith.addi %add3A_1152, %add3A_1153 : i32
      %dma_start3A_1155 = arith.constant 0 : i32
      %dma_start3A_1156 = arith.constant 3 : i32
      %dma_start3A_1157 = arith.constant 3072 : i32
      %dma_start3A_1158 = tpu.memref_slice %arg13[%dma_start3A_1155, %dma_start3A_1157] : memref<4x8192xf32, #tpu.memory_space<vmem>> -> memref<1x1024xf32, #tpu.memory_space<vmem>>
      %dma_start3A_1159 = tpu.memref_squeeze %dma_start3A_1158 : memref<1x1024xf32, #tpu.memory_space<vmem>> -> memref<1024xf32, #tpu.memory_space<vmem>>
      %dma_start3A_1160 = arith.constant 0 : i32
      %dma_start3A_1161 = tpu.memref_slice %arg6[%add3A_1154, %dma_start3A_1156, %select_n3A_1068, %dma_start3A_1160] : memref<200x8x32x1024xf32, #tpu.memory_space<hbm>> -> memref<1x1x1x1024xf32, #tpu.memory_space<hbm>>
      %dma_start3A_1162 = tpu.memref_squeeze %dma_start3A_1161 : memref<1x1x1x1024xf32, #tpu.memory_space<hbm>> -> memref<1024xf32, #tpu.memory_space<hbm>>
      %dma_start3A_1163 = arith.constant 0 : i32
      %dma_start3A_1164 = tpu.memref_slice %arg6[%add3A_1154, %dma_start3A_1156, %select_n3A_1068, %dma_start3A_1163] : memref<200x8x32x1024xf32, #tpu.memory_space<hbm>> -> memref<1x1x1x1024xf32, #tpu.memory_space<hbm>>
      %dma_start3A_1165 = tpu.memref_squeeze %dma_start3A_1164 : memref<1x1x1x1024xf32, #tpu.memory_space<hbm>> -> memref<1024xf32, #tpu.memory_space<hbm>>
      %dma_start3A_1166 = arith.constant 3072 : i32
      %dma_start3A_1167 = tpu.memref_slice %arg13[%dma_start3A_1155, %dma_start3A_1166] : memref<4x8192xf32, #tpu.memory_space<vmem>> -> memref<1x1024xf32, #tpu.memory_space<vmem>>
      %dma_start3A_1168 = tpu.memref_squeeze %dma_start3A_1167 : memref<1x1024xf32, #tpu.memory_space<vmem>> -> memref<1024xf32, #tpu.memory_space<vmem>>
      tpu.enqueue_dma source(%dma_start3A_1168 : memref<1024xf32, #tpu.memory_space<vmem>>) target(%dma_start3A_1165 : memref<1024xf32, #tpu.memory_space<hbm>>) target_semaphore(%arg20 : memref<!tpu.dma_semaphore, #tpu.memory_space<semaphore_mem>>)
      %mul3A_1169 = arith.constant 8 : i32
      %mul3A_1170 = arith.muli %select_n3A_1028, %mul3A_1169 : i32
      %mul3A_1171 = arith.constant 4 : i32
      %mul3A_1172 = arith.muli %mul3A_1171, %select_n3A_1084 : i32
      %add3A_1173 = arith.addi %mul3A_1170, %mul3A_1172 : i32
      %add3A_1174 = arith.constant 0 : i32
      %add3A_1175 = arith.addi %add3A_1173, %add3A_1174 : i32
      %dma_start3A_1176 = arith.constant 0 : i32
      %dma_start3A_1177 = arith.constant 4 : i32
      %dma_start3A_1178 = arith.constant 4096 : i32
      %dma_start3A_1179 = tpu.memref_slice %arg13[%dma_start3A_1176, %dma_start3A_1178] : memref<4x8192xf32, #tpu.memory_space<vmem>> -> memref<1x1024xf32, #tpu.memory_space<vmem>>
      %dma_start3A_1180 = tpu.memref_squeeze %dma_start3A_1179 : memref<1x1024xf32, #tpu.memory_space<vmem>> -> memref<1024xf32, #tpu.memory_space<vmem>>
      %dma_start3A_1181 = arith.constant 0 : i32
      %dma_start3A_1182 = tpu.memref_slice %arg6[%add3A_1175, %dma_start3A_1177, %select_n3A_1068, %dma_start3A_1181] : memref<200x8x32x1024xf32, #tpu.memory_space<hbm>> -> memref<1x1x1x1024xf32, #tpu.memory_space<hbm>>
      %dma_start3A_1183 = tpu.memref_squeeze %dma_start3A_1182 : memref<1x1x1x1024xf32, #tpu.memory_space<hbm>> -> memref<1024xf32, #tpu.memory_space<hbm>>
      %dma_start3A_1184 = arith.constant 0 : i32
      %dma_start3A_1185 = tpu.memref_slice %arg6[%add3A_1175, %dma_start3A_1177, %select_n3A_1068, %dma_start3A_1184] : memref<200x8x32x1024xf32, #tpu.memory_space<hbm>> -> memref<1x1x1x1024xf32, #tpu.memory_space<hbm>>
      %dma_start3A_1186 = tpu.memref_squeeze %dma_start3A_1185 : memref<1x1x1x1024xf32, #tpu.memory_space<hbm>> -> memref<1024xf32, #tpu.memory_space<hbm>>
      %dma_start3A_1187 = arith.constant 4096 : i32
      %dma_start3A_1188 = tpu.memref_slice %arg13[%dma_start3A_1176, %dma_start3A_1187] : memref<4x8192xf32, #tpu.memory_space<vmem>> -> memref<1x1024xf32, #tpu.memory_space<vmem>>
      %dma_start3A_1189 = tpu.memref_squeeze %dma_start3A_1188 : memref<1x1024xf32, #tpu.memory_space<vmem>> -> memref<1024xf32, #tpu.memory_space<vmem>>
      tpu.enqueue_dma source(%dma_start3A_1189 : memref<1024xf32, #tpu.memory_space<vmem>>) target(%dma_start3A_1186 : memref<1024xf32, #tpu.memory_space<hbm>>) target_semaphore(%arg20 : memref<!tpu.dma_semaphore, #tpu.memory_space<semaphore_mem>>)
      %mul3A_1190 = arith.constant 8 : i32
      %mul3A_1191 = arith.muli %select_n3A_1028, %mul3A_1190 : i32
      %mul3A_1192 = arith.constant 4 : i32
      %mul3A_1193 = arith.muli %mul3A_1192, %select_n3A_1084 : i32
      %add3A_1194 = arith.addi %mul3A_1191, %mul3A_1193 : i32
      %add3A_1195 = arith.constant 0 : i32
      %add3A_1196 = arith.addi %add3A_1194, %add3A_1195 : i32
      %dma_start3A_1197 = arith.constant 0 : i32
      %dma_start3A_1198 = arith.constant 5 : i32
      %dma_start3A_1199 = arith.constant 5120 : i32
      %dma_start3A_1200 = tpu.memref_slice %arg13[%dma_start3A_1197, %dma_start3A_1199] : memref<4x8192xf32, #tpu.memory_space<vmem>> -> memref<1x1024xf32, #tpu.memory_space<vmem>>
      %dma_start3A_1201 = tpu.memref_squeeze %dma_start3A_1200 : memref<1x1024xf32, #tpu.memory_space<vmem>> -> memref<1024xf32, #tpu.memory_space<vmem>>
      %dma_start3A_1202 = arith.constant 0 : i32
      %dma_start3A_1203 = tpu.memref_slice %arg6[%add3A_1196, %dma_start3A_1198, %select_n3A_1068, %dma_start3A_1202] : memref<200x8x32x1024xf32, #tpu.memory_space<hbm>> -> memref<1x1x1x1024xf32, #tpu.memory_space<hbm>>
      %dma_start3A_1204 = tpu.memref_squeeze %dma_start3A_1203 : memref<1x1x1x1024xf32, #tpu.memory_space<hbm>> -> memref<1024xf32, #tpu.memory_space<hbm>>
      %dma_start3A_1205 = arith.constant 0 : i32
      %dma_start3A_1206 = tpu.memref_slice %arg6[%add3A_1196, %dma_start3A_1198, %select_n3A_1068, %dma_start3A_1205] : memref<200x8x32x1024xf32, #tpu.memory_space<hbm>> -> memref<1x1x1x1024xf32, #tpu.memory_space<hbm>>
      %dma_start3A_1207 = tpu.memref_squeeze %dma_start3A_1206 : memref<1x1x1x1024xf32, #tpu.memory_space<hbm>> -> memref<1024xf32, #tpu.memory_space<hbm>>
      %dma_start3A_1208 = arith.constant 5120 : i32
      %dma_start3A_1209 = tpu.memref_slice %arg13[%dma_start3A_1197, %dma_start3A_1208] : memref<4x8192xf32, #tpu.memory_space<vmem>> -> memref<1x1024xf32, #tpu.memory_space<vmem>>
      %dma_start3A_1210 = tpu.memref_squeeze %dma_start3A_1209 : memref<1x1024xf32, #tpu.memory_space<vmem>> -> memref<1024xf32, #tpu.memory_space<vmem>>
      tpu.enqueue_dma source(%dma_start3A_1210 : memref<1024xf32, #tpu.memory_space<vmem>>) target(%dma_start3A_1207 : memref<1024xf32, #tpu.memory_space<hbm>>) target_semaphore(%arg20 : memref<!tpu.dma_semaphore, #tpu.memory_space<semaphore_mem>>)
      %mul3A_1211 = arith.constant 8 : i32
      %mul3A_1212 = arith.muli %select_n3A_1028, %mul3A_1211 : i32
      %mul3A_1213 = arith.constant 4 : i32
      %mul3A_1214 = arith.muli %mul3A_1213, %select_n3A_1084 : i32
      %add3A_1215 = arith.addi %mul3A_1212, %mul3A_1214 : i32
      %add3A_1216 = arith.constant 0 : i32
      %add3A_1217 = arith.addi %add3A_1215, %add3A_1216 : i32
      %dma_start3A_1218 = arith.constant 0 : i32
      %dma_start3A_1219 = arith.constant 6 : i32
      %dma_start3A_1220 = arith.constant 6144 : i32
      %dma_start3A_1221 = tpu.memref_slice %arg13[%dma_start3A_1218, %dma_start3A_1220] : memref<4x8192xf32, #tpu.memory_space<vmem>> -> memref<1x1024xf32, #tpu.memory_space<vmem>>
      %dma_start3A_1222 = tpu.memref_squeeze %dma_start3A_1221 : memref<1x1024xf32, #tpu.memory_space<vmem>> -> memref<1024xf32, #tpu.memory_space<vmem>>
      %dma_start3A_1223 = arith.constant 0 : i32
      %dma_start3A_1224 = tpu.memref_slice %arg6[%add3A_1217, %dma_start3A_1219, %select_n3A_1068, %dma_start3A_1223] : memref<200x8x32x1024xf32, #tpu.memory_space<hbm>> -> memref<1x1x1x1024xf32, #tpu.memory_space<hbm>>
      %dma_start3A_1225 = tpu.memref_squeeze %dma_start3A_1224 : memref<1x1x1x1024xf32, #tpu.memory_space<hbm>> -> memref<1024xf32, #tpu.memory_space<hbm>>
      %dma_start3A_1226 = arith.constant 0 : i32
      %dma_start3A_1227 = tpu.memref_slice %arg6[%add3A_1217, %dma_start3A_1219, %select_n3A_1068, %dma_start3A_1226] : memref<200x8x32x1024xf32, #tpu.memory_space<hbm>> -> memref<1x1x1x1024xf32, #tpu.memory_space<hbm>>
      %dma_start3A_1228 = tpu.memref_squeeze %dma_start3A_1227 : memref<1x1x1x1024xf32, #tpu.memory_space<hbm>> -> memref<1024xf32, #tpu.memory_space<hbm>>
      %dma_start3A_1229 = arith.constant 6144 : i32
      %dma_start3A_1230 = tpu.memref_slice %arg13[%dma_start3A_1218, %dma_start3A_1229] : memref<4x8192xf32, #tpu.memory_space<vmem>> -> memref<1x1024xf32, #tpu.memory_space<vmem>>
      %dma_start3A_1231 = tpu.memref_squeeze %dma_start3A_1230 : memref<1x1024xf32, #tpu.memory_space<vmem>> -> memref<1024xf32, #tpu.memory_space<vmem>>
      tpu.enqueue_dma source(%dma_start3A_1231 : memref<1024xf32, #tpu.memory_space<vmem>>) target(%dma_start3A_1228 : memref<1024xf32, #tpu.memory_space<hbm>>) target_semaphore(%arg20 : memref<!tpu.dma_semaphore, #tpu.memory_space<semaphore_mem>>)
      %mul3A_1232 = arith.constant 8 : i32
      %mul3A_1233 = arith.muli %select_n3A_1028, %mul3A_1232 : i32
      %mul3A_1234 = arith.constant 4 : i32
      %mul3A_1235 = arith.muli %mul3A_1234, %select_n3A_1084 : i32
      %add3A_1236 = arith.addi %mul3A_1233, %mul3A_1235 : i32
      %add3A_1237 = arith.constant 0 : i32
      %add3A_1238 = arith.addi %add3A_1236, %add3A_1237 : i32
      %dma_start3A_1239 = arith.constant 0 : i32
      %dma_start3A_1240 = arith.constant 7 : i32
      %dma_start3A_1241 = arith.constant 7168 : i32
      %dma_start3A_1242 = tpu.memref_slice %arg13[%dma_start3A_1239, %dma_start3A_1241] : memref<4x8192xf32, #tpu.memory_space<vmem>> -> memref<1x1024xf32, #tpu.memory_space<vmem>>
      %dma_start3A_1243 = tpu.memref_squeeze %dma_start3A_1242 : memref<1x1024xf32, #tpu.memory_space<vmem>> -> memref<1024xf32, #tpu.memory_space<vmem>>
      %dma_start3A_1244 = arith.constant 0 : i32
      %dma_start3A_1245 = tpu.memref_slice %arg6[%add3A_1238, %dma_start3A_1240, %select_n3A_1068, %dma_start3A_1244] : memref<200x8x32x1024xf32, #tpu.memory_space<hbm>> -> memref<1x1x1x1024xf32, #tpu.memory_space<hbm>>
      %dma_start3A_1246 = tpu.memref_squeeze %dma_start3A_1245 : memref<1x1x1x1024xf32, #tpu.memory_space<hbm>> -> memref<1024xf32, #tpu.memory_space<hbm>>
      %dma_start3A_1247 = arith.constant 0 : i32
      %dma_start3A_1248 = tpu.memref_slice %arg6[%add3A_1238, %dma_start3A_1240, %select_n3A_1068, %dma_start3A_1247] : memref<200x8x32x1024xf32, #tpu.memory_space<hbm>> -> memref<1x1x1x1024xf32, #tpu.memory_space<hbm>>
      %dma_start3A_1249 = tpu.memref_squeeze %dma_start3A_1248 : memref<1x1x1x1024xf32, #tpu.memory_space<hbm>> -> memref<1024xf32, #tpu.memory_space<hbm>>
      %dma_start3A_1250 = arith.constant 7168 : i32
      %dma_start3A_1251 = tpu.memref_slice %arg13[%dma_start3A_1239, %dma_start3A_1250] : memref<4x8192xf32, #tpu.memory_space<vmem>> -> memref<1x1024xf32, #tpu.memory_space<vmem>>
      %dma_start3A_1252 = tpu.memref_squeeze %dma_start3A_1251 : memref<1x1024xf32, #tpu.memory_space<vmem>> -> memref<1024xf32, #tpu.memory_space<vmem>>
      tpu.enqueue_dma source(%dma_start3A_1252 : memref<1024xf32, #tpu.memory_space<vmem>>) target(%dma_start3A_1249 : memref<1024xf32, #tpu.memory_space<hbm>>) target_semaphore(%arg20 : memref<!tpu.dma_semaphore, #tpu.memory_space<semaphore_mem>>)
      %mul3A_1253 = arith.constant 8 : i32
      %mul3A_1254 = arith.muli %select_n3A_1028, %mul3A_1253 : i32
      %mul3A_1255 = arith.constant 4 : i32
      %mul3A_1256 = arith.muli %mul3A_1255, %select_n3A_1084 : i32
      %add3A_1257 = arith.addi %mul3A_1254, %mul3A_1256 : i32
      %add3A_1258 = arith.constant 1 : i32
      %add3A_1259 = arith.addi %add3A_1257, %add3A_1258 : i32
      %dma_start3A_1260 = arith.constant 1 : i32
      %dma_start3A_1261 = arith.constant 0 : i32
      %dma_start3A_1262 = arith.constant 0 : i32
      %dma_start3A_1263 = tpu.memref_slice %arg13[%dma_start3A_1260, %dma_start3A_1262] : memref<4x8192xf32, #tpu.memory_space<vmem>> -> memref<1x1024xf32, #tpu.memory_space<vmem>>
      %dma_start3A_1264 = tpu.memref_squeeze %dma_start3A_1263 : memref<1x1024xf32, #tpu.memory_space<vmem>> -> memref<1024xf32, #tpu.memory_space<vmem>>
      %dma_start3A_1265 = arith.constant 0 : i32
      %dma_start3A_1266 = tpu.memref_slice %arg6[%add3A_1259, %dma_start3A_1261, %select_n3A_1068, %dma_start3A_1265] : memref<200x8x32x1024xf32, #tpu.memory_space<hbm>> -> memref<1x1x1x1024xf32, #tpu.memory_space<hbm>>
      %dma_start3A_1267 = tpu.memref_squeeze %dma_start3A_1266 : memref<1x1x1x1024xf32, #tpu.memory_space<hbm>> -> memref<1024xf32, #tpu.memory_space<hbm>>
      %dma_start3A_1268 = arith.constant 0 : i32
      %dma_start3A_1269 = tpu.memref_slice %arg6[%add3A_1259, %dma_start3A_1261, %select_n3A_1068, %dma_start3A_1268] : memref<200x8x32x1024xf32, #tpu.memory_space<hbm>> -> memref<1x1x1x1024xf32, #tpu.memory_space<hbm>>
      %dma_start3A_1270 = tpu.memref_squeeze %dma_start3A_1269 : memref<1x1x1x1024xf32, #tpu.memory_space<hbm>> -> memref<1024xf32, #tpu.memory_space<hbm>>
      %dma_start3A_1271 = arith.constant 0 : i32
      %dma_start3A_1272 = tpu.memref_slice %arg13[%dma_start3A_1260, %dma_start3A_1271] : memref<4x8192xf32, #tpu.memory_space<vmem>> -> memref<1x1024xf32, #tpu.memory_space<vmem>>
      %dma_start3A_1273 = tpu.memref_squeeze %dma_start3A_1272 : memref<1x1024xf32, #tpu.memory_space<vmem>> -> memref<1024xf32, #tpu.memory_space<vmem>>
      tpu.enqueue_dma source(%dma_start3A_1273 : memref<1024xf32, #tpu.memory_space<vmem>>) target(%dma_start3A_1270 : memref<1024xf32, #tpu.memory_space<hbm>>) target_semaphore(%arg20 : memref<!tpu.dma_semaphore, #tpu.memory_space<semaphore_mem>>)
      %mul3A_1274 = arith.constant 8 : i32
      %mul3A_1275 = arith.muli %select_n3A_1028, %mul3A_1274 : i32
      %mul3A_1276 = arith.constant 4 : i32
      %mul3A_1277 = arith.muli %mul3A_1276, %select_n3A_1084 : i32
      %add3A_1278 = arith.addi %mul3A_1275, %mul3A_1277 : i32
      %add3A_1279 = arith.constant 1 : i32
      %add3A_1280 = arith.addi %add3A_1278, %add3A_1279 : i32
      %dma_start3A_1281 = arith.constant 1 : i32
      %dma_start3A_1282 = arith.constant 1 : i32
      %dma_start3A_1283 = arith.constant 1024 : i32
      %dma_start3A_1284 = tpu.memref_slice %arg13[%dma_start3A_1281, %dma_start3A_1283] : memref<4x8192xf32, #tpu.memory_space<vmem>> -> memref<1x1024xf32, #tpu.memory_space<vmem>>
      %dma_start3A_1285 = tpu.memref_squeeze %dma_start3A_1284 : memref<1x1024xf32, #tpu.memory_space<vmem>> -> memref<1024xf32, #tpu.memory_space<vmem>>
      %dma_start3A_1286 = arith.constant 0 : i32
      %dma_start3A_1287 = tpu.memref_slice %arg6[%add3A_1280, %dma_start3A_1282, %select_n3A_1068, %dma_start3A_1286] : memref<200x8x32x1024xf32, #tpu.memory_space<hbm>> -> memref<1x1x1x1024xf32, #tpu.memory_space<hbm>>
      %dma_start3A_1288 = tpu.memref_squeeze %dma_start3A_1287 : memref<1x1x1x1024xf32, #tpu.memory_space<hbm>> -> memref<1024xf32, #tpu.memory_space<hbm>>
      %dma_start3A_1289 = arith.constant 0 : i32
      %dma_start3A_1290 = tpu.memref_slice %arg6[%add3A_1280, %dma_start3A_1282, %select_n3A_1068, %dma_start3A_1289] : memref<200x8x32x1024xf32, #tpu.memory_space<hbm>> -> memref<1x1x1x1024xf32, #tpu.memory_space<hbm>>
      %dma_start3A_1291 = tpu.memref_squeeze %dma_start3A_1290 : memref<1x1x1x1024xf32, #tpu.memory_space<hbm>> -> memref<1024xf32, #tpu.memory_space<hbm>>
      %dma_start3A_1292 = arith.constant 1024 : i32
      %dma_start3A_1293 = tpu.memref_slice %arg13[%dma_start3A_1281, %dma_start3A_1292] : memref<4x8192xf32, #tpu.memory_space<vmem>> -> memref<1x1024xf32, #tpu.memory_space<vmem>>
      %dma_start3A_1294 = tpu.memref_squeeze %dma_start3A_1293 : memref<1x1024xf32, #tpu.memory_space<vmem>> -> memref<1024xf32, #tpu.memory_space<vmem>>
      tpu.enqueue_dma source(%dma_start3A_1294 : memref<1024xf32, #tpu.memory_space<vmem>>) target(%dma_start3A_1291 : memref<1024xf32, #tpu.memory_space<hbm>>) target_semaphore(%arg20 : memref<!tpu.dma_semaphore, #tpu.memory_space<semaphore_mem>>)
      %mul3A_1295 = arith.constant 8 : i32
      %mul3A_1296 = arith.muli %select_n3A_1028, %mul3A_1295 : i32
      %mul3A_1297 = arith.constant 4 : i32
      %mul3A_1298 = arith.muli %mul3A_1297, %select_n3A_1084 : i32
      %add3A_1299 = arith.addi %mul3A_1296, %mul3A_1298 : i32
      %add3A_1300 = arith.constant 1 : i32
      %add3A_1301 = arith.addi %add3A_1299, %add3A_1300 : i32
      %dma_start3A_1302 = arith.constant 1 : i32
      %dma_start3A_1303 = arith.constant 2 : i32
      %dma_start3A_1304 = arith.constant 2048 : i32
      %dma_start3A_1305 = tpu.memref_slice %arg13[%dma_start3A_1302, %dma_start3A_1304] : memref<4x8192xf32, #tpu.memory_space<vmem>> -> memref<1x1024xf32, #tpu.memory_space<vmem>>
      %dma_start3A_1306 = tpu.memref_squeeze %dma_start3A_1305 : memref<1x1024xf32, #tpu.memory_space<vmem>> -> memref<1024xf32, #tpu.memory_space<vmem>>
      %dma_start3A_1307 = arith.constant 0 : i32
      %dma_start3A_1308 = tpu.memref_slice %arg6[%add3A_1301, %dma_start3A_1303, %select_n3A_1068, %dma_start3A_1307] : memref<200x8x32x1024xf32, #tpu.memory_space<hbm>> -> memref<1x1x1x1024xf32, #tpu.memory_space<hbm>>
      %dma_start3A_1309 = tpu.memref_squeeze %dma_start3A_1308 : memref<1x1x1x1024xf32, #tpu.memory_space<hbm>> -> memref<1024xf32, #tpu.memory_space<hbm>>
      %dma_start3A_1310 = arith.constant 0 : i32
      %dma_start3A_1311 = tpu.memref_slice %arg6[%add3A_1301, %dma_start3A_1303, %select_n3A_1068, %dma_start3A_1310] : memref<200x8x32x1024xf32, #tpu.memory_space<hbm>> -> memref<1x1x1x1024xf32, #tpu.memory_space<hbm>>
      %dma_start3A_1312 = tpu.memref_squeeze %dma_start3A_1311 : memref<1x1x1x1024xf32, #tpu.memory_space<hbm>> -> memref<1024xf32, #tpu.memory_space<hbm>>
      %dma_start3A_1313 = arith.constant 2048 : i32
      %dma_start3A_1314 = tpu.memref_slice %arg13[%dma_start3A_1302, %dma_start3A_1313] : memref<4x8192xf32, #tpu.memory_space<vmem>> -> memref<1x1024xf32, #tpu.memory_space<vmem>>
      %dma_start3A_1315 = tpu.memref_squeeze %dma_start3A_1314 : memref<1x1024xf32, #tpu.memory_space<vmem>> -> memref<1024xf32, #tpu.memory_space<vmem>>
      tpu.enqueue_dma source(%dma_start3A_1315 : memref<1024xf32, #tpu.memory_space<vmem>>) target(%dma_start3A_1312 : memref<1024xf32, #tpu.memory_space<hbm>>) target_semaphore(%arg20 : memref<!tpu.dma_semaphore, #tpu.memory_space<semaphore_mem>>)
      %mul3A_1316 = arith.constant 8 : i32
      %mul3A_1317 = arith.muli %select_n3A_1028, %mul3A_1316 : i32
      %mul3A_1318 = arith.constant 4 : i32
      %mul3A_1319 = arith.muli %mul3A_1318, %select_n3A_1084 : i32
      %add3A_1320 = arith.addi %mul3A_1317, %mul3A_1319 : i32
      %add3A_1321 = arith.constant 1 : i32
      %add3A_1322 = arith.addi %add3A_1320, %add3A_1321 : i32
      %dma_start3A_1323 = arith.constant 1 : i32
      %dma_start3A_1324 = arith.constant 3 : i32
      %dma_start3A_1325 = arith.constant 3072 : i32
      %dma_start3A_1326 = tpu.memref_slice %arg13[%dma_start3A_1323, %dma_start3A_1325] : memref<4x8192xf32, #tpu.memory_space<vmem>> -> memref<1x1024xf32, #tpu.memory_space<vmem>>
      %dma_start3A_1327 = tpu.memref_squeeze %dma_start3A_1326 : memref<1x1024xf32, #tpu.memory_space<vmem>> -> memref<1024xf32, #tpu.memory_space<vmem>>
      %dma_start3A_1328 = arith.constant 0 : i32
      %dma_start3A_1329 = tpu.memref_slice %arg6[%add3A_1322, %dma_start3A_1324, %select_n3A_1068, %dma_start3A_1328] : memref<200x8x32x1024xf32, #tpu.memory_space<hbm>> -> memref<1x1x1x1024xf32, #tpu.memory_space<hbm>>
      %dma_start3A_1330 = tpu.memref_squeeze %dma_start3A_1329 : memref<1x1x1x1024xf32, #tpu.memory_space<hbm>> -> memref<1024xf32, #tpu.memory_space<hbm>>
      %dma_start3A_1331 = arith.constant 0 : i32
      %dma_start3A_1332 = tpu.memref_slice %arg6[%add3A_1322, %dma_start3A_1324, %select_n3A_1068, %dma_start3A_1331] : memref<200x8x32x1024xf32, #tpu.memory_space<hbm>> -> memref<1x1x1x1024xf32, #tpu.memory_space<hbm>>
      %dma_start3A_1333 = tpu.memref_squeeze %dma_start3A_1332 : memref<1x1x1x1024xf32, #tpu.memory_space<hbm>> -> memref<1024xf32, #tpu.memory_space<hbm>>
      %dma_start3A_1334 = arith.constant 3072 : i32
      %dma_start3A_1335 = tpu.memref_slice %arg13[%dma_start3A_1323, %dma_start3A_1334] : memref<4x8192xf32, #tpu.memory_space<vmem>> -> memref<1x1024xf32, #tpu.memory_space<vmem>>
      %dma_start3A_1336 = tpu.memref_squeeze %dma_start3A_1335 : memref<1x1024xf32, #tpu.memory_space<vmem>> -> memref<1024xf32, #tpu.memory_space<vmem>>
      tpu.enqueue_dma source(%dma_start3A_1336 : memref<1024xf32, #tpu.memory_space<vmem>>) target(%dma_start3A_1333 : memref<1024xf32, #tpu.memory_space<hbm>>) target_semaphore(%arg20 : memref<!tpu.dma_semaphore, #tpu.memory_space<semaphore_mem>>)
      %mul3A_1337 = arith.constant 8 : i32
      %mul3A_1338 = arith.muli %select_n3A_1028, %mul3A_1337 : i32
      %mul3A_1339 = arith.constant 4 : i32
      %mul3A_1340 = arith.muli %mul3A_1339, %select_n3A_1084 : i32
      %add3A_1341 = arith.addi %mul3A_1338, %mul3A_1340 : i32
      %add3A_1342 = arith.constant 1 : i32
      %add3A_1343 = arith.addi %add3A_1341, %add3A_1342 : i32
      %dma_start3A_1344 = arith.constant 1 : i32
      %dma_start3A_1345 = arith.constant 4 : i32
      %dma_start3A_1346 = arith.constant 4096 : i32
      %dma_start3A_1347 = tpu.memref_slice %arg13[%dma_start3A_1344, %dma_start3A_1346] : memref<4x8192xf32, #tpu.memory_space<vmem>> -> memref<1x1024xf32, #tpu.memory_space<vmem>>
      %dma_start3A_1348 = tpu.memref_squeeze %dma_start3A_1347 : memref<1x1024xf32, #tpu.memory_space<vmem>> -> memref<1024xf32, #tpu.memory_space<vmem>>
      %dma_start3A_1349 = arith.constant 0 : i32
      %dma_start3A_1350 = tpu.memref_slice %arg6[%add3A_1343, %dma_start3A_1345, %select_n3A_1068, %dma_start3A_1349] : memref<200x8x32x1024xf32, #tpu.memory_space<hbm>> -> memref<1x1x1x1024xf32, #tpu.memory_space<hbm>>
      %dma_start3A_1351 = tpu.memref_squeeze %dma_start3A_1350 : memref<1x1x1x1024xf32, #tpu.memory_space<hbm>> -> memref<1024xf32, #tpu.memory_space<hbm>>
      %dma_start3A_1352 = arith.constant 0 : i32
      %dma_start3A_1353 = tpu.memref_slice %arg6[%add3A_1343, %dma_start3A_1345, %select_n3A_1068, %dma_start3A_1352] : memref<200x8x32x1024xf32, #tpu.memory_space<hbm>> -> memref<1x1x1x1024xf32, #tpu.memory_space<hbm>>
      %dma_start3A_1354 = tpu.memref_squeeze %dma_start3A_1353 : memref<1x1x1x1024xf32, #tpu.memory_space<hbm>> -> memref<1024xf32, #tpu.memory_space<hbm>>
      %dma_start3A_1355 = arith.constant 4096 : i32
      %dma_start3A_1356 = tpu.memref_slice %arg13[%dma_start3A_1344, %dma_start3A_1355] : memref<4x8192xf32, #tpu.memory_space<vmem>> -> memref<1x1024xf32, #tpu.memory_space<vmem>>
      %dma_start3A_1357 = tpu.memref_squeeze %dma_start3A_1356 : memref<1x1024xf32, #tpu.memory_space<vmem>> -> memref<1024xf32, #tpu.memory_space<vmem>>
      tpu.enqueue_dma source(%dma_start3A_1357 : memref<1024xf32, #tpu.memory_space<vmem>>) target(%dma_start3A_1354 : memref<1024xf32, #tpu.memory_space<hbm>>) target_semaphore(%arg20 : memref<!tpu.dma_semaphore, #tpu.memory_space<semaphore_mem>>)
      %mul3A_1358 = arith.constant 8 : i32
      %mul3A_1359 = arith.muli %select_n3A_1028, %mul3A_1358 : i32
      %mul3A_1360 = arith.constant 4 : i32
      %mul3A_1361 = arith.muli %mul3A_1360, %select_n3A_1084 : i32
      %add3A_1362 = arith.addi %mul3A_1359, %mul3A_1361 : i32
      %add3A_1363 = arith.constant 1 : i32
      %add3A_1364 = arith.addi %add3A_1362, %add3A_1363 : i32
      %dma_start3A_1365 = arith.constant 1 : i32
      %dma_start3A_1366 = arith.constant 5 : i32
      %dma_start3A_1367 = arith.constant 5120 : i32
      %dma_start3A_1368 = tpu.memref_slice %arg13[%dma_start3A_1365, %dma_start3A_1367] : memref<4x8192xf32, #tpu.memory_space<vmem>> -> memref<1x1024xf32, #tpu.memory_space<vmem>>
      %dma_start3A_1369 = tpu.memref_squeeze %dma_start3A_1368 : memref<1x1024xf32, #tpu.memory_space<vmem>> -> memref<1024xf32, #tpu.memory_space<vmem>>
      %dma_start3A_1370 = arith.constant 0 : i32
      %dma_start3A_1371 = tpu.memref_slice %arg6[%add3A_1364, %dma_start3A_1366, %select_n3A_1068, %dma_start3A_1370] : memref<200x8x32x1024xf32, #tpu.memory_space<hbm>> -> memref<1x1x1x1024xf32, #tpu.memory_space<hbm>>
      %dma_start3A_1372 = tpu.memref_squeeze %dma_start3A_1371 : memref<1x1x1x1024xf32, #tpu.memory_space<hbm>> -> memref<1024xf32, #tpu.memory_space<hbm>>
      %dma_start3A_1373 = arith.constant 0 : i32
      %dma_start3A_1374 = tpu.memref_slice %arg6[%add3A_1364, %dma_start3A_1366, %select_n3A_1068, %dma_start3A_1373] : memref<200x8x32x1024xf32, #tpu.memory_space<hbm>> -> memref<1x1x1x1024xf32, #tpu.memory_space<hbm>>
      %dma_start3A_1375 = tpu.memref_squeeze %dma_start3A_1374 : memref<1x1x1x1024xf32, #tpu.memory_space<hbm>> -> memref<1024xf32, #tpu.memory_space<hbm>>
      %dma_start3A_1376 = arith.constant 5120 : i32
      %dma_start3A_1377 = tpu.memref_slice %arg13[%dma_start3A_1365, %dma_start3A_1376] : memref<4x8192xf32, #tpu.memory_space<vmem>> -> memref<1x1024xf32, #tpu.memory_space<vmem>>
      %dma_start3A_1378 = tpu.memref_squeeze %dma_start3A_1377 : memref<1x1024xf32, #tpu.memory_space<vmem>> -> memref<1024xf32, #tpu.memory_space<vmem>>
      tpu.enqueue_dma source(%dma_start3A_1378 : memref<1024xf32, #tpu.memory_space<vmem>>) target(%dma_start3A_1375 : memref<1024xf32, #tpu.memory_space<hbm>>) target_semaphore(%arg20 : memref<!tpu.dma_semaphore, #tpu.memory_space<semaphore_mem>>)
      %mul3A_1379 = arith.constant 8 : i32
      %mul3A_1380 = arith.muli %select_n3A_1028, %mul3A_1379 : i32
      %mul3A_1381 = arith.constant 4 : i32
      %mul3A_1382 = arith.muli %mul3A_1381, %select_n3A_1084 : i32
      %add3A_1383 = arith.addi %mul3A_1380, %mul3A_1382 : i32
      %add3A_1384 = arith.constant 1 : i32
      %add3A_1385 = arith.addi %add3A_1383, %add3A_1384 : i32
      %dma_start3A_1386 = arith.constant 1 : i32
      %dma_start3A_1387 = arith.constant 6 : i32
      %dma_start3A_1388 = arith.constant 6144 : i32
      %dma_start3A_1389 = tpu.memref_slice %arg13[%dma_start3A_1386, %dma_start3A_1388] : memref<4x8192xf32, #tpu.memory_space<vmem>> -> memref<1x1024xf32, #tpu.memory_space<vmem>>
      %dma_start3A_1390 = tpu.memref_squeeze %dma_start3A_1389 : memref<1x1024xf32, #tpu.memory_space<vmem>> -> memref<1024xf32, #tpu.memory_space<vmem>>
      %dma_start3A_1391 = arith.constant 0 : i32
      %dma_start3A_1392 = tpu.memref_slice %arg6[%add3A_1385, %dma_start3A_1387, %select_n3A_1068, %dma_start3A_1391] : memref<200x8x32x1024xf32, #tpu.memory_space<hbm>> -> memref<1x1x1x1024xf32, #tpu.memory_space<hbm>>
      %dma_start3A_1393 = tpu.memref_squeeze %dma_start3A_1392 : memref<1x1x1x1024xf32, #tpu.memory_space<hbm>> -> memref<1024xf32, #tpu.memory_space<hbm>>
      %dma_start3A_1394 = arith.constant 0 : i32
      %dma_start3A_1395 = tpu.memref_slice %arg6[%add3A_1385, %dma_start3A_1387, %select_n3A_1068, %dma_start3A_1394] : memref<200x8x32x1024xf32, #tpu.memory_space<hbm>> -> memref<1x1x1x1024xf32, #tpu.memory_space<hbm>>
      %dma_start3A_1396 = tpu.memref_squeeze %dma_start3A_1395 : memref<1x1x1x1024xf32, #tpu.memory_space<hbm>> -> memref<1024xf32, #tpu.memory_space<hbm>>
      %dma_start3A_1397 = arith.constant 6144 : i32
      %dma_start3A_1398 = tpu.memref_slice %arg13[%dma_start3A_1386, %dma_start3A_1397] : memref<4x8192xf32, #tpu.memory_space<vmem>> -> memref<1x1024xf32, #tpu.memory_space<vmem>>
      %dma_start3A_1399 = tpu.memref_squeeze %dma_start3A_1398 : memref<1x1024xf32, #tpu.memory_space<vmem>> -> memref<1024xf32, #tpu.memory_space<vmem>>
      tpu.enqueue_dma source(%dma_start3A_1399 : memref<1024xf32, #tpu.memory_space<vmem>>) target(%dma_start3A_1396 : memref<1024xf32, #tpu.memory_space<hbm>>) target_semaphore(%arg20 : memref<!tpu.dma_semaphore, #tpu.memory_space<semaphore_mem>>)
      %mul3A_1400 = arith.constant 8 : i32
      %mul3A_1401 = arith.muli %select_n3A_1028, %mul3A_1400 : i32
      %mul3A_1402 = arith.constant 4 : i32
      %mul3A_1403 = arith.muli %mul3A_1402, %select_n3A_1084 : i32
      %add3A_1404 = arith.addi %mul3A_1401, %mul3A_1403 : i32
      %add3A_1405 = arith.constant 1 : i32
      %add3A_1406 = arith.addi %add3A_1404, %add3A_1405 : i32
      %dma_start3A_1407 = arith.constant 1 : i32
      %dma_start3A_1408 = arith.constant 7 : i32
      %dma_start3A_1409 = arith.constant 7168 : i32
      %dma_start3A_1410 = tpu.memref_slice %arg13[%dma_start3A_1407, %dma_start3A_1409] : memref<4x8192xf32, #tpu.memory_space<vmem>> -> memref<1x1024xf32, #tpu.memory_space<vmem>>
      %dma_start3A_1411 = tpu.memref_squeeze %dma_start3A_1410 : memref<1x1024xf32, #tpu.memory_space<vmem>> -> memref<1024xf32, #tpu.memory_space<vmem>>
      %dma_start3A_1412 = arith.constant 0 : i32
      %dma_start3A_1413 = tpu.memref_slice %arg6[%add3A_1406, %dma_start3A_1408, %select_n3A_1068, %dma_start3A_1412] : memref<200x8x32x1024xf32, #tpu.memory_space<hbm>> -> memref<1x1x1x1024xf32, #tpu.memory_space<hbm>>
      %dma_start3A_1414 = tpu.memref_squeeze %dma_start3A_1413 : memref<1x1x1x1024xf32, #tpu.memory_space<hbm>> -> memref<1024xf32, #tpu.memory_space<hbm>>
      %dma_start3A_1415 = arith.constant 0 : i32
      %dma_start3A_1416 = tpu.memref_slice %arg6[%add3A_1406, %dma_start3A_1408, %select_n3A_1068, %dma_start3A_1415] : memref<200x8x32x1024xf32, #tpu.memory_space<hbm>> -> memref<1x1x1x1024xf32, #tpu.memory_space<hbm>>
      %dma_start3A_1417 = tpu.memref_squeeze %dma_start3A_1416 : memref<1x1x1x1024xf32, #tpu.memory_space<hbm>> -> memref<1024xf32, #tpu.memory_space<hbm>>
      %dma_start3A_1418 = arith.constant 7168 : i32
      %dma_start3A_1419 = tpu.memref_slice %arg13[%dma_start3A_1407, %dma_start3A_1418] : memref<4x8192xf32, #tpu.memory_space<vmem>> -> memref<1x1024xf32, #tpu.memory_space<vmem>>
      %dma_start3A_1420 = tpu.memref_squeeze %dma_start3A_1419 : memref<1x1024xf32, #tpu.memory_space<vmem>> -> memref<1024xf32, #tpu.memory_space<vmem>>
      tpu.enqueue_dma source(%dma_start3A_1420 : memref<1024xf32, #tpu.memory_space<vmem>>) target(%dma_start3A_1417 : memref<1024xf32, #tpu.memory_space<hbm>>) target_semaphore(%arg20 : memref<!tpu.dma_semaphore, #tpu.memory_space<semaphore_mem>>)
      %mul3A_1421 = arith.constant 8 : i32
      %mul3A_1422 = arith.muli %select_n3A_1028, %mul3A_1421 : i32
      %mul3A_1423 = arith.constant 4 : i32
      %mul3A_1424 = arith.muli %mul3A_1423, %select_n3A_1084 : i32
      %add3A_1425 = arith.addi %mul3A_1422, %mul3A_1424 : i32
      %add3A_1426 = arith.constant 2 : i32
      %add3A_1427 = arith.addi %add3A_1425, %add3A_1426 : i32
      %dma_start3A_1428 = arith.constant 2 : i32
      %dma_start3A_1429 = arith.constant 0 : i32
      %dma_start3A_1430 = arith.constant 0 : i32
      %dma_start3A_1431 = tpu.memref_slice %arg13[%dma_start3A_1428, %dma_start3A_1430] : memref<4x8192xf32, #tpu.memory_space<vmem>> -> memref<1x1024xf32, #tpu.memory_space<vmem>>
      %dma_start3A_1432 = tpu.memref_squeeze %dma_start3A_1431 : memref<1x1024xf32, #tpu.memory_space<vmem>> -> memref<1024xf32, #tpu.memory_space<vmem>>
      %dma_start3A_1433 = arith.constant 0 : i32
      %dma_start3A_1434 = tpu.memref_slice %arg6[%add3A_1427, %dma_start3A_1429, %select_n3A_1068, %dma_start3A_1433] : memref<200x8x32x1024xf32, #tpu.memory_space<hbm>> -> memref<1x1x1x1024xf32, #tpu.memory_space<hbm>>
      %dma_start3A_1435 = tpu.memref_squeeze %dma_start3A_1434 : memref<1x1x1x1024xf32, #tpu.memory_space<hbm>> -> memref<1024xf32, #tpu.memory_space<hbm>>
      %dma_start3A_1436 = arith.constant 0 : i32
      %dma_start3A_1437 = tpu.memref_slice %arg6[%add3A_1427, %dma_start3A_1429, %select_n3A_1068, %dma_start3A_1436] : memref<200x8x32x1024xf32, #tpu.memory_space<hbm>> -> memref<1x1x1x1024xf32, #tpu.memory_space<hbm>>
      %dma_start3A_1438 = tpu.memref_squeeze %dma_start3A_1437 : memref<1x1x1x1024xf32, #tpu.memory_space<hbm>> -> memref<1024xf32, #tpu.memory_space<hbm>>
      %dma_start3A_1439 = arith.constant 0 : i32
      %dma_start3A_1440 = tpu.memref_slice %arg13[%dma_start3A_1428, %dma_start3A_1439] : memref<4x8192xf32, #tpu.memory_space<vmem>> -> memref<1x1024xf32, #tpu.memory_space<vmem>>
      %dma_start3A_1441 = tpu.memref_squeeze %dma_start3A_1440 : memref<1x1024xf32, #tpu.memory_space<vmem>> -> memref<1024xf32, #tpu.memory_space<vmem>>
      tpu.enqueue_dma source(%dma_start3A_1441 : memref<1024xf32, #tpu.memory_space<vmem>>) target(%dma_start3A_1438 : memref<1024xf32, #tpu.memory_space<hbm>>) target_semaphore(%arg20 : memref<!tpu.dma_semaphore, #tpu.memory_space<semaphore_mem>>)
      %mul3A_1442 = arith.constant 8 : i32
      %mul3A_1443 = arith.muli %select_n3A_1028, %mul3A_1442 : i32
      %mul3A_1444 = arith.constant 4 : i32
      %mul3A_1445 = arith.muli %mul3A_1444, %select_n3A_1084 : i32
      %add3A_1446 = arith.addi %mul3A_1443, %mul3A_1445 : i32
      %add3A_1447 = arith.constant 2 : i32
      %add3A_1448 = arith.addi %add3A_1446, %add3A_1447 : i32
      %dma_start3A_1449 = arith.constant 2 : i32
      %dma_start3A_1450 = arith.constant 1 : i32
      %dma_start3A_1451 = arith.constant 1024 : i32
      %dma_start3A_1452 = tpu.memref_slice %arg13[%dma_start3A_1449, %dma_start3A_1451] : memref<4x8192xf32, #tpu.memory_space<vmem>> -> memref<1x1024xf32, #tpu.memory_space<vmem>>
      %dma_start3A_1453 = tpu.memref_squeeze %dma_start3A_1452 : memref<1x1024xf32, #tpu.memory_space<vmem>> -> memref<1024xf32, #tpu.memory_space<vmem>>
      %dma_start3A_1454 = arith.constant 0 : i32
      %dma_start3A_1455 = tpu.memref_slice %arg6[%add3A_1448, %dma_start3A_1450, %select_n3A_1068, %dma_start3A_1454] : memref<200x8x32x1024xf32, #tpu.memory_space<hbm>> -> memref<1x1x1x1024xf32, #tpu.memory_space<hbm>>
      %dma_start3A_1456 = tpu.memref_squeeze %dma_start3A_1455 : memref<1x1x1x1024xf32, #tpu.memory_space<hbm>> -> memref<1024xf32, #tpu.memory_space<hbm>>
      %dma_start3A_1457 = arith.constant 0 : i32
      %dma_start3A_1458 = tpu.memref_slice %arg6[%add3A_1448, %dma_start3A_1450, %select_n3A_1068, %dma_start3A_1457] : memref<200x8x32x1024xf32, #tpu.memory_space<hbm>> -> memref<1x1x1x1024xf32, #tpu.memory_space<hbm>>
      %dma_start3A_1459 = tpu.memref_squeeze %dma_start3A_1458 : memref<1x1x1x1024xf32, #tpu.memory_space<hbm>> -> memref<1024xf32, #tpu.memory_space<hbm>>
      %dma_start3A_1460 = arith.constant 1024 : i32
      %dma_start3A_1461 = tpu.memref_slice %arg13[%dma_start3A_1449, %dma_start3A_1460] : memref<4x8192xf32, #tpu.memory_space<vmem>> -> memref<1x1024xf32, #tpu.memory_space<vmem>>
      %dma_start3A_1462 = tpu.memref_squeeze %dma_start3A_1461 : memref<1x1024xf32, #tpu.memory_space<vmem>> -> memref<1024xf32, #tpu.memory_space<vmem>>
      tpu.enqueue_dma source(%dma_start3A_1462 : memref<1024xf32, #tpu.memory_space<vmem>>) target(%dma_start3A_1459 : memref<1024xf32, #tpu.memory_space<hbm>>) target_semaphore(%arg20 : memref<!tpu.dma_semaphore, #tpu.memory_space<semaphore_mem>>)
      %mul3A_1463 = arith.constant 8 : i32
      %mul3A_1464 = arith.muli %select_n3A_1028, %mul3A_1463 : i32
      %mul3A_1465 = arith.constant 4 : i32
      %mul3A_1466 = arith.muli %mul3A_1465, %select_n3A_1084 : i32
      %add3A_1467 = arith.addi %mul3A_1464, %mul3A_1466 : i32
      %add3A_1468 = arith.constant 2 : i32
      %add3A_1469 = arith.addi %add3A_1467, %add3A_1468 : i32
      %dma_start3A_1470 = arith.constant 2 : i32
      %dma_start3A_1471 = arith.constant 2 : i32
      %dma_start3A_1472 = arith.constant 2048 : i32
      %dma_start3A_1473 = tpu.memref_slice %arg13[%dma_start3A_1470, %dma_start3A_1472] : memref<4x8192xf32, #tpu.memory_space<vmem>> -> memref<1x1024xf32, #tpu.memory_space<vmem>>
      %dma_start3A_1474 = tpu.memref_squeeze %dma_start3A_1473 : memref<1x1024xf32, #tpu.memory_space<vmem>> -> memref<1024xf32, #tpu.memory_space<vmem>>
      %dma_start3A_1475 = arith.constant 0 : i32
      %dma_start3A_1476 = tpu.memref_slice %arg6[%add3A_1469, %dma_start3A_1471, %select_n3A_1068, %dma_start3A_1475] : memref<200x8x32x1024xf32, #tpu.memory_space<hbm>> -> memref<1x1x1x1024xf32, #tpu.memory_space<hbm>>
      %dma_start3A_1477 = tpu.memref_squeeze %dma_start3A_1476 : memref<1x1x1x1024xf32, #tpu.memory_space<hbm>> -> memref<1024xf32, #tpu.memory_space<hbm>>
      %dma_start3A_1478 = arith.constant 0 : i32
      %dma_start3A_1479 = tpu.memref_slice %arg6[%add3A_1469, %dma_start3A_1471, %select_n3A_1068, %dma_start3A_1478] : memref<200x8x32x1024xf32, #tpu.memory_space<hbm>> -> memref<1x1x1x1024xf32, #tpu.memory_space<hbm>>
      %dma_start3A_1480 = tpu.memref_squeeze %dma_start3A_1479 : memref<1x1x1x1024xf32, #tpu.memory_space<hbm>> -> memref<1024xf32, #tpu.memory_space<hbm>>
      %dma_start3A_1481 = arith.constant 2048 : i32
      %dma_start3A_1482 = tpu.memref_slice %arg13[%dma_start3A_1470, %dma_start3A_1481] : memref<4x8192xf32, #tpu.memory_space<vmem>> -> memref<1x1024xf32, #tpu.memory_space<vmem>>
      %dma_start3A_1483 = tpu.memref_squeeze %dma_start3A_1482 : memref<1x1024xf32, #tpu.memory_space<vmem>> -> memref<1024xf32, #tpu.memory_space<vmem>>
      tpu.enqueue_dma source(%dma_start3A_1483 : memref<1024xf32, #tpu.memory_space<vmem>>) target(%dma_start3A_1480 : memref<1024xf32, #tpu.memory_space<hbm>>) target_semaphore(%arg20 : memref<!tpu.dma_semaphore, #tpu.memory_space<semaphore_mem>>)
      %mul3A_1484 = arith.constant 8 : i32
      %mul3A_1485 = arith.muli %select_n3A_1028, %mul3A_1484 : i32
      %mul3A_1486 = arith.constant 4 : i32
      %mul3A_1487 = arith.muli %mul3A_1486, %select_n3A_1084 : i32
      %add3A_1488 = arith.addi %mul3A_1485, %mul3A_1487 : i32
      %add3A_1489 = arith.constant 2 : i32
      %add3A_1490 = arith.addi %add3A_1488, %add3A_1489 : i32
      %dma_start3A_1491 = arith.constant 2 : i32
      %dma_start3A_1492 = arith.constant 3 : i32
      %dma_start3A_1493 = arith.constant 3072 : i32
      %dma_start3A_1494 = tpu.memref_slice %arg13[%dma_start3A_1491, %dma_start3A_1493] : memref<4x8192xf32, #tpu.memory_space<vmem>> -> memref<1x1024xf32, #tpu.memory_space<vmem>>
      %dma_start3A_1495 = tpu.memref_squeeze %dma_start3A_1494 : memref<1x1024xf32, #tpu.memory_space<vmem>> -> memref<1024xf32, #tpu.memory_space<vmem>>
      %dma_start3A_1496 = arith.constant 0 : i32
      %dma_start3A_1497 = tpu.memref_slice %arg6[%add3A_1490, %dma_start3A_1492, %select_n3A_1068, %dma_start3A_1496] : memref<200x8x32x1024xf32, #tpu.memory_space<hbm>> -> memref<1x1x1x1024xf32, #tpu.memory_space<hbm>>
      %dma_start3A_1498 = tpu.memref_squeeze %dma_start3A_1497 : memref<1x1x1x1024xf32, #tpu.memory_space<hbm>> -> memref<1024xf32, #tpu.memory_space<hbm>>
      %dma_start3A_1499 = arith.constant 0 : i32
      %dma_start3A_1500 = tpu.memref_slice %arg6[%add3A_1490, %dma_start3A_1492, %select_n3A_1068, %dma_start3A_1499] : memref<200x8x32x1024xf32, #tpu.memory_space<hbm>> -> memref<1x1x1x1024xf32, #tpu.memory_space<hbm>>
      %dma_start3A_1501 = tpu.memref_squeeze %dma_start3A_1500 : memref<1x1x1x1024xf32, #tpu.memory_space<hbm>> -> memref<1024xf32, #tpu.memory_space<hbm>>
      %dma_start3A_1502 = arith.constant 3072 : i32
      %dma_start3A_1503 = tpu.memref_slice %arg13[%dma_start3A_1491, %dma_start3A_1502] : memref<4x8192xf32, #tpu.memory_space<vmem>> -> memref<1x1024xf32, #tpu.memory_space<vmem>>
      %dma_start3A_1504 = tpu.memref_squeeze %dma_start3A_1503 : memref<1x1024xf32, #tpu.memory_space<vmem>> -> memref<1024xf32, #tpu.memory_space<vmem>>
      tpu.enqueue_dma source(%dma_start3A_1504 : memref<1024xf32, #tpu.memory_space<vmem>>) target(%dma_start3A_1501 : memref<1024xf32, #tpu.memory_space<hbm>>) target_semaphore(%arg20 : memref<!tpu.dma_semaphore, #tpu.memory_space<semaphore_mem>>)
      %mul3A_1505 = arith.constant 8 : i32
      %mul3A_1506 = arith.muli %select_n3A_1028, %mul3A_1505 : i32
      %mul3A_1507 = arith.constant 4 : i32
      %mul3A_1508 = arith.muli %mul3A_1507, %select_n3A_1084 : i32
      %add3A_1509 = arith.addi %mul3A_1506, %mul3A_1508 : i32
      %add3A_1510 = arith.constant 2 : i32
      %add3A_1511 = arith.addi %add3A_1509, %add3A_1510 : i32
      %dma_start3A_1512 = arith.constant 2 : i32
      %dma_start3A_1513 = arith.constant 4 : i32
      %dma_start3A_1514 = arith.constant 4096 : i32
      %dma_start3A_1515 = tpu.memref_slice %arg13[%dma_start3A_1512, %dma_start3A_1514] : memref<4x8192xf32, #tpu.memory_space<vmem>> -> memref<1x1024xf32, #tpu.memory_space<vmem>>
      %dma_start3A_1516 = tpu.memref_squeeze %dma_start3A_1515 : memref<1x1024xf32, #tpu.memory_space<vmem>> -> memref<1024xf32, #tpu.memory_space<vmem>>
      %dma_start3A_1517 = arith.constant 0 : i32
      %dma_start3A_1518 = tpu.memref_slice %arg6[%add3A_1511, %dma_start3A_1513, %select_n3A_1068, %dma_start3A_1517] : memref<200x8x32x1024xf32, #tpu.memory_space<hbm>> -> memref<1x1x1x1024xf32, #tpu.memory_space<hbm>>
      %dma_start3A_1519 = tpu.memref_squeeze %dma_start3A_1518 : memref<1x1x1x1024xf32, #tpu.memory_space<hbm>> -> memref<1024xf32, #tpu.memory_space<hbm>>
      %dma_start3A_1520 = arith.constant 0 : i32
      %dma_start3A_1521 = tpu.memref_slice %arg6[%add3A_1511, %dma_start3A_1513, %select_n3A_1068, %dma_start3A_1520] : memref<200x8x32x1024xf32, #tpu.memory_space<hbm>> -> memref<1x1x1x1024xf32, #tpu.memory_space<hbm>>
      %dma_start3A_1522 = tpu.memref_squeeze %dma_start3A_1521 : memref<1x1x1x1024xf32, #tpu.memory_space<hbm>> -> memref<1024xf32, #tpu.memory_space<hbm>>
      %dma_start3A_1523 = arith.constant 4096 : i32
      %dma_start3A_1524 = tpu.memref_slice %arg13[%dma_start3A_1512, %dma_start3A_1523] : memref<4x8192xf32, #tpu.memory_space<vmem>> -> memref<1x1024xf32, #tpu.memory_space<vmem>>
      %dma_start3A_1525 = tpu.memref_squeeze %dma_start3A_1524 : memref<1x1024xf32, #tpu.memory_space<vmem>> -> memref<1024xf32, #tpu.memory_space<vmem>>
      tpu.enqueue_dma source(%dma_start3A_1525 : memref<1024xf32, #tpu.memory_space<vmem>>) target(%dma_start3A_1522 : memref<1024xf32, #tpu.memory_space<hbm>>) target_semaphore(%arg20 : memref<!tpu.dma_semaphore, #tpu.memory_space<semaphore_mem>>)
      %mul3A_1526 = arith.constant 8 : i32
      %mul3A_1527 = arith.muli %select_n3A_1028, %mul3A_1526 : i32
      %mul3A_1528 = arith.constant 4 : i32
      %mul3A_1529 = arith.muli %mul3A_1528, %select_n3A_1084 : i32
      %add3A_1530 = arith.addi %mul3A_1527, %mul3A_1529 : i32
      %add3A_1531 = arith.constant 2 : i32
      %add3A_1532 = arith.addi %add3A_1530, %add3A_1531 : i32
      %dma_start3A_1533 = arith.constant 2 : i32
      %dma_start3A_1534 = arith.constant 5 : i32
      %dma_start3A_1535 = arith.constant 5120 : i32
      %dma_start3A_1536 = tpu.memref_slice %arg13[%dma_start3A_1533, %dma_start3A_1535] : memref<4x8192xf32, #tpu.memory_space<vmem>> -> memref<1x1024xf32, #tpu.memory_space<vmem>>
      %dma_start3A_1537 = tpu.memref_squeeze %dma_start3A_1536 : memref<1x1024xf32, #tpu.memory_space<vmem>> -> memref<1024xf32, #tpu.memory_space<vmem>>
      %dma_start3A_1538 = arith.constant 0 : i32
      %dma_start3A_1539 = tpu.memref_slice %arg6[%add3A_1532, %dma_start3A_1534, %select_n3A_1068, %dma_start3A_1538] : memref<200x8x32x1024xf32, #tpu.memory_space<hbm>> -> memref<1x1x1x1024xf32, #tpu.memory_space<hbm>>
      %dma_start3A_1540 = tpu.memref_squeeze %dma_start3A_1539 : memref<1x1x1x1024xf32, #tpu.memory_space<hbm>> -> memref<1024xf32, #tpu.memory_space<hbm>>
      %dma_start3A_1541 = arith.constant 0 : i32
      %dma_start3A_1542 = tpu.memref_slice %arg6[%add3A_1532, %dma_start3A_1534, %select_n3A_1068, %dma_start3A_1541] : memref<200x8x32x1024xf32, #tpu.memory_space<hbm>> -> memref<1x1x1x1024xf32, #tpu.memory_space<hbm>>
      %dma_start3A_1543 = tpu.memref_squeeze %dma_start3A_1542 : memref<1x1x1x1024xf32, #tpu.memory_space<hbm>> -> memref<1024xf32, #tpu.memory_space<hbm>>
      %dma_start3A_1544 = arith.constant 5120 : i32
      %dma_start3A_1545 = tpu.memref_slice %arg13[%dma_start3A_1533, %dma_start3A_1544] : memref<4x8192xf32, #tpu.memory_space<vmem>> -> memref<1x1024xf32, #tpu.memory_space<vmem>>
      %dma_start3A_1546 = tpu.memref_squeeze %dma_start3A_1545 : memref<1x1024xf32, #tpu.memory_space<vmem>> -> memref<1024xf32, #tpu.memory_space<vmem>>
      tpu.enqueue_dma source(%dma_start3A_1546 : memref<1024xf32, #tpu.memory_space<vmem>>) target(%dma_start3A_1543 : memref<1024xf32, #tpu.memory_space<hbm>>) target_semaphore(%arg20 : memref<!tpu.dma_semaphore, #tpu.memory_space<semaphore_mem>>)
      %mul3A_1547 = arith.constant 8 : i32
      %mul3A_1548 = arith.muli %select_n3A_1028, %mul3A_1547 : i32
      %mul3A_1549 = arith.constant 4 : i32
      %mul3A_1550 = arith.muli %mul3A_1549, %select_n3A_1084 : i32
      %add3A_1551 = arith.addi %mul3A_1548, %mul3A_1550 : i32
      %add3A_1552 = arith.constant 2 : i32
      %add3A_1553 = arith.addi %add3A_1551, %add3A_1552 : i32
      %dma_start3A_1554 = arith.constant 2 : i32
      %dma_start3A_1555 = arith.constant 6 : i32
      %dma_start3A_1556 = arith.constant 6144 : i32
      %dma_start3A_1557 = tpu.memref_slice %arg13[%dma_start3A_1554, %dma_start3A_1556] : memref<4x8192xf32, #tpu.memory_space<vmem>> -> memref<1x1024xf32, #tpu.memory_space<vmem>>
      %dma_start3A_1558 = tpu.memref_squeeze %dma_start3A_1557 : memref<1x1024xf32, #tpu.memory_space<vmem>> -> memref<1024xf32, #tpu.memory_space<vmem>>
      %dma_start3A_1559 = arith.constant 0 : i32
      %dma_start3A_1560 = tpu.memref_slice %arg6[%add3A_1553, %dma_start3A_1555, %select_n3A_1068, %dma_start3A_1559] : memref<200x8x32x1024xf32, #tpu.memory_space<hbm>> -> memref<1x1x1x1024xf32, #tpu.memory_space<hbm>>
      %dma_start3A_1561 = tpu.memref_squeeze %dma_start3A_1560 : memref<1x1x1x1024xf32, #tpu.memory_space<hbm>> -> memref<1024xf32, #tpu.memory_space<hbm>>
      %dma_start3A_1562 = arith.constant 0 : i32
      %dma_start3A_1563 = tpu.memref_slice %arg6[%add3A_1553, %dma_start3A_1555, %select_n3A_1068, %dma_start3A_1562] : memref<200x8x32x1024xf32, #tpu.memory_space<hbm>> -> memref<1x1x1x1024xf32, #tpu.memory_space<hbm>>
      %dma_start3A_1564 = tpu.memref_squeeze %dma_start3A_1563 : memref<1x1x1x1024xf32, #tpu.memory_space<hbm>> -> memref<1024xf32, #tpu.memory_space<hbm>>
      %dma_start3A_1565 = arith.constant 6144 : i32
      %dma_start3A_1566 = tpu.memref_slice %arg13[%dma_start3A_1554, %dma_start3A_1565] : memref<4x8192xf32, #tpu.memory_space<vmem>> -> memref<1x1024xf32, #tpu.memory_space<vmem>>
      %dma_start3A_1567 = tpu.memref_squeeze %dma_start3A_1566 : memref<1x1024xf32, #tpu.memory_space<vmem>> -> memref<1024xf32, #tpu.memory_space<vmem>>
      tpu.enqueue_dma source(%dma_start3A_1567 : memref<1024xf32, #tpu.memory_space<vmem>>) target(%dma_start3A_1564 : memref<1024xf32, #tpu.memory_space<hbm>>) target_semaphore(%arg20 : memref<!tpu.dma_semaphore, #tpu.memory_space<semaphore_mem>>)
      %mul3A_1568 = arith.constant 8 : i32
      %mul3A_1569 = arith.muli %select_n3A_1028, %mul3A_1568 : i32
      %mul3A_1570 = arith.constant 4 : i32
      %mul3A_1571 = arith.muli %mul3A_1570, %select_n3A_1084 : i32
      %add3A_1572 = arith.addi %mul3A_1569, %mul3A_1571 : i32
      %add3A_1573 = arith.constant 2 : i32
      %add3A_1574 = arith.addi %add3A_1572, %add3A_1573 : i32
      %dma_start3A_1575 = arith.constant 2 : i32
      %dma_start3A_1576 = arith.constant 7 : i32
      %dma_start3A_1577 = arith.constant 7168 : i32
      %dma_start3A_1578 = tpu.memref_slice %arg13[%dma_start3A_1575, %dma_start3A_1577] : memref<4x8192xf32, #tpu.memory_space<vmem>> -> memref<1x1024xf32, #tpu.memory_space<vmem>>
      %dma_start3A_1579 = tpu.memref_squeeze %dma_start3A_1578 : memref<1x1024xf32, #tpu.memory_space<vmem>> -> memref<1024xf32, #tpu.memory_space<vmem>>
      %dma_start3A_1580 = arith.constant 0 : i32
      %dma_start3A_1581 = tpu.memref_slice %arg6[%add3A_1574, %dma_start3A_1576, %select_n3A_1068, %dma_start3A_1580] : memref<200x8x32x1024xf32, #tpu.memory_space<hbm>> -> memref<1x1x1x1024xf32, #tpu.memory_space<hbm>>
      %dma_start3A_1582 = tpu.memref_squeeze %dma_start3A_1581 : memref<1x1x1x1024xf32, #tpu.memory_space<hbm>> -> memref<1024xf32, #tpu.memory_space<hbm>>
      %dma_start3A_1583 = arith.constant 0 : i32
      %dma_start3A_1584 = tpu.memref_slice %arg6[%add3A_1574, %dma_start3A_1576, %select_n3A_1068, %dma_start3A_1583] : memref<200x8x32x1024xf32, #tpu.memory_space<hbm>> -> memref<1x1x1x1024xf32, #tpu.memory_space<hbm>>
      %dma_start3A_1585 = tpu.memref_squeeze %dma_start3A_1584 : memref<1x1x1x1024xf32, #tpu.memory_space<hbm>> -> memref<1024xf32, #tpu.memory_space<hbm>>
      %dma_start3A_1586 = arith.constant 7168 : i32
      %dma_start3A_1587 = tpu.memref_slice %arg13[%dma_start3A_1575, %dma_start3A_1586] : memref<4x8192xf32, #tpu.memory_space<vmem>> -> memref<1x1024xf32, #tpu.memory_space<vmem>>
      %dma_start3A_1588 = tpu.memref_squeeze %dma_start3A_1587 : memref<1x1024xf32, #tpu.memory_space<vmem>> -> memref<1024xf32, #tpu.memory_space<vmem>>
      tpu.enqueue_dma source(%dma_start3A_1588 : memref<1024xf32, #tpu.memory_space<vmem>>) target(%dma_start3A_1585 : memref<1024xf32, #tpu.memory_space<hbm>>) target_semaphore(%arg20 : memref<!tpu.dma_semaphore, #tpu.memory_space<semaphore_mem>>)
      %mul3A_1589 = arith.constant 8 : i32
      %mul3A_1590 = arith.muli %select_n3A_1028, %mul3A_1589 : i32
      %mul3A_1591 = arith.constant 4 : i32
      %mul3A_1592 = arith.muli %mul3A_1591, %select_n3A_1084 : i32
      %add3A_1593 = arith.addi %mul3A_1590, %mul3A_1592 : i32
      %add3A_1594 = arith.constant 3 : i32
      %add3A_1595 = arith.addi %add3A_1593, %add3A_1594 : i32
      %dma_start3A_1596 = arith.constant 3 : i32
      %dma_start3A_1597 = arith.constant 0 : i32
      %dma_start3A_1598 = arith.constant 0 : i32
      %dma_start3A_1599 = tpu.memref_slice %arg13[%dma_start3A_1596, %dma_start3A_1598] : memref<4x8192xf32, #tpu.memory_space<vmem>> -> memref<1x1024xf32, #tpu.memory_space<vmem>>
      %dma_start3A_1600 = tpu.memref_squeeze %dma_start3A_1599 : memref<1x1024xf32, #tpu.memory_space<vmem>> -> memref<1024xf32, #tpu.memory_space<vmem>>
      %dma_start3A_1601 = arith.constant 0 : i32
      %dma_start3A_1602 = tpu.memref_slice %arg6[%add3A_1595, %dma_start3A_1597, %select_n3A_1068, %dma_start3A_1601] : memref<200x8x32x1024xf32, #tpu.memory_space<hbm>> -> memref<1x1x1x1024xf32, #tpu.memory_space<hbm>>
      %dma_start3A_1603 = tpu.memref_squeeze %dma_start3A_1602 : memref<1x1x1x1024xf32, #tpu.memory_space<hbm>> -> memref<1024xf32, #tpu.memory_space<hbm>>
      %dma_start3A_1604 = arith.constant 0 : i32
      %dma_start3A_1605 = tpu.memref_slice %arg6[%add3A_1595, %dma_start3A_1597, %select_n3A_1068, %dma_start3A_1604] : memref<200x8x32x1024xf32, #tpu.memory_space<hbm>> -> memref<1x1x1x1024xf32, #tpu.memory_space<hbm>>
      %dma_start3A_1606 = tpu.memref_squeeze %dma_start3A_1605 : memref<1x1x1x1024xf32, #tpu.memory_space<hbm>> -> memref<1024xf32, #tpu.memory_space<hbm>>
      %dma_start3A_1607 = arith.constant 0 : i32
      %dma_start3A_1608 = tpu.memref_slice %arg13[%dma_start3A_1596, %dma_start3A_1607] : memref<4x8192xf32, #tpu.memory_space<vmem>> -> memref<1x1024xf32, #tpu.memory_space<vmem>>
      %dma_start3A_1609 = tpu.memref_squeeze %dma_start3A_1608 : memref<1x1024xf32, #tpu.memory_space<vmem>> -> memref<1024xf32, #tpu.memory_space<vmem>>
      tpu.enqueue_dma source(%dma_start3A_1609 : memref<1024xf32, #tpu.memory_space<vmem>>) target(%dma_start3A_1606 : memref<1024xf32, #tpu.memory_space<hbm>>) target_semaphore(%arg20 : memref<!tpu.dma_semaphore, #tpu.memory_space<semaphore_mem>>)
      %mul3A_1610 = arith.constant 8 : i32
      %mul3A_1611 = arith.muli %select_n3A_1028, %mul3A_1610 : i32
      %mul3A_1612 = arith.constant 4 : i32
      %mul3A_1613 = arith.muli %mul3A_1612, %select_n3A_1084 : i32
      %add3A_1614 = arith.addi %mul3A_1611, %mul3A_1613 : i32
      %add3A_1615 = arith.constant 3 : i32
      %add3A_1616 = arith.addi %add3A_1614, %add3A_1615 : i32
      %dma_start3A_1617 = arith.constant 3 : i32
      %dma_start3A_1618 = arith.constant 1 : i32
      %dma_start3A_1619 = arith.constant 1024 : i32
      %dma_start3A_1620 = tpu.memref_slice %arg13[%dma_start3A_1617, %dma_start3A_1619] : memref<4x8192xf32, #tpu.memory_space<vmem>> -> memref<1x1024xf32, #tpu.memory_space<vmem>>
      %dma_start3A_1621 = tpu.memref_squeeze %dma_start3A_1620 : memref<1x1024xf32, #tpu.memory_space<vmem>> -> memref<1024xf32, #tpu.memory_space<vmem>>
      %dma_start3A_1622 = arith.constant 0 : i32
      %dma_start3A_1623 = tpu.memref_slice %arg6[%add3A_1616, %dma_start3A_1618, %select_n3A_1068, %dma_start3A_1622] : memref<200x8x32x1024xf32, #tpu.memory_space<hbm>> -> memref<1x1x1x1024xf32, #tpu.memory_space<hbm>>
      %dma_start3A_1624 = tpu.memref_squeeze %dma_start3A_1623 : memref<1x1x1x1024xf32, #tpu.memory_space<hbm>> -> memref<1024xf32, #tpu.memory_space<hbm>>
      %dma_start3A_1625 = arith.constant 0 : i32
      %dma_start3A_1626 = tpu.memref_slice %arg6[%add3A_1616, %dma_start3A_1618, %select_n3A_1068, %dma_start3A_1625] : memref<200x8x32x1024xf32, #tpu.memory_space<hbm>> -> memref<1x1x1x1024xf32, #tpu.memory_space<hbm>>
      %dma_start3A_1627 = tpu.memref_squeeze %dma_start3A_1626 : memref<1x1x1x1024xf32, #tpu.memory_space<hbm>> -> memref<1024xf32, #tpu.memory_space<hbm>>
      %dma_start3A_1628 = arith.constant 1024 : i32
      %dma_start3A_1629 = tpu.memref_slice %arg13[%dma_start3A_1617, %dma_start3A_1628] : memref<4x8192xf32, #tpu.memory_space<vmem>> -> memref<1x1024xf32, #tpu.memory_space<vmem>>
      %dma_start3A_1630 = tpu.memref_squeeze %dma_start3A_1629 : memref<1x1024xf32, #tpu.memory_space<vmem>> -> memref<1024xf32, #tpu.memory_space<vmem>>
      tpu.enqueue_dma source(%dma_start3A_1630 : memref<1024xf32, #tpu.memory_space<vmem>>) target(%dma_start3A_1627 : memref<1024xf32, #tpu.memory_space<hbm>>) target_semaphore(%arg20 : memref<!tpu.dma_semaphore, #tpu.memory_space<semaphore_mem>>)
      %mul3A_1631 = arith.constant 8 : i32
      %mul3A_1632 = arith.muli %select_n3A_1028, %mul3A_1631 : i32
      %mul3A_1633 = arith.constant 4 : i32
      %mul3A_1634 = arith.muli %mul3A_1633, %select_n3A_1084 : i32
      %add3A_1635 = arith.addi %mul3A_1632, %mul3A_1634 : i32
      %add3A_1636 = arith.constant 3 : i32
      %add3A_1637 = arith.addi %add3A_1635, %add3A_1636 : i32
      %dma_start3A_1638 = arith.constant 3 : i32
      %dma_start3A_1639 = arith.constant 2 : i32
      %dma_start3A_1640 = arith.constant 2048 : i32
      %dma_start3A_1641 = tpu.memref_slice %arg13[%dma_start3A_1638, %dma_start3A_1640] : memref<4x8192xf32, #tpu.memory_space<vmem>> -> memref<1x1024xf32, #tpu.memory_space<vmem>>
      %dma_start3A_1642 = tpu.memref_squeeze %dma_start3A_1641 : memref<1x1024xf32, #tpu.memory_space<vmem>> -> memref<1024xf32, #tpu.memory_space<vmem>>
      %dma_start3A_1643 = arith.constant 0 : i32
      %dma_start3A_1644 = tpu.memref_slice %arg6[%add3A_1637, %dma_start3A_1639, %select_n3A_1068, %dma_start3A_1643] : memref<200x8x32x1024xf32, #tpu.memory_space<hbm>> -> memref<1x1x1x1024xf32, #tpu.memory_space<hbm>>
      %dma_start3A_1645 = tpu.memref_squeeze %dma_start3A_1644 : memref<1x1x1x1024xf32, #tpu.memory_space<hbm>> -> memref<1024xf32, #tpu.memory_space<hbm>>
      %dma_start3A_1646 = arith.constant 0 : i32
      %dma_start3A_1647 = tpu.memref_slice %arg6[%add3A_1637, %dma_start3A_1639, %select_n3A_1068, %dma_start3A_1646] : memref<200x8x32x1024xf32, #tpu.memory_space<hbm>> -> memref<1x1x1x1024xf32, #tpu.memory_space<hbm>>
      %dma_start3A_1648 = tpu.memref_squeeze %dma_start3A_1647 : memref<1x1x1x1024xf32, #tpu.memory_space<hbm>> -> memref<1024xf32, #tpu.memory_space<hbm>>
      %dma_start3A_1649 = arith.constant 2048 : i32
      %dma_start3A_1650 = tpu.memref_slice %arg13[%dma_start3A_1638, %dma_start3A_1649] : memref<4x8192xf32, #tpu.memory_space<vmem>> -> memref<1x1024xf32, #tpu.memory_space<vmem>>
      %dma_start3A_1651 = tpu.memref_squeeze %dma_start3A_1650 : memref<1x1024xf32, #tpu.memory_space<vmem>> -> memref<1024xf32, #tpu.memory_space<vmem>>
      tpu.enqueue_dma source(%dma_start3A_1651 : memref<1024xf32, #tpu.memory_space<vmem>>) target(%dma_start3A_1648 : memref<1024xf32, #tpu.memory_space<hbm>>) target_semaphore(%arg20 : memref<!tpu.dma_semaphore, #tpu.memory_space<semaphore_mem>>)
      %mul3A_1652 = arith.constant 8 : i32
      %mul3A_1653 = arith.muli %select_n3A_1028, %mul3A_1652 : i32
      %mul3A_1654 = arith.constant 4 : i32
      %mul3A_1655 = arith.muli %mul3A_1654, %select_n3A_1084 : i32
      %add3A_1656 = arith.addi %mul3A_1653, %mul3A_1655 : i32
      %add3A_1657 = arith.constant 3 : i32
      %add3A_1658 = arith.addi %add3A_1656, %add3A_1657 : i32
      %dma_start3A_1659 = arith.constant 3 : i32
      %dma_start3A_1660 = arith.constant 3 : i32
      %dma_start3A_1661 = arith.constant 3072 : i32
      %dma_start3A_1662 = tpu.memref_slice %arg13[%dma_start3A_1659, %dma_start3A_1661] : memref<4x8192xf32, #tpu.memory_space<vmem>> -> memref<1x1024xf32, #tpu.memory_space<vmem>>
      %dma_start3A_1663 = tpu.memref_squeeze %dma_start3A_1662 : memref<1x1024xf32, #tpu.memory_space<vmem>> -> memref<1024xf32, #tpu.memory_space<vmem>>
      %dma_start3A_1664 = arith.constant 0 : i32
      %dma_start3A_1665 = tpu.memref_slice %arg6[%add3A_1658, %dma_start3A_1660, %select_n3A_1068, %dma_start3A_1664] : memref<200x8x32x1024xf32, #tpu.memory_space<hbm>> -> memref<1x1x1x1024xf32, #tpu.memory_space<hbm>>
      %dma_start3A_1666 = tpu.memref_squeeze %dma_start3A_1665 : memref<1x1x1x1024xf32, #tpu.memory_space<hbm>> -> memref<1024xf32, #tpu.memory_space<hbm>>
      %dma_start3A_1667 = arith.constant 0 : i32
      %dma_start3A_1668 = tpu.memref_slice %arg6[%add3A_1658, %dma_start3A_1660, %select_n3A_1068, %dma_start3A_1667] : memref<200x8x32x1024xf32, #tpu.memory_space<hbm>> -> memref<1x1x1x1024xf32, #tpu.memory_space<hbm>>
      %dma_start3A_1669 = tpu.memref_squeeze %dma_start3A_1668 : memref<1x1x1x1024xf32, #tpu.memory_space<hbm>> -> memref<1024xf32, #tpu.memory_space<hbm>>
      %dma_start3A_1670 = arith.constant 3072 : i32
      %dma_start3A_1671 = tpu.memref_slice %arg13[%dma_start3A_1659, %dma_start3A_1670] : memref<4x8192xf32, #tpu.memory_space<vmem>> -> memref<1x1024xf32, #tpu.memory_space<vmem>>
      %dma_start3A_1672 = tpu.memref_squeeze %dma_start3A_1671 : memref<1x1024xf32, #tpu.memory_space<vmem>> -> memref<1024xf32, #tpu.memory_space<vmem>>
      tpu.enqueue_dma source(%dma_start3A_1672 : memref<1024xf32, #tpu.memory_space<vmem>>) target(%dma_start3A_1669 : memref<1024xf32, #tpu.memory_space<hbm>>) target_semaphore(%arg20 : memref<!tpu.dma_semaphore, #tpu.memory_space<semaphore_mem>>)
      %mul3A_1673 = arith.constant 8 : i32
      %mul3A_1674 = arith.muli %select_n3A_1028, %mul3A_1673 : i32
      %mul3A_1675 = arith.constant 4 : i32
      %mul3A_1676 = arith.muli %mul3A_1675, %select_n3A_1084 : i32
      %add3A_1677 = arith.addi %mul3A_1674, %mul3A_1676 : i32
      %add3A_1678 = arith.constant 3 : i32
      %add3A_1679 = arith.addi %add3A_1677, %add3A_1678 : i32
      %dma_start3A_1680 = arith.constant 3 : i32
      %dma_start3A_1681 = arith.constant 4 : i32
      %dma_start3A_1682 = arith.constant 4096 : i32
      %dma_start3A_1683 = tpu.memref_slice %arg13[%dma_start3A_1680, %dma_start3A_1682] : memref<4x8192xf32, #tpu.memory_space<vmem>> -> memref<1x1024xf32, #tpu.memory_space<vmem>>
      %dma_start3A_1684 = tpu.memref_squeeze %dma_start3A_1683 : memref<1x1024xf32, #tpu.memory_space<vmem>> -> memref<1024xf32, #tpu.memory_space<vmem>>
      %dma_start3A_1685 = arith.constant 0 : i32
      %dma_start3A_1686 = tpu.memref_slice %arg6[%add3A_1679, %dma_start3A_1681, %select_n3A_1068, %dma_start3A_1685] : memref<200x8x32x1024xf32, #tpu.memory_space<hbm>> -> memref<1x1x1x1024xf32, #tpu.memory_space<hbm>>
      %dma_start3A_1687 = tpu.memref_squeeze %dma_start3A_1686 : memref<1x1x1x1024xf32, #tpu.memory_space<hbm>> -> memref<1024xf32, #tpu.memory_space<hbm>>
      %dma_start3A_1688 = arith.constant 0 : i32
      %dma_start3A_1689 = tpu.memref_slice %arg6[%add3A_1679, %dma_start3A_1681, %select_n3A_1068, %dma_start3A_1688] : memref<200x8x32x1024xf32, #tpu.memory_space<hbm>> -> memref<1x1x1x1024xf32, #tpu.memory_space<hbm>>
      %dma_start3A_1690 = tpu.memref_squeeze %dma_start3A_1689 : memref<1x1x1x1024xf32, #tpu.memory_space<hbm>> -> memref<1024xf32, #tpu.memory_space<hbm>>
      %dma_start3A_1691 = arith.constant 4096 : i32
      %dma_start3A_1692 = tpu.memref_slice %arg13[%dma_start3A_1680, %dma_start3A_1691] : memref<4x8192xf32, #tpu.memory_space<vmem>> -> memref<1x1024xf32, #tpu.memory_space<vmem>>
      %dma_start3A_1693 = tpu.memref_squeeze %dma_start3A_1692 : memref<1x1024xf32, #tpu.memory_space<vmem>> -> memref<1024xf32, #tpu.memory_space<vmem>>
      tpu.enqueue_dma source(%dma_start3A_1693 : memref<1024xf32, #tpu.memory_space<vmem>>) target(%dma_start3A_1690 : memref<1024xf32, #tpu.memory_space<hbm>>) target_semaphore(%arg20 : memref<!tpu.dma_semaphore, #tpu.memory_space<semaphore_mem>>)
      %mul3A_1694 = arith.constant 8 : i32
      %mul3A_1695 = arith.muli %select_n3A_1028, %mul3A_1694 : i32
      %mul3A_1696 = arith.constant 4 : i32
      %mul3A_1697 = arith.muli %mul3A_1696, %select_n3A_1084 : i32
      %add3A_1698 = arith.addi %mul3A_1695, %mul3A_1697 : i32
      %add3A_1699 = arith.constant 3 : i32
      %add3A_1700 = arith.addi %add3A_1698, %add3A_1699 : i32
      %dma_start3A_1701 = arith.constant 3 : i32
      %dma_start3A_1702 = arith.constant 5 : i32
      %dma_start3A_1703 = arith.constant 5120 : i32
      %dma_start3A_1704 = tpu.memref_slice %arg13[%dma_start3A_1701, %dma_start3A_1703] : memref<4x8192xf32, #tpu.memory_space<vmem>> -> memref<1x1024xf32, #tpu.memory_space<vmem>>
      %dma_start3A_1705 = tpu.memref_squeeze %dma_start3A_1704 : memref<1x1024xf32, #tpu.memory_space<vmem>> -> memref<1024xf32, #tpu.memory_space<vmem>>
      %dma_start3A_1706 = arith.constant 0 : i32
      %dma_start3A_1707 = tpu.memref_slice %arg6[%add3A_1700, %dma_start3A_1702, %select_n3A_1068, %dma_start3A_1706] : memref<200x8x32x1024xf32, #tpu.memory_space<hbm>> -> memref<1x1x1x1024xf32, #tpu.memory_space<hbm>>
      %dma_start3A_1708 = tpu.memref_squeeze %dma_start3A_1707 : memref<1x1x1x1024xf32, #tpu.memory_space<hbm>> -> memref<1024xf32, #tpu.memory_space<hbm>>
      %dma_start3A_1709 = arith.constant 0 : i32
      %dma_start3A_1710 = tpu.memref_slice %arg6[%add3A_1700, %dma_start3A_1702, %select_n3A_1068, %dma_start3A_1709] : memref<200x8x32x1024xf32, #tpu.memory_space<hbm>> -> memref<1x1x1x1024xf32, #tpu.memory_space<hbm>>
      %dma_start3A_1711 = tpu.memref_squeeze %dma_start3A_1710 : memref<1x1x1x1024xf32, #tpu.memory_space<hbm>> -> memref<1024xf32, #tpu.memory_space<hbm>>
      %dma_start3A_1712 = arith.constant 5120 : i32
      %dma_start3A_1713 = tpu.memref_slice %arg13[%dma_start3A_1701, %dma_start3A_1712] : memref<4x8192xf32, #tpu.memory_space<vmem>> -> memref<1x1024xf32, #tpu.memory_space<vmem>>
      %dma_start3A_1714 = tpu.memref_squeeze %dma_start3A_1713 : memref<1x1024xf32, #tpu.memory_space<vmem>> -> memref<1024xf32, #tpu.memory_space<vmem>>
      tpu.enqueue_dma source(%dma_start3A_1714 : memref<1024xf32, #tpu.memory_space<vmem>>) target(%dma_start3A_1711 : memref<1024xf32, #tpu.memory_space<hbm>>) target_semaphore(%arg20 : memref<!tpu.dma_semaphore, #tpu.memory_space<semaphore_mem>>)
      %mul3A_1715 = arith.constant 8 : i32
      %mul3A_1716 = arith.muli %select_n3A_1028, %mul3A_1715 : i32
      %mul3A_1717 = arith.constant 4 : i32
      %mul3A_1718 = arith.muli %mul3A_1717, %select_n3A_1084 : i32
      %add3A_1719 = arith.addi %mul3A_1716, %mul3A_1718 : i32
      %add3A_1720 = arith.constant 3 : i32
      %add3A_1721 = arith.addi %add3A_1719, %add3A_1720 : i32
      %dma_start3A_1722 = arith.constant 3 : i32
      %dma_start3A_1723 = arith.constant 6 : i32
      %dma_start3A_1724 = arith.constant 6144 : i32
      %dma_start3A_1725 = tpu.memref_slice %arg13[%dma_start3A_1722, %dma_start3A_1724] : memref<4x8192xf32, #tpu.memory_space<vmem>> -> memref<1x1024xf32, #tpu.memory_space<vmem>>
      %dma_start3A_1726 = tpu.memref_squeeze %dma_start3A_1725 : memref<1x1024xf32, #tpu.memory_space<vmem>> -> memref<1024xf32, #tpu.memory_space<vmem>>
      %dma_start3A_1727 = arith.constant 0 : i32
      %dma_start3A_1728 = tpu.memref_slice %arg6[%add3A_1721, %dma_start3A_1723, %select_n3A_1068, %dma_start3A_1727] : memref<200x8x32x1024xf32, #tpu.memory_space<hbm>> -> memref<1x1x1x1024xf32, #tpu.memory_space<hbm>>
      %dma_start3A_1729 = tpu.memref_squeeze %dma_start3A_1728 : memref<1x1x1x1024xf32, #tpu.memory_space<hbm>> -> memref<1024xf32, #tpu.memory_space<hbm>>
      %dma_start3A_1730 = arith.constant 0 : i32
      %dma_start3A_1731 = tpu.memref_slice %arg6[%add3A_1721, %dma_start3A_1723, %select_n3A_1068, %dma_start3A_1730] : memref<200x8x32x1024xf32, #tpu.memory_space<hbm>> -> memref<1x1x1x1024xf32, #tpu.memory_space<hbm>>
      %dma_start3A_1732 = tpu.memref_squeeze %dma_start3A_1731 : memref<1x1x1x1024xf32, #tpu.memory_space<hbm>> -> memref<1024xf32, #tpu.memory_space<hbm>>
      %dma_start3A_1733 = arith.constant 6144 : i32
      %dma_start3A_1734 = tpu.memref_slice %arg13[%dma_start3A_1722, %dma_start3A_1733] : memref<4x8192xf32, #tpu.memory_space<vmem>> -> memref<1x1024xf32, #tpu.memory_space<vmem>>
      %dma_start3A_1735 = tpu.memref_squeeze %dma_start3A_1734 : memref<1x1024xf32, #tpu.memory_space<vmem>> -> memref<1024xf32, #tpu.memory_space<vmem>>
      tpu.enqueue_dma source(%dma_start3A_1735 : memref<1024xf32, #tpu.memory_space<vmem>>) target(%dma_start3A_1732 : memref<1024xf32, #tpu.memory_space<hbm>>) target_semaphore(%arg20 : memref<!tpu.dma_semaphore, #tpu.memory_space<semaphore_mem>>)
      %mul3A_1736 = arith.constant 8 : i32
      %mul3A_1737 = arith.muli %select_n3A_1028, %mul3A_1736 : i32
      %mul3A_1738 = arith.constant 4 : i32
      %mul3A_1739 = arith.muli %mul3A_1738, %select_n3A_1084 : i32
      %add3A_1740 = arith.addi %mul3A_1737, %mul3A_1739 : i32
      %add3A_1741 = arith.constant 3 : i32
      %add3A_1742 = arith.addi %add3A_1740, %add3A_1741 : i32
      %dma_start3A_1743 = arith.constant 3 : i32
      %dma_start3A_1744 = arith.constant 7 : i32
      %dma_start3A_1745 = arith.constant 7168 : i32
      %dma_start3A_1746 = tpu.memref_slice %arg13[%dma_start3A_1743, %dma_start3A_1745] : memref<4x8192xf32, #tpu.memory_space<vmem>> -> memref<1x1024xf32, #tpu.memory_space<vmem>>
      %dma_start3A_1747 = tpu.memref_squeeze %dma_start3A_1746 : memref<1x1024xf32, #tpu.memory_space<vmem>> -> memref<1024xf32, #tpu.memory_space<vmem>>
      %dma_start3A_1748 = arith.constant 0 : i32
      %dma_start3A_1749 = tpu.memref_slice %arg6[%add3A_1742, %dma_start3A_1744, %select_n3A_1068, %dma_start3A_1748] : memref<200x8x32x1024xf32, #tpu.memory_space<hbm>> -> memref<1x1x1x1024xf32, #tpu.memory_space<hbm>>
      %dma_start3A_1750 = tpu.memref_squeeze %dma_start3A_1749 : memref<1x1x1x1024xf32, #tpu.memory_space<hbm>> -> memref<1024xf32, #tpu.memory_space<hbm>>
      %dma_start3A_1751 = arith.constant 0 : i32
      %dma_start3A_1752 = tpu.memref_slice %arg6[%add3A_1742, %dma_start3A_1744, %select_n3A_1068, %dma_start3A_1751] : memref<200x8x32x1024xf32, #tpu.memory_space<hbm>> -> memref<1x1x1x1024xf32, #tpu.memory_space<hbm>>
      %dma_start3A_1753 = tpu.memref_squeeze %dma_start3A_1752 : memref<1x1x1x1024xf32, #tpu.memory_space<hbm>> -> memref<1024xf32, #tpu.memory_space<hbm>>
      %dma_start3A_1754 = arith.constant 7168 : i32
      %dma_start3A_1755 = tpu.memref_slice %arg13[%dma_start3A_1743, %dma_start3A_1754] : memref<4x8192xf32, #tpu.memory_space<vmem>> -> memref<1x1024xf32, #tpu.memory_space<vmem>>
      %dma_start3A_1756 = tpu.memref_squeeze %dma_start3A_1755 : memref<1x1024xf32, #tpu.memory_space<vmem>> -> memref<1024xf32, #tpu.memory_space<vmem>>
      tpu.enqueue_dma source(%dma_start3A_1756 : memref<1024xf32, #tpu.memory_space<vmem>>) target(%dma_start3A_1753 : memref<1024xf32, #tpu.memory_space<hbm>>) target_semaphore(%arg20 : memref<!tpu.dma_semaphore, #tpu.memory_space<semaphore_mem>>)
      %add3A_1757 = arith.constant 2 : i32
      %add3A_1758 = arith.addi %add3A_982, %add3A_1757 : i32
      %lt3A_1759 = arith.cmpi slt, %add3A_1758, %add3A_4 : i32
      %convert_element_type3A_1760 = arith.extui %lt3A_1759 : i1 to i32
      %cond3A_1761 = arith.constant 0 : i32
      %cond3A_1762 = arith.cmpi ne, %convert_element_type3A_1760, %cond3A_1761 : i32
      scf.if %cond3A_1762 {
        %add3A_2551 = arith.constant 2 : i32
        %add3A_2552 = arith.addi %add3A_982, %add3A_2551 : i32
        %jit3A_2553 = arith.constant 64 : i32
        %div3A_2554 = arith.divsi %add3A_2552, %jit3A_2553 : i32
        %sign3A_2555 = arith.constant 0 : i32
        %sign3A_2556 = arith.cmpi sgt, %add3A_2552, %sign3A_2555 : i32
        %sign3A_2557 = arith.extui %sign3A_2556 : i1 to i32
        %sign3A_2558 = arith.constant 0 : i32
        %sign3A_2559 = arith.cmpi slt, %add3A_2552, %sign3A_2558 : i32
        %sign3A_2560 = arith.extui %sign3A_2559 : i1 to i32
        %sign3A_2561 = arith.subi %sign3A_2557, %sign3A_2560 : i32
        %sign3A_2562 = arith.constant 0 : i32
        %sign3A_2563 = arith.cmpi sgt, %jit3A_2553, %sign3A_2562 : i32
        %sign3A_2564 = arith.extui %sign3A_2563 : i1 to i32
        %sign3A_2565 = arith.constant 0 : i32
        %sign3A_2566 = arith.cmpi slt, %jit3A_2553, %sign3A_2565 : i32
        %sign3A_2567 = arith.extui %sign3A_2566 : i1 to i32
        %sign3A_2568 = arith.subi %sign3A_2564, %sign3A_2567 : i32
        %ne3A_2569 = arith.cmpi ne, %sign3A_2561, %sign3A_2568 : i32
        %rem3A_2570 = arith.remsi %add3A_2552, %jit3A_2553 : i32
        %ne3A_2571 = arith.constant 0 : i32
        %ne3A_2572 = arith.cmpi ne, %rem3A_2570, %ne3A_2571 : i32
        %and3A_2573 = arith.andi %ne3A_2569, %ne3A_2572 : i1
        %sub3A_2574 = arith.constant 1 : i32
        %sub3A_2575 = arith.subi %div3A_2554, %sub3A_2574 : i32
        %select_n3A_2576 = arith.select %and3A_2573, %sub3A_2575, %div3A_2554 : i32
        %jit3A_2577 = arith.constant 64 : i32
        %eq3A_2578 = arith.constant 0 : i32
        %eq3A_2579 = arith.cmpi eq, %jit3A_2577, %eq3A_2578 : i32
        %jit3A_2580 = arith.constant 1 : i32
        %select_n3A_2581 = arith.select %eq3A_2579, %jit3A_2580, %jit3A_2577 : i32
        %rem3A_2582 = arith.remsi %add3A_2552, %select_n3A_2581 : i32
        %ne3A_2583 = arith.constant 0 : i32
        %ne3A_2584 = arith.cmpi ne, %rem3A_2582, %ne3A_2583 : i32
        %lt3A_2585 = arith.constant 0 : i32
        %lt3A_2586 = arith.cmpi slt, %rem3A_2582, %lt3A_2585 : i32
        %lt3A_2587 = arith.constant 0 : i32
        %lt3A_2588 = arith.cmpi slt, %select_n3A_2581, %lt3A_2587 : i32
        %ne3A_2589 = arith.xori %lt3A_2586, %lt3A_2588 : i1
        %and3A_2590 = arith.andi %ne3A_2589, %ne3A_2584 : i1
        %add3A_2591 = arith.addi %rem3A_2582, %select_n3A_2581 : i32
        %select_n3A_2592 = arith.select %and3A_2590, %add3A_2591, %rem3A_2582 : i32
        %jit3A_2593 = arith.constant 2 : i32
        %div3A_2594 = arith.divsi %select_n3A_2592, %jit3A_2593 : i32
        %sign3A_2595 = arith.constant 0 : i32
        %sign3A_2596 = arith.cmpi sgt, %select_n3A_2592, %sign3A_2595 : i32
        %sign3A_2597 = arith.extui %sign3A_2596 : i1 to i32
        %sign3A_2598 = arith.constant 0 : i32
        %sign3A_2599 = arith.cmpi slt, %select_n3A_2592, %sign3A_2598 : i32
        %sign3A_2600 = arith.extui %sign3A_2599 : i1 to i32
        %sign3A_2601 = arith.subi %sign3A_2597, %sign3A_2600 : i32
        %sign3A_2602 = arith.constant 0 : i32
        %sign3A_2603 = arith.cmpi sgt, %jit3A_2593, %sign3A_2602 : i32
        %sign3A_2604 = arith.extui %sign3A_2603 : i1 to i32
        %sign3A_2605 = arith.constant 0 : i32
        %sign3A_2606 = arith.cmpi slt, %jit3A_2593, %sign3A_2605 : i32
        %sign3A_2607 = arith.extui %sign3A_2606 : i1 to i32
        %sign3A_2608 = arith.subi %sign3A_2604, %sign3A_2607 : i32
        %ne3A_2609 = arith.cmpi ne, %sign3A_2601, %sign3A_2608 : i32
        %rem3A_2610 = arith.remsi %select_n3A_2592, %jit3A_2593 : i32
        %ne3A_2611 = arith.constant 0 : i32
        %ne3A_2612 = arith.cmpi ne, %rem3A_2610, %ne3A_2611 : i32
        %and3A_2613 = arith.andi %ne3A_2609, %ne3A_2612 : i1
        %sub3A_2614 = arith.constant 1 : i32
        %sub3A_2615 = arith.subi %div3A_2594, %sub3A_2614 : i32
        %select_n3A_2616 = arith.select %and3A_2613, %sub3A_2615, %div3A_2594 : i32
        %jit3A_2617 = arith.constant 2 : i32
        %eq3A_2618 = arith.constant 0 : i32
        %eq3A_2619 = arith.cmpi eq, %jit3A_2617, %eq3A_2618 : i32
        %jit3A_2620 = arith.constant 1 : i32
        %select_n3A_2621 = arith.select %eq3A_2619, %jit3A_2620, %jit3A_2617 : i32
        %rem3A_2622 = arith.remsi %select_n3A_2592, %select_n3A_2621 : i32
        %ne3A_2623 = arith.constant 0 : i32
        %ne3A_2624 = arith.cmpi ne, %rem3A_2622, %ne3A_2623 : i32
        %lt3A_2625 = arith.constant 0 : i32
        %lt3A_2626 = arith.cmpi slt, %rem3A_2622, %lt3A_2625 : i32
        %lt3A_2627 = arith.constant 0 : i32
        %lt3A_2628 = arith.cmpi slt, %select_n3A_2621, %lt3A_2627 : i32
        %ne3A_2629 = arith.xori %lt3A_2626, %lt3A_2628 : i1
        %and3A_2630 = arith.andi %ne3A_2629, %ne3A_2624 : i1
        %add3A_2631 = arith.addi %rem3A_2622, %select_n3A_2621 : i32
        %select_n3A_2632 = arith.select %and3A_2630, %add3A_2631, %rem3A_2622 : i32
        %mul3A_2633 = arith.constant 512 : i32
        %mul3A_2634 = arith.muli %mul3A_2633, %select_n3A_2632 : i32
        %dma_start3A_2635 = tpu.memref_slice %arg2[%select_n3A_2576, %select_n3A_2616, %mul3A_2634] : memref<25x32x1024xi32, #tpu.memory_space<hbm>> -> memref<1x1x512xi32, #tpu.memory_space<hbm>>
        %dma_start3A_2636 = tpu.memref_squeeze %dma_start3A_2635 : memref<1x1x512xi32, #tpu.memory_space<hbm>> -> memref<512xi32, #tpu.memory_space<hbm>>
        %dma_start3A_2637 = tpu.memref_slice %arg2[%select_n3A_2576, %select_n3A_2616, %mul3A_2634] : memref<25x32x1024xi32, #tpu.memory_space<hbm>> -> memref<1x1x512xi32, #tpu.memory_space<hbm>>
        %dma_start3A_2638 = tpu.memref_squeeze %dma_start3A_2637 : memref<1x1x512xi32, #tpu.memory_space<hbm>> -> memref<512xi32, #tpu.memory_space<hbm>>
        tpu.enqueue_dma source(%dma_start3A_2638 : memref<512xi32, #tpu.memory_space<hbm>>) target(%arg7 : memref<512xi32, #tpu.memory_space<vmem>>) target_semaphore(%arg14 : memref<!tpu.dma_semaphore, #tpu.memory_space<semaphore_mem>>)
        %dma_start3A_2639 = tpu.memref_slice %arg3[%select_n3A_2576, %select_n3A_2616, %mul3A_2634] : memref<25x32x1024xi32, #tpu.memory_space<hbm>> -> memref<1x1x512xi32, #tpu.memory_space<hbm>>
        %dma_start3A_2640 = tpu.memref_squeeze %dma_start3A_2639 : memref<1x1x512xi32, #tpu.memory_space<hbm>> -> memref<512xi32, #tpu.memory_space<hbm>>
        %dma_start3A_2641 = tpu.memref_slice %arg3[%select_n3A_2576, %select_n3A_2616, %mul3A_2634] : memref<25x32x1024xi32, #tpu.memory_space<hbm>> -> memref<1x1x512xi32, #tpu.memory_space<hbm>>
        %dma_start3A_2642 = tpu.memref_squeeze %dma_start3A_2641 : memref<1x1x512xi32, #tpu.memory_space<hbm>> -> memref<512xi32, #tpu.memory_space<hbm>>
        tpu.enqueue_dma source(%dma_start3A_2642 : memref<512xi32, #tpu.memory_space<hbm>>) target(%arg9 : memref<512xi32, #tpu.memory_space<vmem>>) target_semaphore(%arg14 : memref<!tpu.dma_semaphore, #tpu.memory_space<semaphore_mem>>)
      } else {
      }
      %mul3A_1763 = arith.constant 2 : i32
      %mul3A_1764 = arith.muli %scan3A_977, %mul3A_1763 : i32
      %add3A_1765 = arith.addi %mul3A_2, %mul3A_1764 : i32
      %add3A_1766 = arith.constant 1 : i32
      %add3A_1767 = arith.addi %add3A_1765, %add3A_1766 : i32
      %dma_wait3A_1768 = arith.constant 0 : i32
      %dma_wait3A_1769 = arith.constant 0 : i32
      %dma_wait3A_1770 = tpu.memref_slice %arg5[%dma_wait3A_1768, %dma_wait3A_1769] : memref<200x64xf32, #tpu.memory_space<hbm>> -> memref<200x64xf32, #tpu.memory_space<hbm>>
      tpu.wait_indirect_dma semaphore(%arg17 : memref<!tpu.dma_semaphore, #tpu.memory_space<semaphore_mem>>) src(%dma_wait3A_1770 : memref<200x64xf32, #tpu.memory_space<hbm>>) dst(%arg12 : memref<512x64xf32, #tpu.memory_space<vmem>>)
      %dma_start3A_1771 = arith.constant 0 : i32
      %dma_start3A_1772 = arith.constant 0 : i32
      %dma_start3A_1773 = tpu.memref_slice %arg4[%dma_start3A_1771, %dma_start3A_1772] : memref<1000000x64xf32, #tpu.memory_space<hbm>> -> memref<1000000x64xf32, #tpu.memory_space<hbm>>
      tpu.enqueue_indirect_dma source(%dma_start3A_1773 : memref<1000000x64xf32, #tpu.memory_space<hbm>>) target(%arg12 : memref<512x64xf32, #tpu.memory_space<vmem>>) offsets(%arg8 : memref<512xi32, #tpu.memory_space<vmem>>) semaphore(%arg19 : memref<!tpu.dma_semaphore, #tpu.memory_space<semaphore_mem>>) {add = true}
      %add3A_1774 = arith.constant 1 : i32
      %add3A_1775 = arith.addi %add3A_1767, %add3A_1774 : i32
      %lt3A_1776 = arith.cmpi slt, %add3A_1775, %add3A_4 : i32
      %convert_element_type3A_1777 = arith.extui %lt3A_1776 : i1 to i32
      %cond3A_1778 = arith.constant 0 : i32
      %cond3A_1779 = arith.cmpi ne, %convert_element_type3A_1777, %cond3A_1778 : i32
      scf.if %cond3A_1779 {
        %dma_wait3A_2551 = arith.constant 0 : i32
        %dma_wait3A_2552 = arith.constant 0 : i32
        %dma_wait3A_2553 = arith.constant 0 : i32
        %dma_wait3A_2554 = tpu.memref_slice %arg2[%dma_wait3A_2551, %dma_wait3A_2552, %dma_wait3A_2553] : memref<25x32x1024xi32, #tpu.memory_space<hbm>> -> memref<1x1x512xi32, #tpu.memory_space<hbm>>
        %dma_wait3A_2555 = tpu.memref_squeeze %dma_wait3A_2554 : memref<1x1x512xi32, #tpu.memory_space<hbm>> -> memref<512xi32, #tpu.memory_space<hbm>>
        %dma_wait3A_2556 = arith.constant 0 : i32
        %dma_wait3A_2557 = tpu.memref_slice %arg2[%dma_wait3A_2551, %dma_wait3A_2552, %dma_wait3A_2556] : memref<25x32x1024xi32, #tpu.memory_space<hbm>> -> memref<1x1x512xi32, #tpu.memory_space<hbm>>
        %dma_wait3A_2558 = tpu.memref_squeeze %dma_wait3A_2557 : memref<1x1x512xi32, #tpu.memory_space<hbm>> -> memref<512xi32, #tpu.memory_space<hbm>>
        tpu.wait_dma2 semaphore(%arg14 : memref<!tpu.dma_semaphore, #tpu.memory_space<semaphore_mem>>) src(%dma_wait3A_2558 : memref<512xi32, #tpu.memory_space<hbm>>) dst(%arg7 : memref<512xi32, #tpu.memory_space<vmem>>)
        %dma_wait3A_2559 = arith.constant 0 : i32
        %dma_wait3A_2560 = arith.constant 0 : i32
        %dma_wait3A_2561 = arith.constant 0 : i32
        %dma_wait3A_2562 = tpu.memref_slice %arg3[%dma_wait3A_2559, %dma_wait3A_2560, %dma_wait3A_2561] : memref<25x32x1024xi32, #tpu.memory_space<hbm>> -> memref<1x1x512xi32, #tpu.memory_space<hbm>>
        %dma_wait3A_2563 = tpu.memref_squeeze %dma_wait3A_2562 : memref<1x1x512xi32, #tpu.memory_space<hbm>> -> memref<512xi32, #tpu.memory_space<hbm>>
        %dma_wait3A_2564 = arith.constant 0 : i32
        %dma_wait3A_2565 = tpu.memref_slice %arg3[%dma_wait3A_2559, %dma_wait3A_2560, %dma_wait3A_2564] : memref<25x32x1024xi32, #tpu.memory_space<hbm>> -> memref<1x1x512xi32, #tpu.memory_space<hbm>>
        %dma_wait3A_2566 = tpu.memref_squeeze %dma_wait3A_2565 : memref<1x1x512xi32, #tpu.memory_space<hbm>> -> memref<512xi32, #tpu.memory_space<hbm>>
        tpu.wait_dma2 semaphore(%arg14 : memref<!tpu.dma_semaphore, #tpu.memory_space<semaphore_mem>>) src(%dma_wait3A_2566 : memref<512xi32, #tpu.memory_space<hbm>>) dst(%arg9 : memref<512xi32, #tpu.memory_space<vmem>>)
        %dma_start3A_2567 = arith.constant 0 : i32
        %dma_start3A_2568 = arith.constant 0 : i32
        %dma_start3A_2569 = tpu.memref_slice %arg5[%dma_start3A_2567, %dma_start3A_2568] : memref<200x64xf32, #tpu.memory_space<hbm>> -> memref<200x64xf32, #tpu.memory_space<hbm>>
        tpu.enqueue_indirect_dma source(%dma_start3A_2569 : memref<200x64xf32, #tpu.memory_space<hbm>>) target(%arg11 : memref<512x64xf32, #tpu.memory_space<vmem>>) offsets(%arg9 : memref<512xi32, #tpu.memory_space<vmem>>) semaphore(%arg16 : memref<!tpu.dma_semaphore, #tpu.memory_space<semaphore_mem>>)
      } else {
      }
      %dma_wait3A_1780 = arith.constant 0 : i32
      %dma_wait3A_1781 = arith.constant 0 : i32
      %dma_wait3A_1782 = tpu.memref_slice %arg4[%dma_wait3A_1780, %dma_wait3A_1781] : memref<1000000x64xf32, #tpu.memory_space<hbm>> -> memref<1000000x64xf32, #tpu.memory_space<hbm>>
      tpu.wait_indirect_dma semaphore(%arg19 : memref<!tpu.dma_semaphore, #tpu.memory_space<semaphore_mem>>) src(%dma_wait3A_1782 : memref<1000000x64xf32, #tpu.memory_space<hbm>>) dst(%arg12 : memref<512x64xf32, #tpu.memory_space<vmem>>)
      %gt3A_1783 = arith.cmpi sgt, %add3A_1767, %mul3A_2 : i32
      %convert_element_type3A_1784 = arith.extui %gt3A_1783 : i1 to i32
      %cond3A_1785 = arith.constant 0 : i32
      %cond3A_1786 = arith.cmpi ne, %convert_element_type3A_1784, %cond3A_1785 : i32
      scf.if %cond3A_1786 {
        %jit3A_2551 = arith.constant 64 : i32
        %div3A_2552 = arith.divsi %add3A_1767, %jit3A_2551 : i32
        %sign3A_2553 = arith.constant 0 : i32
        %sign3A_2554 = arith.cmpi sgt, %add3A_1767, %sign3A_2553 : i32
        %sign3A_2555 = arith.extui %sign3A_2554 : i1 to i32
        %sign3A_2556 = arith.constant 0 : i32
        %sign3A_2557 = arith.cmpi slt, %add3A_1767, %sign3A_2556 : i32
        %sign3A_2558 = arith.extui %sign3A_2557 : i1 to i32
        %sign3A_2559 = arith.subi %sign3A_2555, %sign3A_2558 : i32
        %sign3A_2560 = arith.constant 0 : i32
        %sign3A_2561 = arith.cmpi sgt, %jit3A_2551, %sign3A_2560 : i32
        %sign3A_2562 = arith.extui %sign3A_2561 : i1 to i32
        %sign3A_2563 = arith.constant 0 : i32
        %sign3A_2564 = arith.cmpi slt, %jit3A_2551, %sign3A_2563 : i32
        %sign3A_2565 = arith.extui %sign3A_2564 : i1 to i32
        %sign3A_2566 = arith.subi %sign3A_2562, %sign3A_2565 : i32
        %ne3A_2567 = arith.cmpi ne, %sign3A_2559, %sign3A_2566 : i32
        %rem3A_2568 = arith.remsi %add3A_1767, %jit3A_2551 : i32
        %ne3A_2569 = arith.constant 0 : i32
        %ne3A_2570 = arith.cmpi ne, %rem3A_2568, %ne3A_2569 : i32
        %and3A_2571 = arith.andi %ne3A_2567, %ne3A_2570 : i1
        %sub3A_2572 = arith.constant 1 : i32
        %sub3A_2573 = arith.subi %div3A_2552, %sub3A_2572 : i32
        %select_n3A_2574 = arith.select %and3A_2571, %sub3A_2573, %div3A_2552 : i32
        %jit3A_2575 = arith.constant 64 : i32
        %eq3A_2576 = arith.constant 0 : i32
        %eq3A_2577 = arith.cmpi eq, %jit3A_2575, %eq3A_2576 : i32
        %jit3A_2578 = arith.constant 1 : i32
        %select_n3A_2579 = arith.select %eq3A_2577, %jit3A_2578, %jit3A_2575 : i32
        %rem3A_2580 = arith.remsi %add3A_1767, %select_n3A_2579 : i32
        %ne3A_2581 = arith.constant 0 : i32
        %ne3A_2582 = arith.cmpi ne, %rem3A_2580, %ne3A_2581 : i32
        %lt3A_2583 = arith.constant 0 : i32
        %lt3A_2584 = arith.cmpi slt, %rem3A_2580, %lt3A_2583 : i32
        %lt3A_2585 = arith.constant 0 : i32
        %lt3A_2586 = arith.cmpi slt, %select_n3A_2579, %lt3A_2585 : i32
        %ne3A_2587 = arith.xori %lt3A_2584, %lt3A_2586 : i1
        %and3A_2588 = arith.andi %ne3A_2587, %ne3A_2582 : i1
        %add3A_2589 = arith.addi %rem3A_2580, %select_n3A_2579 : i32
        %select_n3A_2590 = arith.select %and3A_2588, %add3A_2589, %rem3A_2580 : i32
        %jit3A_2591 = arith.constant 2 : i32
        %div3A_2592 = arith.divsi %select_n3A_2590, %jit3A_2591 : i32
        %sign3A_2593 = arith.constant 0 : i32
        %sign3A_2594 = arith.cmpi sgt, %select_n3A_2590, %sign3A_2593 : i32
        %sign3A_2595 = arith.extui %sign3A_2594 : i1 to i32
        %sign3A_2596 = arith.constant 0 : i32
        %sign3A_2597 = arith.cmpi slt, %select_n3A_2590, %sign3A_2596 : i32
        %sign3A_2598 = arith.extui %sign3A_2597 : i1 to i32
        %sign3A_2599 = arith.subi %sign3A_2595, %sign3A_2598 : i32
        %sign3A_2600 = arith.constant 0 : i32
        %sign3A_2601 = arith.cmpi sgt, %jit3A_2591, %sign3A_2600 : i32
        %sign3A_2602 = arith.extui %sign3A_2601 : i1 to i32
        %sign3A_2603 = arith.constant 0 : i32
        %sign3A_2604 = arith.cmpi slt, %jit3A_2591, %sign3A_2603 : i32
        %sign3A_2605 = arith.extui %sign3A_2604 : i1 to i32
        %sign3A_2606 = arith.subi %sign3A_2602, %sign3A_2605 : i32
        %ne3A_2607 = arith.cmpi ne, %sign3A_2599, %sign3A_2606 : i32
        %rem3A_2608 = arith.remsi %select_n3A_2590, %jit3A_2591 : i32
        %ne3A_2609 = arith.constant 0 : i32
        %ne3A_2610 = arith.cmpi ne, %rem3A_2608, %ne3A_2609 : i32
        %and3A_2611 = arith.andi %ne3A_2607, %ne3A_2610 : i1
        %sub3A_2612 = arith.constant 1 : i32
        %sub3A_2613 = arith.subi %div3A_2592, %sub3A_2612 : i32
        %select_n3A_2614 = arith.select %and3A_2611, %sub3A_2613, %div3A_2592 : i32
        %jit3A_2615 = arith.constant 2 : i32
        %eq3A_2616 = arith.constant 0 : i32
        %eq3A_2617 = arith.cmpi eq, %jit3A_2615, %eq3A_2616 : i32
        %jit3A_2618 = arith.constant 1 : i32
        %select_n3A_2619 = arith.select %eq3A_2617, %jit3A_2618, %jit3A_2615 : i32
        %rem3A_2620 = arith.remsi %select_n3A_2590, %select_n3A_2619 : i32
        %ne3A_2621 = arith.constant 0 : i32
        %ne3A_2622 = arith.cmpi ne, %rem3A_2620, %ne3A_2621 : i32
        %lt3A_2623 = arith.constant 0 : i32
        %lt3A_2624 = arith.cmpi slt, %rem3A_2620, %lt3A_2623 : i32
        %lt3A_2625 = arith.constant 0 : i32
        %lt3A_2626 = arith.cmpi slt, %select_n3A_2619, %lt3A_2625 : i32
        %ne3A_2627 = arith.xori %lt3A_2624, %lt3A_2626 : i1
        %and3A_2628 = arith.andi %ne3A_2627, %ne3A_2622 : i1
        %add3A_2629 = arith.addi %rem3A_2620, %select_n3A_2619 : i32
        %select_n3A_2630 = arith.select %and3A_2628, %add3A_2629, %rem3A_2620 : i32
        %mul3A_2631 = arith.constant 8 : i32
        %mul3A_2632 = arith.muli %select_n3A_2574, %mul3A_2631 : i32
        %mul3A_2633 = arith.constant 4 : i32
        %mul3A_2634 = arith.muli %mul3A_2633, %select_n3A_2630 : i32
        %add3A_2635 = arith.addi %mul3A_2632, %mul3A_2634 : i32
        %add3A_2636 = arith.constant 0 : i32
        %add3A_2637 = arith.addi %add3A_2635, %add3A_2636 : i32
        %dma_wait3A_2638 = arith.constant 0 : i32
        %dma_wait3A_2639 = arith.constant 0 : i32
        %dma_wait3A_2640 = arith.constant 0 : i32
        %dma_wait3A_2641 = tpu.memref_slice %arg13[%dma_wait3A_2638, %dma_wait3A_2640] : memref<4x8192xf32, #tpu.memory_space<vmem>> -> memref<1x1024xf32, #tpu.memory_space<vmem>>
        %dma_wait3A_2642 = tpu.memref_squeeze %dma_wait3A_2641 : memref<1x1024xf32, #tpu.memory_space<vmem>> -> memref<1024xf32, #tpu.memory_space<vmem>>
        %dma_wait3A_2643 = arith.constant 0 : i32
        %dma_wait3A_2644 = tpu.memref_slice %arg6[%add3A_2637, %dma_wait3A_2639, %select_n3A_2614, %dma_wait3A_2643] : memref<200x8x32x1024xf32, #tpu.memory_space<hbm>> -> memref<1x1x1x1024xf32, #tpu.memory_space<hbm>>
        %dma_wait3A_2645 = tpu.memref_squeeze %dma_wait3A_2644 : memref<1x1x1x1024xf32, #tpu.memory_space<hbm>> -> memref<1024xf32, #tpu.memory_space<hbm>>
        %dma_wait3A_2646 = arith.constant 0 : i32
        %dma_wait3A_2647 = tpu.memref_slice %arg6[%add3A_2637, %dma_wait3A_2639, %select_n3A_2614, %dma_wait3A_2646] : memref<200x8x32x1024xf32, #tpu.memory_space<hbm>> -> memref<1x1x1x1024xf32, #tpu.memory_space<hbm>>
        %dma_wait3A_2648 = tpu.memref_squeeze %dma_wait3A_2647 : memref<1x1x1x1024xf32, #tpu.memory_space<hbm>> -> memref<1024xf32, #tpu.memory_space<hbm>>
        %dma_wait3A_2649 = arith.constant 0 : i32
        %dma_wait3A_2650 = tpu.memref_slice %arg13[%dma_wait3A_2638, %dma_wait3A_2649] : memref<4x8192xf32, #tpu.memory_space<vmem>> -> memref<1x1024xf32, #tpu.memory_space<vmem>>
        %dma_wait3A_2651 = tpu.memref_squeeze %dma_wait3A_2650 : memref<1x1024xf32, #tpu.memory_space<vmem>> -> memref<1024xf32, #tpu.memory_space<vmem>>
        tpu.wait_dma2 semaphore(%arg20 : memref<!tpu.dma_semaphore, #tpu.memory_space<semaphore_mem>>) src(%dma_wait3A_2651 : memref<1024xf32, #tpu.memory_space<vmem>>) dst(%dma_wait3A_2648 : memref<1024xf32, #tpu.memory_space<hbm>>)
        %mul3A_2652 = arith.constant 8 : i32
        %mul3A_2653 = arith.muli %select_n3A_2574, %mul3A_2652 : i32
        %mul3A_2654 = arith.constant 4 : i32
        %mul3A_2655 = arith.muli %mul3A_2654, %select_n3A_2630 : i32
        %add3A_2656 = arith.addi %mul3A_2653, %mul3A_2655 : i32
        %add3A_2657 = arith.constant 0 : i32
        %add3A_2658 = arith.addi %add3A_2656, %add3A_2657 : i32
        %dma_wait3A_2659 = arith.constant 0 : i32
        %dma_wait3A_2660 = arith.constant 1 : i32
        %dma_wait3A_2661 = arith.constant 1024 : i32
        %dma_wait3A_2662 = tpu.memref_slice %arg13[%dma_wait3A_2659, %dma_wait3A_2661] : memref<4x8192xf32, #tpu.memory_space<vmem>> -> memref<1x1024xf32, #tpu.memory_space<vmem>>
        %dma_wait3A_2663 = tpu.memref_squeeze %dma_wait3A_2662 : memref<1x1024xf32, #tpu.memory_space<vmem>> -> memref<1024xf32, #tpu.memory_space<vmem>>
        %dma_wait3A_2664 = arith.constant 0 : i32
        %dma_wait3A_2665 = tpu.memref_slice %arg6[%add3A_2658, %dma_wait3A_2660, %select_n3A_2614, %dma_wait3A_2664] : memref<200x8x32x1024xf32, #tpu.memory_space<hbm>> -> memref<1x1x1x1024xf32, #tpu.memory_space<hbm>>
        %dma_wait3A_2666 = tpu.memref_squeeze %dma_wait3A_2665 : memref<1x1x1x1024xf32, #tpu.memory_space<hbm>> -> memref<1024xf32, #tpu.memory_space<hbm>>
        %dma_wait3A_2667 = arith.constant 0 : i32
        %dma_wait3A_2668 = tpu.memref_slice %arg6[%add3A_2658, %dma_wait3A_2660, %select_n3A_2614, %dma_wait3A_2667] : memref<200x8x32x1024xf32, #tpu.memory_space<hbm>> -> memref<1x1x1x1024xf32, #tpu.memory_space<hbm>>
        %dma_wait3A_2669 = tpu.memref_squeeze %dma_wait3A_2668 : memref<1x1x1x1024xf32, #tpu.memory_space<hbm>> -> memref<1024xf32, #tpu.memory_space<hbm>>
        %dma_wait3A_2670 = arith.constant 1024 : i32
        %dma_wait3A_2671 = tpu.memref_slice %arg13[%dma_wait3A_2659, %dma_wait3A_2670] : memref<4x8192xf32, #tpu.memory_space<vmem>> -> memref<1x1024xf32, #tpu.memory_space<vmem>>
        %dma_wait3A_2672 = tpu.memref_squeeze %dma_wait3A_2671 : memref<1x1024xf32, #tpu.memory_space<vmem>> -> memref<1024xf32, #tpu.memory_space<vmem>>
        tpu.wait_dma2 semaphore(%arg20 : memref<!tpu.dma_semaphore, #tpu.memory_space<semaphore_mem>>) src(%dma_wait3A_2672 : memref<1024xf32, #tpu.memory_space<vmem>>) dst(%dma_wait3A_2669 : memref<1024xf32, #tpu.memory_space<hbm>>)
        %mul3A_2673 = arith.constant 8 : i32
        %mul3A_2674 = arith.muli %select_n3A_2574, %mul3A_2673 : i32
        %mul3A_2675 = arith.constant 4 : i32
        %mul3A_2676 = arith.muli %mul3A_2675, %select_n3A_2630 : i32
        %add3A_2677 = arith.addi %mul3A_2674, %mul3A_2676 : i32
        %add3A_2678 = arith.constant 0 : i32
        %add3A_2679 = arith.addi %add3A_2677, %add3A_2678 : i32
        %dma_wait3A_2680 = arith.constant 0 : i32
        %dma_wait3A_2681 = arith.constant 2 : i32
        %dma_wait3A_2682 = arith.constant 2048 : i32
        %dma_wait3A_2683 = tpu.memref_slice %arg13[%dma_wait3A_2680, %dma_wait3A_2682] : memref<4x8192xf32, #tpu.memory_space<vmem>> -> memref<1x1024xf32, #tpu.memory_space<vmem>>
        %dma_wait3A_2684 = tpu.memref_squeeze %dma_wait3A_2683 : memref<1x1024xf32, #tpu.memory_space<vmem>> -> memref<1024xf32, #tpu.memory_space<vmem>>
        %dma_wait3A_2685 = arith.constant 0 : i32
        %dma_wait3A_2686 = tpu.memref_slice %arg6[%add3A_2679, %dma_wait3A_2681, %select_n3A_2614, %dma_wait3A_2685] : memref<200x8x32x1024xf32, #tpu.memory_space<hbm>> -> memref<1x1x1x1024xf32, #tpu.memory_space<hbm>>
        %dma_wait3A_2687 = tpu.memref_squeeze %dma_wait3A_2686 : memref<1x1x1x1024xf32, #tpu.memory_space<hbm>> -> memref<1024xf32, #tpu.memory_space<hbm>>
        %dma_wait3A_2688 = arith.constant 0 : i32
        %dma_wait3A_2689 = tpu.memref_slice %arg6[%add3A_2679, %dma_wait3A_2681, %select_n3A_2614, %dma_wait3A_2688] : memref<200x8x32x1024xf32, #tpu.memory_space<hbm>> -> memref<1x1x1x1024xf32, #tpu.memory_space<hbm>>
        %dma_wait3A_2690 = tpu.memref_squeeze %dma_wait3A_2689 : memref<1x1x1x1024xf32, #tpu.memory_space<hbm>> -> memref<1024xf32, #tpu.memory_space<hbm>>
        %dma_wait3A_2691 = arith.constant 2048 : i32
        %dma_wait3A_2692 = tpu.memref_slice %arg13[%dma_wait3A_2680, %dma_wait3A_2691] : memref<4x8192xf32, #tpu.memory_space<vmem>> -> memref<1x1024xf32, #tpu.memory_space<vmem>>
        %dma_wait3A_2693 = tpu.memref_squeeze %dma_wait3A_2692 : memref<1x1024xf32, #tpu.memory_space<vmem>> -> memref<1024xf32, #tpu.memory_space<vmem>>
        tpu.wait_dma2 semaphore(%arg20 : memref<!tpu.dma_semaphore, #tpu.memory_space<semaphore_mem>>) src(%dma_wait3A_2693 : memref<1024xf32, #tpu.memory_space<vmem>>) dst(%dma_wait3A_2690 : memref<1024xf32, #tpu.memory_space<hbm>>)
        %mul3A_2694 = arith.constant 8 : i32
        %mul3A_2695 = arith.muli %select_n3A_2574, %mul3A_2694 : i32
        %mul3A_2696 = arith.constant 4 : i32
        %mul3A_2697 = arith.muli %mul3A_2696, %select_n3A_2630 : i32
        %add3A_2698 = arith.addi %mul3A_2695, %mul3A_2697 : i32
        %add3A_2699 = arith.constant 0 : i32
        %add3A_2700 = arith.addi %add3A_2698, %add3A_2699 : i32
        %dma_wait3A_2701 = arith.constant 0 : i32
        %dma_wait3A_2702 = arith.constant 3 : i32
        %dma_wait3A_2703 = arith.constant 3072 : i32
        %dma_wait3A_2704 = tpu.memref_slice %arg13[%dma_wait3A_2701, %dma_wait3A_2703] : memref<4x8192xf32, #tpu.memory_space<vmem>> -> memref<1x1024xf32, #tpu.memory_space<vmem>>
        %dma_wait3A_2705 = tpu.memref_squeeze %dma_wait3A_2704 : memref<1x1024xf32, #tpu.memory_space<vmem>> -> memref<1024xf32, #tpu.memory_space<vmem>>
        %dma_wait3A_2706 = arith.constant 0 : i32
        %dma_wait3A_2707 = tpu.memref_slice %arg6[%add3A_2700, %dma_wait3A_2702, %select_n3A_2614, %dma_wait3A_2706] : memref<200x8x32x1024xf32, #tpu.memory_space<hbm>> -> memref<1x1x1x1024xf32, #tpu.memory_space<hbm>>
        %dma_wait3A_2708 = tpu.memref_squeeze %dma_wait3A_2707 : memref<1x1x1x1024xf32, #tpu.memory_space<hbm>> -> memref<1024xf32, #tpu.memory_space<hbm>>
        %dma_wait3A_2709 = arith.constant 0 : i32
        %dma_wait3A_2710 = tpu.memref_slice %arg6[%add3A_2700, %dma_wait3A_2702, %select_n3A_2614, %dma_wait3A_2709] : memref<200x8x32x1024xf32, #tpu.memory_space<hbm>> -> memref<1x1x1x1024xf32, #tpu.memory_space<hbm>>
        %dma_wait3A_2711 = tpu.memref_squeeze %dma_wait3A_2710 : memref<1x1x1x1024xf32, #tpu.memory_space<hbm>> -> memref<1024xf32, #tpu.memory_space<hbm>>
        %dma_wait3A_2712 = arith.constant 3072 : i32
        %dma_wait3A_2713 = tpu.memref_slice %arg13[%dma_wait3A_2701, %dma_wait3A_2712] : memref<4x8192xf32, #tpu.memory_space<vmem>> -> memref<1x1024xf32, #tpu.memory_space<vmem>>
        %dma_wait3A_2714 = tpu.memref_squeeze %dma_wait3A_2713 : memref<1x1024xf32, #tpu.memory_space<vmem>> -> memref<1024xf32, #tpu.memory_space<vmem>>
        tpu.wait_dma2 semaphore(%arg20 : memref<!tpu.dma_semaphore, #tpu.memory_space<semaphore_mem>>) src(%dma_wait3A_2714 : memref<1024xf32, #tpu.memory_space<vmem>>) dst(%dma_wait3A_2711 : memref<1024xf32, #tpu.memory_space<hbm>>)
        %mul3A_2715 = arith.constant 8 : i32
        %mul3A_2716 = arith.muli %select_n3A_2574, %mul3A_2715 : i32
        %mul3A_2717 = arith.constant 4 : i32
        %mul3A_2718 = arith.muli %mul3A_2717, %select_n3A_2630 : i32
        %add3A_2719 = arith.addi %mul3A_2716, %mul3A_2718 : i32
        %add3A_2720 = arith.constant 0 : i32
        %add3A_2721 = arith.addi %add3A_2719, %add3A_2720 : i32
        %dma_wait3A_2722 = arith.constant 0 : i32
        %dma_wait3A_2723 = arith.constant 4 : i32
        %dma_wait3A_2724 = arith.constant 4096 : i32
        %dma_wait3A_2725 = tpu.memref_slice %arg13[%dma_wait3A_2722, %dma_wait3A_2724] : memref<4x8192xf32, #tpu.memory_space<vmem>> -> memref<1x1024xf32, #tpu.memory_space<vmem>>
        %dma_wait3A_2726 = tpu.memref_squeeze %dma_wait3A_2725 : memref<1x1024xf32, #tpu.memory_space<vmem>> -> memref<1024xf32, #tpu.memory_space<vmem>>
        %dma_wait3A_2727 = arith.constant 0 : i32
        %dma_wait3A_2728 = tpu.memref_slice %arg6[%add3A_2721, %dma_wait3A_2723, %select_n3A_2614, %dma_wait3A_2727] : memref<200x8x32x1024xf32, #tpu.memory_space<hbm>> -> memref<1x1x1x1024xf32, #tpu.memory_space<hbm>>
        %dma_wait3A_2729 = tpu.memref_squeeze %dma_wait3A_2728 : memref<1x1x1x1024xf32, #tpu.memory_space<hbm>> -> memref<1024xf32, #tpu.memory_space<hbm>>
        %dma_wait3A_2730 = arith.constant 0 : i32
        %dma_wait3A_2731 = tpu.memref_slice %arg6[%add3A_2721, %dma_wait3A_2723, %select_n3A_2614, %dma_wait3A_2730] : memref<200x8x32x1024xf32, #tpu.memory_space<hbm>> -> memref<1x1x1x1024xf32, #tpu.memory_space<hbm>>
        %dma_wait3A_2732 = tpu.memref_squeeze %dma_wait3A_2731 : memref<1x1x1x1024xf32, #tpu.memory_space<hbm>> -> memref<1024xf32, #tpu.memory_space<hbm>>
        %dma_wait3A_2733 = arith.constant 4096 : i32
        %dma_wait3A_2734 = tpu.memref_slice %arg13[%dma_wait3A_2722, %dma_wait3A_2733] : memref<4x8192xf32, #tpu.memory_space<vmem>> -> memref<1x1024xf32, #tpu.memory_space<vmem>>
        %dma_wait3A_2735 = tpu.memref_squeeze %dma_wait3A_2734 : memref<1x1024xf32, #tpu.memory_space<vmem>> -> memref<1024xf32, #tpu.memory_space<vmem>>
        tpu.wait_dma2 semaphore(%arg20 : memref<!tpu.dma_semaphore, #tpu.memory_space<semaphore_mem>>) src(%dma_wait3A_2735 : memref<1024xf32, #tpu.memory_space<vmem>>) dst(%dma_wait3A_2732 : memref<1024xf32, #tpu.memory_space<hbm>>)
        %mul3A_2736 = arith.constant 8 : i32
        %mul3A_2737 = arith.muli %select_n3A_2574, %mul3A_2736 : i32
        %mul3A_2738 = arith.constant 4 : i32
        %mul3A_2739 = arith.muli %mul3A_2738, %select_n3A_2630 : i32
        %add3A_2740 = arith.addi %mul3A_2737, %mul3A_2739 : i32
        %add3A_2741 = arith.constant 0 : i32
        %add3A_2742 = arith.addi %add3A_2740, %add3A_2741 : i32
        %dma_wait3A_2743 = arith.constant 0 : i32
        %dma_wait3A_2744 = arith.constant 5 : i32
        %dma_wait3A_2745 = arith.constant 5120 : i32
        %dma_wait3A_2746 = tpu.memref_slice %arg13[%dma_wait3A_2743, %dma_wait3A_2745] : memref<4x8192xf32, #tpu.memory_space<vmem>> -> memref<1x1024xf32, #tpu.memory_space<vmem>>
        %dma_wait3A_2747 = tpu.memref_squeeze %dma_wait3A_2746 : memref<1x1024xf32, #tpu.memory_space<vmem>> -> memref<1024xf32, #tpu.memory_space<vmem>>
        %dma_wait3A_2748 = arith.constant 0 : i32
        %dma_wait3A_2749 = tpu.memref_slice %arg6[%add3A_2742, %dma_wait3A_2744, %select_n3A_2614, %dma_wait3A_2748] : memref<200x8x32x1024xf32, #tpu.memory_space<hbm>> -> memref<1x1x1x1024xf32, #tpu.memory_space<hbm>>
        %dma_wait3A_2750 = tpu.memref_squeeze %dma_wait3A_2749 : memref<1x1x1x1024xf32, #tpu.memory_space<hbm>> -> memref<1024xf32, #tpu.memory_space<hbm>>
        %dma_wait3A_2751 = arith.constant 0 : i32
        %dma_wait3A_2752 = tpu.memref_slice %arg6[%add3A_2742, %dma_wait3A_2744, %select_n3A_2614, %dma_wait3A_2751] : memref<200x8x32x1024xf32, #tpu.memory_space<hbm>> -> memref<1x1x1x1024xf32, #tpu.memory_space<hbm>>
        %dma_wait3A_2753 = tpu.memref_squeeze %dma_wait3A_2752 : memref<1x1x1x1024xf32, #tpu.memory_space<hbm>> -> memref<1024xf32, #tpu.memory_space<hbm>>
        %dma_wait3A_2754 = arith.constant 5120 : i32
        %dma_wait3A_2755 = tpu.memref_slice %arg13[%dma_wait3A_2743, %dma_wait3A_2754] : memref<4x8192xf32, #tpu.memory_space<vmem>> -> memref<1x1024xf32, #tpu.memory_space<vmem>>
        %dma_wait3A_2756 = tpu.memref_squeeze %dma_wait3A_2755 : memref<1x1024xf32, #tpu.memory_space<vmem>> -> memref<1024xf32, #tpu.memory_space<vmem>>
        tpu.wait_dma2 semaphore(%arg20 : memref<!tpu.dma_semaphore, #tpu.memory_space<semaphore_mem>>) src(%dma_wait3A_2756 : memref<1024xf32, #tpu.memory_space<vmem>>) dst(%dma_wait3A_2753 : memref<1024xf32, #tpu.memory_space<hbm>>)
        %mul3A_2757 = arith.constant 8 : i32
        %mul3A_2758 = arith.muli %select_n3A_2574, %mul3A_2757 : i32
        %mul3A_2759 = arith.constant 4 : i32
        %mul3A_2760 = arith.muli %mul3A_2759, %select_n3A_2630 : i32
        %add3A_2761 = arith.addi %mul3A_2758, %mul3A_2760 : i32
        %add3A_2762 = arith.constant 0 : i32
        %add3A_2763 = arith.addi %add3A_2761, %add3A_2762 : i32
        %dma_wait3A_2764 = arith.constant 0 : i32
        %dma_wait3A_2765 = arith.constant 6 : i32
        %dma_wait3A_2766 = arith.constant 6144 : i32
        %dma_wait3A_2767 = tpu.memref_slice %arg13[%dma_wait3A_2764, %dma_wait3A_2766] : memref<4x8192xf32, #tpu.memory_space<vmem>> -> memref<1x1024xf32, #tpu.memory_space<vmem>>
        %dma_wait3A_2768 = tpu.memref_squeeze %dma_wait3A_2767 : memref<1x1024xf32, #tpu.memory_space<vmem>> -> memref<1024xf32, #tpu.memory_space<vmem>>
        %dma_wait3A_2769 = arith.constant 0 : i32
        %dma_wait3A_2770 = tpu.memref_slice %arg6[%add3A_2763, %dma_wait3A_2765, %select_n3A_2614, %dma_wait3A_2769] : memref<200x8x32x1024xf32, #tpu.memory_space<hbm>> -> memref<1x1x1x1024xf32, #tpu.memory_space<hbm>>
        %dma_wait3A_2771 = tpu.memref_squeeze %dma_wait3A_2770 : memref<1x1x1x1024xf32, #tpu.memory_space<hbm>> -> memref<1024xf32, #tpu.memory_space<hbm>>
        %dma_wait3A_2772 = arith.constant 0 : i32
        %dma_wait3A_2773 = tpu.memref_slice %arg6[%add3A_2763, %dma_wait3A_2765, %select_n3A_2614, %dma_wait3A_2772] : memref<200x8x32x1024xf32, #tpu.memory_space<hbm>> -> memref<1x1x1x1024xf32, #tpu.memory_space<hbm>>
        %dma_wait3A_2774 = tpu.memref_squeeze %dma_wait3A_2773 : memref<1x1x1x1024xf32, #tpu.memory_space<hbm>> -> memref<1024xf32, #tpu.memory_space<hbm>>
        %dma_wait3A_2775 = arith.constant 6144 : i32
        %dma_wait3A_2776 = tpu.memref_slice %arg13[%dma_wait3A_2764, %dma_wait3A_2775] : memref<4x8192xf32, #tpu.memory_space<vmem>> -> memref<1x1024xf32, #tpu.memory_space<vmem>>
        %dma_wait3A_2777 = tpu.memref_squeeze %dma_wait3A_2776 : memref<1x1024xf32, #tpu.memory_space<vmem>> -> memref<1024xf32, #tpu.memory_space<vmem>>
        tpu.wait_dma2 semaphore(%arg20 : memref<!tpu.dma_semaphore, #tpu.memory_space<semaphore_mem>>) src(%dma_wait3A_2777 : memref<1024xf32, #tpu.memory_space<vmem>>) dst(%dma_wait3A_2774 : memref<1024xf32, #tpu.memory_space<hbm>>)
        %mul3A_2778 = arith.constant 8 : i32
        %mul3A_2779 = arith.muli %select_n3A_2574, %mul3A_2778 : i32
        %mul3A_2780 = arith.constant 4 : i32
        %mul3A_2781 = arith.muli %mul3A_2780, %select_n3A_2630 : i32
        %add3A_2782 = arith.addi %mul3A_2779, %mul3A_2781 : i32
        %add3A_2783 = arith.constant 0 : i32
        %add3A_2784 = arith.addi %add3A_2782, %add3A_2783 : i32
        %dma_wait3A_2785 = arith.constant 0 : i32
        %dma_wait3A_2786 = arith.constant 7 : i32
        %dma_wait3A_2787 = arith.constant 7168 : i32
        %dma_wait3A_2788 = tpu.memref_slice %arg13[%dma_wait3A_2785, %dma_wait3A_2787] : memref<4x8192xf32, #tpu.memory_space<vmem>> -> memref<1x1024xf32, #tpu.memory_space<vmem>>
        %dma_wait3A_2789 = tpu.memref_squeeze %dma_wait3A_2788 : memref<1x1024xf32, #tpu.memory_space<vmem>> -> memref<1024xf32, #tpu.memory_space<vmem>>
        %dma_wait3A_2790 = arith.constant 0 : i32
        %dma_wait3A_2791 = tpu.memref_slice %arg6[%add3A_2784, %dma_wait3A_2786, %select_n3A_2614, %dma_wait3A_2790] : memref<200x8x32x1024xf32, #tpu.memory_space<hbm>> -> memref<1x1x1x1024xf32, #tpu.memory_space<hbm>>
        %dma_wait3A_2792 = tpu.memref_squeeze %dma_wait3A_2791 : memref<1x1x1x1024xf32, #tpu.memory_space<hbm>> -> memref<1024xf32, #tpu.memory_space<hbm>>
        %dma_wait3A_2793 = arith.constant 0 : i32
        %dma_wait3A_2794 = tpu.memref_slice %arg6[%add3A_2784, %dma_wait3A_2786, %select_n3A_2614, %dma_wait3A_2793] : memref<200x8x32x1024xf32, #tpu.memory_space<hbm>> -> memref<1x1x1x1024xf32, #tpu.memory_space<hbm>>
        %dma_wait3A_2795 = tpu.memref_squeeze %dma_wait3A_2794 : memref<1x1x1x1024xf32, #tpu.memory_space<hbm>> -> memref<1024xf32, #tpu.memory_space<hbm>>
        %dma_wait3A_2796 = arith.constant 7168 : i32
        %dma_wait3A_2797 = tpu.memref_slice %arg13[%dma_wait3A_2785, %dma_wait3A_2796] : memref<4x8192xf32, #tpu.memory_space<vmem>> -> memref<1x1024xf32, #tpu.memory_space<vmem>>
        %dma_wait3A_2798 = tpu.memref_squeeze %dma_wait3A_2797 : memref<1x1024xf32, #tpu.memory_space<vmem>> -> memref<1024xf32, #tpu.memory_space<vmem>>
        tpu.wait_dma2 semaphore(%arg20 : memref<!tpu.dma_semaphore, #tpu.memory_space<semaphore_mem>>) src(%dma_wait3A_2798 : memref<1024xf32, #tpu.memory_space<vmem>>) dst(%dma_wait3A_2795 : memref<1024xf32, #tpu.memory_space<hbm>>)
        %mul3A_2799 = arith.constant 8 : i32
        %mul3A_2800 = arith.muli %select_n3A_2574, %mul3A_2799 : i32
        %mul3A_2801 = arith.constant 4 : i32
        %mul3A_2802 = arith.muli %mul3A_2801, %select_n3A_2630 : i32
        %add3A_2803 = arith.addi %mul3A_2800, %mul3A_2802 : i32
        %add3A_2804 = arith.constant 1 : i32
        %add3A_2805 = arith.addi %add3A_2803, %add3A_2804 : i32
        %dma_wait3A_2806 = arith.constant 1 : i32
        %dma_wait3A_2807 = arith.constant 0 : i32
        %dma_wait3A_2808 = arith.constant 0 : i32
        %dma_wait3A_2809 = tpu.memref_slice %arg13[%dma_wait3A_2806, %dma_wait3A_2808] : memref<4x8192xf32, #tpu.memory_space<vmem>> -> memref<1x1024xf32, #tpu.memory_space<vmem>>
        %dma_wait3A_2810 = tpu.memref_squeeze %dma_wait3A_2809 : memref<1x1024xf32, #tpu.memory_space<vmem>> -> memref<1024xf32, #tpu.memory_space<vmem>>
        %dma_wait3A_2811 = arith.constant 0 : i32
        %dma_wait3A_2812 = tpu.memref_slice %arg6[%add3A_2805, %dma_wait3A_2807, %select_n3A_2614, %dma_wait3A_2811] : memref<200x8x32x1024xf32, #tpu.memory_space<hbm>> -> memref<1x1x1x1024xf32, #tpu.memory_space<hbm>>
        %dma_wait3A_2813 = tpu.memref_squeeze %dma_wait3A_2812 : memref<1x1x1x1024xf32, #tpu.memory_space<hbm>> -> memref<1024xf32, #tpu.memory_space<hbm>>
        %dma_wait3A_2814 = arith.constant 0 : i32
        %dma_wait3A_2815 = tpu.memref_slice %arg6[%add3A_2805, %dma_wait3A_2807, %select_n3A_2614, %dma_wait3A_2814] : memref<200x8x32x1024xf32, #tpu.memory_space<hbm>> -> memref<1x1x1x1024xf32, #tpu.memory_space<hbm>>
        %dma_wait3A_2816 = tpu.memref_squeeze %dma_wait3A_2815 : memref<1x1x1x1024xf32, #tpu.memory_space<hbm>> -> memref<1024xf32, #tpu.memory_space<hbm>>
        %dma_wait3A_2817 = arith.constant 0 : i32
        %dma_wait3A_2818 = tpu.memref_slice %arg13[%dma_wait3A_2806, %dma_wait3A_2817] : memref<4x8192xf32, #tpu.memory_space<vmem>> -> memref<1x1024xf32, #tpu.memory_space<vmem>>
        %dma_wait3A_2819 = tpu.memref_squeeze %dma_wait3A_2818 : memref<1x1024xf32, #tpu.memory_space<vmem>> -> memref<1024xf32, #tpu.memory_space<vmem>>
        tpu.wait_dma2 semaphore(%arg20 : memref<!tpu.dma_semaphore, #tpu.memory_space<semaphore_mem>>) src(%dma_wait3A_2819 : memref<1024xf32, #tpu.memory_space<vmem>>) dst(%dma_wait3A_2816 : memref<1024xf32, #tpu.memory_space<hbm>>)
        %mul3A_2820 = arith.constant 8 : i32
        %mul3A_2821 = arith.muli %select_n3A_2574, %mul3A_2820 : i32
        %mul3A_2822 = arith.constant 4 : i32
        %mul3A_2823 = arith.muli %mul3A_2822, %select_n3A_2630 : i32
        %add3A_2824 = arith.addi %mul3A_2821, %mul3A_2823 : i32
        %add3A_2825 = arith.constant 1 : i32
        %add3A_2826 = arith.addi %add3A_2824, %add3A_2825 : i32
        %dma_wait3A_2827 = arith.constant 1 : i32
        %dma_wait3A_2828 = arith.constant 1 : i32
        %dma_wait3A_2829 = arith.constant 1024 : i32
        %dma_wait3A_2830 = tpu.memref_slice %arg13[%dma_wait3A_2827, %dma_wait3A_2829] : memref<4x8192xf32, #tpu.memory_space<vmem>> -> memref<1x1024xf32, #tpu.memory_space<vmem>>
        %dma_wait3A_2831 = tpu.memref_squeeze %dma_wait3A_2830 : memref<1x1024xf32, #tpu.memory_space<vmem>> -> memref<1024xf32, #tpu.memory_space<vmem>>
        %dma_wait3A_2832 = arith.constant 0 : i32
        %dma_wait3A_2833 = tpu.memref_slice %arg6[%add3A_2826, %dma_wait3A_2828, %select_n3A_2614, %dma_wait3A_2832] : memref<200x8x32x1024xf32, #tpu.memory_space<hbm>> -> memref<1x1x1x1024xf32, #tpu.memory_space<hbm>>
        %dma_wait3A_2834 = tpu.memref_squeeze %dma_wait3A_2833 : memref<1x1x1x1024xf32, #tpu.memory_space<hbm>> -> memref<1024xf32, #tpu.memory_space<hbm>>
        %dma_wait3A_2835 = arith.constant 0 : i32
        %dma_wait3A_2836 = tpu.memref_slice %arg6[%add3A_2826, %dma_wait3A_2828, %select_n3A_2614, %dma_wait3A_2835] : memref<200x8x32x1024xf32, #tpu.memory_space<hbm>> -> memref<1x1x1x1024xf32, #tpu.memory_space<hbm>>
        %dma_wait3A_2837 = tpu.memref_squeeze %dma_wait3A_2836 : memref<1x1x1x1024xf32, #tpu.memory_space<hbm>> -> memref<1024xf32, #tpu.memory_space<hbm>>
        %dma_wait3A_2838 = arith.constant 1024 : i32
        %dma_wait3A_2839 = tpu.memref_slice %arg13[%dma_wait3A_2827, %dma_wait3A_2838] : memref<4x8192xf32, #tpu.memory_space<vmem>> -> memref<1x1024xf32, #tpu.memory_space<vmem>>
        %dma_wait3A_2840 = tpu.memref_squeeze %dma_wait3A_2839 : memref<1x1024xf32, #tpu.memory_space<vmem>> -> memref<1024xf32, #tpu.memory_space<vmem>>
        tpu.wait_dma2 semaphore(%arg20 : memref<!tpu.dma_semaphore, #tpu.memory_space<semaphore_mem>>) src(%dma_wait3A_2840 : memref<1024xf32, #tpu.memory_space<vmem>>) dst(%dma_wait3A_2837 : memref<1024xf32, #tpu.memory_space<hbm>>)
        %mul3A_2841 = arith.constant 8 : i32
        %mul3A_2842 = arith.muli %select_n3A_2574, %mul3A_2841 : i32
        %mul3A_2843 = arith.constant 4 : i32
        %mul3A_2844 = arith.muli %mul3A_2843, %select_n3A_2630 : i32
        %add3A_2845 = arith.addi %mul3A_2842, %mul3A_2844 : i32
        %add3A_2846 = arith.constant 1 : i32
        %add3A_2847 = arith.addi %add3A_2845, %add3A_2846 : i32
        %dma_wait3A_2848 = arith.constant 1 : i32
        %dma_wait3A_2849 = arith.constant 2 : i32
        %dma_wait3A_2850 = arith.constant 2048 : i32
        %dma_wait3A_2851 = tpu.memref_slice %arg13[%dma_wait3A_2848, %dma_wait3A_2850] : memref<4x8192xf32, #tpu.memory_space<vmem>> -> memref<1x1024xf32, #tpu.memory_space<vmem>>
        %dma_wait3A_2852 = tpu.memref_squeeze %dma_wait3A_2851 : memref<1x1024xf32, #tpu.memory_space<vmem>> -> memref<1024xf32, #tpu.memory_space<vmem>>
        %dma_wait3A_2853 = arith.constant 0 : i32
        %dma_wait3A_2854 = tpu.memref_slice %arg6[%add3A_2847, %dma_wait3A_2849, %select_n3A_2614, %dma_wait3A_2853] : memref<200x8x32x1024xf32, #tpu.memory_space<hbm>> -> memref<1x1x1x1024xf32, #tpu.memory_space<hbm>>
        %dma_wait3A_2855 = tpu.memref_squeeze %dma_wait3A_2854 : memref<1x1x1x1024xf32, #tpu.memory_space<hbm>> -> memref<1024xf32, #tpu.memory_space<hbm>>
        %dma_wait3A_2856 = arith.constant 0 : i32
        %dma_wait3A_2857 = tpu.memref_slice %arg6[%add3A_2847, %dma_wait3A_2849, %select_n3A_2614, %dma_wait3A_2856] : memref<200x8x32x1024xf32, #tpu.memory_space<hbm>> -> memref<1x1x1x1024xf32, #tpu.memory_space<hbm>>
        %dma_wait3A_2858 = tpu.memref_squeeze %dma_wait3A_2857 : memref<1x1x1x1024xf32, #tpu.memory_space<hbm>> -> memref<1024xf32, #tpu.memory_space<hbm>>
        %dma_wait3A_2859 = arith.constant 2048 : i32
        %dma_wait3A_2860 = tpu.memref_slice %arg13[%dma_wait3A_2848, %dma_wait3A_2859] : memref<4x8192xf32, #tpu.memory_space<vmem>> -> memref<1x1024xf32, #tpu.memory_space<vmem>>
        %dma_wait3A_2861 = tpu.memref_squeeze %dma_wait3A_2860 : memref<1x1024xf32, #tpu.memory_space<vmem>> -> memref<1024xf32, #tpu.memory_space<vmem>>
        tpu.wait_dma2 semaphore(%arg20 : memref<!tpu.dma_semaphore, #tpu.memory_space<semaphore_mem>>) src(%dma_wait3A_2861 : memref<1024xf32, #tpu.memory_space<vmem>>) dst(%dma_wait3A_2858 : memref<1024xf32, #tpu.memory_space<hbm>>)
        %mul3A_2862 = arith.constant 8 : i32
        %mul3A_2863 = arith.muli %select_n3A_2574, %mul3A_2862 : i32
        %mul3A_2864 = arith.constant 4 : i32
        %mul3A_2865 = arith.muli %mul3A_2864, %select_n3A_2630 : i32
        %add3A_2866 = arith.addi %mul3A_2863, %mul3A_2865 : i32
        %add3A_2867 = arith.constant 1 : i32
        %add3A_2868 = arith.addi %add3A_2866, %add3A_2867 : i32
        %dma_wait3A_2869 = arith.constant 1 : i32
        %dma_wait3A_2870 = arith.constant 3 : i32
        %dma_wait3A_2871 = arith.constant 3072 : i32
        %dma_wait3A_2872 = tpu.memref_slice %arg13[%dma_wait3A_2869, %dma_wait3A_2871] : memref<4x8192xf32, #tpu.memory_space<vmem>> -> memref<1x1024xf32, #tpu.memory_space<vmem>>
        %dma_wait3A_2873 = tpu.memref_squeeze %dma_wait3A_2872 : memref<1x1024xf32, #tpu.memory_space<vmem>> -> memref<1024xf32, #tpu.memory_space<vmem>>
        %dma_wait3A_2874 = arith.constant 0 : i32
        %dma_wait3A_2875 = tpu.memref_slice %arg6[%add3A_2868, %dma_wait3A_2870, %select_n3A_2614, %dma_wait3A_2874] : memref<200x8x32x1024xf32, #tpu.memory_space<hbm>> -> memref<1x1x1x1024xf32, #tpu.memory_space<hbm>>
        %dma_wait3A_2876 = tpu.memref_squeeze %dma_wait3A_2875 : memref<1x1x1x1024xf32, #tpu.memory_space<hbm>> -> memref<1024xf32, #tpu.memory_space<hbm>>
        %dma_wait3A_2877 = arith.constant 0 : i32
        %dma_wait3A_2878 = tpu.memref_slice %arg6[%add3A_2868, %dma_wait3A_2870, %select_n3A_2614, %dma_wait3A_2877] : memref<200x8x32x1024xf32, #tpu.memory_space<hbm>> -> memref<1x1x1x1024xf32, #tpu.memory_space<hbm>>
        %dma_wait3A_2879 = tpu.memref_squeeze %dma_wait3A_2878 : memref<1x1x1x1024xf32, #tpu.memory_space<hbm>> -> memref<1024xf32, #tpu.memory_space<hbm>>
        %dma_wait3A_2880 = arith.constant 3072 : i32
        %dma_wait3A_2881 = tpu.memref_slice %arg13[%dma_wait3A_2869, %dma_wait3A_2880] : memref<4x8192xf32, #tpu.memory_space<vmem>> -> memref<1x1024xf32, #tpu.memory_space<vmem>>
        %dma_wait3A_2882 = tpu.memref_squeeze %dma_wait3A_2881 : memref<1x1024xf32, #tpu.memory_space<vmem>> -> memref<1024xf32, #tpu.memory_space<vmem>>
        tpu.wait_dma2 semaphore(%arg20 : memref<!tpu.dma_semaphore, #tpu.memory_space<semaphore_mem>>) src(%dma_wait3A_2882 : memref<1024xf32, #tpu.memory_space<vmem>>) dst(%dma_wait3A_2879 : memref<1024xf32, #tpu.memory_space<hbm>>)
        %mul3A_2883 = arith.constant 8 : i32
        %mul3A_2884 = arith.muli %select_n3A_2574, %mul3A_2883 : i32
        %mul3A_2885 = arith.constant 4 : i32
        %mul3A_2886 = arith.muli %mul3A_2885, %select_n3A_2630 : i32
        %add3A_2887 = arith.addi %mul3A_2884, %mul3A_2886 : i32
        %add3A_2888 = arith.constant 1 : i32
        %add3A_2889 = arith.addi %add3A_2887, %add3A_2888 : i32
        %dma_wait3A_2890 = arith.constant 1 : i32
        %dma_wait3A_2891 = arith.constant 4 : i32
        %dma_wait3A_2892 = arith.constant 4096 : i32
        %dma_wait3A_2893 = tpu.memref_slice %arg13[%dma_wait3A_2890, %dma_wait3A_2892] : memref<4x8192xf32, #tpu.memory_space<vmem>> -> memref<1x1024xf32, #tpu.memory_space<vmem>>
        %dma_wait3A_2894 = tpu.memref_squeeze %dma_wait3A_2893 : memref<1x1024xf32, #tpu.memory_space<vmem>> -> memref<1024xf32, #tpu.memory_space<vmem>>
        %dma_wait3A_2895 = arith.constant 0 : i32
        %dma_wait3A_2896 = tpu.memref_slice %arg6[%add3A_2889, %dma_wait3A_2891, %select_n3A_2614, %dma_wait3A_2895] : memref<200x8x32x1024xf32, #tpu.memory_space<hbm>> -> memref<1x1x1x1024xf32, #tpu.memory_space<hbm>>
        %dma_wait3A_2897 = tpu.memref_squeeze %dma_wait3A_2896 : memref<1x1x1x1024xf32, #tpu.memory_space<hbm>> -> memref<1024xf32, #tpu.memory_space<hbm>>
        %dma_wait3A_2898 = arith.constant 0 : i32
        %dma_wait3A_2899 = tpu.memref_slice %arg6[%add3A_2889, %dma_wait3A_2891, %select_n3A_2614, %dma_wait3A_2898] : memref<200x8x32x1024xf32, #tpu.memory_space<hbm>> -> memref<1x1x1x1024xf32, #tpu.memory_space<hbm>>
        %dma_wait3A_2900 = tpu.memref_squeeze %dma_wait3A_2899 : memref<1x1x1x1024xf32, #tpu.memory_space<hbm>> -> memref<1024xf32, #tpu.memory_space<hbm>>
        %dma_wait3A_2901 = arith.constant 4096 : i32
        %dma_wait3A_2902 = tpu.memref_slice %arg13[%dma_wait3A_2890, %dma_wait3A_2901] : memref<4x8192xf32, #tpu.memory_space<vmem>> -> memref<1x1024xf32, #tpu.memory_space<vmem>>
        %dma_wait3A_2903 = tpu.memref_squeeze %dma_wait3A_2902 : memref<1x1024xf32, #tpu.memory_space<vmem>> -> memref<1024xf32, #tpu.memory_space<vmem>>
        tpu.wait_dma2 semaphore(%arg20 : memref<!tpu.dma_semaphore, #tpu.memory_space<semaphore_mem>>) src(%dma_wait3A_2903 : memref<1024xf32, #tpu.memory_space<vmem>>) dst(%dma_wait3A_2900 : memref<1024xf32, #tpu.memory_space<hbm>>)
        %mul3A_2904 = arith.constant 8 : i32
        %mul3A_2905 = arith.muli %select_n3A_2574, %mul3A_2904 : i32
        %mul3A_2906 = arith.constant 4 : i32
        %mul3A_2907 = arith.muli %mul3A_2906, %select_n3A_2630 : i32
        %add3A_2908 = arith.addi %mul3A_2905, %mul3A_2907 : i32
        %add3A_2909 = arith.constant 1 : i32
        %add3A_2910 = arith.addi %add3A_2908, %add3A_2909 : i32
        %dma_wait3A_2911 = arith.constant 1 : i32
        %dma_wait3A_2912 = arith.constant 5 : i32
        %dma_wait3A_2913 = arith.constant 5120 : i32
        %dma_wait3A_2914 = tpu.memref_slice %arg13[%dma_wait3A_2911, %dma_wait3A_2913] : memref<4x8192xf32, #tpu.memory_space<vmem>> -> memref<1x1024xf32, #tpu.memory_space<vmem>>
        %dma_wait3A_2915 = tpu.memref_squeeze %dma_wait3A_2914 : memref<1x1024xf32, #tpu.memory_space<vmem>> -> memref<1024xf32, #tpu.memory_space<vmem>>
        %dma_wait3A_2916 = arith.constant 0 : i32
        %dma_wait3A_2917 = tpu.memref_slice %arg6[%add3A_2910, %dma_wait3A_2912, %select_n3A_2614, %dma_wait3A_2916] : memref<200x8x32x1024xf32, #tpu.memory_space<hbm>> -> memref<1x1x1x1024xf32, #tpu.memory_space<hbm>>
        %dma_wait3A_2918 = tpu.memref_squeeze %dma_wait3A_2917 : memref<1x1x1x1024xf32, #tpu.memory_space<hbm>> -> memref<1024xf32, #tpu.memory_space<hbm>>
        %dma_wait3A_2919 = arith.constant 0 : i32
        %dma_wait3A_2920 = tpu.memref_slice %arg6[%add3A_2910, %dma_wait3A_2912, %select_n3A_2614, %dma_wait3A_2919] : memref<200x8x32x1024xf32, #tpu.memory_space<hbm>> -> memref<1x1x1x1024xf32, #tpu.memory_space<hbm>>
        %dma_wait3A_2921 = tpu.memref_squeeze %dma_wait3A_2920 : memref<1x1x1x1024xf32, #tpu.memory_space<hbm>> -> memref<1024xf32, #tpu.memory_space<hbm>>
        %dma_wait3A_2922 = arith.constant 5120 : i32
        %dma_wait3A_2923 = tpu.memref_slice %arg13[%dma_wait3A_2911, %dma_wait3A_2922] : memref<4x8192xf32, #tpu.memory_space<vmem>> -> memref<1x1024xf32, #tpu.memory_space<vmem>>
        %dma_wait3A_2924 = tpu.memref_squeeze %dma_wait3A_2923 : memref<1x1024xf32, #tpu.memory_space<vmem>> -> memref<1024xf32, #tpu.memory_space<vmem>>
        tpu.wait_dma2 semaphore(%arg20 : memref<!tpu.dma_semaphore, #tpu.memory_space<semaphore_mem>>) src(%dma_wait3A_2924 : memref<1024xf32, #tpu.memory_space<vmem>>) dst(%dma_wait3A_2921 : memref<1024xf32, #tpu.memory_space<hbm>>)
        %mul3A_2925 = arith.constant 8 : i32
        %mul3A_2926 = arith.muli %select_n3A_2574, %mul3A_2925 : i32
        %mul3A_2927 = arith.constant 4 : i32
        %mul3A_2928 = arith.muli %mul3A_2927, %select_n3A_2630 : i32
        %add3A_2929 = arith.addi %mul3A_2926, %mul3A_2928 : i32
        %add3A_2930 = arith.constant 1 : i32
        %add3A_2931 = arith.addi %add3A_2929, %add3A_2930 : i32
        %dma_wait3A_2932 = arith.constant 1 : i32
        %dma_wait3A_2933 = arith.constant 6 : i32
        %dma_wait3A_2934 = arith.constant 6144 : i32
        %dma_wait3A_2935 = tpu.memref_slice %arg13[%dma_wait3A_2932, %dma_wait3A_2934] : memref<4x8192xf32, #tpu.memory_space<vmem>> -> memref<1x1024xf32, #tpu.memory_space<vmem>>
        %dma_wait3A_2936 = tpu.memref_squeeze %dma_wait3A_2935 : memref<1x1024xf32, #tpu.memory_space<vmem>> -> memref<1024xf32, #tpu.memory_space<vmem>>
        %dma_wait3A_2937 = arith.constant 0 : i32
        %dma_wait3A_2938 = tpu.memref_slice %arg6[%add3A_2931, %dma_wait3A_2933, %select_n3A_2614, %dma_wait3A_2937] : memref<200x8x32x1024xf32, #tpu.memory_space<hbm>> -> memref<1x1x1x1024xf32, #tpu.memory_space<hbm>>
        %dma_wait3A_2939 = tpu.memref_squeeze %dma_wait3A_2938 : memref<1x1x1x1024xf32, #tpu.memory_space<hbm>> -> memref<1024xf32, #tpu.memory_space<hbm>>
        %dma_wait3A_2940 = arith.constant 0 : i32
        %dma_wait3A_2941 = tpu.memref_slice %arg6[%add3A_2931, %dma_wait3A_2933, %select_n3A_2614, %dma_wait3A_2940] : memref<200x8x32x1024xf32, #tpu.memory_space<hbm>> -> memref<1x1x1x1024xf32, #tpu.memory_space<hbm>>
        %dma_wait3A_2942 = tpu.memref_squeeze %dma_wait3A_2941 : memref<1x1x1x1024xf32, #tpu.memory_space<hbm>> -> memref<1024xf32, #tpu.memory_space<hbm>>
        %dma_wait3A_2943 = arith.constant 6144 : i32
        %dma_wait3A_2944 = tpu.memref_slice %arg13[%dma_wait3A_2932, %dma_wait3A_2943] : memref<4x8192xf32, #tpu.memory_space<vmem>> -> memref<1x1024xf32, #tpu.memory_space<vmem>>
        %dma_wait3A_2945 = tpu.memref_squeeze %dma_wait3A_2944 : memref<1x1024xf32, #tpu.memory_space<vmem>> -> memref<1024xf32, #tpu.memory_space<vmem>>
        tpu.wait_dma2 semaphore(%arg20 : memref<!tpu.dma_semaphore, #tpu.memory_space<semaphore_mem>>) src(%dma_wait3A_2945 : memref<1024xf32, #tpu.memory_space<vmem>>) dst(%dma_wait3A_2942 : memref<1024xf32, #tpu.memory_space<hbm>>)
        %mul3A_2946 = arith.constant 8 : i32
        %mul3A_2947 = arith.muli %select_n3A_2574, %mul3A_2946 : i32
        %mul3A_2948 = arith.constant 4 : i32
        %mul3A_2949 = arith.muli %mul3A_2948, %select_n3A_2630 : i32
        %add3A_2950 = arith.addi %mul3A_2947, %mul3A_2949 : i32
        %add3A_2951 = arith.constant 1 : i32
        %add3A_2952 = arith.addi %add3A_2950, %add3A_2951 : i32
        %dma_wait3A_2953 = arith.constant 1 : i32
        %dma_wait3A_2954 = arith.constant 7 : i32
        %dma_wait3A_2955 = arith.constant 7168 : i32
        %dma_wait3A_2956 = tpu.memref_slice %arg13[%dma_wait3A_2953, %dma_wait3A_2955] : memref<4x8192xf32, #tpu.memory_space<vmem>> -> memref<1x1024xf32, #tpu.memory_space<vmem>>
        %dma_wait3A_2957 = tpu.memref_squeeze %dma_wait3A_2956 : memref<1x1024xf32, #tpu.memory_space<vmem>> -> memref<1024xf32, #tpu.memory_space<vmem>>
        %dma_wait3A_2958 = arith.constant 0 : i32
        %dma_wait3A_2959 = tpu.memref_slice %arg6[%add3A_2952, %dma_wait3A_2954, %select_n3A_2614, %dma_wait3A_2958] : memref<200x8x32x1024xf32, #tpu.memory_space<hbm>> -> memref<1x1x1x1024xf32, #tpu.memory_space<hbm>>
        %dma_wait3A_2960 = tpu.memref_squeeze %dma_wait3A_2959 : memref<1x1x1x1024xf32, #tpu.memory_space<hbm>> -> memref<1024xf32, #tpu.memory_space<hbm>>
        %dma_wait3A_2961 = arith.constant 0 : i32
        %dma_wait3A_2962 = tpu.memref_slice %arg6[%add3A_2952, %dma_wait3A_2954, %select_n3A_2614, %dma_wait3A_2961] : memref<200x8x32x1024xf32, #tpu.memory_space<hbm>> -> memref<1x1x1x1024xf32, #tpu.memory_space<hbm>>
        %dma_wait3A_2963 = tpu.memref_squeeze %dma_wait3A_2962 : memref<1x1x1x1024xf32, #tpu.memory_space<hbm>> -> memref<1024xf32, #tpu.memory_space<hbm>>
        %dma_wait3A_2964 = arith.constant 7168 : i32
        %dma_wait3A_2965 = tpu.memref_slice %arg13[%dma_wait3A_2953, %dma_wait3A_2964] : memref<4x8192xf32, #tpu.memory_space<vmem>> -> memref<1x1024xf32, #tpu.memory_space<vmem>>
        %dma_wait3A_2966 = tpu.memref_squeeze %dma_wait3A_2965 : memref<1x1024xf32, #tpu.memory_space<vmem>> -> memref<1024xf32, #tpu.memory_space<vmem>>
        tpu.wait_dma2 semaphore(%arg20 : memref<!tpu.dma_semaphore, #tpu.memory_space<semaphore_mem>>) src(%dma_wait3A_2966 : memref<1024xf32, #tpu.memory_space<vmem>>) dst(%dma_wait3A_2963 : memref<1024xf32, #tpu.memory_space<hbm>>)
        %mul3A_2967 = arith.constant 8 : i32
        %mul3A_2968 = arith.muli %select_n3A_2574, %mul3A_2967 : i32
        %mul3A_2969 = arith.constant 4 : i32
        %mul3A_2970 = arith.muli %mul3A_2969, %select_n3A_2630 : i32
        %add3A_2971 = arith.addi %mul3A_2968, %mul3A_2970 : i32
        %add3A_2972 = arith.constant 2 : i32
        %add3A_2973 = arith.addi %add3A_2971, %add3A_2972 : i32
        %dma_wait3A_2974 = arith.constant 2 : i32
        %dma_wait3A_2975 = arith.constant 0 : i32
        %dma_wait3A_2976 = arith.constant 0 : i32
        %dma_wait3A_2977 = tpu.memref_slice %arg13[%dma_wait3A_2974, %dma_wait3A_2976] : memref<4x8192xf32, #tpu.memory_space<vmem>> -> memref<1x1024xf32, #tpu.memory_space<vmem>>
        %dma_wait3A_2978 = tpu.memref_squeeze %dma_wait3A_2977 : memref<1x1024xf32, #tpu.memory_space<vmem>> -> memref<1024xf32, #tpu.memory_space<vmem>>
        %dma_wait3A_2979 = arith.constant 0 : i32
        %dma_wait3A_2980 = tpu.memref_slice %arg6[%add3A_2973, %dma_wait3A_2975, %select_n3A_2614, %dma_wait3A_2979] : memref<200x8x32x1024xf32, #tpu.memory_space<hbm>> -> memref<1x1x1x1024xf32, #tpu.memory_space<hbm>>
        %dma_wait3A_2981 = tpu.memref_squeeze %dma_wait3A_2980 : memref<1x1x1x1024xf32, #tpu.memory_space<hbm>> -> memref<1024xf32, #tpu.memory_space<hbm>>
        %dma_wait3A_2982 = arith.constant 0 : i32
        %dma_wait3A_2983 = tpu.memref_slice %arg6[%add3A_2973, %dma_wait3A_2975, %select_n3A_2614, %dma_wait3A_2982] : memref<200x8x32x1024xf32, #tpu.memory_space<hbm>> -> memref<1x1x1x1024xf32, #tpu.memory_space<hbm>>
        %dma_wait3A_2984 = tpu.memref_squeeze %dma_wait3A_2983 : memref<1x1x1x1024xf32, #tpu.memory_space<hbm>> -> memref<1024xf32, #tpu.memory_space<hbm>>
        %dma_wait3A_2985 = arith.constant 0 : i32
        %dma_wait3A_2986 = tpu.memref_slice %arg13[%dma_wait3A_2974, %dma_wait3A_2985] : memref<4x8192xf32, #tpu.memory_space<vmem>> -> memref<1x1024xf32, #tpu.memory_space<vmem>>
        %dma_wait3A_2987 = tpu.memref_squeeze %dma_wait3A_2986 : memref<1x1024xf32, #tpu.memory_space<vmem>> -> memref<1024xf32, #tpu.memory_space<vmem>>
        tpu.wait_dma2 semaphore(%arg20 : memref<!tpu.dma_semaphore, #tpu.memory_space<semaphore_mem>>) src(%dma_wait3A_2987 : memref<1024xf32, #tpu.memory_space<vmem>>) dst(%dma_wait3A_2984 : memref<1024xf32, #tpu.memory_space<hbm>>)
        %mul3A_2988 = arith.constant 8 : i32
        %mul3A_2989 = arith.muli %select_n3A_2574, %mul3A_2988 : i32
        %mul3A_2990 = arith.constant 4 : i32
        %mul3A_2991 = arith.muli %mul3A_2990, %select_n3A_2630 : i32
        %add3A_2992 = arith.addi %mul3A_2989, %mul3A_2991 : i32
        %add3A_2993 = arith.constant 2 : i32
        %add3A_2994 = arith.addi %add3A_2992, %add3A_2993 : i32
        %dma_wait3A_2995 = arith.constant 2 : i32
        %dma_wait3A_2996 = arith.constant 1 : i32
        %dma_wait3A_2997 = arith.constant 1024 : i32
        %dma_wait3A_2998 = tpu.memref_slice %arg13[%dma_wait3A_2995, %dma_wait3A_2997] : memref<4x8192xf32, #tpu.memory_space<vmem>> -> memref<1x1024xf32, #tpu.memory_space<vmem>>
        %dma_wait3A_2999 = tpu.memref_squeeze %dma_wait3A_2998 : memref<1x1024xf32, #tpu.memory_space<vmem>> -> memref<1024xf32, #tpu.memory_space<vmem>>
        %dma_wait3A_3000 = arith.constant 0 : i32
        %dma_wait3A_3001 = tpu.memref_slice %arg6[%add3A_2994, %dma_wait3A_2996, %select_n3A_2614, %dma_wait3A_3000] : memref<200x8x32x1024xf32, #tpu.memory_space<hbm>> -> memref<1x1x1x1024xf32, #tpu.memory_space<hbm>>
        %dma_wait3A_3002 = tpu.memref_squeeze %dma_wait3A_3001 : memref<1x1x1x1024xf32, #tpu.memory_space<hbm>> -> memref<1024xf32, #tpu.memory_space<hbm>>
        %dma_wait3A_3003 = arith.constant 0 : i32
        %dma_wait3A_3004 = tpu.memref_slice %arg6[%add3A_2994, %dma_wait3A_2996, %select_n3A_2614, %dma_wait3A_3003] : memref<200x8x32x1024xf32, #tpu.memory_space<hbm>> -> memref<1x1x1x1024xf32, #tpu.memory_space<hbm>>
        %dma_wait3A_3005 = tpu.memref_squeeze %dma_wait3A_3004 : memref<1x1x1x1024xf32, #tpu.memory_space<hbm>> -> memref<1024xf32, #tpu.memory_space<hbm>>
        %dma_wait3A_3006 = arith.constant 1024 : i32
        %dma_wait3A_3007 = tpu.memref_slice %arg13[%dma_wait3A_2995, %dma_wait3A_3006] : memref<4x8192xf32, #tpu.memory_space<vmem>> -> memref<1x1024xf32, #tpu.memory_space<vmem>>
        %dma_wait3A_3008 = tpu.memref_squeeze %dma_wait3A_3007 : memref<1x1024xf32, #tpu.memory_space<vmem>> -> memref<1024xf32, #tpu.memory_space<vmem>>
        tpu.wait_dma2 semaphore(%arg20 : memref<!tpu.dma_semaphore, #tpu.memory_space<semaphore_mem>>) src(%dma_wait3A_3008 : memref<1024xf32, #tpu.memory_space<vmem>>) dst(%dma_wait3A_3005 : memref<1024xf32, #tpu.memory_space<hbm>>)
        %mul3A_3009 = arith.constant 8 : i32
        %mul3A_3010 = arith.muli %select_n3A_2574, %mul3A_3009 : i32
        %mul3A_3011 = arith.constant 4 : i32
        %mul3A_3012 = arith.muli %mul3A_3011, %select_n3A_2630 : i32
        %add3A_3013 = arith.addi %mul3A_3010, %mul3A_3012 : i32
        %add3A_3014 = arith.constant 2 : i32
        %add3A_3015 = arith.addi %add3A_3013, %add3A_3014 : i32
        %dma_wait3A_3016 = arith.constant 2 : i32
        %dma_wait3A_3017 = arith.constant 2 : i32
        %dma_wait3A_3018 = arith.constant 2048 : i32
        %dma_wait3A_3019 = tpu.memref_slice %arg13[%dma_wait3A_3016, %dma_wait3A_3018] : memref<4x8192xf32, #tpu.memory_space<vmem>> -> memref<1x1024xf32, #tpu.memory_space<vmem>>
        %dma_wait3A_3020 = tpu.memref_squeeze %dma_wait3A_3019 : memref<1x1024xf32, #tpu.memory_space<vmem>> -> memref<1024xf32, #tpu.memory_space<vmem>>
        %dma_wait3A_3021 = arith.constant 0 : i32
        %dma_wait3A_3022 = tpu.memref_slice %arg6[%add3A_3015, %dma_wait3A_3017, %select_n3A_2614, %dma_wait3A_3021] : memref<200x8x32x1024xf32, #tpu.memory_space<hbm>> -> memref<1x1x1x1024xf32, #tpu.memory_space<hbm>>
        %dma_wait3A_3023 = tpu.memref_squeeze %dma_wait3A_3022 : memref<1x1x1x1024xf32, #tpu.memory_space<hbm>> -> memref<1024xf32, #tpu.memory_space<hbm>>
        %dma_wait3A_3024 = arith.constant 0 : i32
        %dma_wait3A_3025 = tpu.memref_slice %arg6[%add3A_3015, %dma_wait3A_3017, %select_n3A_2614, %dma_wait3A_3024] : memref<200x8x32x1024xf32, #tpu.memory_space<hbm>> -> memref<1x1x1x1024xf32, #tpu.memory_space<hbm>>
        %dma_wait3A_3026 = tpu.memref_squeeze %dma_wait3A_3025 : memref<1x1x1x1024xf32, #tpu.memory_space<hbm>> -> memref<1024xf32, #tpu.memory_space<hbm>>
        %dma_wait3A_3027 = arith.constant 2048 : i32
        %dma_wait3A_3028 = tpu.memref_slice %arg13[%dma_wait3A_3016, %dma_wait3A_3027] : memref<4x8192xf32, #tpu.memory_space<vmem>> -> memref<1x1024xf32, #tpu.memory_space<vmem>>
        %dma_wait3A_3029 = tpu.memref_squeeze %dma_wait3A_3028 : memref<1x1024xf32, #tpu.memory_space<vmem>> -> memref<1024xf32, #tpu.memory_space<vmem>>
        tpu.wait_dma2 semaphore(%arg20 : memref<!tpu.dma_semaphore, #tpu.memory_space<semaphore_mem>>) src(%dma_wait3A_3029 : memref<1024xf32, #tpu.memory_space<vmem>>) dst(%dma_wait3A_3026 : memref<1024xf32, #tpu.memory_space<hbm>>)
        %mul3A_3030 = arith.constant 8 : i32
        %mul3A_3031 = arith.muli %select_n3A_2574, %mul3A_3030 : i32
        %mul3A_3032 = arith.constant 4 : i32
        %mul3A_3033 = arith.muli %mul3A_3032, %select_n3A_2630 : i32
        %add3A_3034 = arith.addi %mul3A_3031, %mul3A_3033 : i32
        %add3A_3035 = arith.constant 2 : i32
        %add3A_3036 = arith.addi %add3A_3034, %add3A_3035 : i32
        %dma_wait3A_3037 = arith.constant 2 : i32
        %dma_wait3A_3038 = arith.constant 3 : i32
        %dma_wait3A_3039 = arith.constant 3072 : i32
        %dma_wait3A_3040 = tpu.memref_slice %arg13[%dma_wait3A_3037, %dma_wait3A_3039] : memref<4x8192xf32, #tpu.memory_space<vmem>> -> memref<1x1024xf32, #tpu.memory_space<vmem>>
        %dma_wait3A_3041 = tpu.memref_squeeze %dma_wait3A_3040 : memref<1x1024xf32, #tpu.memory_space<vmem>> -> memref<1024xf32, #tpu.memory_space<vmem>>
        %dma_wait3A_3042 = arith.constant 0 : i32
        %dma_wait3A_3043 = tpu.memref_slice %arg6[%add3A_3036, %dma_wait3A_3038, %select_n3A_2614, %dma_wait3A_3042] : memref<200x8x32x1024xf32, #tpu.memory_space<hbm>> -> memref<1x1x1x1024xf32, #tpu.memory_space<hbm>>
        %dma_wait3A_3044 = tpu.memref_squeeze %dma_wait3A_3043 : memref<1x1x1x1024xf32, #tpu.memory_space<hbm>> -> memref<1024xf32, #tpu.memory_space<hbm>>
        %dma_wait3A_3045 = arith.constant 0 : i32
        %dma_wait3A_3046 = tpu.memref_slice %arg6[%add3A_3036, %dma_wait3A_3038, %select_n3A_2614, %dma_wait3A_3045] : memref<200x8x32x1024xf32, #tpu.memory_space<hbm>> -> memref<1x1x1x1024xf32, #tpu.memory_space<hbm>>
        %dma_wait3A_3047 = tpu.memref_squeeze %dma_wait3A_3046 : memref<1x1x1x1024xf32, #tpu.memory_space<hbm>> -> memref<1024xf32, #tpu.memory_space<hbm>>
        %dma_wait3A_3048 = arith.constant 3072 : i32
        %dma_wait3A_3049 = tpu.memref_slice %arg13[%dma_wait3A_3037, %dma_wait3A_3048] : memref<4x8192xf32, #tpu.memory_space<vmem>> -> memref<1x1024xf32, #tpu.memory_space<vmem>>
        %dma_wait3A_3050 = tpu.memref_squeeze %dma_wait3A_3049 : memref<1x1024xf32, #tpu.memory_space<vmem>> -> memref<1024xf32, #tpu.memory_space<vmem>>
        tpu.wait_dma2 semaphore(%arg20 : memref<!tpu.dma_semaphore, #tpu.memory_space<semaphore_mem>>) src(%dma_wait3A_3050 : memref<1024xf32, #tpu.memory_space<vmem>>) dst(%dma_wait3A_3047 : memref<1024xf32, #tpu.memory_space<hbm>>)
        %mul3A_3051 = arith.constant 8 : i32
        %mul3A_3052 = arith.muli %select_n3A_2574, %mul3A_3051 : i32
        %mul3A_3053 = arith.constant 4 : i32
        %mul3A_3054 = arith.muli %mul3A_3053, %select_n3A_2630 : i32
        %add3A_3055 = arith.addi %mul3A_3052, %mul3A_3054 : i32
        %add3A_3056 = arith.constant 2 : i32
        %add3A_3057 = arith.addi %add3A_3055, %add3A_3056 : i32
        %dma_wait3A_3058 = arith.constant 2 : i32
        %dma_wait3A_3059 = arith.constant 4 : i32
        %dma_wait3A_3060 = arith.constant 4096 : i32
        %dma_wait3A_3061 = tpu.memref_slice %arg13[%dma_wait3A_3058, %dma_wait3A_3060] : memref<4x8192xf32, #tpu.memory_space<vmem>> -> memref<1x1024xf32, #tpu.memory_space<vmem>>
        %dma_wait3A_3062 = tpu.memref_squeeze %dma_wait3A_3061 : memref<1x1024xf32, #tpu.memory_space<vmem>> -> memref<1024xf32, #tpu.memory_space<vmem>>
        %dma_wait3A_3063 = arith.constant 0 : i32
        %dma_wait3A_3064 = tpu.memref_slice %arg6[%add3A_3057, %dma_wait3A_3059, %select_n3A_2614, %dma_wait3A_3063] : memref<200x8x32x1024xf32, #tpu.memory_space<hbm>> -> memref<1x1x1x1024xf32, #tpu.memory_space<hbm>>
        %dma_wait3A_3065 = tpu.memref_squeeze %dma_wait3A_3064 : memref<1x1x1x1024xf32, #tpu.memory_space<hbm>> -> memref<1024xf32, #tpu.memory_space<hbm>>
        %dma_wait3A_3066 = arith.constant 0 : i32
        %dma_wait3A_3067 = tpu.memref_slice %arg6[%add3A_3057, %dma_wait3A_3059, %select_n3A_2614, %dma_wait3A_3066] : memref<200x8x32x1024xf32, #tpu.memory_space<hbm>> -> memref<1x1x1x1024xf32, #tpu.memory_space<hbm>>
        %dma_wait3A_3068 = tpu.memref_squeeze %dma_wait3A_3067 : memref<1x1x1x1024xf32, #tpu.memory_space<hbm>> -> memref<1024xf32, #tpu.memory_space<hbm>>
        %dma_wait3A_3069 = arith.constant 4096 : i32
        %dma_wait3A_3070 = tpu.memref_slice %arg13[%dma_wait3A_3058, %dma_wait3A_3069] : memref<4x8192xf32, #tpu.memory_space<vmem>> -> memref<1x1024xf32, #tpu.memory_space<vmem>>
        %dma_wait3A_3071 = tpu.memref_squeeze %dma_wait3A_3070 : memref<1x1024xf32, #tpu.memory_space<vmem>> -> memref<1024xf32, #tpu.memory_space<vmem>>
        tpu.wait_dma2 semaphore(%arg20 : memref<!tpu.dma_semaphore, #tpu.memory_space<semaphore_mem>>) src(%dma_wait3A_3071 : memref<1024xf32, #tpu.memory_space<vmem>>) dst(%dma_wait3A_3068 : memref<1024xf32, #tpu.memory_space<hbm>>)
        %mul3A_3072 = arith.constant 8 : i32
        %mul3A_3073 = arith.muli %select_n3A_2574, %mul3A_3072 : i32
        %mul3A_3074 = arith.constant 4 : i32
        %mul3A_3075 = arith.muli %mul3A_3074, %select_n3A_2630 : i32
        %add3A_3076 = arith.addi %mul3A_3073, %mul3A_3075 : i32
        %add3A_3077 = arith.constant 2 : i32
        %add3A_3078 = arith.addi %add3A_3076, %add3A_3077 : i32
        %dma_wait3A_3079 = arith.constant 2 : i32
        %dma_wait3A_3080 = arith.constant 5 : i32
        %dma_wait3A_3081 = arith.constant 5120 : i32
        %dma_wait3A_3082 = tpu.memref_slice %arg13[%dma_wait3A_3079, %dma_wait3A_3081] : memref<4x8192xf32, #tpu.memory_space<vmem>> -> memref<1x1024xf32, #tpu.memory_space<vmem>>
        %dma_wait3A_3083 = tpu.memref_squeeze %dma_wait3A_3082 : memref<1x1024xf32, #tpu.memory_space<vmem>> -> memref<1024xf32, #tpu.memory_space<vmem>>
        %dma_wait3A_3084 = arith.constant 0 : i32
        %dma_wait3A_3085 = tpu.memref_slice %arg6[%add3A_3078, %dma_wait3A_3080, %select_n3A_2614, %dma_wait3A_3084] : memref<200x8x32x1024xf32, #tpu.memory_space<hbm>> -> memref<1x1x1x1024xf32, #tpu.memory_space<hbm>>
        %dma_wait3A_3086 = tpu.memref_squeeze %dma_wait3A_3085 : memref<1x1x1x1024xf32, #tpu.memory_space<hbm>> -> memref<1024xf32, #tpu.memory_space<hbm>>
        %dma_wait3A_3087 = arith.constant 0 : i32
        %dma_wait3A_3088 = tpu.memref_slice %arg6[%add3A_3078, %dma_wait3A_3080, %select_n3A_2614, %dma_wait3A_3087] : memref<200x8x32x1024xf32, #tpu.memory_space<hbm>> -> memref<1x1x1x1024xf32, #tpu.memory_space<hbm>>
        %dma_wait3A_3089 = tpu.memref_squeeze %dma_wait3A_3088 : memref<1x1x1x1024xf32, #tpu.memory_space<hbm>> -> memref<1024xf32, #tpu.memory_space<hbm>>
        %dma_wait3A_3090 = arith.constant 5120 : i32
        %dma_wait3A_3091 = tpu.memref_slice %arg13[%dma_wait3A_3079, %dma_wait3A_3090] : memref<4x8192xf32, #tpu.memory_space<vmem>> -> memref<1x1024xf32, #tpu.memory_space<vmem>>
        %dma_wait3A_3092 = tpu.memref_squeeze %dma_wait3A_3091 : memref<1x1024xf32, #tpu.memory_space<vmem>> -> memref<1024xf32, #tpu.memory_space<vmem>>
        tpu.wait_dma2 semaphore(%arg20 : memref<!tpu.dma_semaphore, #tpu.memory_space<semaphore_mem>>) src(%dma_wait3A_3092 : memref<1024xf32, #tpu.memory_space<vmem>>) dst(%dma_wait3A_3089 : memref<1024xf32, #tpu.memory_space<hbm>>)
        %mul3A_3093 = arith.constant 8 : i32
        %mul3A_3094 = arith.muli %select_n3A_2574, %mul3A_3093 : i32
        %mul3A_3095 = arith.constant 4 : i32
        %mul3A_3096 = arith.muli %mul3A_3095, %select_n3A_2630 : i32
        %add3A_3097 = arith.addi %mul3A_3094, %mul3A_3096 : i32
        %add3A_3098 = arith.constant 2 : i32
        %add3A_3099 = arith.addi %add3A_3097, %add3A_3098 : i32
        %dma_wait3A_3100 = arith.constant 2 : i32
        %dma_wait3A_3101 = arith.constant 6 : i32
        %dma_wait3A_3102 = arith.constant 6144 : i32
        %dma_wait3A_3103 = tpu.memref_slice %arg13[%dma_wait3A_3100, %dma_wait3A_3102] : memref<4x8192xf32, #tpu.memory_space<vmem>> -> memref<1x1024xf32, #tpu.memory_space<vmem>>
        %dma_wait3A_3104 = tpu.memref_squeeze %dma_wait3A_3103 : memref<1x1024xf32, #tpu.memory_space<vmem>> -> memref<1024xf32, #tpu.memory_space<vmem>>
        %dma_wait3A_3105 = arith.constant 0 : i32
        %dma_wait3A_3106 = tpu.memref_slice %arg6[%add3A_3099, %dma_wait3A_3101, %select_n3A_2614, %dma_wait3A_3105] : memref<200x8x32x1024xf32, #tpu.memory_space<hbm>> -> memref<1x1x1x1024xf32, #tpu.memory_space<hbm>>
        %dma_wait3A_3107 = tpu.memref_squeeze %dma_wait3A_3106 : memref<1x1x1x1024xf32, #tpu.memory_space<hbm>> -> memref<1024xf32, #tpu.memory_space<hbm>>
        %dma_wait3A_3108 = arith.constant 0 : i32
        %dma_wait3A_3109 = tpu.memref_slice %arg6[%add3A_3099, %dma_wait3A_3101, %select_n3A_2614, %dma_wait3A_3108] : memref<200x8x32x1024xf32, #tpu.memory_space<hbm>> -> memref<1x1x1x1024xf32, #tpu.memory_space<hbm>>
        %dma_wait3A_3110 = tpu.memref_squeeze %dma_wait3A_3109 : memref<1x1x1x1024xf32, #tpu.memory_space<hbm>> -> memref<1024xf32, #tpu.memory_space<hbm>>
        %dma_wait3A_3111 = arith.constant 6144 : i32
        %dma_wait3A_3112 = tpu.memref_slice %arg13[%dma_wait3A_3100, %dma_wait3A_3111] : memref<4x8192xf32, #tpu.memory_space<vmem>> -> memref<1x1024xf32, #tpu.memory_space<vmem>>
        %dma_wait3A_3113 = tpu.memref_squeeze %dma_wait3A_3112 : memref<1x1024xf32, #tpu.memory_space<vmem>> -> memref<1024xf32, #tpu.memory_space<vmem>>
        tpu.wait_dma2 semaphore(%arg20 : memref<!tpu.dma_semaphore, #tpu.memory_space<semaphore_mem>>) src(%dma_wait3A_3113 : memref<1024xf32, #tpu.memory_space<vmem>>) dst(%dma_wait3A_3110 : memref<1024xf32, #tpu.memory_space<hbm>>)
        %mul3A_3114 = arith.constant 8 : i32
        %mul3A_3115 = arith.muli %select_n3A_2574, %mul3A_3114 : i32
        %mul3A_3116 = arith.constant 4 : i32
        %mul3A_3117 = arith.muli %mul3A_3116, %select_n3A_2630 : i32
        %add3A_3118 = arith.addi %mul3A_3115, %mul3A_3117 : i32
        %add3A_3119 = arith.constant 2 : i32
        %add3A_3120 = arith.addi %add3A_3118, %add3A_3119 : i32
        %dma_wait3A_3121 = arith.constant 2 : i32
        %dma_wait3A_3122 = arith.constant 7 : i32
        %dma_wait3A_3123 = arith.constant 7168 : i32
        %dma_wait3A_3124 = tpu.memref_slice %arg13[%dma_wait3A_3121, %dma_wait3A_3123] : memref<4x8192xf32, #tpu.memory_space<vmem>> -> memref<1x1024xf32, #tpu.memory_space<vmem>>
        %dma_wait3A_3125 = tpu.memref_squeeze %dma_wait3A_3124 : memref<1x1024xf32, #tpu.memory_space<vmem>> -> memref<1024xf32, #tpu.memory_space<vmem>>
        %dma_wait3A_3126 = arith.constant 0 : i32
        %dma_wait3A_3127 = tpu.memref_slice %arg6[%add3A_3120, %dma_wait3A_3122, %select_n3A_2614, %dma_wait3A_3126] : memref<200x8x32x1024xf32, #tpu.memory_space<hbm>> -> memref<1x1x1x1024xf32, #tpu.memory_space<hbm>>
        %dma_wait3A_3128 = tpu.memref_squeeze %dma_wait3A_3127 : memref<1x1x1x1024xf32, #tpu.memory_space<hbm>> -> memref<1024xf32, #tpu.memory_space<hbm>>
        %dma_wait3A_3129 = arith.constant 0 : i32
        %dma_wait3A_3130 = tpu.memref_slice %arg6[%add3A_3120, %dma_wait3A_3122, %select_n3A_2614, %dma_wait3A_3129] : memref<200x8x32x1024xf32, #tpu.memory_space<hbm>> -> memref<1x1x1x1024xf32, #tpu.memory_space<hbm>>
        %dma_wait3A_3131 = tpu.memref_squeeze %dma_wait3A_3130 : memref<1x1x1x1024xf32, #tpu.memory_space<hbm>> -> memref<1024xf32, #tpu.memory_space<hbm>>
        %dma_wait3A_3132 = arith.constant 7168 : i32
        %dma_wait3A_3133 = tpu.memref_slice %arg13[%dma_wait3A_3121, %dma_wait3A_3132] : memref<4x8192xf32, #tpu.memory_space<vmem>> -> memref<1x1024xf32, #tpu.memory_space<vmem>>
        %dma_wait3A_3134 = tpu.memref_squeeze %dma_wait3A_3133 : memref<1x1024xf32, #tpu.memory_space<vmem>> -> memref<1024xf32, #tpu.memory_space<vmem>>
        tpu.wait_dma2 semaphore(%arg20 : memref<!tpu.dma_semaphore, #tpu.memory_space<semaphore_mem>>) src(%dma_wait3A_3134 : memref<1024xf32, #tpu.memory_space<vmem>>) dst(%dma_wait3A_3131 : memref<1024xf32, #tpu.memory_space<hbm>>)
        %mul3A_3135 = arith.constant 8 : i32
        %mul3A_3136 = arith.muli %select_n3A_2574, %mul3A_3135 : i32
        %mul3A_3137 = arith.constant 4 : i32
        %mul3A_3138 = arith.muli %mul3A_3137, %select_n3A_2630 : i32
        %add3A_3139 = arith.addi %mul3A_3136, %mul3A_3138 : i32
        %add3A_3140 = arith.constant 3 : i32
        %add3A_3141 = arith.addi %add3A_3139, %add3A_3140 : i32
        %dma_wait3A_3142 = arith.constant 3 : i32
        %dma_wait3A_3143 = arith.constant 0 : i32
        %dma_wait3A_3144 = arith.constant 0 : i32
        %dma_wait3A_3145 = tpu.memref_slice %arg13[%dma_wait3A_3142, %dma_wait3A_3144] : memref<4x8192xf32, #tpu.memory_space<vmem>> -> memref<1x1024xf32, #tpu.memory_space<vmem>>
        %dma_wait3A_3146 = tpu.memref_squeeze %dma_wait3A_3145 : memref<1x1024xf32, #tpu.memory_space<vmem>> -> memref<1024xf32, #tpu.memory_space<vmem>>
        %dma_wait3A_3147 = arith.constant 0 : i32
        %dma_wait3A_3148 = tpu.memref_slice %arg6[%add3A_3141, %dma_wait3A_3143, %select_n3A_2614, %dma_wait3A_3147] : memref<200x8x32x1024xf32, #tpu.memory_space<hbm>> -> memref<1x1x1x1024xf32, #tpu.memory_space<hbm>>
        %dma_wait3A_3149 = tpu.memref_squeeze %dma_wait3A_3148 : memref<1x1x1x1024xf32, #tpu.memory_space<hbm>> -> memref<1024xf32, #tpu.memory_space<hbm>>
        %dma_wait3A_3150 = arith.constant 0 : i32
        %dma_wait3A_3151 = tpu.memref_slice %arg6[%add3A_3141, %dma_wait3A_3143, %select_n3A_2614, %dma_wait3A_3150] : memref<200x8x32x1024xf32, #tpu.memory_space<hbm>> -> memref<1x1x1x1024xf32, #tpu.memory_space<hbm>>
        %dma_wait3A_3152 = tpu.memref_squeeze %dma_wait3A_3151 : memref<1x1x1x1024xf32, #tpu.memory_space<hbm>> -> memref<1024xf32, #tpu.memory_space<hbm>>
        %dma_wait3A_3153 = arith.constant 0 : i32
        %dma_wait3A_3154 = tpu.memref_slice %arg13[%dma_wait3A_3142, %dma_wait3A_3153] : memref<4x8192xf32, #tpu.memory_space<vmem>> -> memref<1x1024xf32, #tpu.memory_space<vmem>>
        %dma_wait3A_3155 = tpu.memref_squeeze %dma_wait3A_3154 : memref<1x1024xf32, #tpu.memory_space<vmem>> -> memref<1024xf32, #tpu.memory_space<vmem>>
        tpu.wait_dma2 semaphore(%arg20 : memref<!tpu.dma_semaphore, #tpu.memory_space<semaphore_mem>>) src(%dma_wait3A_3155 : memref<1024xf32, #tpu.memory_space<vmem>>) dst(%dma_wait3A_3152 : memref<1024xf32, #tpu.memory_space<hbm>>)
        %mul3A_3156 = arith.constant 8 : i32
        %mul3A_3157 = arith.muli %select_n3A_2574, %mul3A_3156 : i32
        %mul3A_3158 = arith.constant 4 : i32
        %mul3A_3159 = arith.muli %mul3A_3158, %select_n3A_2630 : i32
        %add3A_3160 = arith.addi %mul3A_3157, %mul3A_3159 : i32
        %add3A_3161 = arith.constant 3 : i32
        %add3A_3162 = arith.addi %add3A_3160, %add3A_3161 : i32
        %dma_wait3A_3163 = arith.constant 3 : i32
        %dma_wait3A_3164 = arith.constant 1 : i32
        %dma_wait3A_3165 = arith.constant 1024 : i32
        %dma_wait3A_3166 = tpu.memref_slice %arg13[%dma_wait3A_3163, %dma_wait3A_3165] : memref<4x8192xf32, #tpu.memory_space<vmem>> -> memref<1x1024xf32, #tpu.memory_space<vmem>>
        %dma_wait3A_3167 = tpu.memref_squeeze %dma_wait3A_3166 : memref<1x1024xf32, #tpu.memory_space<vmem>> -> memref<1024xf32, #tpu.memory_space<vmem>>
        %dma_wait3A_3168 = arith.constant 0 : i32
        %dma_wait3A_3169 = tpu.memref_slice %arg6[%add3A_3162, %dma_wait3A_3164, %select_n3A_2614, %dma_wait3A_3168] : memref<200x8x32x1024xf32, #tpu.memory_space<hbm>> -> memref<1x1x1x1024xf32, #tpu.memory_space<hbm>>
        %dma_wait3A_3170 = tpu.memref_squeeze %dma_wait3A_3169 : memref<1x1x1x1024xf32, #tpu.memory_space<hbm>> -> memref<1024xf32, #tpu.memory_space<hbm>>
        %dma_wait3A_3171 = arith.constant 0 : i32
        %dma_wait3A_3172 = tpu.memref_slice %arg6[%add3A_3162, %dma_wait3A_3164, %select_n3A_2614, %dma_wait3A_3171] : memref<200x8x32x1024xf32, #tpu.memory_space<hbm>> -> memref<1x1x1x1024xf32, #tpu.memory_space<hbm>>
        %dma_wait3A_3173 = tpu.memref_squeeze %dma_wait3A_3172 : memref<1x1x1x1024xf32, #tpu.memory_space<hbm>> -> memref<1024xf32, #tpu.memory_space<hbm>>
        %dma_wait3A_3174 = arith.constant 1024 : i32
        %dma_wait3A_3175 = tpu.memref_slice %arg13[%dma_wait3A_3163, %dma_wait3A_3174] : memref<4x8192xf32, #tpu.memory_space<vmem>> -> memref<1x1024xf32, #tpu.memory_space<vmem>>
        %dma_wait3A_3176 = tpu.memref_squeeze %dma_wait3A_3175 : memref<1x1024xf32, #tpu.memory_space<vmem>> -> memref<1024xf32, #tpu.memory_space<vmem>>
        tpu.wait_dma2 semaphore(%arg20 : memref<!tpu.dma_semaphore, #tpu.memory_space<semaphore_mem>>) src(%dma_wait3A_3176 : memref<1024xf32, #tpu.memory_space<vmem>>) dst(%dma_wait3A_3173 : memref<1024xf32, #tpu.memory_space<hbm>>)
        %mul3A_3177 = arith.constant 8 : i32
        %mul3A_3178 = arith.muli %select_n3A_2574, %mul3A_3177 : i32
        %mul3A_3179 = arith.constant 4 : i32
        %mul3A_3180 = arith.muli %mul3A_3179, %select_n3A_2630 : i32
        %add3A_3181 = arith.addi %mul3A_3178, %mul3A_3180 : i32
        %add3A_3182 = arith.constant 3 : i32
        %add3A_3183 = arith.addi %add3A_3181, %add3A_3182 : i32
        %dma_wait3A_3184 = arith.constant 3 : i32
        %dma_wait3A_3185 = arith.constant 2 : i32
        %dma_wait3A_3186 = arith.constant 2048 : i32
        %dma_wait3A_3187 = tpu.memref_slice %arg13[%dma_wait3A_3184, %dma_wait3A_3186] : memref<4x8192xf32, #tpu.memory_space<vmem>> -> memref<1x1024xf32, #tpu.memory_space<vmem>>
        %dma_wait3A_3188 = tpu.memref_squeeze %dma_wait3A_3187 : memref<1x1024xf32, #tpu.memory_space<vmem>> -> memref<1024xf32, #tpu.memory_space<vmem>>
        %dma_wait3A_3189 = arith.constant 0 : i32
        %dma_wait3A_3190 = tpu.memref_slice %arg6[%add3A_3183, %dma_wait3A_3185, %select_n3A_2614, %dma_wait3A_3189] : memref<200x8x32x1024xf32, #tpu.memory_space<hbm>> -> memref<1x1x1x1024xf32, #tpu.memory_space<hbm>>
        %dma_wait3A_3191 = tpu.memref_squeeze %dma_wait3A_3190 : memref<1x1x1x1024xf32, #tpu.memory_space<hbm>> -> memref<1024xf32, #tpu.memory_space<hbm>>
        %dma_wait3A_3192 = arith.constant 0 : i32
        %dma_wait3A_3193 = tpu.memref_slice %arg6[%add3A_3183, %dma_wait3A_3185, %select_n3A_2614, %dma_wait3A_3192] : memref<200x8x32x1024xf32, #tpu.memory_space<hbm>> -> memref<1x1x1x1024xf32, #tpu.memory_space<hbm>>
        %dma_wait3A_3194 = tpu.memref_squeeze %dma_wait3A_3193 : memref<1x1x1x1024xf32, #tpu.memory_space<hbm>> -> memref<1024xf32, #tpu.memory_space<hbm>>
        %dma_wait3A_3195 = arith.constant 2048 : i32
        %dma_wait3A_3196 = tpu.memref_slice %arg13[%dma_wait3A_3184, %dma_wait3A_3195] : memref<4x8192xf32, #tpu.memory_space<vmem>> -> memref<1x1024xf32, #tpu.memory_space<vmem>>
        %dma_wait3A_3197 = tpu.memref_squeeze %dma_wait3A_3196 : memref<1x1024xf32, #tpu.memory_space<vmem>> -> memref<1024xf32, #tpu.memory_space<vmem>>
        tpu.wait_dma2 semaphore(%arg20 : memref<!tpu.dma_semaphore, #tpu.memory_space<semaphore_mem>>) src(%dma_wait3A_3197 : memref<1024xf32, #tpu.memory_space<vmem>>) dst(%dma_wait3A_3194 : memref<1024xf32, #tpu.memory_space<hbm>>)
        %mul3A_3198 = arith.constant 8 : i32
        %mul3A_3199 = arith.muli %select_n3A_2574, %mul3A_3198 : i32
        %mul3A_3200 = arith.constant 4 : i32
        %mul3A_3201 = arith.muli %mul3A_3200, %select_n3A_2630 : i32
        %add3A_3202 = arith.addi %mul3A_3199, %mul3A_3201 : i32
        %add3A_3203 = arith.constant 3 : i32
        %add3A_3204 = arith.addi %add3A_3202, %add3A_3203 : i32
        %dma_wait3A_3205 = arith.constant 3 : i32
        %dma_wait3A_3206 = arith.constant 3 : i32
        %dma_wait3A_3207 = arith.constant 3072 : i32
        %dma_wait3A_3208 = tpu.memref_slice %arg13[%dma_wait3A_3205, %dma_wait3A_3207] : memref<4x8192xf32, #tpu.memory_space<vmem>> -> memref<1x1024xf32, #tpu.memory_space<vmem>>
        %dma_wait3A_3209 = tpu.memref_squeeze %dma_wait3A_3208 : memref<1x1024xf32, #tpu.memory_space<vmem>> -> memref<1024xf32, #tpu.memory_space<vmem>>
        %dma_wait3A_3210 = arith.constant 0 : i32
        %dma_wait3A_3211 = tpu.memref_slice %arg6[%add3A_3204, %dma_wait3A_3206, %select_n3A_2614, %dma_wait3A_3210] : memref<200x8x32x1024xf32, #tpu.memory_space<hbm>> -> memref<1x1x1x1024xf32, #tpu.memory_space<hbm>>
        %dma_wait3A_3212 = tpu.memref_squeeze %dma_wait3A_3211 : memref<1x1x1x1024xf32, #tpu.memory_space<hbm>> -> memref<1024xf32, #tpu.memory_space<hbm>>
        %dma_wait3A_3213 = arith.constant 0 : i32
        %dma_wait3A_3214 = tpu.memref_slice %arg6[%add3A_3204, %dma_wait3A_3206, %select_n3A_2614, %dma_wait3A_3213] : memref<200x8x32x1024xf32, #tpu.memory_space<hbm>> -> memref<1x1x1x1024xf32, #tpu.memory_space<hbm>>
        %dma_wait3A_3215 = tpu.memref_squeeze %dma_wait3A_3214 : memref<1x1x1x1024xf32, #tpu.memory_space<hbm>> -> memref<1024xf32, #tpu.memory_space<hbm>>
        %dma_wait3A_3216 = arith.constant 3072 : i32
        %dma_wait3A_3217 = tpu.memref_slice %arg13[%dma_wait3A_3205, %dma_wait3A_3216] : memref<4x8192xf32, #tpu.memory_space<vmem>> -> memref<1x1024xf32, #tpu.memory_space<vmem>>
        %dma_wait3A_3218 = tpu.memref_squeeze %dma_wait3A_3217 : memref<1x1024xf32, #tpu.memory_space<vmem>> -> memref<1024xf32, #tpu.memory_space<vmem>>
        tpu.wait_dma2 semaphore(%arg20 : memref<!tpu.dma_semaphore, #tpu.memory_space<semaphore_mem>>) src(%dma_wait3A_3218 : memref<1024xf32, #tpu.memory_space<vmem>>) dst(%dma_wait3A_3215 : memref<1024xf32, #tpu.memory_space<hbm>>)
        %mul3A_3219 = arith.constant 8 : i32
        %mul3A_3220 = arith.muli %select_n3A_2574, %mul3A_3219 : i32
        %mul3A_3221 = arith.constant 4 : i32
        %mul3A_3222 = arith.muli %mul3A_3221, %select_n3A_2630 : i32
        %add3A_3223 = arith.addi %mul3A_3220, %mul3A_3222 : i32
        %add3A_3224 = arith.constant 3 : i32
        %add3A_3225 = arith.addi %add3A_3223, %add3A_3224 : i32
        %dma_wait3A_3226 = arith.constant 3 : i32
        %dma_wait3A_3227 = arith.constant 4 : i32
        %dma_wait3A_3228 = arith.constant 4096 : i32
        %dma_wait3A_3229 = tpu.memref_slice %arg13[%dma_wait3A_3226, %dma_wait3A_3228] : memref<4x8192xf32, #tpu.memory_space<vmem>> -> memref<1x1024xf32, #tpu.memory_space<vmem>>
        %dma_wait3A_3230 = tpu.memref_squeeze %dma_wait3A_3229 : memref<1x1024xf32, #tpu.memory_space<vmem>> -> memref<1024xf32, #tpu.memory_space<vmem>>
        %dma_wait3A_3231 = arith.constant 0 : i32
        %dma_wait3A_3232 = tpu.memref_slice %arg6[%add3A_3225, %dma_wait3A_3227, %select_n3A_2614, %dma_wait3A_3231] : memref<200x8x32x1024xf32, #tpu.memory_space<hbm>> -> memref<1x1x1x1024xf32, #tpu.memory_space<hbm>>
        %dma_wait3A_3233 = tpu.memref_squeeze %dma_wait3A_3232 : memref<1x1x1x1024xf32, #tpu.memory_space<hbm>> -> memref<1024xf32, #tpu.memory_space<hbm>>
        %dma_wait3A_3234 = arith.constant 0 : i32
        %dma_wait3A_3235 = tpu.memref_slice %arg6[%add3A_3225, %dma_wait3A_3227, %select_n3A_2614, %dma_wait3A_3234] : memref<200x8x32x1024xf32, #tpu.memory_space<hbm>> -> memref<1x1x1x1024xf32, #tpu.memory_space<hbm>>
        %dma_wait3A_3236 = tpu.memref_squeeze %dma_wait3A_3235 : memref<1x1x1x1024xf32, #tpu.memory_space<hbm>> -> memref<1024xf32, #tpu.memory_space<hbm>>
        %dma_wait3A_3237 = arith.constant 4096 : i32
        %dma_wait3A_3238 = tpu.memref_slice %arg13[%dma_wait3A_3226, %dma_wait3A_3237] : memref<4x8192xf32, #tpu.memory_space<vmem>> -> memref<1x1024xf32, #tpu.memory_space<vmem>>
        %dma_wait3A_3239 = tpu.memref_squeeze %dma_wait3A_3238 : memref<1x1024xf32, #tpu.memory_space<vmem>> -> memref<1024xf32, #tpu.memory_space<vmem>>
        tpu.wait_dma2 semaphore(%arg20 : memref<!tpu.dma_semaphore, #tpu.memory_space<semaphore_mem>>) src(%dma_wait3A_3239 : memref<1024xf32, #tpu.memory_space<vmem>>) dst(%dma_wait3A_3236 : memref<1024xf32, #tpu.memory_space<hbm>>)
        %mul3A_3240 = arith.constant 8 : i32
        %mul3A_3241 = arith.muli %select_n3A_2574, %mul3A_3240 : i32
        %mul3A_3242 = arith.constant 4 : i32
        %mul3A_3243 = arith.muli %mul3A_3242, %select_n3A_2630 : i32
        %add3A_3244 = arith.addi %mul3A_3241, %mul3A_3243 : i32
        %add3A_3245 = arith.constant 3 : i32
        %add3A_3246 = arith.addi %add3A_3244, %add3A_3245 : i32
        %dma_wait3A_3247 = arith.constant 3 : i32
        %dma_wait3A_3248 = arith.constant 5 : i32
        %dma_wait3A_3249 = arith.constant 5120 : i32
        %dma_wait3A_3250 = tpu.memref_slice %arg13[%dma_wait3A_3247, %dma_wait3A_3249] : memref<4x8192xf32, #tpu.memory_space<vmem>> -> memref<1x1024xf32, #tpu.memory_space<vmem>>
        %dma_wait3A_3251 = tpu.memref_squeeze %dma_wait3A_3250 : memref<1x1024xf32, #tpu.memory_space<vmem>> -> memref<1024xf32, #tpu.memory_space<vmem>>
        %dma_wait3A_3252 = arith.constant 0 : i32
        %dma_wait3A_3253 = tpu.memref_slice %arg6[%add3A_3246, %dma_wait3A_3248, %select_n3A_2614, %dma_wait3A_3252] : memref<200x8x32x1024xf32, #tpu.memory_space<hbm>> -> memref<1x1x1x1024xf32, #tpu.memory_space<hbm>>
        %dma_wait3A_3254 = tpu.memref_squeeze %dma_wait3A_3253 : memref<1x1x1x1024xf32, #tpu.memory_space<hbm>> -> memref<1024xf32, #tpu.memory_space<hbm>>
        %dma_wait3A_3255 = arith.constant 0 : i32
        %dma_wait3A_3256 = tpu.memref_slice %arg6[%add3A_3246, %dma_wait3A_3248, %select_n3A_2614, %dma_wait3A_3255] : memref<200x8x32x1024xf32, #tpu.memory_space<hbm>> -> memref<1x1x1x1024xf32, #tpu.memory_space<hbm>>
        %dma_wait3A_3257 = tpu.memref_squeeze %dma_wait3A_3256 : memref<1x1x1x1024xf32, #tpu.memory_space<hbm>> -> memref<1024xf32, #tpu.memory_space<hbm>>
        %dma_wait3A_3258 = arith.constant 5120 : i32
        %dma_wait3A_3259 = tpu.memref_slice %arg13[%dma_wait3A_3247, %dma_wait3A_3258] : memref<4x8192xf32, #tpu.memory_space<vmem>> -> memref<1x1024xf32, #tpu.memory_space<vmem>>
        %dma_wait3A_3260 = tpu.memref_squeeze %dma_wait3A_3259 : memref<1x1024xf32, #tpu.memory_space<vmem>> -> memref<1024xf32, #tpu.memory_space<vmem>>
        tpu.wait_dma2 semaphore(%arg20 : memref<!tpu.dma_semaphore, #tpu.memory_space<semaphore_mem>>) src(%dma_wait3A_3260 : memref<1024xf32, #tpu.memory_space<vmem>>) dst(%dma_wait3A_3257 : memref<1024xf32, #tpu.memory_space<hbm>>)
        %mul3A_3261 = arith.constant 8 : i32
        %mul3A_3262 = arith.muli %select_n3A_2574, %mul3A_3261 : i32
        %mul3A_3263 = arith.constant 4 : i32
        %mul3A_3264 = arith.muli %mul3A_3263, %select_n3A_2630 : i32
        %add3A_3265 = arith.addi %mul3A_3262, %mul3A_3264 : i32
        %add3A_3266 = arith.constant 3 : i32
        %add3A_3267 = arith.addi %add3A_3265, %add3A_3266 : i32
        %dma_wait3A_3268 = arith.constant 3 : i32
        %dma_wait3A_3269 = arith.constant 6 : i32
        %dma_wait3A_3270 = arith.constant 6144 : i32
        %dma_wait3A_3271 = tpu.memref_slice %arg13[%dma_wait3A_3268, %dma_wait3A_3270] : memref<4x8192xf32, #tpu.memory_space<vmem>> -> memref<1x1024xf32, #tpu.memory_space<vmem>>
        %dma_wait3A_3272 = tpu.memref_squeeze %dma_wait3A_3271 : memref<1x1024xf32, #tpu.memory_space<vmem>> -> memref<1024xf32, #tpu.memory_space<vmem>>
        %dma_wait3A_3273 = arith.constant 0 : i32
        %dma_wait3A_3274 = tpu.memref_slice %arg6[%add3A_3267, %dma_wait3A_3269, %select_n3A_2614, %dma_wait3A_3273] : memref<200x8x32x1024xf32, #tpu.memory_space<hbm>> -> memref<1x1x1x1024xf32, #tpu.memory_space<hbm>>
        %dma_wait3A_3275 = tpu.memref_squeeze %dma_wait3A_3274 : memref<1x1x1x1024xf32, #tpu.memory_space<hbm>> -> memref<1024xf32, #tpu.memory_space<hbm>>
        %dma_wait3A_3276 = arith.constant 0 : i32
        %dma_wait3A_3277 = tpu.memref_slice %arg6[%add3A_3267, %dma_wait3A_3269, %select_n3A_2614, %dma_wait3A_3276] : memref<200x8x32x1024xf32, #tpu.memory_space<hbm>> -> memref<1x1x1x1024xf32, #tpu.memory_space<hbm>>
        %dma_wait3A_3278 = tpu.memref_squeeze %dma_wait3A_3277 : memref<1x1x1x1024xf32, #tpu.memory_space<hbm>> -> memref<1024xf32, #tpu.memory_space<hbm>>
        %dma_wait3A_3279 = arith.constant 6144 : i32
        %dma_wait3A_3280 = tpu.memref_slice %arg13[%dma_wait3A_3268, %dma_wait3A_3279] : memref<4x8192xf32, #tpu.memory_space<vmem>> -> memref<1x1024xf32, #tpu.memory_space<vmem>>
        %dma_wait3A_3281 = tpu.memref_squeeze %dma_wait3A_3280 : memref<1x1024xf32, #tpu.memory_space<vmem>> -> memref<1024xf32, #tpu.memory_space<vmem>>
        tpu.wait_dma2 semaphore(%arg20 : memref<!tpu.dma_semaphore, #tpu.memory_space<semaphore_mem>>) src(%dma_wait3A_3281 : memref<1024xf32, #tpu.memory_space<vmem>>) dst(%dma_wait3A_3278 : memref<1024xf32, #tpu.memory_space<hbm>>)
        %mul3A_3282 = arith.constant 8 : i32
        %mul3A_3283 = arith.muli %select_n3A_2574, %mul3A_3282 : i32
        %mul3A_3284 = arith.constant 4 : i32
        %mul3A_3285 = arith.muli %mul3A_3284, %select_n3A_2630 : i32
        %add3A_3286 = arith.addi %mul3A_3283, %mul3A_3285 : i32
        %add3A_3287 = arith.constant 3 : i32
        %add3A_3288 = arith.addi %add3A_3286, %add3A_3287 : i32
        %dma_wait3A_3289 = arith.constant 3 : i32
        %dma_wait3A_3290 = arith.constant 7 : i32
        %dma_wait3A_3291 = arith.constant 7168 : i32
        %dma_wait3A_3292 = tpu.memref_slice %arg13[%dma_wait3A_3289, %dma_wait3A_3291] : memref<4x8192xf32, #tpu.memory_space<vmem>> -> memref<1x1024xf32, #tpu.memory_space<vmem>>
        %dma_wait3A_3293 = tpu.memref_squeeze %dma_wait3A_3292 : memref<1x1024xf32, #tpu.memory_space<vmem>> -> memref<1024xf32, #tpu.memory_space<vmem>>
        %dma_wait3A_3294 = arith.constant 0 : i32
        %dma_wait3A_3295 = tpu.memref_slice %arg6[%add3A_3288, %dma_wait3A_3290, %select_n3A_2614, %dma_wait3A_3294] : memref<200x8x32x1024xf32, #tpu.memory_space<hbm>> -> memref<1x1x1x1024xf32, #tpu.memory_space<hbm>>
        %dma_wait3A_3296 = tpu.memref_squeeze %dma_wait3A_3295 : memref<1x1x1x1024xf32, #tpu.memory_space<hbm>> -> memref<1024xf32, #tpu.memory_space<hbm>>
        %dma_wait3A_3297 = arith.constant 0 : i32
        %dma_wait3A_3298 = tpu.memref_slice %arg6[%add3A_3288, %dma_wait3A_3290, %select_n3A_2614, %dma_wait3A_3297] : memref<200x8x32x1024xf32, #tpu.memory_space<hbm>> -> memref<1x1x1x1024xf32, #tpu.memory_space<hbm>>
        %dma_wait3A_3299 = tpu.memref_squeeze %dma_wait3A_3298 : memref<1x1x1x1024xf32, #tpu.memory_space<hbm>> -> memref<1024xf32, #tpu.memory_space<hbm>>
        %dma_wait3A_3300 = arith.constant 7168 : i32
        %dma_wait3A_3301 = tpu.memref_slice %arg13[%dma_wait3A_3289, %dma_wait3A_3300] : memref<4x8192xf32, #tpu.memory_space<vmem>> -> memref<1x1024xf32, #tpu.memory_space<vmem>>
        %dma_wait3A_3302 = tpu.memref_squeeze %dma_wait3A_3301 : memref<1x1024xf32, #tpu.memory_space<vmem>> -> memref<1024xf32, #tpu.memory_space<vmem>>
        tpu.wait_dma2 semaphore(%arg20 : memref<!tpu.dma_semaphore, #tpu.memory_space<semaphore_mem>>) src(%dma_wait3A_3302 : memref<1024xf32, #tpu.memory_space<vmem>>) dst(%dma_wait3A_3299 : memref<1024xf32, #tpu.memory_space<hbm>>)
      } else {
      }
      %scan3A_1787 = arith.constant 0 : i32
      %scan3A_1788 = arith.constant 0 : i32
      %scan3A_1789 = arith.constant 512 : i32
      %scan3A_1790 = arith.addi %scan3A_1788, %scan3A_1789 : i32
      %scan3A_1791 = arith.constant 1 : i32
      scf.for %scan3A_2551 = %scan3A_1788 to %scan3A_1790 step %scan3A_1791  : i32 {
        %jit3A_2552 = arith.constant 128 : i32
        %div3A_2553 = arith.divsi %scan3A_2551, %jit3A_2552 : i32
        %sign3A_2554 = arith.constant 0 : i32
        %sign3A_2555 = arith.cmpi sgt, %scan3A_2551, %sign3A_2554 : i32
        %sign3A_2556 = arith.extui %sign3A_2555 : i1 to i32
        %sign3A_2557 = arith.constant 0 : i32
        %sign3A_2558 = arith.cmpi slt, %scan3A_2551, %sign3A_2557 : i32
        %sign3A_2559 = arith.extui %sign3A_2558 : i1 to i32
        %sign3A_2560 = arith.subi %sign3A_2556, %sign3A_2559 : i32
        %sign3A_2561 = arith.constant 0 : i32
        %sign3A_2562 = arith.cmpi sgt, %jit3A_2552, %sign3A_2561 : i32
        %sign3A_2563 = arith.extui %sign3A_2562 : i1 to i32
        %sign3A_2564 = arith.constant 0 : i32
        %sign3A_2565 = arith.cmpi slt, %jit3A_2552, %sign3A_2564 : i32
        %sign3A_2566 = arith.extui %sign3A_2565 : i1 to i32
        %sign3A_2567 = arith.subi %sign3A_2563, %sign3A_2566 : i32
        %ne3A_2568 = arith.cmpi ne, %sign3A_2560, %sign3A_2567 : i32
        %rem3A_2569 = arith.remsi %scan3A_2551, %jit3A_2552 : i32
        %ne3A_2570 = arith.constant 0 : i32
        %ne3A_2571 = arith.cmpi ne, %rem3A_2569, %ne3A_2570 : i32
        %and3A_2572 = arith.andi %ne3A_2568, %ne3A_2571 : i1
        %sub3A_2573 = arith.constant 1 : i32
        %sub3A_2574 = arith.subi %div3A_2553, %sub3A_2573 : i32
        %select_n3A_2575 = arith.select %and3A_2572, %sub3A_2574, %div3A_2553 : i32
        %mul3A_2576 = arith.constant 128 : i32
        %mul3A_2577 = arith.muli %select_n3A_2575, %mul3A_2576 : i32
        %sub3A_2578 = arith.subi %scan3A_2551, %mul3A_2577 : i32
        %broadcast_in_dim3A = vector.broadcast %select_n3A_2575 : i32 to vector<16xi32>
        %get3A = arith.index_cast %scan3A_2551 : i32 to index
        %get3A_2579 = arith.constant 0 : index
        %get3A_2580 = tpu.vector_load %arg12[%get3A, %get3A_2579] {strides = array<i32>} : memref<512x64xf32, #tpu.memory_space<vmem>>, vector<16xf32>,
        %add3A_2581 = vector.broadcast %sub3A_2578 : i32 to vector<16xi32>
        %add3A_2582 = arith.addi %mul3A_10, %add3A_2581 : vector<16xi32>
        tpu.vector_store_idx %arg13[%broadcast_in_dim3A, %add3A_2582], %get3A_2580 : memref<4x8192xf32, #tpu.memory_space<vmem>>[vector<16xi32>, vector<16xi32>], vector<16xf32>,
        %get3A_2583 = arith.index_cast %scan3A_2551 : i32 to index
        %get3A_2584 = arith.constant 16 : index
        %get3A_2585 = tpu.vector_load %arg12[%get3A_2583, %get3A_2584] {strides = array<i32>} : memref<512x64xf32, #tpu.memory_space<vmem>>, vector<16xf32>,
        %add3A_2586 = vector.broadcast %sub3A_2578 : i32 to vector<16xi32>
        %add3A_2587 = arith.addi %mul3A_16, %add3A_2586 : vector<16xi32>
        tpu.vector_store_idx %arg13[%broadcast_in_dim3A, %add3A_2587], %get3A_2585 : memref<4x8192xf32, #tpu.memory_space<vmem>>[vector<16xi32>, vector<16xi32>], vector<16xf32>,
        %get3A_2588 = arith.index_cast %scan3A_2551 : i32 to index
        %get3A_2589 = arith.constant 32 : index
        %get3A_2590 = tpu.vector_load %arg12[%get3A_2588, %get3A_2589] {strides = array<i32>} : memref<512x64xf32, #tpu.memory_space<vmem>>, vector<16xf32>,
        %add3A_2591 = vector.broadcast %sub3A_2578 : i32 to vector<16xi32>
        %add3A_2592 = arith.addi %mul3A_22, %add3A_2591 : vector<16xi32>
        tpu.vector_store_idx %arg13[%broadcast_in_dim3A, %add3A_2592], %get3A_2590 : memref<4x8192xf32, #tpu.memory_space<vmem>>[vector<16xi32>, vector<16xi32>], vector<16xf32>,
        %get3A_2593 = arith.index_cast %scan3A_2551 : i32 to index
        %get3A_2594 = arith.constant 48 : index
        %get3A_2595 = tpu.vector_load %arg12[%get3A_2593, %get3A_2594] {strides = array<i32>} : memref<512x64xf32, #tpu.memory_space<vmem>>, vector<16xf32>,
        %add3A_2596 = vector.broadcast %sub3A_2578 : i32 to vector<16xi32>
        %add3A_2597 = arith.addi %mul3A_28, %add3A_2596 : vector<16xi32>
        tpu.vector_store_idx %arg13[%broadcast_in_dim3A, %add3A_2597], %get3A_2595 : memref<4x8192xf32, #tpu.memory_space<vmem>>[vector<16xi32>, vector<16xi32>], vector<16xf32>,
      }
      %scan3A_1792 = arith.constant 512 : i32
      %jit3A_1793 = arith.constant 64 : i32
      %div3A_1794 = arith.divsi %add3A_1767, %jit3A_1793 : i32
      %sign3A_1795 = arith.constant 0 : i32
      %sign3A_1796 = arith.cmpi sgt, %add3A_1767, %sign3A_1795 : i32
      %sign3A_1797 = arith.extui %sign3A_1796 : i1 to i32
      %sign3A_1798 = arith.constant 0 : i32
      %sign3A_1799 = arith.cmpi slt, %add3A_1767, %sign3A_1798 : i32
      %sign3A_1800 = arith.extui %sign3A_1799 : i1 to i32
      %sign3A_1801 = arith.subi %sign3A_1797, %sign3A_1800 : i32
      %sign3A_1802 = arith.constant 0 : i32
      %sign3A_1803 = arith.cmpi sgt, %jit3A_1793, %sign3A_1802 : i32
      %sign3A_1804 = arith.extui %sign3A_1803 : i1 to i32
      %sign3A_1805 = arith.constant 0 : i32
      %sign3A_1806 = arith.cmpi slt, %jit3A_1793, %sign3A_1805 : i32
      %sign3A_1807 = arith.extui %sign3A_1806 : i1 to i32
      %sign3A_1808 = arith.subi %sign3A_1804, %sign3A_1807 : i32
      %ne3A_1809 = arith.cmpi ne, %sign3A_1801, %sign3A_1808 : i32
      %rem3A_1810 = arith.remsi %add3A_1767, %jit3A_1793 : i32
      %ne3A_1811 = arith.constant 0 : i32
      %ne3A_1812 = arith.cmpi ne, %rem3A_1810, %ne3A_1811 : i32
      %and3A_1813 = arith.andi %ne3A_1809, %ne3A_1812 : i1
      %sub3A_1814 = arith.constant 1 : i32
      %sub3A_1815 = arith.subi %div3A_1794, %sub3A_1814 : i32
      %select_n3A_1816 = arith.select %and3A_1813, %sub3A_1815, %div3A_1794 : i32
      %jit3A_1817 = arith.constant 64 : i32
      %eq3A_1818 = arith.constant 0 : i32
      %eq3A_1819 = arith.cmpi eq, %jit3A_1817, %eq3A_1818 : i32
      %jit3A_1820 = arith.constant 1 : i32
      %select_n3A_1821 = arith.select %eq3A_1819, %jit3A_1820, %jit3A_1817 : i32
      %rem3A_1822 = arith.remsi %add3A_1767, %select_n3A_1821 : i32
      %ne3A_1823 = arith.constant 0 : i32
      %ne3A_1824 = arith.cmpi ne, %rem3A_1822, %ne3A_1823 : i32
      %lt3A_1825 = arith.constant 0 : i32
      %lt3A_1826 = arith.cmpi slt, %rem3A_1822, %lt3A_1825 : i32
      %lt3A_1827 = arith.constant 0 : i32
      %lt3A_1828 = arith.cmpi slt, %select_n3A_1821, %lt3A_1827 : i32
      %ne3A_1829 = arith.xori %lt3A_1826, %lt3A_1828 : i1
      %and3A_1830 = arith.andi %ne3A_1829, %ne3A_1824 : i1
      %add3A_1831 = arith.addi %rem3A_1822, %select_n3A_1821 : i32
      %select_n3A_1832 = arith.select %and3A_1830, %add3A_1831, %rem3A_1822 : i32
      %jit3A_1833 = arith.constant 2 : i32
      %div3A_1834 = arith.divsi %select_n3A_1832, %jit3A_1833 : i32
      %sign3A_1835 = arith.constant 0 : i32
      %sign3A_1836 = arith.cmpi sgt, %select_n3A_1832, %sign3A_1835 : i32
      %sign3A_1837 = arith.extui %sign3A_1836 : i1 to i32
      %sign3A_1838 = arith.constant 0 : i32
      %sign3A_1839 = arith.cmpi slt, %select_n3A_1832, %sign3A_1838 : i32
      %sign3A_1840 = arith.extui %sign3A_1839 : i1 to i32
      %sign3A_1841 = arith.subi %sign3A_1837, %sign3A_1840 : i32
      %sign3A_1842 = arith.constant 0 : i32
      %sign3A_1843 = arith.cmpi sgt, %jit3A_1833, %sign3A_1842 : i32
      %sign3A_1844 = arith.extui %sign3A_1843 : i1 to i32
      %sign3A_1845 = arith.constant 0 : i32
      %sign3A_1846 = arith.cmpi slt, %jit3A_1833, %sign3A_1845 : i32
      %sign3A_1847 = arith.extui %sign3A_1846 : i1 to i32
      %sign3A_1848 = arith.subi %sign3A_1844, %sign3A_1847 : i32
      %ne3A_1849 = arith.cmpi ne, %sign3A_1841, %sign3A_1848 : i32
      %rem3A_1850 = arith.remsi %select_n3A_1832, %jit3A_1833 : i32
      %ne3A_1851 = arith.constant 0 : i32
      %ne3A_1852 = arith.cmpi ne, %rem3A_1850, %ne3A_1851 : i32
      %and3A_1853 = arith.andi %ne3A_1849, %ne3A_1852 : i1
      %sub3A_1854 = arith.constant 1 : i32
      %sub3A_1855 = arith.subi %div3A_1834, %sub3A_1854 : i32
      %select_n3A_1856 = arith.select %and3A_1853, %sub3A_1855, %div3A_1834 : i32
      %jit3A_1857 = arith.constant 2 : i32
      %eq3A_1858 = arith.constant 0 : i32
      %eq3A_1859 = arith.cmpi eq, %jit3A_1857, %eq3A_1858 : i32
      %jit3A_1860 = arith.constant 1 : i32
      %select_n3A_1861 = arith.select %eq3A_1859, %jit3A_1860, %jit3A_1857 : i32
      %rem3A_1862 = arith.remsi %select_n3A_1832, %select_n3A_1861 : i32
      %ne3A_1863 = arith.constant 0 : i32
      %ne3A_1864 = arith.cmpi ne, %rem3A_1862, %ne3A_1863 : i32
      %lt3A_1865 = arith.constant 0 : i32
      %lt3A_1866 = arith.cmpi slt, %rem3A_1862, %lt3A_1865 : i32
      %lt3A_1867 = arith.constant 0 : i32
      %lt3A_1868 = arith.cmpi slt, %select_n3A_1861, %lt3A_1867 : i32
      %ne3A_1869 = arith.xori %lt3A_1866, %lt3A_1868 : i1
      %and3A_1870 = arith.andi %ne3A_1869, %ne3A_1864 : i1
      %add3A_1871 = arith.addi %rem3A_1862, %select_n3A_1861 : i32
      %select_n3A_1872 = arith.select %and3A_1870, %add3A_1871, %rem3A_1862 : i32
      %mul3A_1873 = arith.constant 8 : i32
      %mul3A_1874 = arith.muli %select_n3A_1816, %mul3A_1873 : i32
      %mul3A_1875 = arith.constant 4 : i32
      %mul3A_1876 = arith.muli %mul3A_1875, %select_n3A_1872 : i32
      %add3A_1877 = arith.addi %mul3A_1874, %mul3A_1876 : i32
      %add3A_1878 = arith.constant 0 : i32
      %add3A_1879 = arith.addi %add3A_1877, %add3A_1878 : i32
      %dma_start3A_1880 = arith.constant 0 : i32
      %dma_start3A_1881 = arith.constant 0 : i32
      %dma_start3A_1882 = arith.constant 0 : i32
      %dma_start3A_1883 = tpu.memref_slice %arg13[%dma_start3A_1880, %dma_start3A_1882] : memref<4x8192xf32, #tpu.memory_space<vmem>> -> memref<1x1024xf32, #tpu.memory_space<vmem>>
      %dma_start3A_1884 = tpu.memref_squeeze %dma_start3A_1883 : memref<1x1024xf32, #tpu.memory_space<vmem>> -> memref<1024xf32, #tpu.memory_space<vmem>>
      %dma_start3A_1885 = arith.constant 0 : i32
      %dma_start3A_1886 = tpu.memref_slice %arg6[%add3A_1879, %dma_start3A_1881, %select_n3A_1856, %dma_start3A_1885] : memref<200x8x32x1024xf32, #tpu.memory_space<hbm>> -> memref<1x1x1x1024xf32, #tpu.memory_space<hbm>>
      %dma_start3A_1887 = tpu.memref_squeeze %dma_start3A_1886 : memref<1x1x1x1024xf32, #tpu.memory_space<hbm>> -> memref<1024xf32, #tpu.memory_space<hbm>>
      %dma_start3A_1888 = arith.constant 0 : i32
      %dma_start3A_1889 = tpu.memref_slice %arg6[%add3A_1879, %dma_start3A_1881, %select_n3A_1856, %dma_start3A_1888] : memref<200x8x32x1024xf32, #tpu.memory_space<hbm>> -> memref<1x1x1x1024xf32, #tpu.memory_space<hbm>>
      %dma_start3A_1890 = tpu.memref_squeeze %dma_start3A_1889 : memref<1x1x1x1024xf32, #tpu.memory_space<hbm>> -> memref<1024xf32, #tpu.memory_space<hbm>>
      %dma_start3A_1891 = arith.constant 0 : i32
      %dma_start3A_1892 = tpu.memref_slice %arg13[%dma_start3A_1880, %dma_start3A_1891] : memref<4x8192xf32, #tpu.memory_space<vmem>> -> memref<1x1024xf32, #tpu.memory_space<vmem>>
      %dma_start3A_1893 = tpu.memref_squeeze %dma_start3A_1892 : memref<1x1024xf32, #tpu.memory_space<vmem>> -> memref<1024xf32, #tpu.memory_space<vmem>>
      tpu.enqueue_dma source(%dma_start3A_1893 : memref<1024xf32, #tpu.memory_space<vmem>>) target(%dma_start3A_1890 : memref<1024xf32, #tpu.memory_space<hbm>>) target_semaphore(%arg20 : memref<!tpu.dma_semaphore, #tpu.memory_space<semaphore_mem>>)
      %mul3A_1894 = arith.constant 8 : i32
      %mul3A_1895 = arith.muli %select_n3A_1816, %mul3A_1894 : i32
      %mul3A_1896 = arith.constant 4 : i32
      %mul3A_1897 = arith.muli %mul3A_1896, %select_n3A_1872 : i32
      %add3A_1898 = arith.addi %mul3A_1895, %mul3A_1897 : i32
      %add3A_1899 = arith.constant 0 : i32
      %add3A_1900 = arith.addi %add3A_1898, %add3A_1899 : i32
      %dma_start3A_1901 = arith.constant 0 : i32
      %dma_start3A_1902 = arith.constant 1 : i32
      %dma_start3A_1903 = arith.constant 1024 : i32
      %dma_start3A_1904 = tpu.memref_slice %arg13[%dma_start3A_1901, %dma_start3A_1903] : memref<4x8192xf32, #tpu.memory_space<vmem>> -> memref<1x1024xf32, #tpu.memory_space<vmem>>
      %dma_start3A_1905 = tpu.memref_squeeze %dma_start3A_1904 : memref<1x1024xf32, #tpu.memory_space<vmem>> -> memref<1024xf32, #tpu.memory_space<vmem>>
      %dma_start3A_1906 = arith.constant 0 : i32
      %dma_start3A_1907 = tpu.memref_slice %arg6[%add3A_1900, %dma_start3A_1902, %select_n3A_1856, %dma_start3A_1906] : memref<200x8x32x1024xf32, #tpu.memory_space<hbm>> -> memref<1x1x1x1024xf32, #tpu.memory_space<hbm>>
      %dma_start3A_1908 = tpu.memref_squeeze %dma_start3A_1907 : memref<1x1x1x1024xf32, #tpu.memory_space<hbm>> -> memref<1024xf32, #tpu.memory_space<hbm>>
      %dma_start3A_1909 = arith.constant 0 : i32
      %dma_start3A_1910 = tpu.memref_slice %arg6[%add3A_1900, %dma_start3A_1902, %select_n3A_1856, %dma_start3A_1909] : memref<200x8x32x1024xf32, #tpu.memory_space<hbm>> -> memref<1x1x1x1024xf32, #tpu.memory_space<hbm>>
      %dma_start3A_1911 = tpu.memref_squeeze %dma_start3A_1910 : memref<1x1x1x1024xf32, #tpu.memory_space<hbm>> -> memref<1024xf32, #tpu.memory_space<hbm>>
      %dma_start3A_1912 = arith.constant 1024 : i32
      %dma_start3A_1913 = tpu.memref_slice %arg13[%dma_start3A_1901, %dma_start3A_1912] : memref<4x8192xf32, #tpu.memory_space<vmem>> -> memref<1x1024xf32, #tpu.memory_space<vmem>>
      %dma_start3A_1914 = tpu.memref_squeeze %dma_start3A_1913 : memref<1x1024xf32, #tpu.memory_space<vmem>> -> memref<1024xf32, #tpu.memory_space<vmem>>
      tpu.enqueue_dma source(%dma_start3A_1914 : memref<1024xf32, #tpu.memory_space<vmem>>) target(%dma_start3A_1911 : memref<1024xf32, #tpu.memory_space<hbm>>) target_semaphore(%arg20 : memref<!tpu.dma_semaphore, #tpu.memory_space<semaphore_mem>>)
      %mul3A_1915 = arith.constant 8 : i32
      %mul3A_1916 = arith.muli %select_n3A_1816, %mul3A_1915 : i32
      %mul3A_1917 = arith.constant 4 : i32
      %mul3A_1918 = arith.muli %mul3A_1917, %select_n3A_1872 : i32
      %add3A_1919 = arith.addi %mul3A_1916, %mul3A_1918 : i32
      %add3A_1920 = arith.constant 0 : i32
      %add3A_1921 = arith.addi %add3A_1919, %add3A_1920 : i32
      %dma_start3A_1922 = arith.constant 0 : i32
      %dma_start3A_1923 = arith.constant 2 : i32
      %dma_start3A_1924 = arith.constant 2048 : i32
      %dma_start3A_1925 = tpu.memref_slice %arg13[%dma_start3A_1922, %dma_start3A_1924] : memref<4x8192xf32, #tpu.memory_space<vmem>> -> memref<1x1024xf32, #tpu.memory_space<vmem>>
      %dma_start3A_1926 = tpu.memref_squeeze %dma_start3A_1925 : memref<1x1024xf32, #tpu.memory_space<vmem>> -> memref<1024xf32, #tpu.memory_space<vmem>>
      %dma_start3A_1927 = arith.constant 0 : i32
      %dma_start3A_1928 = tpu.memref_slice %arg6[%add3A_1921, %dma_start3A_1923, %select_n3A_1856, %dma_start3A_1927] : memref<200x8x32x1024xf32, #tpu.memory_space<hbm>> -> memref<1x1x1x1024xf32, #tpu.memory_space<hbm>>
      %dma_start3A_1929 = tpu.memref_squeeze %dma_start3A_1928 : memref<1x1x1x1024xf32, #tpu.memory_space<hbm>> -> memref<1024xf32, #tpu.memory_space<hbm>>
      %dma_start3A_1930 = arith.constant 0 : i32
      %dma_start3A_1931 = tpu.memref_slice %arg6[%add3A_1921, %dma_start3A_1923, %select_n3A_1856, %dma_start3A_1930] : memref<200x8x32x1024xf32, #tpu.memory_space<hbm>> -> memref<1x1x1x1024xf32, #tpu.memory_space<hbm>>
      %dma_start3A_1932 = tpu.memref_squeeze %dma_start3A_1931 : memref<1x1x1x1024xf32, #tpu.memory_space<hbm>> -> memref<1024xf32, #tpu.memory_space<hbm>>
      %dma_start3A_1933 = arith.constant 2048 : i32
      %dma_start3A_1934 = tpu.memref_slice %arg13[%dma_start3A_1922, %dma_start3A_1933] : memref<4x8192xf32, #tpu.memory_space<vmem>> -> memref<1x1024xf32, #tpu.memory_space<vmem>>
      %dma_start3A_1935 = tpu.memref_squeeze %dma_start3A_1934 : memref<1x1024xf32, #tpu.memory_space<vmem>> -> memref<1024xf32, #tpu.memory_space<vmem>>
      tpu.enqueue_dma source(%dma_start3A_1935 : memref<1024xf32, #tpu.memory_space<vmem>>) target(%dma_start3A_1932 : memref<1024xf32, #tpu.memory_space<hbm>>) target_semaphore(%arg20 : memref<!tpu.dma_semaphore, #tpu.memory_space<semaphore_mem>>)
      %mul3A_1936 = arith.constant 8 : i32
      %mul3A_1937 = arith.muli %select_n3A_1816, %mul3A_1936 : i32
      %mul3A_1938 = arith.constant 4 : i32
      %mul3A_1939 = arith.muli %mul3A_1938, %select_n3A_1872 : i32
      %add3A_1940 = arith.addi %mul3A_1937, %mul3A_1939 : i32
      %add3A_1941 = arith.constant 0 : i32
      %add3A_1942 = arith.addi %add3A_1940, %add3A_1941 : i32
      %dma_start3A_1943 = arith.constant 0 : i32
      %dma_start3A_1944 = arith.constant 3 : i32
      %dma_start3A_1945 = arith.constant 3072 : i32
      %dma_start3A_1946 = tpu.memref_slice %arg13[%dma_start3A_1943, %dma_start3A_1945] : memref<4x8192xf32, #tpu.memory_space<vmem>> -> memref<1x1024xf32, #tpu.memory_space<vmem>>
      %dma_start3A_1947 = tpu.memref_squeeze %dma_start3A_1946 : memref<1x1024xf32, #tpu.memory_space<vmem>> -> memref<1024xf32, #tpu.memory_space<vmem>>
      %dma_start3A_1948 = arith.constant 0 : i32
      %dma_start3A_1949 = tpu.memref_slice %arg6[%add3A_1942, %dma_start3A_1944, %select_n3A_1856, %dma_start3A_1948] : memref<200x8x32x1024xf32, #tpu.memory_space<hbm>> -> memref<1x1x1x1024xf32, #tpu.memory_space<hbm>>
      %dma_start3A_1950 = tpu.memref_squeeze %dma_start3A_1949 : memref<1x1x1x1024xf32, #tpu.memory_space<hbm>> -> memref<1024xf32, #tpu.memory_space<hbm>>
      %dma_start3A_1951 = arith.constant 0 : i32
      %dma_start3A_1952 = tpu.memref_slice %arg6[%add3A_1942, %dma_start3A_1944, %select_n3A_1856, %dma_start3A_1951] : memref<200x8x32x1024xf32, #tpu.memory_space<hbm>> -> memref<1x1x1x1024xf32, #tpu.memory_space<hbm>>
      %dma_start3A_1953 = tpu.memref_squeeze %dma_start3A_1952 : memref<1x1x1x1024xf32, #tpu.memory_space<hbm>> -> memref<1024xf32, #tpu.memory_space<hbm>>
      %dma_start3A_1954 = arith.constant 3072 : i32
      %dma_start3A_1955 = tpu.memref_slice %arg13[%dma_start3A_1943, %dma_start3A_1954] : memref<4x8192xf32, #tpu.memory_space<vmem>> -> memref<1x1024xf32, #tpu.memory_space<vmem>>
      %dma_start3A_1956 = tpu.memref_squeeze %dma_start3A_1955 : memref<1x1024xf32, #tpu.memory_space<vmem>> -> memref<1024xf32, #tpu.memory_space<vmem>>
      tpu.enqueue_dma source(%dma_start3A_1956 : memref<1024xf32, #tpu.memory_space<vmem>>) target(%dma_start3A_1953 : memref<1024xf32, #tpu.memory_space<hbm>>) target_semaphore(%arg20 : memref<!tpu.dma_semaphore, #tpu.memory_space<semaphore_mem>>)
      %mul3A_1957 = arith.constant 8 : i32
      %mul3A_1958 = arith.muli %select_n3A_1816, %mul3A_1957 : i32
      %mul3A_1959 = arith.constant 4 : i32
      %mul3A_1960 = arith.muli %mul3A_1959, %select_n3A_1872 : i32
      %add3A_1961 = arith.addi %mul3A_1958, %mul3A_1960 : i32
      %add3A_1962 = arith.constant 0 : i32
      %add3A_1963 = arith.addi %add3A_1961, %add3A_1962 : i32
      %dma_start3A_1964 = arith.constant 0 : i32
      %dma_start3A_1965 = arith.constant 4 : i32
      %dma_start3A_1966 = arith.constant 4096 : i32
      %dma_start3A_1967 = tpu.memref_slice %arg13[%dma_start3A_1964, %dma_start3A_1966] : memref<4x8192xf32, #tpu.memory_space<vmem>> -> memref<1x1024xf32, #tpu.memory_space<vmem>>
      %dma_start3A_1968 = tpu.memref_squeeze %dma_start3A_1967 : memref<1x1024xf32, #tpu.memory_space<vmem>> -> memref<1024xf32, #tpu.memory_space<vmem>>
      %dma_start3A_1969 = arith.constant 0 : i32
      %dma_start3A_1970 = tpu.memref_slice %arg6[%add3A_1963, %dma_start3A_1965, %select_n3A_1856, %dma_start3A_1969] : memref<200x8x32x1024xf32, #tpu.memory_space<hbm>> -> memref<1x1x1x1024xf32, #tpu.memory_space<hbm>>
      %dma_start3A_1971 = tpu.memref_squeeze %dma_start3A_1970 : memref<1x1x1x1024xf32, #tpu.memory_space<hbm>> -> memref<1024xf32, #tpu.memory_space<hbm>>
      %dma_start3A_1972 = arith.constant 0 : i32
      %dma_start3A_1973 = tpu.memref_slice %arg6[%add3A_1963, %dma_start3A_1965, %select_n3A_1856, %dma_start3A_1972] : memref<200x8x32x1024xf32, #tpu.memory_space<hbm>> -> memref<1x1x1x1024xf32, #tpu.memory_space<hbm>>
      %dma_start3A_1974 = tpu.memref_squeeze %dma_start3A_1973 : memref<1x1x1x1024xf32, #tpu.memory_space<hbm>> -> memref<1024xf32, #tpu.memory_space<hbm>>
      %dma_start3A_1975 = arith.constant 4096 : i32
      %dma_start3A_1976 = tpu.memref_slice %arg13[%dma_start3A_1964, %dma_start3A_1975] : memref<4x8192xf32, #tpu.memory_space<vmem>> -> memref<1x1024xf32, #tpu.memory_space<vmem>>
      %dma_start3A_1977 = tpu.memref_squeeze %dma_start3A_1976 : memref<1x1024xf32, #tpu.memory_space<vmem>> -> memref<1024xf32, #tpu.memory_space<vmem>>
      tpu.enqueue_dma source(%dma_start3A_1977 : memref<1024xf32, #tpu.memory_space<vmem>>) target(%dma_start3A_1974 : memref<1024xf32, #tpu.memory_space<hbm>>) target_semaphore(%arg20 : memref<!tpu.dma_semaphore, #tpu.memory_space<semaphore_mem>>)
      %mul3A_1978 = arith.constant 8 : i32
      %mul3A_1979 = arith.muli %select_n3A_1816, %mul3A_1978 : i32
      %mul3A_1980 = arith.constant 4 : i32
      %mul3A_1981 = arith.muli %mul3A_1980, %select_n3A_1872 : i32
      %add3A_1982 = arith.addi %mul3A_1979, %mul3A_1981 : i32
      %add3A_1983 = arith.constant 0 : i32
      %add3A_1984 = arith.addi %add3A_1982, %add3A_1983 : i32
      %dma_start3A_1985 = arith.constant 0 : i32
      %dma_start3A_1986 = arith.constant 5 : i32
      %dma_start3A_1987 = arith.constant 5120 : i32
      %dma_start3A_1988 = tpu.memref_slice %arg13[%dma_start3A_1985, %dma_start3A_1987] : memref<4x8192xf32, #tpu.memory_space<vmem>> -> memref<1x1024xf32, #tpu.memory_space<vmem>>
      %dma_start3A_1989 = tpu.memref_squeeze %dma_start3A_1988 : memref<1x1024xf32, #tpu.memory_space<vmem>> -> memref<1024xf32, #tpu.memory_space<vmem>>
      %dma_start3A_1990 = arith.constant 0 : i32
      %dma_start3A_1991 = tpu.memref_slice %arg6[%add3A_1984, %dma_start3A_1986, %select_n3A_1856, %dma_start3A_1990] : memref<200x8x32x1024xf32, #tpu.memory_space<hbm>> -> memref<1x1x1x1024xf32, #tpu.memory_space<hbm>>
      %dma_start3A_1992 = tpu.memref_squeeze %dma_start3A_1991 : memref<1x1x1x1024xf32, #tpu.memory_space<hbm>> -> memref<1024xf32, #tpu.memory_space<hbm>>
      %dma_start3A_1993 = arith.constant 0 : i32
      %dma_start3A_1994 = tpu.memref_slice %arg6[%add3A_1984, %dma_start3A_1986, %select_n3A_1856, %dma_start3A_1993] : memref<200x8x32x1024xf32, #tpu.memory_space<hbm>> -> memref<1x1x1x1024xf32, #tpu.memory_space<hbm>>
      %dma_start3A_1995 = tpu.memref_squeeze %dma_start3A_1994 : memref<1x1x1x1024xf32, #tpu.memory_space<hbm>> -> memref<1024xf32, #tpu.memory_space<hbm>>
      %dma_start3A_1996 = arith.constant 5120 : i32
      %dma_start3A_1997 = tpu.memref_slice %arg13[%dma_start3A_1985, %dma_start3A_1996] : memref<4x8192xf32, #tpu.memory_space<vmem>> -> memref<1x1024xf32, #tpu.memory_space<vmem>>
      %dma_start3A_1998 = tpu.memref_squeeze %dma_start3A_1997 : memref<1x1024xf32, #tpu.memory_space<vmem>> -> memref<1024xf32, #tpu.memory_space<vmem>>
      tpu.enqueue_dma source(%dma_start3A_1998 : memref<1024xf32, #tpu.memory_space<vmem>>) target(%dma_start3A_1995 : memref<1024xf32, #tpu.memory_space<hbm>>) target_semaphore(%arg20 : memref<!tpu.dma_semaphore, #tpu.memory_space<semaphore_mem>>)
      %mul3A_1999 = arith.constant 8 : i32
      %mul3A_2000 = arith.muli %select_n3A_1816, %mul3A_1999 : i32
      %mul3A_2001 = arith.constant 4 : i32
      %mul3A_2002 = arith.muli %mul3A_2001, %select_n3A_1872 : i32
      %add3A_2003 = arith.addi %mul3A_2000, %mul3A_2002 : i32
      %add3A_2004 = arith.constant 0 : i32
      %add3A_2005 = arith.addi %add3A_2003, %add3A_2004 : i32
      %dma_start3A_2006 = arith.constant 0 : i32
      %dma_start3A_2007 = arith.constant 6 : i32
      %dma_start3A_2008 = arith.constant 6144 : i32
      %dma_start3A_2009 = tpu.memref_slice %arg13[%dma_start3A_2006, %dma_start3A_2008] : memref<4x8192xf32, #tpu.memory_space<vmem>> -> memref<1x1024xf32, #tpu.memory_space<vmem>>
      %dma_start3A_2010 = tpu.memref_squeeze %dma_start3A_2009 : memref<1x1024xf32, #tpu.memory_space<vmem>> -> memref<1024xf32, #tpu.memory_space<vmem>>
      %dma_start3A_2011 = arith.constant 0 : i32
      %dma_start3A_2012 = tpu.memref_slice %arg6[%add3A_2005, %dma_start3A_2007, %select_n3A_1856, %dma_start3A_2011] : memref<200x8x32x1024xf32, #tpu.memory_space<hbm>> -> memref<1x1x1x1024xf32, #tpu.memory_space<hbm>>
      %dma_start3A_2013 = tpu.memref_squeeze %dma_start3A_2012 : memref<1x1x1x1024xf32, #tpu.memory_space<hbm>> -> memref<1024xf32, #tpu.memory_space<hbm>>
      %dma_start3A_2014 = arith.constant 0 : i32
      %dma_start3A_2015 = tpu.memref_slice %arg6[%add3A_2005, %dma_start3A_2007, %select_n3A_1856, %dma_start3A_2014] : memref<200x8x32x1024xf32, #tpu.memory_space<hbm>> -> memref<1x1x1x1024xf32, #tpu.memory_space<hbm>>
      %dma_start3A_2016 = tpu.memref_squeeze %dma_start3A_2015 : memref<1x1x1x1024xf32, #tpu.memory_space<hbm>> -> memref<1024xf32, #tpu.memory_space<hbm>>
      %dma_start3A_2017 = arith.constant 6144 : i32
      %dma_start3A_2018 = tpu.memref_slice %arg13[%dma_start3A_2006, %dma_start3A_2017] : memref<4x8192xf32, #tpu.memory_space<vmem>> -> memref<1x1024xf32, #tpu.memory_space<vmem>>
      %dma_start3A_2019 = tpu.memref_squeeze %dma_start3A_2018 : memref<1x1024xf32, #tpu.memory_space<vmem>> -> memref<1024xf32, #tpu.memory_space<vmem>>
      tpu.enqueue_dma source(%dma_start3A_2019 : memref<1024xf32, #tpu.memory_space<vmem>>) target(%dma_start3A_2016 : memref<1024xf32, #tpu.memory_space<hbm>>) target_semaphore(%arg20 : memref<!tpu.dma_semaphore, #tpu.memory_space<semaphore_mem>>)
      %mul3A_2020 = arith.constant 8 : i32
      %mul3A_2021 = arith.muli %select_n3A_1816, %mul3A_2020 : i32
      %mul3A_2022 = arith.constant 4 : i32
      %mul3A_2023 = arith.muli %mul3A_2022, %select_n3A_1872 : i32
      %add3A_2024 = arith.addi %mul3A_2021, %mul3A_2023 : i32
      %add3A_2025 = arith.constant 0 : i32
      %add3A_2026 = arith.addi %add3A_2024, %add3A_2025 : i32
      %dma_start3A_2027 = arith.constant 0 : i32
      %dma_start3A_2028 = arith.constant 7 : i32
      %dma_start3A_2029 = arith.constant 7168 : i32
      %dma_start3A_2030 = tpu.memref_slice %arg13[%dma_start3A_2027, %dma_start3A_2029] : memref<4x8192xf32, #tpu.memory_space<vmem>> -> memref<1x1024xf32, #tpu.memory_space<vmem>>
      %dma_start3A_2031 = tpu.memref_squeeze %dma_start3A_2030 : memref<1x1024xf32, #tpu.memory_space<vmem>> -> memref<1024xf32, #tpu.memory_space<vmem>>
      %dma_start3A_2032 = arith.constant 0 : i32
      %dma_start3A_2033 = tpu.memref_slice %arg6[%add3A_2026, %dma_start3A_2028, %select_n3A_1856, %dma_start3A_2032] : memref<200x8x32x1024xf32, #tpu.memory_space<hbm>> -> memref<1x1x1x1024xf32, #tpu.memory_space<hbm>>
      %dma_start3A_2034 = tpu.memref_squeeze %dma_start3A_2033 : memref<1x1x1x1024xf32, #tpu.memory_space<hbm>> -> memref<1024xf32, #tpu.memory_space<hbm>>
      %dma_start3A_2035 = arith.constant 0 : i32
      %dma_start3A_2036 = tpu.memref_slice %arg6[%add3A_2026, %dma_start3A_2028, %select_n3A_1856, %dma_start3A_2035] : memref<200x8x32x1024xf32, #tpu.memory_space<hbm>> -> memref<1x1x1x1024xf32, #tpu.memory_space<hbm>>
      %dma_start3A_2037 = tpu.memref_squeeze %dma_start3A_2036 : memref<1x1x1x1024xf32, #tpu.memory_space<hbm>> -> memref<1024xf32, #tpu.memory_space<hbm>>
      %dma_start3A_2038 = arith.constant 7168 : i32
      %dma_start3A_2039 = tpu.memref_slice %arg13[%dma_start3A_2027, %dma_start3A_2038] : memref<4x8192xf32, #tpu.memory_space<vmem>> -> memref<1x1024xf32, #tpu.memory_space<vmem>>
      %dma_start3A_2040 = tpu.memref_squeeze %dma_start3A_2039 : memref<1x1024xf32, #tpu.memory_space<vmem>> -> memref<1024xf32, #tpu.memory_space<vmem>>
      tpu.enqueue_dma source(%dma_start3A_2040 : memref<1024xf32, #tpu.memory_space<vmem>>) target(%dma_start3A_2037 : memref<1024xf32, #tpu.memory_space<hbm>>) target_semaphore(%arg20 : memref<!tpu.dma_semaphore, #tpu.memory_space<semaphore_mem>>)
      %mul3A_2041 = arith.constant 8 : i32
      %mul3A_2042 = arith.muli %select_n3A_1816, %mul3A_2041 : i32
      %mul3A_2043 = arith.constant 4 : i32
      %mul3A_2044 = arith.muli %mul3A_2043, %select_n3A_1872 : i32
      %add3A_2045 = arith.addi %mul3A_2042, %mul3A_2044 : i32
      %add3A_2046 = arith.constant 1 : i32
      %add3A_2047 = arith.addi %add3A_2045, %add3A_2046 : i32
      %dma_start3A_2048 = arith.constant 1 : i32
      %dma_start3A_2049 = arith.constant 0 : i32
      %dma_start3A_2050 = arith.constant 0 : i32
      %dma_start3A_2051 = tpu.memref_slice %arg13[%dma_start3A_2048, %dma_start3A_2050] : memref<4x8192xf32, #tpu.memory_space<vmem>> -> memref<1x1024xf32, #tpu.memory_space<vmem>>
      %dma_start3A_2052 = tpu.memref_squeeze %dma_start3A_2051 : memref<1x1024xf32, #tpu.memory_space<vmem>> -> memref<1024xf32, #tpu.memory_space<vmem>>
      %dma_start3A_2053 = arith.constant 0 : i32
      %dma_start3A_2054 = tpu.memref_slice %arg6[%add3A_2047, %dma_start3A_2049, %select_n3A_1856, %dma_start3A_2053] : memref<200x8x32x1024xf32, #tpu.memory_space<hbm>> -> memref<1x1x1x1024xf32, #tpu.memory_space<hbm>>
      %dma_start3A_2055 = tpu.memref_squeeze %dma_start3A_2054 : memref<1x1x1x1024xf32, #tpu.memory_space<hbm>> -> memref<1024xf32, #tpu.memory_space<hbm>>
      %dma_start3A_2056 = arith.constant 0 : i32
      %dma_start3A_2057 = tpu.memref_slice %arg6[%add3A_2047, %dma_start3A_2049, %select_n3A_1856, %dma_start3A_2056] : memref<200x8x32x1024xf32, #tpu.memory_space<hbm>> -> memref<1x1x1x1024xf32, #tpu.memory_space<hbm>>
      %dma_start3A_2058 = tpu.memref_squeeze %dma_start3A_2057 : memref<1x1x1x1024xf32, #tpu.memory_space<hbm>> -> memref<1024xf32, #tpu.memory_space<hbm>>
      %dma_start3A_2059 = arith.constant 0 : i32
      %dma_start3A_2060 = tpu.memref_slice %arg13[%dma_start3A_2048, %dma_start3A_2059] : memref<4x8192xf32, #tpu.memory_space<vmem>> -> memref<1x1024xf32, #tpu.memory_space<vmem>>
      %dma_start3A_2061 = tpu.memref_squeeze %dma_start3A_2060 : memref<1x1024xf32, #tpu.memory_space<vmem>> -> memref<1024xf32, #tpu.memory_space<vmem>>
      tpu.enqueue_dma source(%dma_start3A_2061 : memref<1024xf32, #tpu.memory_space<vmem>>) target(%dma_start3A_2058 : memref<1024xf32, #tpu.memory_space<hbm>>) target_semaphore(%arg20 : memref<!tpu.dma_semaphore, #tpu.memory_space<semaphore_mem>>)
      %mul3A_2062 = arith.constant 8 : i32
      %mul3A_2063 = arith.muli %select_n3A_1816, %mul3A_2062 : i32
      %mul3A_2064 = arith.constant 4 : i32
      %mul3A_2065 = arith.muli %mul3A_2064, %select_n3A_1872 : i32
      %add3A_2066 = arith.addi %mul3A_2063, %mul3A_2065 : i32
      %add3A_2067 = arith.constant 1 : i32
      %add3A_2068 = arith.addi %add3A_2066, %add3A_2067 : i32
      %dma_start3A_2069 = arith.constant 1 : i32
      %dma_start3A_2070 = arith.constant 1 : i32
      %dma_start3A_2071 = arith.constant 1024 : i32
      %dma_start3A_2072 = tpu.memref_slice %arg13[%dma_start3A_2069, %dma_start3A_2071] : memref<4x8192xf32, #tpu.memory_space<vmem>> -> memref<1x1024xf32, #tpu.memory_space<vmem>>
      %dma_start3A_2073 = tpu.memref_squeeze %dma_start3A_2072 : memref<1x1024xf32, #tpu.memory_space<vmem>> -> memref<1024xf32, #tpu.memory_space<vmem>>
      %dma_start3A_2074 = arith.constant 0 : i32
      %dma_start3A_2075 = tpu.memref_slice %arg6[%add3A_2068, %dma_start3A_2070, %select_n3A_1856, %dma_start3A_2074] : memref<200x8x32x1024xf32, #tpu.memory_space<hbm>> -> memref<1x1x1x1024xf32, #tpu.memory_space<hbm>>
      %dma_start3A_2076 = tpu.memref_squeeze %dma_start3A_2075 : memref<1x1x1x1024xf32, #tpu.memory_space<hbm>> -> memref<1024xf32, #tpu.memory_space<hbm>>
      %dma_start3A_2077 = arith.constant 0 : i32
      %dma_start3A_2078 = tpu.memref_slice %arg6[%add3A_2068, %dma_start3A_2070, %select_n3A_1856, %dma_start3A_2077] : memref<200x8x32x1024xf32, #tpu.memory_space<hbm>> -> memref<1x1x1x1024xf32, #tpu.memory_space<hbm>>
      %dma_start3A_2079 = tpu.memref_squeeze %dma_start3A_2078 : memref<1x1x1x1024xf32, #tpu.memory_space<hbm>> -> memref<1024xf32, #tpu.memory_space<hbm>>
      %dma_start3A_2080 = arith.constant 1024 : i32
      %dma_start3A_2081 = tpu.memref_slice %arg13[%dma_start3A_2069, %dma_start3A_2080] : memref<4x8192xf32, #tpu.memory_space<vmem>> -> memref<1x1024xf32, #tpu.memory_space<vmem>>
      %dma_start3A_2082 = tpu.memref_squeeze %dma_start3A_2081 : memref<1x1024xf32, #tpu.memory_space<vmem>> -> memref<1024xf32, #tpu.memory_space<vmem>>
      tpu.enqueue_dma source(%dma_start3A_2082 : memref<1024xf32, #tpu.memory_space<vmem>>) target(%dma_start3A_2079 : memref<1024xf32, #tpu.memory_space<hbm>>) target_semaphore(%arg20 : memref<!tpu.dma_semaphore, #tpu.memory_space<semaphore_mem>>)
      %mul3A_2083 = arith.constant 8 : i32
      %mul3A_2084 = arith.muli %select_n3A_1816, %mul3A_2083 : i32
      %mul3A_2085 = arith.constant 4 : i32
      %mul3A_2086 = arith.muli %mul3A_2085, %select_n3A_1872 : i32
      %add3A_2087 = arith.addi %mul3A_2084, %mul3A_2086 : i32
      %add3A_2088 = arith.constant 1 : i32
      %add3A_2089 = arith.addi %add3A_2087, %add3A_2088 : i32
      %dma_start3A_2090 = arith.constant 1 : i32
      %dma_start3A_2091 = arith.constant 2 : i32
      %dma_start3A_2092 = arith.constant 2048 : i32
      %dma_start3A_2093 = tpu.memref_slice %arg13[%dma_start3A_2090, %dma_start3A_2092] : memref<4x8192xf32, #tpu.memory_space<vmem>> -> memref<1x1024xf32, #tpu.memory_space<vmem>>
      %dma_start3A_2094 = tpu.memref_squeeze %dma_start3A_2093 : memref<1x1024xf32, #tpu.memory_space<vmem>> -> memref<1024xf32, #tpu.memory_space<vmem>>
      %dma_start3A_2095 = arith.constant 0 : i32
      %dma_start3A_2096 = tpu.memref_slice %arg6[%add3A_2089, %dma_start3A_2091, %select_n3A_1856, %dma_start3A_2095] : memref<200x8x32x1024xf32, #tpu.memory_space<hbm>> -> memref<1x1x1x1024xf32, #tpu.memory_space<hbm>>
      %dma_start3A_2097 = tpu.memref_squeeze %dma_start3A_2096 : memref<1x1x1x1024xf32, #tpu.memory_space<hbm>> -> memref<1024xf32, #tpu.memory_space<hbm>>
      %dma_start3A_2098 = arith.constant 0 : i32
      %dma_start3A_2099 = tpu.memref_slice %arg6[%add3A_2089, %dma_start3A_2091, %select_n3A_1856, %dma_start3A_2098] : memref<200x8x32x1024xf32, #tpu.memory_space<hbm>> -> memref<1x1x1x1024xf32, #tpu.memory_space<hbm>>
      %dma_start3A_2100 = tpu.memref_squeeze %dma_start3A_2099 : memref<1x1x1x1024xf32, #tpu.memory_space<hbm>> -> memref<1024xf32, #tpu.memory_space<hbm>>
      %dma_start3A_2101 = arith.constant 2048 : i32
      %dma_start3A_2102 = tpu.memref_slice %arg13[%dma_start3A_2090, %dma_start3A_2101] : memref<4x8192xf32, #tpu.memory_space<vmem>> -> memref<1x1024xf32, #tpu.memory_space<vmem>>
      %dma_start3A_2103 = tpu.memref_squeeze %dma_start3A_2102 : memref<1x1024xf32, #tpu.memory_space<vmem>> -> memref<1024xf32, #tpu.memory_space<vmem>>
      tpu.enqueue_dma source(%dma_start3A_2103 : memref<1024xf32, #tpu.memory_space<vmem>>) target(%dma_start3A_2100 : memref<1024xf32, #tpu.memory_space<hbm>>) target_semaphore(%arg20 : memref<!tpu.dma_semaphore, #tpu.memory_space<semaphore_mem>>)
      %mul3A_2104 = arith.constant 8 : i32
      %mul3A_2105 = arith.muli %select_n3A_1816, %mul3A_2104 : i32
      %mul3A_2106 = arith.constant 4 : i32
      %mul3A_2107 = arith.muli %mul3A_2106, %select_n3A_1872 : i32
      %add3A_2108 = arith.addi %mul3A_2105, %mul3A_2107 : i32
      %add3A_2109 = arith.constant 1 : i32
      %add3A_2110 = arith.addi %add3A_2108, %add3A_2109 : i32
      %dma_start3A_2111 = arith.constant 1 : i32
      %dma_start3A_2112 = arith.constant 3 : i32
      %dma_start3A_2113 = arith.constant 3072 : i32
      %dma_start3A_2114 = tpu.memref_slice %arg13[%dma_start3A_2111, %dma_start3A_2113] : memref<4x8192xf32, #tpu.memory_space<vmem>> -> memref<1x1024xf32, #tpu.memory_space<vmem>>
      %dma_start3A_2115 = tpu.memref_squeeze %dma_start3A_2114 : memref<1x1024xf32, #tpu.memory_space<vmem>> -> memref<1024xf32, #tpu.memory_space<vmem>>
      %dma_start3A_2116 = arith.constant 0 : i32
      %dma_start3A_2117 = tpu.memref_slice %arg6[%add3A_2110, %dma_start3A_2112, %select_n3A_1856, %dma_start3A_2116] : memref<200x8x32x1024xf32, #tpu.memory_space<hbm>> -> memref<1x1x1x1024xf32, #tpu.memory_space<hbm>>
      %dma_start3A_2118 = tpu.memref_squeeze %dma_start3A_2117 : memref<1x1x1x1024xf32, #tpu.memory_space<hbm>> -> memref<1024xf32, #tpu.memory_space<hbm>>
      %dma_start3A_2119 = arith.constant 0 : i32
      %dma_start3A_2120 = tpu.memref_slice %arg6[%add3A_2110, %dma_start3A_2112, %select_n3A_1856, %dma_start3A_2119] : memref<200x8x32x1024xf32, #tpu.memory_space<hbm>> -> memref<1x1x1x1024xf32, #tpu.memory_space<hbm>>
      %dma_start3A_2121 = tpu.memref_squeeze %dma_start3A_2120 : memref<1x1x1x1024xf32, #tpu.memory_space<hbm>> -> memref<1024xf32, #tpu.memory_space<hbm>>
      %dma_start3A_2122 = arith.constant 3072 : i32
      %dma_start3A_2123 = tpu.memref_slice %arg13[%dma_start3A_2111, %dma_start3A_2122] : memref<4x8192xf32, #tpu.memory_space<vmem>> -> memref<1x1024xf32, #tpu.memory_space<vmem>>
      %dma_start3A_2124 = tpu.memref_squeeze %dma_start3A_2123 : memref<1x1024xf32, #tpu.memory_space<vmem>> -> memref<1024xf32, #tpu.memory_space<vmem>>
      tpu.enqueue_dma source(%dma_start3A_2124 : memref<1024xf32, #tpu.memory_space<vmem>>) target(%dma_start3A_2121 : memref<1024xf32, #tpu.memory_space<hbm>>) target_semaphore(%arg20 : memref<!tpu.dma_semaphore, #tpu.memory_space<semaphore_mem>>)
      %mul3A_2125 = arith.constant 8 : i32
      %mul3A_2126 = arith.muli %select_n3A_1816, %mul3A_2125 : i32
      %mul3A_2127 = arith.constant 4 : i32
      %mul3A_2128 = arith.muli %mul3A_2127, %select_n3A_1872 : i32
      %add3A_2129 = arith.addi %mul3A_2126, %mul3A_2128 : i32
      %add3A_2130 = arith.constant 1 : i32
      %add3A_2131 = arith.addi %add3A_2129, %add3A_2130 : i32
      %dma_start3A_2132 = arith.constant 1 : i32
      %dma_start3A_2133 = arith.constant 4 : i32
      %dma_start3A_2134 = arith.constant 4096 : i32
      %dma_start3A_2135 = tpu.memref_slice %arg13[%dma_start3A_2132, %dma_start3A_2134] : memref<4x8192xf32, #tpu.memory_space<vmem>> -> memref<1x1024xf32, #tpu.memory_space<vmem>>
      %dma_start3A_2136 = tpu.memref_squeeze %dma_start3A_2135 : memref<1x1024xf32, #tpu.memory_space<vmem>> -> memref<1024xf32, #tpu.memory_space<vmem>>
      %dma_start3A_2137 = arith.constant 0 : i32
      %dma_start3A_2138 = tpu.memref_slice %arg6[%add3A_2131, %dma_start3A_2133, %select_n3A_1856, %dma_start3A_2137] : memref<200x8x32x1024xf32, #tpu.memory_space<hbm>> -> memref<1x1x1x1024xf32, #tpu.memory_space<hbm>>
      %dma_start3A_2139 = tpu.memref_squeeze %dma_start3A_2138 : memref<1x1x1x1024xf32, #tpu.memory_space<hbm>> -> memref<1024xf32, #tpu.memory_space<hbm>>
      %dma_start3A_2140 = arith.constant 0 : i32
      %dma_start3A_2141 = tpu.memref_slice %arg6[%add3A_2131, %dma_start3A_2133, %select_n3A_1856, %dma_start3A_2140] : memref<200x8x32x1024xf32, #tpu.memory_space<hbm>> -> memref<1x1x1x1024xf32, #tpu.memory_space<hbm>>
      %dma_start3A_2142 = tpu.memref_squeeze %dma_start3A_2141 : memref<1x1x1x1024xf32, #tpu.memory_space<hbm>> -> memref<1024xf32, #tpu.memory_space<hbm>>
      %dma_start3A_2143 = arith.constant 4096 : i32
      %dma_start3A_2144 = tpu.memref_slice %arg13[%dma_start3A_2132, %dma_start3A_2143] : memref<4x8192xf32, #tpu.memory_space<vmem>> -> memref<1x1024xf32, #tpu.memory_space<vmem>>
      %dma_start3A_2145 = tpu.memref_squeeze %dma_start3A_2144 : memref<1x1024xf32, #tpu.memory_space<vmem>> -> memref<1024xf32, #tpu.memory_space<vmem>>
      tpu.enqueue_dma source(%dma_start3A_2145 : memref<1024xf32, #tpu.memory_space<vmem>>) target(%dma_start3A_2142 : memref<1024xf32, #tpu.memory_space<hbm>>) target_semaphore(%arg20 : memref<!tpu.dma_semaphore, #tpu.memory_space<semaphore_mem>>)
      %mul3A_2146 = arith.constant 8 : i32
      %mul3A_2147 = arith.muli %select_n3A_1816, %mul3A_2146 : i32
      %mul3A_2148 = arith.constant 4 : i32
      %mul3A_2149 = arith.muli %mul3A_2148, %select_n3A_1872 : i32
      %add3A_2150 = arith.addi %mul3A_2147, %mul3A_2149 : i32
      %add3A_2151 = arith.constant 1 : i32
      %add3A_2152 = arith.addi %add3A_2150, %add3A_2151 : i32
      %dma_start3A_2153 = arith.constant 1 : i32
      %dma_start3A_2154 = arith.constant 5 : i32
      %dma_start3A_2155 = arith.constant 5120 : i32
      %dma_start3A_2156 = tpu.memref_slice %arg13[%dma_start3A_2153, %dma_start3A_2155] : memref<4x8192xf32, #tpu.memory_space<vmem>> -> memref<1x1024xf32, #tpu.memory_space<vmem>>
      %dma_start3A_2157 = tpu.memref_squeeze %dma_start3A_2156 : memref<1x1024xf32, #tpu.memory_space<vmem>> -> memref<1024xf32, #tpu.memory_space<vmem>>
      %dma_start3A_2158 = arith.constant 0 : i32
      %dma_start3A_2159 = tpu.memref_slice %arg6[%add3A_2152, %dma_start3A_2154, %select_n3A_1856, %dma_start3A_2158] : memref<200x8x32x1024xf32, #tpu.memory_space<hbm>> -> memref<1x1x1x1024xf32, #tpu.memory_space<hbm>>
      %dma_start3A_2160 = tpu.memref_squeeze %dma_start3A_2159 : memref<1x1x1x1024xf32, #tpu.memory_space<hbm>> -> memref<1024xf32, #tpu.memory_space<hbm>>
      %dma_start3A_2161 = arith.constant 0 : i32
      %dma_start3A_2162 = tpu.memref_slice %arg6[%add3A_2152, %dma_start3A_2154, %select_n3A_1856, %dma_start3A_2161] : memref<200x8x32x1024xf32, #tpu.memory_space<hbm>> -> memref<1x1x1x1024xf32, #tpu.memory_space<hbm>>
      %dma_start3A_2163 = tpu.memref_squeeze %dma_start3A_2162 : memref<1x1x1x1024xf32, #tpu.memory_space<hbm>> -> memref<1024xf32, #tpu.memory_space<hbm>>
      %dma_start3A_2164 = arith.constant 5120 : i32
      %dma_start3A_2165 = tpu.memref_slice %arg13[%dma_start3A_2153, %dma_start3A_2164] : memref<4x8192xf32, #tpu.memory_space<vmem>> -> memref<1x1024xf32, #tpu.memory_space<vmem>>
      %dma_start3A_2166 = tpu.memref_squeeze %dma_start3A_2165 : memref<1x1024xf32, #tpu.memory_space<vmem>> -> memref<1024xf32, #tpu.memory_space<vmem>>
      tpu.enqueue_dma source(%dma_start3A_2166 : memref<1024xf32, #tpu.memory_space<vmem>>) target(%dma_start3A_2163 : memref<1024xf32, #tpu.memory_space<hbm>>) target_semaphore(%arg20 : memref<!tpu.dma_semaphore, #tpu.memory_space<semaphore_mem>>)
      %mul3A_2167 = arith.constant 8 : i32
      %mul3A_2168 = arith.muli %select_n3A_1816, %mul3A_2167 : i32
      %mul3A_2169 = arith.constant 4 : i32
      %mul3A_2170 = arith.muli %mul3A_2169, %select_n3A_1872 : i32
      %add3A_2171 = arith.addi %mul3A_2168, %mul3A_2170 : i32
      %add3A_2172 = arith.constant 1 : i32
      %add3A_2173 = arith.addi %add3A_2171, %add3A_2172 : i32
      %dma_start3A_2174 = arith.constant 1 : i32
      %dma_start3A_2175 = arith.constant 6 : i32
      %dma_start3A_2176 = arith.constant 6144 : i32
      %dma_start3A_2177 = tpu.memref_slice %arg13[%dma_start3A_2174, %dma_start3A_2176] : memref<4x8192xf32, #tpu.memory_space<vmem>> -> memref<1x1024xf32, #tpu.memory_space<vmem>>
      %dma_start3A_2178 = tpu.memref_squeeze %dma_start3A_2177 : memref<1x1024xf32, #tpu.memory_space<vmem>> -> memref<1024xf32, #tpu.memory_space<vmem>>
      %dma_start3A_2179 = arith.constant 0 : i32
      %dma_start3A_2180 = tpu.memref_slice %arg6[%add3A_2173, %dma_start3A_2175, %select_n3A_1856, %dma_start3A_2179] : memref<200x8x32x1024xf32, #tpu.memory_space<hbm>> -> memref<1x1x1x1024xf32, #tpu.memory_space<hbm>>
      %dma_start3A_2181 = tpu.memref_squeeze %dma_start3A_2180 : memref<1x1x1x1024xf32, #tpu.memory_space<hbm>> -> memref<1024xf32, #tpu.memory_space<hbm>>
      %dma_start3A_2182 = arith.constant 0 : i32
      %dma_start3A_2183 = tpu.memref_slice %arg6[%add3A_2173, %dma_start3A_2175, %select_n3A_1856, %dma_start3A_2182] : memref<200x8x32x1024xf32, #tpu.memory_space<hbm>> -> memref<1x1x1x1024xf32, #tpu.memory_space<hbm>>
      %dma_start3A_2184 = tpu.memref_squeeze %dma_start3A_2183 : memref<1x1x1x1024xf32, #tpu.memory_space<hbm>> -> memref<1024xf32, #tpu.memory_space<hbm>>
      %dma_start3A_2185 = arith.constant 6144 : i32
      %dma_start3A_2186 = tpu.memref_slice %arg13[%dma_start3A_2174, %dma_start3A_2185] : memref<4x8192xf32, #tpu.memory_space<vmem>> -> memref<1x1024xf32, #tpu.memory_space<vmem>>
      %dma_start3A_2187 = tpu.memref_squeeze %dma_start3A_2186 : memref<1x1024xf32, #tpu.memory_space<vmem>> -> memref<1024xf32, #tpu.memory_space<vmem>>
      tpu.enqueue_dma source(%dma_start3A_2187 : memref<1024xf32, #tpu.memory_space<vmem>>) target(%dma_start3A_2184 : memref<1024xf32, #tpu.memory_space<hbm>>) target_semaphore(%arg20 : memref<!tpu.dma_semaphore, #tpu.memory_space<semaphore_mem>>)
      %mul3A_2188 = arith.constant 8 : i32
      %mul3A_2189 = arith.muli %select_n3A_1816, %mul3A_2188 : i32
      %mul3A_2190 = arith.constant 4 : i32
      %mul3A_2191 = arith.muli %mul3A_2190, %select_n3A_1872 : i32
      %add3A_2192 = arith.addi %mul3A_2189, %mul3A_2191 : i32
      %add3A_2193 = arith.constant 1 : i32
      %add3A_2194 = arith.addi %add3A_2192, %add3A_2193 : i32
      %dma_start3A_2195 = arith.constant 1 : i32
      %dma_start3A_2196 = arith.constant 7 : i32
      %dma_start3A_2197 = arith.constant 7168 : i32
      %dma_start3A_2198 = tpu.memref_slice %arg13[%dma_start3A_2195, %dma_start3A_2197] : memref<4x8192xf32, #tpu.memory_space<vmem>> -> memref<1x1024xf32, #tpu.memory_space<vmem>>
      %dma_start3A_2199 = tpu.memref_squeeze %dma_start3A_2198 : memref<1x1024xf32, #tpu.memory_space<vmem>> -> memref<1024xf32, #tpu.memory_space<vmem>>
      %dma_start3A_2200 = arith.constant 0 : i32
      %dma_start3A_2201 = tpu.memref_slice %arg6[%add3A_2194, %dma_start3A_2196, %select_n3A_1856, %dma_start3A_2200] : memref<200x8x32x1024xf32, #tpu.memory_space<hbm>> -> memref<1x1x1x1024xf32, #tpu.memory_space<hbm>>
      %dma_start3A_2202 = tpu.memref_squeeze %dma_start3A_2201 : memref<1x1x1x1024xf32, #tpu.memory_space<hbm>> -> memref<1024xf32, #tpu.memory_space<hbm>>
      %dma_start3A_2203 = arith.constant 0 : i32
      %dma_start3A_2204 = tpu.memref_slice %arg6[%add3A_2194, %dma_start3A_2196, %select_n3A_1856, %dma_start3A_2203] : memref<200x8x32x1024xf32, #tpu.memory_space<hbm>> -> memref<1x1x1x1024xf32, #tpu.memory_space<hbm>>
      %dma_start3A_2205 = tpu.memref_squeeze %dma_start3A_2204 : memref<1x1x1x1024xf32, #tpu.memory_space<hbm>> -> memref<1024xf32, #tpu.memory_space<hbm>>
      %dma_start3A_2206 = arith.constant 7168 : i32
      %dma_start3A_2207 = tpu.memref_slice %arg13[%dma_start3A_2195, %dma_start3A_2206] : memref<4x8192xf32, #tpu.memory_space<vmem>> -> memref<1x1024xf32, #tpu.memory_space<vmem>>
      %dma_start3A_2208 = tpu.memref_squeeze %dma_start3A_2207 : memref<1x1024xf32, #tpu.memory_space<vmem>> -> memref<1024xf32, #tpu.memory_space<vmem>>
      tpu.enqueue_dma source(%dma_start3A_2208 : memref<1024xf32, #tpu.memory_space<vmem>>) target(%dma_start3A_2205 : memref<1024xf32, #tpu.memory_space<hbm>>) target_semaphore(%arg20 : memref<!tpu.dma_semaphore, #tpu.memory_space<semaphore_mem>>)
      %mul3A_2209 = arith.constant 8 : i32
      %mul3A_2210 = arith.muli %select_n3A_1816, %mul3A_2209 : i32
      %mul3A_2211 = arith.constant 4 : i32
      %mul3A_2212 = arith.muli %mul3A_2211, %select_n3A_1872 : i32
      %add3A_2213 = arith.addi %mul3A_2210, %mul3A_2212 : i32
      %add3A_2214 = arith.constant 2 : i32
      %add3A_2215 = arith.addi %add3A_2213, %add3A_2214 : i32
      %dma_start3A_2216 = arith.constant 2 : i32
      %dma_start3A_2217 = arith.constant 0 : i32
      %dma_start3A_2218 = arith.constant 0 : i32
      %dma_start3A_2219 = tpu.memref_slice %arg13[%dma_start3A_2216, %dma_start3A_2218] : memref<4x8192xf32, #tpu.memory_space<vmem>> -> memref<1x1024xf32, #tpu.memory_space<vmem>>
      %dma_start3A_2220 = tpu.memref_squeeze %dma_start3A_2219 : memref<1x1024xf32, #tpu.memory_space<vmem>> -> memref<1024xf32, #tpu.memory_space<vmem>>
      %dma_start3A_2221 = arith.constant 0 : i32
      %dma_start3A_2222 = tpu.memref_slice %arg6[%add3A_2215, %dma_start3A_2217, %select_n3A_1856, %dma_start3A_2221] : memref<200x8x32x1024xf32, #tpu.memory_space<hbm>> -> memref<1x1x1x1024xf32, #tpu.memory_space<hbm>>
      %dma_start3A_2223 = tpu.memref_squeeze %dma_start3A_2222 : memref<1x1x1x1024xf32, #tpu.memory_space<hbm>> -> memref<1024xf32, #tpu.memory_space<hbm>>
      %dma_start3A_2224 = arith.constant 0 : i32
      %dma_start3A_2225 = tpu.memref_slice %arg6[%add3A_2215, %dma_start3A_2217, %select_n3A_1856, %dma_start3A_2224] : memref<200x8x32x1024xf32, #tpu.memory_space<hbm>> -> memref<1x1x1x1024xf32, #tpu.memory_space<hbm>>
      %dma_start3A_2226 = tpu.memref_squeeze %dma_start3A_2225 : memref<1x1x1x1024xf32, #tpu.memory_space<hbm>> -> memref<1024xf32, #tpu.memory_space<hbm>>
      %dma_start3A_2227 = arith.constant 0 : i32
      %dma_start3A_2228 = tpu.memref_slice %arg13[%dma_start3A_2216, %dma_start3A_2227] : memref<4x8192xf32, #tpu.memory_space<vmem>> -> memref<1x1024xf32, #tpu.memory_space<vmem>>
      %dma_start3A_2229 = tpu.memref_squeeze %dma_start3A_2228 : memref<1x1024xf32, #tpu.memory_space<vmem>> -> memref<1024xf32, #tpu.memory_space<vmem>>
      tpu.enqueue_dma source(%dma_start3A_2229 : memref<1024xf32, #tpu.memory_space<vmem>>) target(%dma_start3A_2226 : memref<1024xf32, #tpu.memory_space<hbm>>) target_semaphore(%arg20 : memref<!tpu.dma_semaphore, #tpu.memory_space<semaphore_mem>>)
      %mul3A_2230 = arith.constant 8 : i32
      %mul3A_2231 = arith.muli %select_n3A_1816, %mul3A_2230 : i32
      %mul3A_2232 = arith.constant 4 : i32
      %mul3A_2233 = arith.muli %mul3A_2232, %select_n3A_1872 : i32
      %add3A_2234 = arith.addi %mul3A_2231, %mul3A_2233 : i32
      %add3A_2235 = arith.constant 2 : i32
      %add3A_2236 = arith.addi %add3A_2234, %add3A_2235 : i32
      %dma_start3A_2237 = arith.constant 2 : i32
      %dma_start3A_2238 = arith.constant 1 : i32
      %dma_start3A_2239 = arith.constant 1024 : i32
      %dma_start3A_2240 = tpu.memref_slice %arg13[%dma_start3A_2237, %dma_start3A_2239] : memref<4x8192xf32, #tpu.memory_space<vmem>> -> memref<1x1024xf32, #tpu.memory_space<vmem>>
      %dma_start3A_2241 = tpu.memref_squeeze %dma_start3A_2240 : memref<1x1024xf32, #tpu.memory_space<vmem>> -> memref<1024xf32, #tpu.memory_space<vmem>>
      %dma_start3A_2242 = arith.constant 0 : i32
      %dma_start3A_2243 = tpu.memref_slice %arg6[%add3A_2236, %dma_start3A_2238, %select_n3A_1856, %dma_start3A_2242] : memref<200x8x32x1024xf32, #tpu.memory_space<hbm>> -> memref<1x1x1x1024xf32, #tpu.memory_space<hbm>>
      %dma_start3A_2244 = tpu.memref_squeeze %dma_start3A_2243 : memref<1x1x1x1024xf32, #tpu.memory_space<hbm>> -> memref<1024xf32, #tpu.memory_space<hbm>>
      %dma_start3A_2245 = arith.constant 0 : i32
      %dma_start3A_2246 = tpu.memref_slice %arg6[%add3A_2236, %dma_start3A_2238, %select_n3A_1856, %dma_start3A_2245] : memref<200x8x32x1024xf32, #tpu.memory_space<hbm>> -> memref<1x1x1x1024xf32, #tpu.memory_space<hbm>>
      %dma_start3A_2247 = tpu.memref_squeeze %dma_start3A_2246 : memref<1x1x1x1024xf32, #tpu.memory_space<hbm>> -> memref<1024xf32, #tpu.memory_space<hbm>>
      %dma_start3A_2248 = arith.constant 1024 : i32
      %dma_start3A_2249 = tpu.memref_slice %arg13[%dma_start3A_2237, %dma_start3A_2248] : memref<4x8192xf32, #tpu.memory_space<vmem>> -> memref<1x1024xf32, #tpu.memory_space<vmem>>
      %dma_start3A_2250 = tpu.memref_squeeze %dma_start3A_2249 : memref<1x1024xf32, #tpu.memory_space<vmem>> -> memref<1024xf32, #tpu.memory_space<vmem>>
      tpu.enqueue_dma source(%dma_start3A_2250 : memref<1024xf32, #tpu.memory_space<vmem>>) target(%dma_start3A_2247 : memref<1024xf32, #tpu.memory_space<hbm>>) target_semaphore(%arg20 : memref<!tpu.dma_semaphore, #tpu.memory_space<semaphore_mem>>)
      %mul3A_2251 = arith.constant 8 : i32
      %mul3A_2252 = arith.muli %select_n3A_1816, %mul3A_2251 : i32
      %mul3A_2253 = arith.constant 4 : i32
      %mul3A_2254 = arith.muli %mul3A_2253, %select_n3A_1872 : i32
      %add3A_2255 = arith.addi %mul3A_2252, %mul3A_2254 : i32
      %add3A_2256 = arith.constant 2 : i32
      %add3A_2257 = arith.addi %add3A_2255, %add3A_2256 : i32
      %dma_start3A_2258 = arith.constant 2 : i32
      %dma_start3A_2259 = arith.constant 2 : i32
      %dma_start3A_2260 = arith.constant 2048 : i32
      %dma_start3A_2261 = tpu.memref_slice %arg13[%dma_start3A_2258, %dma_start3A_2260] : memref<4x8192xf32, #tpu.memory_space<vmem>> -> memref<1x1024xf32, #tpu.memory_space<vmem>>
      %dma_start3A_2262 = tpu.memref_squeeze %dma_start3A_2261 : memref<1x1024xf32, #tpu.memory_space<vmem>> -> memref<1024xf32, #tpu.memory_space<vmem>>
      %dma_start3A_2263 = arith.constant 0 : i32
      %dma_start3A_2264 = tpu.memref_slice %arg6[%add3A_2257, %dma_start3A_2259, %select_n3A_1856, %dma_start3A_2263] : memref<200x8x32x1024xf32, #tpu.memory_space<hbm>> -> memref<1x1x1x1024xf32, #tpu.memory_space<hbm>>
      %dma_start3A_2265 = tpu.memref_squeeze %dma_start3A_2264 : memref<1x1x1x1024xf32, #tpu.memory_space<hbm>> -> memref<1024xf32, #tpu.memory_space<hbm>>
      %dma_start3A_2266 = arith.constant 0 : i32
      %dma_start3A_2267 = tpu.memref_slice %arg6[%add3A_2257, %dma_start3A_2259, %select_n3A_1856, %dma_start3A_2266] : memref<200x8x32x1024xf32, #tpu.memory_space<hbm>> -> memref<1x1x1x1024xf32, #tpu.memory_space<hbm>>
      %dma_start3A_2268 = tpu.memref_squeeze %dma_start3A_2267 : memref<1x1x1x1024xf32, #tpu.memory_space<hbm>> -> memref<1024xf32, #tpu.memory_space<hbm>>
      %dma_start3A_2269 = arith.constant 2048 : i32
      %dma_start3A_2270 = tpu.memref_slice %arg13[%dma_start3A_2258, %dma_start3A_2269] : memref<4x8192xf32, #tpu.memory_space<vmem>> -> memref<1x1024xf32, #tpu.memory_space<vmem>>
      %dma_start3A_2271 = tpu.memref_squeeze %dma_start3A_2270 : memref<1x1024xf32, #tpu.memory_space<vmem>> -> memref<1024xf32, #tpu.memory_space<vmem>>
      tpu.enqueue_dma source(%dma_start3A_2271 : memref<1024xf32, #tpu.memory_space<vmem>>) target(%dma_start3A_2268 : memref<1024xf32, #tpu.memory_space<hbm>>) target_semaphore(%arg20 : memref<!tpu.dma_semaphore, #tpu.memory_space<semaphore_mem>>)
      %mul3A_2272 = arith.constant 8 : i32
      %mul3A_2273 = arith.muli %select_n3A_1816, %mul3A_2272 : i32
      %mul3A_2274 = arith.constant 4 : i32
      %mul3A_2275 = arith.muli %mul3A_2274, %select_n3A_1872 : i32
      %add3A_2276 = arith.addi %mul3A_2273, %mul3A_2275 : i32
      %add3A_2277 = arith.constant 2 : i32
      %add3A_2278 = arith.addi %add3A_2276, %add3A_2277 : i32
      %dma_start3A_2279 = arith.constant 2 : i32
      %dma_start3A_2280 = arith.constant 3 : i32
      %dma_start3A_2281 = arith.constant 3072 : i32
      %dma_start3A_2282 = tpu.memref_slice %arg13[%dma_start3A_2279, %dma_start3A_2281] : memref<4x8192xf32, #tpu.memory_space<vmem>> -> memref<1x1024xf32, #tpu.memory_space<vmem>>
      %dma_start3A_2283 = tpu.memref_squeeze %dma_start3A_2282 : memref<1x1024xf32, #tpu.memory_space<vmem>> -> memref<1024xf32, #tpu.memory_space<vmem>>
      %dma_start3A_2284 = arith.constant 0 : i32
      %dma_start3A_2285 = tpu.memref_slice %arg6[%add3A_2278, %dma_start3A_2280, %select_n3A_1856, %dma_start3A_2284] : memref<200x8x32x1024xf32, #tpu.memory_space<hbm>> -> memref<1x1x1x1024xf32, #tpu.memory_space<hbm>>
      %dma_start3A_2286 = tpu.memref_squeeze %dma_start3A_2285 : memref<1x1x1x1024xf32, #tpu.memory_space<hbm>> -> memref<1024xf32, #tpu.memory_space<hbm>>
      %dma_start3A_2287 = arith.constant 0 : i32
      %dma_start3A_2288 = tpu.memref_slice %arg6[%add3A_2278, %dma_start3A_2280, %select_n3A_1856, %dma_start3A_2287] : memref<200x8x32x1024xf32, #tpu.memory_space<hbm>> -> memref<1x1x1x1024xf32, #tpu.memory_space<hbm>>
      %dma_start3A_2289 = tpu.memref_squeeze %dma_start3A_2288 : memref<1x1x1x1024xf32, #tpu.memory_space<hbm>> -> memref<1024xf32, #tpu.memory_space<hbm>>
      %dma_start3A_2290 = arith.constant 3072 : i32
      %dma_start3A_2291 = tpu.memref_slice %arg13[%dma_start3A_2279, %dma_start3A_2290] : memref<4x8192xf32, #tpu.memory_space<vmem>> -> memref<1x1024xf32, #tpu.memory_space<vmem>>
      %dma_start3A_2292 = tpu.memref_squeeze %dma_start3A_2291 : memref<1x1024xf32, #tpu.memory_space<vmem>> -> memref<1024xf32, #tpu.memory_space<vmem>>
      tpu.enqueue_dma source(%dma_start3A_2292 : memref<1024xf32, #tpu.memory_space<vmem>>) target(%dma_start3A_2289 : memref<1024xf32, #tpu.memory_space<hbm>>) target_semaphore(%arg20 : memref<!tpu.dma_semaphore, #tpu.memory_space<semaphore_mem>>)
      %mul3A_2293 = arith.constant 8 : i32
      %mul3A_2294 = arith.muli %select_n3A_1816, %mul3A_2293 : i32
      %mul3A_2295 = arith.constant 4 : i32
      %mul3A_2296 = arith.muli %mul3A_2295, %select_n3A_1872 : i32
      %add3A_2297 = arith.addi %mul3A_2294, %mul3A_2296 : i32
      %add3A_2298 = arith.constant 2 : i32
      %add3A_2299 = arith.addi %add3A_2297, %add3A_2298 : i32
      %dma_start3A_2300 = arith.constant 2 : i32
      %dma_start3A_2301 = arith.constant 4 : i32
      %dma_start3A_2302 = arith.constant 4096 : i32
      %dma_start3A_2303 = tpu.memref_slice %arg13[%dma_start3A_2300, %dma_start3A_2302] : memref<4x8192xf32, #tpu.memory_space<vmem>> -> memref<1x1024xf32, #tpu.memory_space<vmem>>
      %dma_start3A_2304 = tpu.memref_squeeze %dma_start3A_2303 : memref<1x1024xf32, #tpu.memory_space<vmem>> -> memref<1024xf32, #tpu.memory_space<vmem>>
      %dma_start3A_2305 = arith.constant 0 : i32
      %dma_start3A_2306 = tpu.memref_slice %arg6[%add3A_2299, %dma_start3A_2301, %select_n3A_1856, %dma_start3A_2305] : memref<200x8x32x1024xf32, #tpu.memory_space<hbm>> -> memref<1x1x1x1024xf32, #tpu.memory_space<hbm>>
      %dma_start3A_2307 = tpu.memref_squeeze %dma_start3A_2306 : memref<1x1x1x1024xf32, #tpu.memory_space<hbm>> -> memref<1024xf32, #tpu.memory_space<hbm>>
      %dma_start3A_2308 = arith.constant 0 : i32
      %dma_start3A_2309 = tpu.memref_slice %arg6[%add3A_2299, %dma_start3A_2301, %select_n3A_1856, %dma_start3A_2308] : memref<200x8x32x1024xf32, #tpu.memory_space<hbm>> -> memref<1x1x1x1024xf32, #tpu.memory_space<hbm>>
      %dma_start3A_2310 = tpu.memref_squeeze %dma_start3A_2309 : memref<1x1x1x1024xf32, #tpu.memory_space<hbm>> -> memref<1024xf32, #tpu.memory_space<hbm>>
      %dma_start3A_2311 = arith.constant 4096 : i32
      %dma_start3A_2312 = tpu.memref_slice %arg13[%dma_start3A_2300, %dma_start3A_2311] : memref<4x8192xf32, #tpu.memory_space<vmem>> -> memref<1x1024xf32, #tpu.memory_space<vmem>>
      %dma_start3A_2313 = tpu.memref_squeeze %dma_start3A_2312 : memref<1x1024xf32, #tpu.memory_space<vmem>> -> memref<1024xf32, #tpu.memory_space<vmem>>
      tpu.enqueue_dma source(%dma_start3A_2313 : memref<1024xf32, #tpu.memory_space<vmem>>) target(%dma_start3A_2310 : memref<1024xf32, #tpu.memory_space<hbm>>) target_semaphore(%arg20 : memref<!tpu.dma_semaphore, #tpu.memory_space<semaphore_mem>>)
      %mul3A_2314 = arith.constant 8 : i32
      %mul3A_2315 = arith.muli %select_n3A_1816, %mul3A_2314 : i32
      %mul3A_2316 = arith.constant 4 : i32
      %mul3A_2317 = arith.muli %mul3A_2316, %select_n3A_1872 : i32
      %add3A_2318 = arith.addi %mul3A_2315, %mul3A_2317 : i32
      %add3A_2319 = arith.constant 2 : i32
      %add3A_2320 = arith.addi %add3A_2318, %add3A_2319 : i32
      %dma_start3A_2321 = arith.constant 2 : i32
      %dma_start3A_2322 = arith.constant 5 : i32
      %dma_start3A_2323 = arith.constant 5120 : i32
      %dma_start3A_2324 = tpu.memref_slice %arg13[%dma_start3A_2321, %dma_start3A_2323] : memref<4x8192xf32, #tpu.memory_space<vmem>> -> memref<1x1024xf32, #tpu.memory_space<vmem>>
      %dma_start3A_2325 = tpu.memref_squeeze %dma_start3A_2324 : memref<1x1024xf32, #tpu.memory_space<vmem>> -> memref<1024xf32, #tpu.memory_space<vmem>>
      %dma_start3A_2326 = arith.constant 0 : i32
      %dma_start3A_2327 = tpu.memref_slice %arg6[%add3A_2320, %dma_start3A_2322, %select_n3A_1856, %dma_start3A_2326] : memref<200x8x32x1024xf32, #tpu.memory_space<hbm>> -> memref<1x1x1x1024xf32, #tpu.memory_space<hbm>>
      %dma_start3A_2328 = tpu.memref_squeeze %dma_start3A_2327 : memref<1x1x1x1024xf32, #tpu.memory_space<hbm>> -> memref<1024xf32, #tpu.memory_space<hbm>>
      %dma_start3A_2329 = arith.constant 0 : i32
      %dma_start3A_2330 = tpu.memref_slice %arg6[%add3A_2320, %dma_start3A_2322, %select_n3A_1856, %dma_start3A_2329] : memref<200x8x32x1024xf32, #tpu.memory_space<hbm>> -> memref<1x1x1x1024xf32, #tpu.memory_space<hbm>>
      %dma_start3A_2331 = tpu.memref_squeeze %dma_start3A_2330 : memref<1x1x1x1024xf32, #tpu.memory_space<hbm>> -> memref<1024xf32, #tpu.memory_space<hbm>>
      %dma_start3A_2332 = arith.constant 5120 : i32
      %dma_start3A_2333 = tpu.memref_slice %arg13[%dma_start3A_2321, %dma_start3A_2332] : memref<4x8192xf32, #tpu.memory_space<vmem>> -> memref<1x1024xf32, #tpu.memory_space<vmem>>
      %dma_start3A_2334 = tpu.memref_squeeze %dma_start3A_2333 : memref<1x1024xf32, #tpu.memory_space<vmem>> -> memref<1024xf32, #tpu.memory_space<vmem>>
      tpu.enqueue_dma source(%dma_start3A_2334 : memref<1024xf32, #tpu.memory_space<vmem>>) target(%dma_start3A_2331 : memref<1024xf32, #tpu.memory_space<hbm>>) target_semaphore(%arg20 : memref<!tpu.dma_semaphore, #tpu.memory_space<semaphore_mem>>)
      %mul3A_2335 = arith.constant 8 : i32
      %mul3A_2336 = arith.muli %select_n3A_1816, %mul3A_2335 : i32
      %mul3A_2337 = arith.constant 4 : i32
      %mul3A_2338 = arith.muli %mul3A_2337, %select_n3A_1872 : i32
      %add3A_2339 = arith.addi %mul3A_2336, %mul3A_2338 : i32
      %add3A_2340 = arith.constant 2 : i32
      %add3A_2341 = arith.addi %add3A_2339, %add3A_2340 : i32
      %dma_start3A_2342 = arith.constant 2 : i32
      %dma_start3A_2343 = arith.constant 6 : i32
      %dma_start3A_2344 = arith.constant 6144 : i32
      %dma_start3A_2345 = tpu.memref_slice %arg13[%dma_start3A_2342, %dma_start3A_2344] : memref<4x8192xf32, #tpu.memory_space<vmem>> -> memref<1x1024xf32, #tpu.memory_space<vmem>>
      %dma_start3A_2346 = tpu.memref_squeeze %dma_start3A_2345 : memref<1x1024xf32, #tpu.memory_space<vmem>> -> memref<1024xf32, #tpu.memory_space<vmem>>
      %dma_start3A_2347 = arith.constant 0 : i32
      %dma_start3A_2348 = tpu.memref_slice %arg6[%add3A_2341, %dma_start3A_2343, %select_n3A_1856, %dma_start3A_2347] : memref<200x8x32x1024xf32, #tpu.memory_space<hbm>> -> memref<1x1x1x1024xf32, #tpu.memory_space<hbm>>
      %dma_start3A_2349 = tpu.memref_squeeze %dma_start3A_2348 : memref<1x1x1x1024xf32, #tpu.memory_space<hbm>> -> memref<1024xf32, #tpu.memory_space<hbm>>
      %dma_start3A_2350 = arith.constant 0 : i32
      %dma_start3A_2351 = tpu.memref_slice %arg6[%add3A_2341, %dma_start3A_2343, %select_n3A_1856, %dma_start3A_2350] : memref<200x8x32x1024xf32, #tpu.memory_space<hbm>> -> memref<1x1x1x1024xf32, #tpu.memory_space<hbm>>
      %dma_start3A_2352 = tpu.memref_squeeze %dma_start3A_2351 : memref<1x1x1x1024xf32, #tpu.memory_space<hbm>> -> memref<1024xf32, #tpu.memory_space<hbm>>
      %dma_start3A_2353 = arith.constant 6144 : i32
      %dma_start3A_2354 = tpu.memref_slice %arg13[%dma_start3A_2342, %dma_start3A_2353] : memref<4x8192xf32, #tpu.memory_space<vmem>> -> memref<1x1024xf32, #tpu.memory_space<vmem>>
      %dma_start3A_2355 = tpu.memref_squeeze %dma_start3A_2354 : memref<1x1024xf32, #tpu.memory_space<vmem>> -> memref<1024xf32, #tpu.memory_space<vmem>>
      tpu.enqueue_dma source(%dma_start3A_2355 : memref<1024xf32, #tpu.memory_space<vmem>>) target(%dma_start3A_2352 : memref<1024xf32, #tpu.memory_space<hbm>>) target_semaphore(%arg20 : memref<!tpu.dma_semaphore, #tpu.memory_space<semaphore_mem>>)
      %mul3A_2356 = arith.constant 8 : i32
      %mul3A_2357 = arith.muli %select_n3A_1816, %mul3A_2356 : i32
      %mul3A_2358 = arith.constant 4 : i32
      %mul3A_2359 = arith.muli %mul3A_2358, %select_n3A_1872 : i32
      %add3A_2360 = arith.addi %mul3A_2357, %mul3A_2359 : i32
      %add3A_2361 = arith.constant 2 : i32
      %add3A_2362 = arith.addi %add3A_2360, %add3A_2361 : i32
      %dma_start3A_2363 = arith.constant 2 : i32
      %dma_start3A_2364 = arith.constant 7 : i32
      %dma_start3A_2365 = arith.constant 7168 : i32
      %dma_start3A_2366 = tpu.memref_slice %arg13[%dma_start3A_2363, %dma_start3A_2365] : memref<4x8192xf32, #tpu.memory_space<vmem>> -> memref<1x1024xf32, #tpu.memory_space<vmem>>
      %dma_start3A_2367 = tpu.memref_squeeze %dma_start3A_2366 : memref<1x1024xf32, #tpu.memory_space<vmem>> -> memref<1024xf32, #tpu.memory_space<vmem>>
      %dma_start3A_2368 = arith.constant 0 : i32
      %dma_start3A_2369 = tpu.memref_slice %arg6[%add3A_2362, %dma_start3A_2364, %select_n3A_1856, %dma_start3A_2368] : memref<200x8x32x1024xf32, #tpu.memory_space<hbm>> -> memref<1x1x1x1024xf32, #tpu.memory_space<hbm>>
      %dma_start3A_2370 = tpu.memref_squeeze %dma_start3A_2369 : memref<1x1x1x1024xf32, #tpu.memory_space<hbm>> -> memref<1024xf32, #tpu.memory_space<hbm>>
      %dma_start3A_2371 = arith.constant 0 : i32
      %dma_start3A_2372 = tpu.memref_slice %arg6[%add3A_2362, %dma_start3A_2364, %select_n3A_1856, %dma_start3A_2371] : memref<200x8x32x1024xf32, #tpu.memory_space<hbm>> -> memref<1x1x1x1024xf32, #tpu.memory_space<hbm>>
      %dma_start3A_2373 = tpu.memref_squeeze %dma_start3A_2372 : memref<1x1x1x1024xf32, #tpu.memory_space<hbm>> -> memref<1024xf32, #tpu.memory_space<hbm>>
      %dma_start3A_2374 = arith.constant 7168 : i32
      %dma_start3A_2375 = tpu.memref_slice %arg13[%dma_start3A_2363, %dma_start3A_2374] : memref<4x8192xf32, #tpu.memory_space<vmem>> -> memref<1x1024xf32, #tpu.memory_space<vmem>>
      %dma_start3A_2376 = tpu.memref_squeeze %dma_start3A_2375 : memref<1x1024xf32, #tpu.memory_space<vmem>> -> memref<1024xf32, #tpu.memory_space<vmem>>
      tpu.enqueue_dma source(%dma_start3A_2376 : memref<1024xf32, #tpu.memory_space<vmem>>) target(%dma_start3A_2373 : memref<1024xf32, #tpu.memory_space<hbm>>) target_semaphore(%arg20 : memref<!tpu.dma_semaphore, #tpu.memory_space<semaphore_mem>>)
      %mul3A_2377 = arith.constant 8 : i32
      %mul3A_2378 = arith.muli %select_n3A_1816, %mul3A_2377 : i32
      %mul3A_2379 = arith.constant 4 : i32
      %mul3A_2380 = arith.muli %mul3A_2379, %select_n3A_1872 : i32
      %add3A_2381 = arith.addi %mul3A_2378, %mul3A_2380 : i32
      %add3A_2382 = arith.constant 3 : i32
      %add3A_2383 = arith.addi %add3A_2381, %add3A_2382 : i32
      %dma_start3A_2384 = arith.constant 3 : i32
      %dma_start3A_2385 = arith.constant 0 : i32
      %dma_start3A_2386 = arith.constant 0 : i32
      %dma_start3A_2387 = tpu.memref_slice %arg13[%dma_start3A_2384, %dma_start3A_2386] : memref<4x8192xf32, #tpu.memory_space<vmem>> -> memref<1x1024xf32, #tpu.memory_space<vmem>>
      %dma_start3A_2388 = tpu.memref_squeeze %dma_start3A_2387 : memref<1x1024xf32, #tpu.memory_space<vmem>> -> memref<1024xf32, #tpu.memory_space<vmem>>
      %dma_start3A_2389 = arith.constant 0 : i32
      %dma_start3A_2390 = tpu.memref_slice %arg6[%add3A_2383, %dma_start3A_2385, %select_n3A_1856, %dma_start3A_2389] : memref<200x8x32x1024xf32, #tpu.memory_space<hbm>> -> memref<1x1x1x1024xf32, #tpu.memory_space<hbm>>
      %dma_start3A_2391 = tpu.memref_squeeze %dma_start3A_2390 : memref<1x1x1x1024xf32, #tpu.memory_space<hbm>> -> memref<1024xf32, #tpu.memory_space<hbm>>
      %dma_start3A_2392 = arith.constant 0 : i32
      %dma_start3A_2393 = tpu.memref_slice %arg6[%add3A_2383, %dma_start3A_2385, %select_n3A_1856, %dma_start3A_2392] : memref<200x8x32x1024xf32, #tpu.memory_space<hbm>> -> memref<1x1x1x1024xf32, #tpu.memory_space<hbm>>
      %dma_start3A_2394 = tpu.memref_squeeze %dma_start3A_2393 : memref<1x1x1x1024xf32, #tpu.memory_space<hbm>> -> memref<1024xf32, #tpu.memory_space<hbm>>
      %dma_start3A_2395 = arith.constant 0 : i32
      %dma_start3A_2396 = tpu.memref_slice %arg13[%dma_start3A_2384, %dma_start3A_2395] : memref<4x8192xf32, #tpu.memory_space<vmem>> -> memref<1x1024xf32, #tpu.memory_space<vmem>>
      %dma_start3A_2397 = tpu.memref_squeeze %dma_start3A_2396 : memref<1x1024xf32, #tpu.memory_space<vmem>> -> memref<1024xf32, #tpu.memory_space<vmem>>
      tpu.enqueue_dma source(%dma_start3A_2397 : memref<1024xf32, #tpu.memory_space<vmem>>) target(%dma_start3A_2394 : memref<1024xf32, #tpu.memory_space<hbm>>) target_semaphore(%arg20 : memref<!tpu.dma_semaphore, #tpu.memory_space<semaphore_mem>>)
      %mul3A_2398 = arith.constant 8 : i32
      %mul3A_2399 = arith.muli %select_n3A_1816, %mul3A_2398 : i32
      %mul3A_2400 = arith.constant 4 : i32
      %mul3A_2401 = arith.muli %mul3A_2400, %select_n3A_1872 : i32
      %add3A_2402 = arith.addi %mul3A_2399, %mul3A_2401 : i32
      %add3A_2403 = arith.constant 3 : i32
      %add3A_2404 = arith.addi %add3A_2402, %add3A_2403 : i32
      %dma_start3A_2405 = arith.constant 3 : i32
      %dma_start3A_2406 = arith.constant 1 : i32
      %dma_start3A_2407 = arith.constant 1024 : i32
      %dma_start3A_2408 = tpu.memref_slice %arg13[%dma_start3A_2405, %dma_start3A_2407] : memref<4x8192xf32, #tpu.memory_space<vmem>> -> memref<1x1024xf32, #tpu.memory_space<vmem>>
      %dma_start3A_2409 = tpu.memref_squeeze %dma_start3A_2408 : memref<1x1024xf32, #tpu.memory_space<vmem>> -> memref<1024xf32, #tpu.memory_space<vmem>>
      %dma_start3A_2410 = arith.constant 0 : i32
      %dma_start3A_2411 = tpu.memref_slice %arg6[%add3A_2404, %dma_start3A_2406, %select_n3A_1856, %dma_start3A_2410] : memref<200x8x32x1024xf32, #tpu.memory_space<hbm>> -> memref<1x1x1x1024xf32, #tpu.memory_space<hbm>>
      %dma_start3A_2412 = tpu.memref_squeeze %dma_start3A_2411 : memref<1x1x1x1024xf32, #tpu.memory_space<hbm>> -> memref<1024xf32, #tpu.memory_space<hbm>>
      %dma_start3A_2413 = arith.constant 0 : i32
      %dma_start3A_2414 = tpu.memref_slice %arg6[%add3A_2404, %dma_start3A_2406, %select_n3A_1856, %dma_start3A_2413] : memref<200x8x32x1024xf32, #tpu.memory_space<hbm>> -> memref<1x1x1x1024xf32, #tpu.memory_space<hbm>>
      %dma_start3A_2415 = tpu.memref_squeeze %dma_start3A_2414 : memref<1x1x1x1024xf32, #tpu.memory_space<hbm>> -> memref<1024xf32, #tpu.memory_space<hbm>>
      %dma_start3A_2416 = arith.constant 1024 : i32
      %dma_start3A_2417 = tpu.memref_slice %arg13[%dma_start3A_2405, %dma_start3A_2416] : memref<4x8192xf32, #tpu.memory_space<vmem>> -> memref<1x1024xf32, #tpu.memory_space<vmem>>
      %dma_start3A_2418 = tpu.memref_squeeze %dma_start3A_2417 : memref<1x1024xf32, #tpu.memory_space<vmem>> -> memref<1024xf32, #tpu.memory_space<vmem>>
      tpu.enqueue_dma source(%dma_start3A_2418 : memref<1024xf32, #tpu.memory_space<vmem>>) target(%dma_start3A_2415 : memref<1024xf32, #tpu.memory_space<hbm>>) target_semaphore(%arg20 : memref<!tpu.dma_semaphore, #tpu.memory_space<semaphore_mem>>)
      %mul3A_2419 = arith.constant 8 : i32
      %mul3A_2420 = arith.muli %select_n3A_1816, %mul3A_2419 : i32
      %mul3A_2421 = arith.constant 4 : i32
      %mul3A_2422 = arith.muli %mul3A_2421, %select_n3A_1872 : i32
      %add3A_2423 = arith.addi %mul3A_2420, %mul3A_2422 : i32
      %add3A_2424 = arith.constant 3 : i32
      %add3A_2425 = arith.addi %add3A_2423, %add3A_2424 : i32
      %dma_start3A_2426 = arith.constant 3 : i32
      %dma_start3A_2427 = arith.constant 2 : i32
      %dma_start3A_2428 = arith.constant 2048 : i32
      %dma_start3A_2429 = tpu.memref_slice %arg13[%dma_start3A_2426, %dma_start3A_2428] : memref<4x8192xf32, #tpu.memory_space<vmem>> -> memref<1x1024xf32, #tpu.memory_space<vmem>>
      %dma_start3A_2430 = tpu.memref_squeeze %dma_start3A_2429 : memref<1x1024xf32, #tpu.memory_space<vmem>> -> memref<1024xf32, #tpu.memory_space<vmem>>
      %dma_start3A_2431 = arith.constant 0 : i32
      %dma_start3A_2432 = tpu.memref_slice %arg6[%add3A_2425, %dma_start3A_2427, %select_n3A_1856, %dma_start3A_2431] : memref<200x8x32x1024xf32, #tpu.memory_space<hbm>> -> memref<1x1x1x1024xf32, #tpu.memory_space<hbm>>
      %dma_start3A_2433 = tpu.memref_squeeze %dma_start3A_2432 : memref<1x1x1x1024xf32, #tpu.memory_space<hbm>> -> memref<1024xf32, #tpu.memory_space<hbm>>
      %dma_start3A_2434 = arith.constant 0 : i32
      %dma_start3A_2435 = tpu.memref_slice %arg6[%add3A_2425, %dma_start3A_2427, %select_n3A_1856, %dma_start3A_2434] : memref<200x8x32x1024xf32, #tpu.memory_space<hbm>> -> memref<1x1x1x1024xf32, #tpu.memory_space<hbm>>
      %dma_start3A_2436 = tpu.memref_squeeze %dma_start3A_2435 : memref<1x1x1x1024xf32, #tpu.memory_space<hbm>> -> memref<1024xf32, #tpu.memory_space<hbm>>
      %dma_start3A_2437 = arith.constant 2048 : i32
      %dma_start3A_2438 = tpu.memref_slice %arg13[%dma_start3A_2426, %dma_start3A_2437] : memref<4x8192xf32, #tpu.memory_space<vmem>> -> memref<1x1024xf32, #tpu.memory_space<vmem>>
      %dma_start3A_2439 = tpu.memref_squeeze %dma_start3A_2438 : memref<1x1024xf32, #tpu.memory_space<vmem>> -> memref<1024xf32, #tpu.memory_space<vmem>>
      tpu.enqueue_dma source(%dma_start3A_2439 : memref<1024xf32, #tpu.memory_space<vmem>>) target(%dma_start3A_2436 : memref<1024xf32, #tpu.memory_space<hbm>>) target_semaphore(%arg20 : memref<!tpu.dma_semaphore, #tpu.memory_space<semaphore_mem>>)
      %mul3A_2440 = arith.constant 8 : i32
      %mul3A_2441 = arith.muli %select_n3A_1816, %mul3A_2440 : i32
      %mul3A_2442 = arith.constant 4 : i32
      %mul3A_2443 = arith.muli %mul3A_2442, %select_n3A_1872 : i32
      %add3A_2444 = arith.addi %mul3A_2441, %mul3A_2443 : i32
      %add3A_2445 = arith.constant 3 : i32
      %add3A_2446 = arith.addi %add3A_2444, %add3A_2445 : i32
      %dma_start3A_2447 = arith.constant 3 : i32
      %dma_start3A_2448 = arith.constant 3 : i32
      %dma_start3A_2449 = arith.constant 3072 : i32
      %dma_start3A_2450 = tpu.memref_slice %arg13[%dma_start3A_2447, %dma_start3A_2449] : memref<4x8192xf32, #tpu.memory_space<vmem>> -> memref<1x1024xf32, #tpu.memory_space<vmem>>
      %dma_start3A_2451 = tpu.memref_squeeze %dma_start3A_2450 : memref<1x1024xf32, #tpu.memory_space<vmem>> -> memref<1024xf32, #tpu.memory_space<vmem>>
      %dma_start3A_2452 = arith.constant 0 : i32
      %dma_start3A_2453 = tpu.memref_slice %arg6[%add3A_2446, %dma_start3A_2448, %select_n3A_1856, %dma_start3A_2452] : memref<200x8x32x1024xf32, #tpu.memory_space<hbm>> -> memref<1x1x1x1024xf32, #tpu.memory_space<hbm>>
      %dma_start3A_2454 = tpu.memref_squeeze %dma_start3A_2453 : memref<1x1x1x1024xf32, #tpu.memory_space<hbm>> -> memref<1024xf32, #tpu.memory_space<hbm>>
      %dma_start3A_2455 = arith.constant 0 : i32
      %dma_start3A_2456 = tpu.memref_slice %arg6[%add3A_2446, %dma_start3A_2448, %select_n3A_1856, %dma_start3A_2455] : memref<200x8x32x1024xf32, #tpu.memory_space<hbm>> -> memref<1x1x1x1024xf32, #tpu.memory_space<hbm>>
      %dma_start3A_2457 = tpu.memref_squeeze %dma_start3A_2456 : memref<1x1x1x1024xf32, #tpu.memory_space<hbm>> -> memref<1024xf32, #tpu.memory_space<hbm>>
      %dma_start3A_2458 = arith.constant 3072 : i32
      %dma_start3A_2459 = tpu.memref_slice %arg13[%dma_start3A_2447, %dma_start3A_2458] : memref<4x8192xf32, #tpu.memory_space<vmem>> -> memref<1x1024xf32, #tpu.memory_space<vmem>>
      %dma_start3A_2460 = tpu.memref_squeeze %dma_start3A_2459 : memref<1x1024xf32, #tpu.memory_space<vmem>> -> memref<1024xf32, #tpu.memory_space<vmem>>
      tpu.enqueue_dma source(%dma_start3A_2460 : memref<1024xf32, #tpu.memory_space<vmem>>) target(%dma_start3A_2457 : memref<1024xf32, #tpu.memory_space<hbm>>) target_semaphore(%arg20 : memref<!tpu.dma_semaphore, #tpu.memory_space<semaphore_mem>>)
      %mul3A_2461 = arith.constant 8 : i32
      %mul3A_2462 = arith.muli %select_n3A_1816, %mul3A_2461 : i32
      %mul3A_2463 = arith.constant 4 : i32
      %mul3A_2464 = arith.muli %mul3A_2463, %select_n3A_1872 : i32
      %add3A_2465 = arith.addi %mul3A_2462, %mul3A_2464 : i32
      %add3A_2466 = arith.constant 3 : i32
      %add3A_2467 = arith.addi %add3A_2465, %add3A_2466 : i32
      %dma_start3A_2468 = arith.constant 3 : i32
      %dma_start3A_2469 = arith.constant 4 : i32
      %dma_start3A_2470 = arith.constant 4096 : i32
      %dma_start3A_2471 = tpu.memref_slice %arg13[%dma_start3A_2468, %dma_start3A_2470] : memref<4x8192xf32, #tpu.memory_space<vmem>> -> memref<1x1024xf32, #tpu.memory_space<vmem>>
      %dma_start3A_2472 = tpu.memref_squeeze %dma_start3A_2471 : memref<1x1024xf32, #tpu.memory_space<vmem>> -> memref<1024xf32, #tpu.memory_space<vmem>>
      %dma_start3A_2473 = arith.constant 0 : i32
      %dma_start3A_2474 = tpu.memref_slice %arg6[%add3A_2467, %dma_start3A_2469, %select_n3A_1856, %dma_start3A_2473] : memref<200x8x32x1024xf32, #tpu.memory_space<hbm>> -> memref<1x1x1x1024xf32, #tpu.memory_space<hbm>>
      %dma_start3A_2475 = tpu.memref_squeeze %dma_start3A_2474 : memref<1x1x1x1024xf32, #tpu.memory_space<hbm>> -> memref<1024xf32, #tpu.memory_space<hbm>>
      %dma_start3A_2476 = arith.constant 0 : i32
      %dma_start3A_2477 = tpu.memref_slice %arg6[%add3A_2467, %dma_start3A_2469, %select_n3A_1856, %dma_start3A_2476] : memref<200x8x32x1024xf32, #tpu.memory_space<hbm>> -> memref<1x1x1x1024xf32, #tpu.memory_space<hbm>>
      %dma_start3A_2478 = tpu.memref_squeeze %dma_start3A_2477 : memref<1x1x1x1024xf32, #tpu.memory_space<hbm>> -> memref<1024xf32, #tpu.memory_space<hbm>>
      %dma_start3A_2479 = arith.constant 4096 : i32
      %dma_start3A_2480 = tpu.memref_slice %arg13[%dma_start3A_2468, %dma_start3A_2479] : memref<4x8192xf32, #tpu.memory_space<vmem>> -> memref<1x1024xf32, #tpu.memory_space<vmem>>
      %dma_start3A_2481 = tpu.memref_squeeze %dma_start3A_2480 : memref<1x1024xf32, #tpu.memory_space<vmem>> -> memref<1024xf32, #tpu.memory_space<vmem>>
      tpu.enqueue_dma source(%dma_start3A_2481 : memref<1024xf32, #tpu.memory_space<vmem>>) target(%dma_start3A_2478 : memref<1024xf32, #tpu.memory_space<hbm>>) target_semaphore(%arg20 : memref<!tpu.dma_semaphore, #tpu.memory_space<semaphore_mem>>)
      %mul3A_2482 = arith.constant 8 : i32
      %mul3A_2483 = arith.muli %select_n3A_1816, %mul3A_2482 : i32
      %mul3A_2484 = arith.constant 4 : i32
      %mul3A_2485 = arith.muli %mul3A_2484, %select_n3A_1872 : i32
      %add3A_2486 = arith.addi %mul3A_2483, %mul3A_2485 : i32
      %add3A_2487 = arith.constant 3 : i32
      %add3A_2488 = arith.addi %add3A_2486, %add3A_2487 : i32
      %dma_start3A_2489 = arith.constant 3 : i32
      %dma_start3A_2490 = arith.constant 5 : i32
      %dma_start3A_2491 = arith.constant 5120 : i32
      %dma_start3A_2492 = tpu.memref_slice %arg13[%dma_start3A_2489, %dma_start3A_2491] : memref<4x8192xf32, #tpu.memory_space<vmem>> -> memref<1x1024xf32, #tpu.memory_space<vmem>>
      %dma_start3A_2493 = tpu.memref_squeeze %dma_start3A_2492 : memref<1x1024xf32, #tpu.memory_space<vmem>> -> memref<1024xf32, #tpu.memory_space<vmem>>
      %dma_start3A_2494 = arith.constant 0 : i32
      %dma_start3A_2495 = tpu.memref_slice %arg6[%add3A_2488, %dma_start3A_2490, %select_n3A_1856, %dma_start3A_2494] : memref<200x8x32x1024xf32, #tpu.memory_space<hbm>> -> memref<1x1x1x1024xf32, #tpu.memory_space<hbm>>
      %dma_start3A_2496 = tpu.memref_squeeze %dma_start3A_2495 : memref<1x1x1x1024xf32, #tpu.memory_space<hbm>> -> memref<1024xf32, #tpu.memory_space<hbm>>
      %dma_start3A_2497 = arith.constant 0 : i32
      %dma_start3A_2498 = tpu.memref_slice %arg6[%add3A_2488, %dma_start3A_2490, %select_n3A_1856, %dma_start3A_2497] : memref<200x8x32x1024xf32, #tpu.memory_space<hbm>> -> memref<1x1x1x1024xf32, #tpu.memory_space<hbm>>
      %dma_start3A_2499 = tpu.memref_squeeze %dma_start3A_2498 : memref<1x1x1x1024xf32, #tpu.memory_space<hbm>> -> memref<1024xf32, #tpu.memory_space<hbm>>
      %dma_start3A_2500 = arith.constant 5120 : i32
      %dma_start3A_2501 = tpu.memref_slice %arg13[%dma_start3A_2489, %dma_start3A_2500] : memref<4x8192xf32, #tpu.memory_space<vmem>> -> memref<1x1024xf32, #tpu.memory_space<vmem>>
      %dma_start3A_2502 = tpu.memref_squeeze %dma_start3A_2501 : memref<1x1024xf32, #tpu.memory_space<vmem>> -> memref<1024xf32, #tpu.memory_space<vmem>>
      tpu.enqueue_dma source(%dma_start3A_2502 : memref<1024xf32, #tpu.memory_space<vmem>>) target(%dma_start3A_2499 : memref<1024xf32, #tpu.memory_space<hbm>>) target_semaphore(%arg20 : memref<!tpu.dma_semaphore, #tpu.memory_space<semaphore_mem>>)
      %mul3A_2503 = arith.constant 8 : i32
      %mul3A_2504 = arith.muli %select_n3A_1816, %mul3A_2503 : i32
      %mul3A_2505 = arith.constant 4 : i32
      %mul3A_2506 = arith.muli %mul3A_2505, %select_n3A_1872 : i32
      %add3A_2507 = arith.addi %mul3A_2504, %mul3A_2506 : i32
      %add3A_2508 = arith.constant 3 : i32
      %add3A_2509 = arith.addi %add3A_2507, %add3A_2508 : i32
      %dma_start3A_2510 = arith.constant 3 : i32
      %dma_start3A_2511 = arith.constant 6 : i32
      %dma_start3A_2512 = arith.constant 6144 : i32
      %dma_start3A_2513 = tpu.memref_slice %arg13[%dma_start3A_2510, %dma_start3A_2512] : memref<4x8192xf32, #tpu.memory_space<vmem>> -> memref<1x1024xf32, #tpu.memory_space<vmem>>
      %dma_start3A_2514 = tpu.memref_squeeze %dma_start3A_2513 : memref<1x1024xf32, #tpu.memory_space<vmem>> -> memref<1024xf32, #tpu.memory_space<vmem>>
      %dma_start3A_2515 = arith.constant 0 : i32
      %dma_start3A_2516 = tpu.memref_slice %arg6[%add3A_2509, %dma_start3A_2511, %select_n3A_1856, %dma_start3A_2515] : memref<200x8x32x1024xf32, #tpu.memory_space<hbm>> -> memref<1x1x1x1024xf32, #tpu.memory_space<hbm>>
      %dma_start3A_2517 = tpu.memref_squeeze %dma_start3A_2516 : memref<1x1x1x1024xf32, #tpu.memory_space<hbm>> -> memref<1024xf32, #tpu.memory_space<hbm>>
      %dma_start3A_2518 = arith.constant 0 : i32
      %dma_start3A_2519 = tpu.memref_slice %arg6[%add3A_2509, %dma_start3A_2511, %select_n3A_1856, %dma_start3A_2518] : memref<200x8x32x1024xf32, #tpu.memory_space<hbm>> -> memref<1x1x1x1024xf32, #tpu.memory_space<hbm>>
      %dma_start3A_2520 = tpu.memref_squeeze %dma_start3A_2519 : memref<1x1x1x1024xf32, #tpu.memory_space<hbm>> -> memref<1024xf32, #tpu.memory_space<hbm>>
      %dma_start3A_2521 = arith.constant 6144 : i32
      %dma_start3A_2522 = tpu.memref_slice %arg13[%dma_start3A_2510, %dma_start3A_2521] : memref<4x8192xf32, #tpu.memory_space<vmem>> -> memref<1x1024xf32, #tpu.memory_space<vmem>>
      %dma_start3A_2523 = tpu.memref_squeeze %dma_start3A_2522 : memref<1x1024xf32, #tpu.memory_space<vmem>> -> memref<1024xf32, #tpu.memory_space<vmem>>
      tpu.enqueue_dma source(%dma_start3A_2523 : memref<1024xf32, #tpu.memory_space<vmem>>) target(%dma_start3A_2520 : memref<1024xf32, #tpu.memory_space<hbm>>) target_semaphore(%arg20 : memref<!tpu.dma_semaphore, #tpu.memory_space<semaphore_mem>>)
      %mul3A_2524 = arith.constant 8 : i32
      %mul3A_2525 = arith.muli %select_n3A_1816, %mul3A_2524 : i32
      %mul3A_2526 = arith.constant 4 : i32
      %mul3A_2527 = arith.muli %mul3A_2526, %select_n3A_1872 : i32
      %add3A_2528 = arith.addi %mul3A_2525, %mul3A_2527 : i32
      %add3A_2529 = arith.constant 3 : i32
      %add3A_2530 = arith.addi %add3A_2528, %add3A_2529 : i32
      %dma_start3A_2531 = arith.constant 3 : i32
      %dma_start3A_2532 = arith.constant 7 : i32
      %dma_start3A_2533 = arith.constant 7168 : i32
      %dma_start3A_2534 = tpu.memref_slice %arg13[%dma_start3A_2531, %dma_start3A_2533] : memref<4x8192xf32, #tpu.memory_space<vmem>> -> memref<1x1024xf32, #tpu.memory_space<vmem>>
      %dma_start3A_2535 = tpu.memref_squeeze %dma_start3A_2534 : memref<1x1024xf32, #tpu.memory_space<vmem>> -> memref<1024xf32, #tpu.memory_space<vmem>>
      %dma_start3A_2536 = arith.constant 0 : i32
      %dma_start3A_2537 = tpu.memref_slice %arg6[%add3A_2530, %dma_start3A_2532, %select_n3A_1856, %dma_start3A_2536] : memref<200x8x32x1024xf32, #tpu.memory_space<hbm>> -> memref<1x1x1x1024xf32, #tpu.memory_space<hbm>>
      %dma_start3A_2538 = tpu.memref_squeeze %dma_start3A_2537 : memref<1x1x1x1024xf32, #tpu.memory_space<hbm>> -> memref<1024xf32, #tpu.memory_space<hbm>>
      %dma_start3A_2539 = arith.constant 0 : i32
      %dma_start3A_2540 = tpu.memref_slice %arg6[%add3A_2530, %dma_start3A_2532, %select_n3A_1856, %dma_start3A_2539] : memref<200x8x32x1024xf32, #tpu.memory_space<hbm>> -> memref<1x1x1x1024xf32, #tpu.memory_space<hbm>>
      %dma_start3A_2541 = tpu.memref_squeeze %dma_start3A_2540 : memref<1x1x1x1024xf32, #tpu.memory_space<hbm>> -> memref<1024xf32, #tpu.memory_space<hbm>>
      %dma_start3A_2542 = arith.constant 7168 : i32
      %dma_start3A_2543 = tpu.memref_slice %arg13[%dma_start3A_2531, %dma_start3A_2542] : memref<4x8192xf32, #tpu.memory_space<vmem>> -> memref<1x1024xf32, #tpu.memory_space<vmem>>
      %dma_start3A_2544 = tpu.memref_squeeze %dma_start3A_2543 : memref<1x1024xf32, #tpu.memory_space<vmem>> -> memref<1024xf32, #tpu.memory_space<vmem>>
      tpu.enqueue_dma source(%dma_start3A_2544 : memref<1024xf32, #tpu.memory_space<vmem>>) target(%dma_start3A_2541 : memref<1024xf32, #tpu.memory_space<hbm>>) target_semaphore(%arg20 : memref<!tpu.dma_semaphore, #tpu.memory_space<semaphore_mem>>)
      %add3A_2545 = arith.constant 2 : i32
      %add3A_2546 = arith.addi %add3A_1767, %add3A_2545 : i32
      %lt3A_2547 = arith.cmpi slt, %add3A_2546, %add3A_4 : i32
      %convert_element_type3A_2548 = arith.extui %lt3A_2547 : i1 to i32
      %cond3A_2549 = arith.constant 0 : i32
      %cond3A_2550 = arith.cmpi ne, %convert_element_type3A_2548, %cond3A_2549 : i32
      scf.if %cond3A_2550 {
        %add3A_2551 = arith.constant 2 : i32
        %add3A_2552 = arith.addi %add3A_1767, %add3A_2551 : i32
        %jit3A_2553 = arith.constant 64 : i32
        %div3A_2554 = arith.divsi %add3A_2552, %jit3A_2553 : i32
        %sign3A_2555 = arith.constant 0 : i32
        %sign3A_2556 = arith.cmpi sgt, %add3A_2552, %sign3A_2555 : i32
        %sign3A_2557 = arith.extui %sign3A_2556 : i1 to i32
        %sign3A_2558 = arith.constant 0 : i32
        %sign3A_2559 = arith.cmpi slt, %add3A_2552, %sign3A_2558 : i32
        %sign3A_2560 = arith.extui %sign3A_2559 : i1 to i32
        %sign3A_2561 = arith.subi %sign3A_2557, %sign3A_2560 : i32
        %sign3A_2562 = arith.constant 0 : i32
        %sign3A_2563 = arith.cmpi sgt, %jit3A_2553, %sign3A_2562 : i32
        %sign3A_2564 = arith.extui %sign3A_2563 : i1 to i32
        %sign3A_2565 = arith.constant 0 : i32
        %sign3A_2566 = arith.cmpi slt, %jit3A_2553, %sign3A_2565 : i32
        %sign3A_2567 = arith.extui %sign3A_2566 : i1 to i32
        %sign3A_2568 = arith.subi %sign3A_2564, %sign3A_2567 : i32
        %ne3A_2569 = arith.cmpi ne, %sign3A_2561, %sign3A_2568 : i32
        %rem3A_2570 = arith.remsi %add3A_2552, %jit3A_2553 : i32
        %ne3A_2571 = arith.constant 0 : i32
        %ne3A_2572 = arith.cmpi ne, %rem3A_2570, %ne3A_2571 : i32
        %and3A_2573 = arith.andi %ne3A_2569, %ne3A_2572 : i1
        %sub3A_2574 = arith.constant 1 : i32
        %sub3A_2575 = arith.subi %div3A_2554, %sub3A_2574 : i32
        %select_n3A_2576 = arith.select %and3A_2573, %sub3A_2575, %div3A_2554 : i32
        %jit3A_2577 = arith.constant 64 : i32
        %eq3A_2578 = arith.constant 0 : i32
        %eq3A_2579 = arith.cmpi eq, %jit3A_2577, %eq3A_2578 : i32
        %jit3A_2580 = arith.constant 1 : i32
        %select_n3A_2581 = arith.select %eq3A_2579, %jit3A_2580, %jit3A_2577 : i32
        %rem3A_2582 = arith.remsi %add3A_2552, %select_n3A_2581 : i32
        %ne3A_2583 = arith.constant 0 : i32
        %ne3A_2584 = arith.cmpi ne, %rem3A_2582, %ne3A_2583 : i32
        %lt3A_2585 = arith.constant 0 : i32
        %lt3A_2586 = arith.cmpi slt, %rem3A_2582, %lt3A_2585 : i32
        %lt3A_2587 = arith.constant 0 : i32
        %lt3A_2588 = arith.cmpi slt, %select_n3A_2581, %lt3A_2587 : i32
        %ne3A_2589 = arith.xori %lt3A_2586, %lt3A_2588 : i1
        %and3A_2590 = arith.andi %ne3A_2589, %ne3A_2584 : i1
        %add3A_2591 = arith.addi %rem3A_2582, %select_n3A_2581 : i32
        %select_n3A_2592 = arith.select %and3A_2590, %add3A_2591, %rem3A_2582 : i32
        %jit3A_2593 = arith.constant 2 : i32
        %div3A_2594 = arith.divsi %select_n3A_2592, %jit3A_2593 : i32
        %sign3A_2595 = arith.constant 0 : i32
        %sign3A_2596 = arith.cmpi sgt, %select_n3A_2592, %sign3A_2595 : i32
        %sign3A_2597 = arith.extui %sign3A_2596 : i1 to i32
        %sign3A_2598 = arith.constant 0 : i32
        %sign3A_2599 = arith.cmpi slt, %select_n3A_2592, %sign3A_2598 : i32
        %sign3A_2600 = arith.extui %sign3A_2599 : i1 to i32
        %sign3A_2601 = arith.subi %sign3A_2597, %sign3A_2600 : i32
        %sign3A_2602 = arith.constant 0 : i32
        %sign3A_2603 = arith.cmpi sgt, %jit3A_2593, %sign3A_2602 : i32
        %sign3A_2604 = arith.extui %sign3A_2603 : i1 to i32
        %sign3A_2605 = arith.constant 0 : i32
        %sign3A_2606 = arith.cmpi slt, %jit3A_2593, %sign3A_2605 : i32
        %sign3A_2607 = arith.extui %sign3A_2606 : i1 to i32
        %sign3A_2608 = arith.subi %sign3A_2604, %sign3A_2607 : i32
        %ne3A_2609 = arith.cmpi ne, %sign3A_2601, %sign3A_2608 : i32
        %rem3A_2610 = arith.remsi %select_n3A_2592, %jit3A_2593 : i32
        %ne3A_2611 = arith.constant 0 : i32
        %ne3A_2612 = arith.cmpi ne, %rem3A_2610, %ne3A_2611 : i32
        %and3A_2613 = arith.andi %ne3A_2609, %ne3A_2612 : i1
        %sub3A_2614 = arith.constant 1 : i32
        %sub3A_2615 = arith.subi %div3A_2594, %sub3A_2614 : i32
        %select_n3A_2616 = arith.select %and3A_2613, %sub3A_2615, %div3A_2594 : i32
        %jit3A_2617 = arith.constant 2 : i32
        %eq3A_2618 = arith.constant 0 : i32
        %eq3A_2619 = arith.cmpi eq, %jit3A_2617, %eq3A_2618 : i32
        %jit3A_2620 = arith.constant 1 : i32
        %select_n3A_2621 = arith.select %eq3A_2619, %jit3A_2620, %jit3A_2617 : i32
        %rem3A_2622 = arith.remsi %select_n3A_2592, %select_n3A_2621 : i32
        %ne3A_2623 = arith.constant 0 : i32
        %ne3A_2624 = arith.cmpi ne, %rem3A_2622, %ne3A_2623 : i32
        %lt3A_2625 = arith.constant 0 : i32
        %lt3A_2626 = arith.cmpi slt, %rem3A_2622, %lt3A_2625 : i32
        %lt3A_2627 = arith.constant 0 : i32
        %lt3A_2628 = arith.cmpi slt, %select_n3A_2621, %lt3A_2627 : i32
        %ne3A_2629 = arith.xori %lt3A_2626, %lt3A_2628 : i1
        %and3A_2630 = arith.andi %ne3A_2629, %ne3A_2624 : i1
        %add3A_2631 = arith.addi %rem3A_2622, %select_n3A_2621 : i32
        %select_n3A_2632 = arith.select %and3A_2630, %add3A_2631, %rem3A_2622 : i32
        %mul3A_2633 = arith.constant 512 : i32
        %mul3A_2634 = arith.muli %mul3A_2633, %select_n3A_2632 : i32
        %dma_start3A_2635 = tpu.memref_slice %arg2[%select_n3A_2576, %select_n3A_2616, %mul3A_2634] : memref<25x32x1024xi32, #tpu.memory_space<hbm>> -> memref<1x1x512xi32, #tpu.memory_space<hbm>>
        %dma_start3A_2636 = tpu.memref_squeeze %dma_start3A_2635 : memref<1x1x512xi32, #tpu.memory_space<hbm>> -> memref<512xi32, #tpu.memory_space<hbm>>
        %dma_start3A_2637 = tpu.memref_slice %arg2[%select_n3A_2576, %select_n3A_2616, %mul3A_2634] : memref<25x32x1024xi32, #tpu.memory_space<hbm>> -> memref<1x1x512xi32, #tpu.memory_space<hbm>>
        %dma_start3A_2638 = tpu.memref_squeeze %dma_start3A_2637 : memref<1x1x512xi32, #tpu.memory_space<hbm>> -> memref<512xi32, #tpu.memory_space<hbm>>
        tpu.enqueue_dma source(%dma_start3A_2638 : memref<512xi32, #tpu.memory_space<hbm>>) target(%arg8 : memref<512xi32, #tpu.memory_space<vmem>>) target_semaphore(%arg15 : memref<!tpu.dma_semaphore, #tpu.memory_space<semaphore_mem>>)
        %dma_start3A_2639 = tpu.memref_slice %arg3[%select_n3A_2576, %select_n3A_2616, %mul3A_2634] : memref<25x32x1024xi32, #tpu.memory_space<hbm>> -> memref<1x1x512xi32, #tpu.memory_space<hbm>>
        %dma_start3A_2640 = tpu.memref_squeeze %dma_start3A_2639 : memref<1x1x512xi32, #tpu.memory_space<hbm>> -> memref<512xi32, #tpu.memory_space<hbm>>
        %dma_start3A_2641 = tpu.memref_slice %arg3[%select_n3A_2576, %select_n3A_2616, %mul3A_2634] : memref<25x32x1024xi32, #tpu.memory_space<hbm>> -> memref<1x1x512xi32, #tpu.memory_space<hbm>>
        %dma_start3A_2642 = tpu.memref_squeeze %dma_start3A_2641 : memref<1x1x512xi32, #tpu.memory_space<hbm>> -> memref<512xi32, #tpu.memory_space<hbm>>
        tpu.enqueue_dma source(%dma_start3A_2642 : memref<512xi32, #tpu.memory_space<hbm>>) target(%arg10 : memref<512xi32, #tpu.memory_space<vmem>>) target_semaphore(%arg15 : memref<!tpu.dma_semaphore, #tpu.memory_space<semaphore_mem>>)
      } else {
      }
    }
    %scan3A_222 = arith.constant 25 : i32
    %sub3A_223 = arith.constant 1 : i32
    %sub3A_224 = arith.subi %add3A_4, %sub3A_223 : i32
    %jit3A_225 = arith.constant 64 : i32
    %div3A_226 = arith.divsi %sub3A_224, %jit3A_225 : i32
    %sign3A_227 = arith.constant 0 : i32
    %sign3A_228 = arith.cmpi sgt, %sub3A_224, %sign3A_227 : i32
    %sign3A_229 = arith.extui %sign3A_228 : i1 to i32
    %sign3A_230 = arith.constant 0 : i32
    %sign3A_231 = arith.cmpi slt, %sub3A_224, %sign3A_230 : i32
    %sign3A_232 = arith.extui %sign3A_231 : i1 to i32
    %sign3A_233 = arith.subi %sign3A_229, %sign3A_232 : i32
    %sign3A_234 = arith.constant 0 : i32
    %sign3A_235 = arith.cmpi sgt, %jit3A_225, %sign3A_234 : i32
    %sign3A_236 = arith.extui %sign3A_235 : i1 to i32
    %sign3A_237 = arith.constant 0 : i32
    %sign3A_238 = arith.cmpi slt, %jit3A_225, %sign3A_237 : i32
    %sign3A_239 = arith.extui %sign3A_238 : i1 to i32
    %sign3A_240 = arith.subi %sign3A_236, %sign3A_239 : i32
    %ne3A_241 = arith.cmpi ne, %sign3A_233, %sign3A_240 : i32
    %rem3A_242 = arith.remsi %sub3A_224, %jit3A_225 : i32
    %ne3A_243 = arith.constant 0 : i32
    %ne3A_244 = arith.cmpi ne, %rem3A_242, %ne3A_243 : i32
    %and3A_245 = arith.andi %ne3A_241, %ne3A_244 : i1
    %sub3A_246 = arith.constant 1 : i32
    %sub3A_247 = arith.subi %div3A_226, %sub3A_246 : i32
    %select_n3A_248 = arith.select %and3A_245, %sub3A_247, %div3A_226 : i32
    %jit3A_249 = arith.constant 64 : i32
    %eq3A_250 = arith.constant 0 : i32
    %eq3A_251 = arith.cmpi eq, %jit3A_249, %eq3A_250 : i32
    %jit3A_252 = arith.constant 1 : i32
    %select_n3A_253 = arith.select %eq3A_251, %jit3A_252, %jit3A_249 : i32
    %rem3A_254 = arith.remsi %sub3A_224, %select_n3A_253 : i32
    %ne3A_255 = arith.constant 0 : i32
    %ne3A_256 = arith.cmpi ne, %rem3A_254, %ne3A_255 : i32
    %lt3A_257 = arith.constant 0 : i32
    %lt3A_258 = arith.cmpi slt, %rem3A_254, %lt3A_257 : i32
    %lt3A_259 = arith.constant 0 : i32
    %lt3A_260 = arith.cmpi slt, %select_n3A_253, %lt3A_259 : i32
    %ne3A_261 = arith.xori %lt3A_258, %lt3A_260 : i1
    %and3A_262 = arith.andi %ne3A_261, %ne3A_256 : i1
    %add3A_263 = arith.addi %rem3A_254, %select_n3A_253 : i32
    %select_n3A_264 = arith.select %and3A_262, %add3A_263, %rem3A_254 : i32
    %jit3A_265 = arith.constant 2 : i32
    %div3A_266 = arith.divsi %select_n3A_264, %jit3A_265 : i32
    %sign3A_267 = arith.constant 0 : i32
    %sign3A_268 = arith.cmpi sgt, %select_n3A_264, %sign3A_267 : i32
    %sign3A_269 = arith.extui %sign3A_268 : i1 to i32
    %sign3A_270 = arith.constant 0 : i32
    %sign3A_271 = arith.cmpi slt, %select_n3A_264, %sign3A_270 : i32
    %sign3A_272 = arith.extui %sign3A_271 : i1 to i32
    %sign3A_273 = arith.subi %sign3A_269, %sign3A_272 : i32
    %sign3A_274 = arith.constant 0 : i32
    %sign3A_275 = arith.cmpi sgt, %jit3A_265, %sign3A_274 : i32
    %sign3A_276 = arith.extui %sign3A_275 : i1 to i32
    %sign3A_277 = arith.constant 0 : i32
    %sign3A_278 = arith.cmpi slt, %jit3A_265, %sign3A_277 : i32
    %sign3A_279 = arith.extui %sign3A_278 : i1 to i32
    %sign3A_280 = arith.subi %sign3A_276, %sign3A_279 : i32
    %ne3A_281 = arith.cmpi ne, %sign3A_273, %sign3A_280 : i32
    %rem3A_282 = arith.remsi %select_n3A_264, %jit3A_265 : i32
    %ne3A_283 = arith.constant 0 : i32
    %ne3A_284 = arith.cmpi ne, %rem3A_282, %ne3A_283 : i32
    %and3A_285 = arith.andi %ne3A_281, %ne3A_284 : i1
    %sub3A_286 = arith.constant 1 : i32
    %sub3A_287 = arith.subi %div3A_266, %sub3A_286 : i32
    %select_n3A_288 = arith.select %and3A_285, %sub3A_287, %div3A_266 : i32
    %jit3A_289 = arith.constant 2 : i32
    %eq3A_290 = arith.constant 0 : i32
    %eq3A_291 = arith.cmpi eq, %jit3A_289, %eq3A_290 : i32
    %jit3A_292 = arith.constant 1 : i32
    %select_n3A_293 = arith.select %eq3A_291, %jit3A_292, %jit3A_289 : i32
    %rem3A_294 = arith.remsi %select_n3A_264, %select_n3A_293 : i32
    %ne3A_295 = arith.constant 0 : i32
    %ne3A_296 = arith.cmpi ne, %rem3A_294, %ne3A_295 : i32
    %lt3A_297 = arith.constant 0 : i32
    %lt3A_298 = arith.cmpi slt, %rem3A_294, %lt3A_297 : i32
    %lt3A_299 = arith.constant 0 : i32
    %lt3A_300 = arith.cmpi slt, %select_n3A_293, %lt3A_299 : i32
    %ne3A_301 = arith.xori %lt3A_298, %lt3A_300 : i1
    %and3A_302 = arith.andi %ne3A_301, %ne3A_296 : i1
    %add3A_303 = arith.addi %rem3A_294, %select_n3A_293 : i32
    %select_n3A_304 = arith.select %and3A_302, %add3A_303, %rem3A_294 : i32
    %mul3A_305 = arith.constant 8 : i32
    %mul3A_306 = arith.muli %select_n3A_248, %mul3A_305 : i32
    %mul3A_307 = arith.constant 4 : i32
    %mul3A_308 = arith.muli %mul3A_307, %select_n3A_304 : i32
    %add3A_309 = arith.addi %mul3A_306, %mul3A_308 : i32
    %add3A_310 = arith.constant 0 : i32
    %add3A_311 = arith.addi %add3A_309, %add3A_310 : i32
    %dma_wait3A_312 = arith.constant 0 : i32
    %dma_wait3A_313 = arith.constant 0 : i32
    %dma_wait3A_314 = arith.constant 0 : i32
    %dma_wait3A_315 = tpu.memref_slice %arg13[%dma_wait3A_312, %dma_wait3A_314] : memref<4x8192xf32, #tpu.memory_space<vmem>> -> memref<1x1024xf32, #tpu.memory_space<vmem>>
    %dma_wait3A_316 = tpu.memref_squeeze %dma_wait3A_315 : memref<1x1024xf32, #tpu.memory_space<vmem>> -> memref<1024xf32, #tpu.memory_space<vmem>>
    %dma_wait3A_317 = arith.constant 0 : i32
    %dma_wait3A_318 = tpu.memref_slice %arg6[%add3A_311, %dma_wait3A_313, %select_n3A_288, %dma_wait3A_317] : memref<200x8x32x1024xf32, #tpu.memory_space<hbm>> -> memref<1x1x1x1024xf32, #tpu.memory_space<hbm>>
    %dma_wait3A_319 = tpu.memref_squeeze %dma_wait3A_318 : memref<1x1x1x1024xf32, #tpu.memory_space<hbm>> -> memref<1024xf32, #tpu.memory_space<hbm>>
    %dma_wait3A_320 = arith.constant 0 : i32
    %dma_wait3A_321 = tpu.memref_slice %arg6[%add3A_311, %dma_wait3A_313, %select_n3A_288, %dma_wait3A_320] : memref<200x8x32x1024xf32, #tpu.memory_space<hbm>> -> memref<1x1x1x1024xf32, #tpu.memory_space<hbm>>
    %dma_wait3A_322 = tpu.memref_squeeze %dma_wait3A_321 : memref<1x1x1x1024xf32, #tpu.memory_space<hbm>> -> memref<1024xf32, #tpu.memory_space<hbm>>
    %dma_wait3A_323 = arith.constant 0 : i32
    %dma_wait3A_324 = tpu.memref_slice %arg13[%dma_wait3A_312, %dma_wait3A_323] : memref<4x8192xf32, #tpu.memory_space<vmem>> -> memref<1x1024xf32, #tpu.memory_space<vmem>>
    %dma_wait3A_325 = tpu.memref_squeeze %dma_wait3A_324 : memref<1x1024xf32, #tpu.memory_space<vmem>> -> memref<1024xf32, #tpu.memory_space<vmem>>
    tpu.wait_dma2 semaphore(%arg20 : memref<!tpu.dma_semaphore, #tpu.memory_space<semaphore_mem>>) src(%dma_wait3A_325 : memref<1024xf32, #tpu.memory_space<vmem>>) dst(%dma_wait3A_322 : memref<1024xf32, #tpu.memory_space<hbm>>)
    %mul3A_326 = arith.constant 8 : i32
    %mul3A_327 = arith.muli %select_n3A_248, %mul3A_326 : i32
    %mul3A_328 = arith.constant 4 : i32
    %mul3A_329 = arith.muli %mul3A_328, %select_n3A_304 : i32
    %add3A_330 = arith.addi %mul3A_327, %mul3A_329 : i32
    %add3A_331 = arith.constant 0 : i32
    %add3A_332 = arith.addi %add3A_330, %add3A_331 : i32
    %dma_wait3A_333 = arith.constant 0 : i32
    %dma_wait3A_334 = arith.constant 1 : i32
    %dma_wait3A_335 = arith.constant 1024 : i32
    %dma_wait3A_336 = tpu.memref_slice %arg13[%dma_wait3A_333, %dma_wait3A_335] : memref<4x8192xf32, #tpu.memory_space<vmem>> -> memref<1x1024xf32, #tpu.memory_space<vmem>>
    %dma_wait3A_337 = tpu.memref_squeeze %dma_wait3A_336 : memref<1x1024xf32, #tpu.memory_space<vmem>> -> memref<1024xf32, #tpu.memory_space<vmem>>
    %dma_wait3A_338 = arith.constant 0 : i32
    %dma_wait3A_339 = tpu.memref_slice %arg6[%add3A_332, %dma_wait3A_334, %select_n3A_288, %dma_wait3A_338] : memref<200x8x32x1024xf32, #tpu.memory_space<hbm>> -> memref<1x1x1x1024xf32, #tpu.memory_space<hbm>>
    %dma_wait3A_340 = tpu.memref_squeeze %dma_wait3A_339 : memref<1x1x1x1024xf32, #tpu.memory_space<hbm>> -> memref<1024xf32, #tpu.memory_space<hbm>>
    %dma_wait3A_341 = arith.constant 0 : i32
    %dma_wait3A_342 = tpu.memref_slice %arg6[%add3A_332, %dma_wait3A_334, %select_n3A_288, %dma_wait3A_341] : memref<200x8x32x1024xf32, #tpu.memory_space<hbm>> -> memref<1x1x1x1024xf32, #tpu.memory_space<hbm>>
    %dma_wait3A_343 = tpu.memref_squeeze %dma_wait3A_342 : memref<1x1x1x1024xf32, #tpu.memory_space<hbm>> -> memref<1024xf32, #tpu.memory_space<hbm>>
    %dma_wait3A_344 = arith.constant 1024 : i32
    %dma_wait3A_345 = tpu.memref_slice %arg13[%dma_wait3A_333, %dma_wait3A_344] : memref<4x8192xf32, #tpu.memory_space<vmem>> -> memref<1x1024xf32, #tpu.memory_space<vmem>>
    %dma_wait3A_346 = tpu.memref_squeeze %dma_wait3A_345 : memref<1x1024xf32, #tpu.memory_space<vmem>> -> memref<1024xf32, #tpu.memory_space<vmem>>
    tpu.wait_dma2 semaphore(%arg20 : memref<!tpu.dma_semaphore, #tpu.memory_space<semaphore_mem>>) src(%dma_wait3A_346 : memref<1024xf32, #tpu.memory_space<vmem>>) dst(%dma_wait3A_343 : memref<1024xf32, #tpu.memory_space<hbm>>)
    %mul3A_347 = arith.constant 8 : i32
    %mul3A_348 = arith.muli %select_n3A_248, %mul3A_347 : i32
    %mul3A_349 = arith.constant 4 : i32
    %mul3A_350 = arith.muli %mul3A_349, %select_n3A_304 : i32
    %add3A_351 = arith.addi %mul3A_348, %mul3A_350 : i32
    %add3A_352 = arith.constant 0 : i32
    %add3A_353 = arith.addi %add3A_351, %add3A_352 : i32
    %dma_wait3A_354 = arith.constant 0 : i32
    %dma_wait3A_355 = arith.constant 2 : i32
    %dma_wait3A_356 = arith.constant 2048 : i32
    %dma_wait3A_357 = tpu.memref_slice %arg13[%dma_wait3A_354, %dma_wait3A_356] : memref<4x8192xf32, #tpu.memory_space<vmem>> -> memref<1x1024xf32, #tpu.memory_space<vmem>>
    %dma_wait3A_358 = tpu.memref_squeeze %dma_wait3A_357 : memref<1x1024xf32, #tpu.memory_space<vmem>> -> memref<1024xf32, #tpu.memory_space<vmem>>
    %dma_wait3A_359 = arith.constant 0 : i32
    %dma_wait3A_360 = tpu.memref_slice %arg6[%add3A_353, %dma_wait3A_355, %select_n3A_288, %dma_wait3A_359] : memref<200x8x32x1024xf32, #tpu.memory_space<hbm>> -> memref<1x1x1x1024xf32, #tpu.memory_space<hbm>>
    %dma_wait3A_361 = tpu.memref_squeeze %dma_wait3A_360 : memref<1x1x1x1024xf32, #tpu.memory_space<hbm>> -> memref<1024xf32, #tpu.memory_space<hbm>>
    %dma_wait3A_362 = arith.constant 0 : i32
    %dma_wait3A_363 = tpu.memref_slice %arg6[%add3A_353, %dma_wait3A_355, %select_n3A_288, %dma_wait3A_362] : memref<200x8x32x1024xf32, #tpu.memory_space<hbm>> -> memref<1x1x1x1024xf32, #tpu.memory_space<hbm>>
    %dma_wait3A_364 = tpu.memref_squeeze %dma_wait3A_363 : memref<1x1x1x1024xf32, #tpu.memory_space<hbm>> -> memref<1024xf32, #tpu.memory_space<hbm>>
    %dma_wait3A_365 = arith.constant 2048 : i32
    %dma_wait3A_366 = tpu.memref_slice %arg13[%dma_wait3A_354, %dma_wait3A_365] : memref<4x8192xf32, #tpu.memory_space<vmem>> -> memref<1x1024xf32, #tpu.memory_space<vmem>>
    %dma_wait3A_367 = tpu.memref_squeeze %dma_wait3A_366 : memref<1x1024xf32, #tpu.memory_space<vmem>> -> memref<1024xf32, #tpu.memory_space<vmem>>
    tpu.wait_dma2 semaphore(%arg20 : memref<!tpu.dma_semaphore, #tpu.memory_space<semaphore_mem>>) src(%dma_wait3A_367 : memref<1024xf32, #tpu.memory_space<vmem>>) dst(%dma_wait3A_364 : memref<1024xf32, #tpu.memory_space<hbm>>)
    %mul3A_368 = arith.constant 8 : i32
    %mul3A_369 = arith.muli %select_n3A_248, %mul3A_368 : i32
    %mul3A_370 = arith.constant 4 : i32
    %mul3A_371 = arith.muli %mul3A_370, %select_n3A_304 : i32
    %add3A_372 = arith.addi %mul3A_369, %mul3A_371 : i32
    %add3A_373 = arith.constant 0 : i32
    %add3A_374 = arith.addi %add3A_372, %add3A_373 : i32
    %dma_wait3A_375 = arith.constant 0 : i32
    %dma_wait3A_376 = arith.constant 3 : i32
    %dma_wait3A_377 = arith.constant 3072 : i32
    %dma_wait3A_378 = tpu.memref_slice %arg13[%dma_wait3A_375, %dma_wait3A_377] : memref<4x8192xf32, #tpu.memory_space<vmem>> -> memref<1x1024xf32, #tpu.memory_space<vmem>>
    %dma_wait3A_379 = tpu.memref_squeeze %dma_wait3A_378 : memref<1x1024xf32, #tpu.memory_space<vmem>> -> memref<1024xf32, #tpu.memory_space<vmem>>
    %dma_wait3A_380 = arith.constant 0 : i32
    %dma_wait3A_381 = tpu.memref_slice %arg6[%add3A_374, %dma_wait3A_376, %select_n3A_288, %dma_wait3A_380] : memref<200x8x32x1024xf32, #tpu.memory_space<hbm>> -> memref<1x1x1x1024xf32, #tpu.memory_space<hbm>>
    %dma_wait3A_382 = tpu.memref_squeeze %dma_wait3A_381 : memref<1x1x1x1024xf32, #tpu.memory_space<hbm>> -> memref<1024xf32, #tpu.memory_space<hbm>>
    %dma_wait3A_383 = arith.constant 0 : i32
    %dma_wait3A_384 = tpu.memref_slice %arg6[%add3A_374, %dma_wait3A_376, %select_n3A_288, %dma_wait3A_383] : memref<200x8x32x1024xf32, #tpu.memory_space<hbm>> -> memref<1x1x1x1024xf32, #tpu.memory_space<hbm>>
    %dma_wait3A_385 = tpu.memref_squeeze %dma_wait3A_384 : memref<1x1x1x1024xf32, #tpu.memory_space<hbm>> -> memref<1024xf32, #tpu.memory_space<hbm>>
    %dma_wait3A_386 = arith.constant 3072 : i32
    %dma_wait3A_387 = tpu.memref_slice %arg13[%dma_wait3A_375, %dma_wait3A_386] : memref<4x8192xf32, #tpu.memory_space<vmem>> -> memref<1x1024xf32, #tpu.memory_space<vmem>>
    %dma_wait3A_388 = tpu.memref_squeeze %dma_wait3A_387 : memref<1x1024xf32, #tpu.memory_space<vmem>> -> memref<1024xf32, #tpu.memory_space<vmem>>
    tpu.wait_dma2 semaphore(%arg20 : memref<!tpu.dma_semaphore, #tpu.memory_space<semaphore_mem>>) src(%dma_wait3A_388 : memref<1024xf32, #tpu.memory_space<vmem>>) dst(%dma_wait3A_385 : memref<1024xf32, #tpu.memory_space<hbm>>)
    %mul3A_389 = arith.constant 8 : i32
    %mul3A_390 = arith.muli %select_n3A_248, %mul3A_389 : i32
    %mul3A_391 = arith.constant 4 : i32
    %mul3A_392 = arith.muli %mul3A_391, %select_n3A_304 : i32
    %add3A_393 = arith.addi %mul3A_390, %mul3A_392 : i32
    %add3A_394 = arith.constant 0 : i32
    %add3A_395 = arith.addi %add3A_393, %add3A_394 : i32
    %dma_wait3A_396 = arith.constant 0 : i32
    %dma_wait3A_397 = arith.constant 4 : i32
    %dma_wait3A_398 = arith.constant 4096 : i32
    %dma_wait3A_399 = tpu.memref_slice %arg13[%dma_wait3A_396, %dma_wait3A_398] : memref<4x8192xf32, #tpu.memory_space<vmem>> -> memref<1x1024xf32, #tpu.memory_space<vmem>>
    %dma_wait3A_400 = tpu.memref_squeeze %dma_wait3A_399 : memref<1x1024xf32, #tpu.memory_space<vmem>> -> memref<1024xf32, #tpu.memory_space<vmem>>
    %dma_wait3A_401 = arith.constant 0 : i32
    %dma_wait3A_402 = tpu.memref_slice %arg6[%add3A_395, %dma_wait3A_397, %select_n3A_288, %dma_wait3A_401] : memref<200x8x32x1024xf32, #tpu.memory_space<hbm>> -> memref<1x1x1x1024xf32, #tpu.memory_space<hbm>>
    %dma_wait3A_403 = tpu.memref_squeeze %dma_wait3A_402 : memref<1x1x1x1024xf32, #tpu.memory_space<hbm>> -> memref<1024xf32, #tpu.memory_space<hbm>>
    %dma_wait3A_404 = arith.constant 0 : i32
    %dma_wait3A_405 = tpu.memref_slice %arg6[%add3A_395, %dma_wait3A_397, %select_n3A_288, %dma_wait3A_404] : memref<200x8x32x1024xf32, #tpu.memory_space<hbm>> -> memref<1x1x1x1024xf32, #tpu.memory_space<hbm>>
    %dma_wait3A_406 = tpu.memref_squeeze %dma_wait3A_405 : memref<1x1x1x1024xf32, #tpu.memory_space<hbm>> -> memref<1024xf32, #tpu.memory_space<hbm>>
    %dma_wait3A_407 = arith.constant 4096 : i32
    %dma_wait3A_408 = tpu.memref_slice %arg13[%dma_wait3A_396, %dma_wait3A_407] : memref<4x8192xf32, #tpu.memory_space<vmem>> -> memref<1x1024xf32, #tpu.memory_space<vmem>>
    %dma_wait3A_409 = tpu.memref_squeeze %dma_wait3A_408 : memref<1x1024xf32, #tpu.memory_space<vmem>> -> memref<1024xf32, #tpu.memory_space<vmem>>
    tpu.wait_dma2 semaphore(%arg20 : memref<!tpu.dma_semaphore, #tpu.memory_space<semaphore_mem>>) src(%dma_wait3A_409 : memref<1024xf32, #tpu.memory_space<vmem>>) dst(%dma_wait3A_406 : memref<1024xf32, #tpu.memory_space<hbm>>)
    %mul3A_410 = arith.constant 8 : i32
    %mul3A_411 = arith.muli %select_n3A_248, %mul3A_410 : i32
    %mul3A_412 = arith.constant 4 : i32
    %mul3A_413 = arith.muli %mul3A_412, %select_n3A_304 : i32
    %add3A_414 = arith.addi %mul3A_411, %mul3A_413 : i32
    %add3A_415 = arith.constant 0 : i32
    %add3A_416 = arith.addi %add3A_414, %add3A_415 : i32
    %dma_wait3A_417 = arith.constant 0 : i32
    %dma_wait3A_418 = arith.constant 5 : i32
    %dma_wait3A_419 = arith.constant 5120 : i32
    %dma_wait3A_420 = tpu.memref_slice %arg13[%dma_wait3A_417, %dma_wait3A_419] : memref<4x8192xf32, #tpu.memory_space<vmem>> -> memref<1x1024xf32, #tpu.memory_space<vmem>>
    %dma_wait3A_421 = tpu.memref_squeeze %dma_wait3A_420 : memref<1x1024xf32, #tpu.memory_space<vmem>> -> memref<1024xf32, #tpu.memory_space<vmem>>
    %dma_wait3A_422 = arith.constant 0 : i32
    %dma_wait3A_423 = tpu.memref_slice %arg6[%add3A_416, %dma_wait3A_418, %select_n3A_288, %dma_wait3A_422] : memref<200x8x32x1024xf32, #tpu.memory_space<hbm>> -> memref<1x1x1x1024xf32, #tpu.memory_space<hbm>>
    %dma_wait3A_424 = tpu.memref_squeeze %dma_wait3A_423 : memref<1x1x1x1024xf32, #tpu.memory_space<hbm>> -> memref<1024xf32, #tpu.memory_space<hbm>>
    %dma_wait3A_425 = arith.constant 0 : i32
    %dma_wait3A_426 = tpu.memref_slice %arg6[%add3A_416, %dma_wait3A_418, %select_n3A_288, %dma_wait3A_425] : memref<200x8x32x1024xf32, #tpu.memory_space<hbm>> -> memref<1x1x1x1024xf32, #tpu.memory_space<hbm>>
    %dma_wait3A_427 = tpu.memref_squeeze %dma_wait3A_426 : memref<1x1x1x1024xf32, #tpu.memory_space<hbm>> -> memref<1024xf32, #tpu.memory_space<hbm>>
    %dma_wait3A_428 = arith.constant 5120 : i32
    %dma_wait3A_429 = tpu.memref_slice %arg13[%dma_wait3A_417, %dma_wait3A_428] : memref<4x8192xf32, #tpu.memory_space<vmem>> -> memref<1x1024xf32, #tpu.memory_space<vmem>>
    %dma_wait3A_430 = tpu.memref_squeeze %dma_wait3A_429 : memref<1x1024xf32, #tpu.memory_space<vmem>> -> memref<1024xf32, #tpu.memory_space<vmem>>
    tpu.wait_dma2 semaphore(%arg20 : memref<!tpu.dma_semaphore, #tpu.memory_space<semaphore_mem>>) src(%dma_wait3A_430 : memref<1024xf32, #tpu.memory_space<vmem>>) dst(%dma_wait3A_427 : memref<1024xf32, #tpu.memory_space<hbm>>)
    %mul3A_431 = arith.constant 8 : i32
    %mul3A_432 = arith.muli %select_n3A_248, %mul3A_431 : i32
    %mul3A_433 = arith.constant 4 : i32
    %mul3A_434 = arith.muli %mul3A_433, %select_n3A_304 : i32
    %add3A_435 = arith.addi %mul3A_432, %mul3A_434 : i32
    %add3A_436 = arith.constant 0 : i32
    %add3A_437 = arith.addi %add3A_435, %add3A_436 : i32
    %dma_wait3A_438 = arith.constant 0 : i32
    %dma_wait3A_439 = arith.constant 6 : i32
    %dma_wait3A_440 = arith.constant 6144 : i32
    %dma_wait3A_441 = tpu.memref_slice %arg13[%dma_wait3A_438, %dma_wait3A_440] : memref<4x8192xf32, #tpu.memory_space<vmem>> -> memref<1x1024xf32, #tpu.memory_space<vmem>>
    %dma_wait3A_442 = tpu.memref_squeeze %dma_wait3A_441 : memref<1x1024xf32, #tpu.memory_space<vmem>> -> memref<1024xf32, #tpu.memory_space<vmem>>
    %dma_wait3A_443 = arith.constant 0 : i32
    %dma_wait3A_444 = tpu.memref_slice %arg6[%add3A_437, %dma_wait3A_439, %select_n3A_288, %dma_wait3A_443] : memref<200x8x32x1024xf32, #tpu.memory_space<hbm>> -> memref<1x1x1x1024xf32, #tpu.memory_space<hbm>>
    %dma_wait3A_445 = tpu.memref_squeeze %dma_wait3A_444 : memref<1x1x1x1024xf32, #tpu.memory_space<hbm>> -> memref<1024xf32, #tpu.memory_space<hbm>>
    %dma_wait3A_446 = arith.constant 0 : i32
    %dma_wait3A_447 = tpu.memref_slice %arg6[%add3A_437, %dma_wait3A_439, %select_n3A_288, %dma_wait3A_446] : memref<200x8x32x1024xf32, #tpu.memory_space<hbm>> -> memref<1x1x1x1024xf32, #tpu.memory_space<hbm>>
    %dma_wait3A_448 = tpu.memref_squeeze %dma_wait3A_447 : memref<1x1x1x1024xf32, #tpu.memory_space<hbm>> -> memref<1024xf32, #tpu.memory_space<hbm>>
    %dma_wait3A_449 = arith.constant 6144 : i32
    %dma_wait3A_450 = tpu.memref_slice %arg13[%dma_wait3A_438, %dma_wait3A_449] : memref<4x8192xf32, #tpu.memory_space<vmem>> -> memref<1x1024xf32, #tpu.memory_space<vmem>>
    %dma_wait3A_451 = tpu.memref_squeeze %dma_wait3A_450 : memref<1x1024xf32, #tpu.memory_space<vmem>> -> memref<1024xf32, #tpu.memory_space<vmem>>
    tpu.wait_dma2 semaphore(%arg20 : memref<!tpu.dma_semaphore, #tpu.memory_space<semaphore_mem>>) src(%dma_wait3A_451 : memref<1024xf32, #tpu.memory_space<vmem>>) dst(%dma_wait3A_448 : memref<1024xf32, #tpu.memory_space<hbm>>)
    %mul3A_452 = arith.constant 8 : i32
    %mul3A_453 = arith.muli %select_n3A_248, %mul3A_452 : i32
    %mul3A_454 = arith.constant 4 : i32
    %mul3A_455 = arith.muli %mul3A_454, %select_n3A_304 : i32
    %add3A_456 = arith.addi %mul3A_453, %mul3A_455 : i32
    %add3A_457 = arith.constant 0 : i32
    %add3A_458 = arith.addi %add3A_456, %add3A_457 : i32
    %dma_wait3A_459 = arith.constant 0 : i32
    %dma_wait3A_460 = arith.constant 7 : i32
    %dma_wait3A_461 = arith.constant 7168 : i32
    %dma_wait3A_462 = tpu.memref_slice %arg13[%dma_wait3A_459, %dma_wait3A_461] : memref<4x8192xf32, #tpu.memory_space<vmem>> -> memref<1x1024xf32, #tpu.memory_space<vmem>>
    %dma_wait3A_463 = tpu.memref_squeeze %dma_wait3A_462 : memref<1x1024xf32, #tpu.memory_space<vmem>> -> memref<1024xf32, #tpu.memory_space<vmem>>
    %dma_wait3A_464 = arith.constant 0 : i32
    %dma_wait3A_465 = tpu.memref_slice %arg6[%add3A_458, %dma_wait3A_460, %select_n3A_288, %dma_wait3A_464] : memref<200x8x32x1024xf32, #tpu.memory_space<hbm>> -> memref<1x1x1x1024xf32, #tpu.memory_space<hbm>>
    %dma_wait3A_466 = tpu.memref_squeeze %dma_wait3A_465 : memref<1x1x1x1024xf32, #tpu.memory_space<hbm>> -> memref<1024xf32, #tpu.memory_space<hbm>>
    %dma_wait3A_467 = arith.constant 0 : i32
    %dma_wait3A_468 = tpu.memref_slice %arg6[%add3A_458, %dma_wait3A_460, %select_n3A_288, %dma_wait3A_467] : memref<200x8x32x1024xf32, #tpu.memory_space<hbm>> -> memref<1x1x1x1024xf32, #tpu.memory_space<hbm>>
    %dma_wait3A_469 = tpu.memref_squeeze %dma_wait3A_468 : memref<1x1x1x1024xf32, #tpu.memory_space<hbm>> -> memref<1024xf32, #tpu.memory_space<hbm>>
    %dma_wait3A_470 = arith.constant 7168 : i32
    %dma_wait3A_471 = tpu.memref_slice %arg13[%dma_wait3A_459, %dma_wait3A_470] : memref<4x8192xf32, #tpu.memory_space<vmem>> -> memref<1x1024xf32, #tpu.memory_space<vmem>>
    %dma_wait3A_472 = tpu.memref_squeeze %dma_wait3A_471 : memref<1x1024xf32, #tpu.memory_space<vmem>> -> memref<1024xf32, #tpu.memory_space<vmem>>
    tpu.wait_dma2 semaphore(%arg20 : memref<!tpu.dma_semaphore, #tpu.memory_space<semaphore_mem>>) src(%dma_wait3A_472 : memref<1024xf32, #tpu.memory_space<vmem>>) dst(%dma_wait3A_469 : memref<1024xf32, #tpu.memory_space<hbm>>)
    %mul3A_473 = arith.constant 8 : i32
    %mul3A_474 = arith.muli %select_n3A_248, %mul3A_473 : i32
    %mul3A_475 = arith.constant 4 : i32
    %mul3A_476 = arith.muli %mul3A_475, %select_n3A_304 : i32
    %add3A_477 = arith.addi %mul3A_474, %mul3A_476 : i32
    %add3A_478 = arith.constant 1 : i32
    %add3A_479 = arith.addi %add3A_477, %add3A_478 : i32
    %dma_wait3A_480 = arith.constant 1 : i32
    %dma_wait3A_481 = arith.constant 0 : i32
    %dma_wait3A_482 = arith.constant 0 : i32
    %dma_wait3A_483 = tpu.memref_slice %arg13[%dma_wait3A_480, %dma_wait3A_482] : memref<4x8192xf32, #tpu.memory_space<vmem>> -> memref<1x1024xf32, #tpu.memory_space<vmem>>
    %dma_wait3A_484 = tpu.memref_squeeze %dma_wait3A_483 : memref<1x1024xf32, #tpu.memory_space<vmem>> -> memref<1024xf32, #tpu.memory_space<vmem>>
    %dma_wait3A_485 = arith.constant 0 : i32
    %dma_wait3A_486 = tpu.memref_slice %arg6[%add3A_479, %dma_wait3A_481, %select_n3A_288, %dma_wait3A_485] : memref<200x8x32x1024xf32, #tpu.memory_space<hbm>> -> memref<1x1x1x1024xf32, #tpu.memory_space<hbm>>
    %dma_wait3A_487 = tpu.memref_squeeze %dma_wait3A_486 : memref<1x1x1x1024xf32, #tpu.memory_space<hbm>> -> memref<1024xf32, #tpu.memory_space<hbm>>
    %dma_wait3A_488 = arith.constant 0 : i32
    %dma_wait3A_489 = tpu.memref_slice %arg6[%add3A_479, %dma_wait3A_481, %select_n3A_288, %dma_wait3A_488] : memref<200x8x32x1024xf32, #tpu.memory_space<hbm>> -> memref<1x1x1x1024xf32, #tpu.memory_space<hbm>>
    %dma_wait3A_490 = tpu.memref_squeeze %dma_wait3A_489 : memref<1x1x1x1024xf32, #tpu.memory_space<hbm>> -> memref<1024xf32, #tpu.memory_space<hbm>>
    %dma_wait3A_491 = arith.constant 0 : i32
    %dma_wait3A_492 = tpu.memref_slice %arg13[%dma_wait3A_480, %dma_wait3A_491] : memref<4x8192xf32, #tpu.memory_space<vmem>> -> memref<1x1024xf32, #tpu.memory_space<vmem>>
    %dma_wait3A_493 = tpu.memref_squeeze %dma_wait3A_492 : memref<1x1024xf32, #tpu.memory_space<vmem>> -> memref<1024xf32, #tpu.memory_space<vmem>>
    tpu.wait_dma2 semaphore(%arg20 : memref<!tpu.dma_semaphore, #tpu.memory_space<semaphore_mem>>) src(%dma_wait3A_493 : memref<1024xf32, #tpu.memory_space<vmem>>) dst(%dma_wait3A_490 : memref<1024xf32, #tpu.memory_space<hbm>>)
    %mul3A_494 = arith.constant 8 : i32
    %mul3A_495 = arith.muli %select_n3A_248, %mul3A_494 : i32
    %mul3A_496 = arith.constant 4 : i32
    %mul3A_497 = arith.muli %mul3A_496, %select_n3A_304 : i32
    %add3A_498 = arith.addi %mul3A_495, %mul3A_497 : i32
    %add3A_499 = arith.constant 1 : i32
    %add3A_500 = arith.addi %add3A_498, %add3A_499 : i32
    %dma_wait3A_501 = arith.constant 1 : i32
    %dma_wait3A_502 = arith.constant 1 : i32
    %dma_wait3A_503 = arith.constant 1024 : i32
    %dma_wait3A_504 = tpu.memref_slice %arg13[%dma_wait3A_501, %dma_wait3A_503] : memref<4x8192xf32, #tpu.memory_space<vmem>> -> memref<1x1024xf32, #tpu.memory_space<vmem>>
    %dma_wait3A_505 = tpu.memref_squeeze %dma_wait3A_504 : memref<1x1024xf32, #tpu.memory_space<vmem>> -> memref<1024xf32, #tpu.memory_space<vmem>>
    %dma_wait3A_506 = arith.constant 0 : i32
    %dma_wait3A_507 = tpu.memref_slice %arg6[%add3A_500, %dma_wait3A_502, %select_n3A_288, %dma_wait3A_506] : memref<200x8x32x1024xf32, #tpu.memory_space<hbm>> -> memref<1x1x1x1024xf32, #tpu.memory_space<hbm>>
    %dma_wait3A_508 = tpu.memref_squeeze %dma_wait3A_507 : memref<1x1x1x1024xf32, #tpu.memory_space<hbm>> -> memref<1024xf32, #tpu.memory_space<hbm>>
    %dma_wait3A_509 = arith.constant 0 : i32
    %dma_wait3A_510 = tpu.memref_slice %arg6[%add3A_500, %dma_wait3A_502, %select_n3A_288, %dma_wait3A_509] : memref<200x8x32x1024xf32, #tpu.memory_space<hbm>> -> memref<1x1x1x1024xf32, #tpu.memory_space<hbm>>
    %dma_wait3A_511 = tpu.memref_squeeze %dma_wait3A_510 : memref<1x1x1x1024xf32, #tpu.memory_space<hbm>> -> memref<1024xf32, #tpu.memory_space<hbm>>
    %dma_wait3A_512 = arith.constant 1024 : i32
    %dma_wait3A_513 = tpu.memref_slice %arg13[%dma_wait3A_501, %dma_wait3A_512] : memref<4x8192xf32, #tpu.memory_space<vmem>> -> memref<1x1024xf32, #tpu.memory_space<vmem>>
    %dma_wait3A_514 = tpu.memref_squeeze %dma_wait3A_513 : memref<1x1024xf32, #tpu.memory_space<vmem>> -> memref<1024xf32, #tpu.memory_space<vmem>>
    tpu.wait_dma2 semaphore(%arg20 : memref<!tpu.dma_semaphore, #tpu.memory_space<semaphore_mem>>) src(%dma_wait3A_514 : memref<1024xf32, #tpu.memory_space<vmem>>) dst(%dma_wait3A_511 : memref<1024xf32, #tpu.memory_space<hbm>>)
    %mul3A_515 = arith.constant 8 : i32
    %mul3A_516 = arith.muli %select_n3A_248, %mul3A_515 : i32
    %mul3A_517 = arith.constant 4 : i32
    %mul3A_518 = arith.muli %mul3A_517, %select_n3A_304 : i32
    %add3A_519 = arith.addi %mul3A_516, %mul3A_518 : i32
    %add3A_520 = arith.constant 1 : i32
    %add3A_521 = arith.addi %add3A_519, %add3A_520 : i32
    %dma_wait3A_522 = arith.constant 1 : i32
    %dma_wait3A_523 = arith.constant 2 : i32
    %dma_wait3A_524 = arith.constant 2048 : i32
    %dma_wait3A_525 = tpu.memref_slice %arg13[%dma_wait3A_522, %dma_wait3A_524] : memref<4x8192xf32, #tpu.memory_space<vmem>> -> memref<1x1024xf32, #tpu.memory_space<vmem>>
    %dma_wait3A_526 = tpu.memref_squeeze %dma_wait3A_525 : memref<1x1024xf32, #tpu.memory_space<vmem>> -> memref<1024xf32, #tpu.memory_space<vmem>>
    %dma_wait3A_527 = arith.constant 0 : i32
    %dma_wait3A_528 = tpu.memref_slice %arg6[%add3A_521, %dma_wait3A_523, %select_n3A_288, %dma_wait3A_527] : memref<200x8x32x1024xf32, #tpu.memory_space<hbm>> -> memref<1x1x1x1024xf32, #tpu.memory_space<hbm>>
    %dma_wait3A_529 = tpu.memref_squeeze %dma_wait3A_528 : memref<1x1x1x1024xf32, #tpu.memory_space<hbm>> -> memref<1024xf32, #tpu.memory_space<hbm>>
    %dma_wait3A_530 = arith.constant 0 : i32
    %dma_wait3A_531 = tpu.memref_slice %arg6[%add3A_521, %dma_wait3A_523, %select_n3A_288, %dma_wait3A_530] : memref<200x8x32x1024xf32, #tpu.memory_space<hbm>> -> memref<1x1x1x1024xf32, #tpu.memory_space<hbm>>
    %dma_wait3A_532 = tpu.memref_squeeze %dma_wait3A_531 : memref<1x1x1x1024xf32, #tpu.memory_space<hbm>> -> memref<1024xf32, #tpu.memory_space<hbm>>
    %dma_wait3A_533 = arith.constant 2048 : i32
    %dma_wait3A_534 = tpu.memref_slice %arg13[%dma_wait3A_522, %dma_wait3A_533] : memref<4x8192xf32, #tpu.memory_space<vmem>> -> memref<1x1024xf32, #tpu.memory_space<vmem>>
    %dma_wait3A_535 = tpu.memref_squeeze %dma_wait3A_534 : memref<1x1024xf32, #tpu.memory_space<vmem>> -> memref<1024xf32, #tpu.memory_space<vmem>>
    tpu.wait_dma2 semaphore(%arg20 : memref<!tpu.dma_semaphore, #tpu.memory_space<semaphore_mem>>) src(%dma_wait3A_535 : memref<1024xf32, #tpu.memory_space<vmem>>) dst(%dma_wait3A_532 : memref<1024xf32, #tpu.memory_space<hbm>>)
    %mul3A_536 = arith.constant 8 : i32
    %mul3A_537 = arith.muli %select_n3A_248, %mul3A_536 : i32
    %mul3A_538 = arith.constant 4 : i32
    %mul3A_539 = arith.muli %mul3A_538, %select_n3A_304 : i32
    %add3A_540 = arith.addi %mul3A_537, %mul3A_539 : i32
    %add3A_541 = arith.constant 1 : i32
    %add3A_542 = arith.addi %add3A_540, %add3A_541 : i32
    %dma_wait3A_543 = arith.constant 1 : i32
    %dma_wait3A_544 = arith.constant 3 : i32
    %dma_wait3A_545 = arith.constant 3072 : i32
    %dma_wait3A_546 = tpu.memref_slice %arg13[%dma_wait3A_543, %dma_wait3A_545] : memref<4x8192xf32, #tpu.memory_space<vmem>> -> memref<1x1024xf32, #tpu.memory_space<vmem>>
    %dma_wait3A_547 = tpu.memref_squeeze %dma_wait3A_546 : memref<1x1024xf32, #tpu.memory_space<vmem>> -> memref<1024xf32, #tpu.memory_space<vmem>>
    %dma_wait3A_548 = arith.constant 0 : i32
    %dma_wait3A_549 = tpu.memref_slice %arg6[%add3A_542, %dma_wait3A_544, %select_n3A_288, %dma_wait3A_548] : memref<200x8x32x1024xf32, #tpu.memory_space<hbm>> -> memref<1x1x1x1024xf32, #tpu.memory_space<hbm>>
    %dma_wait3A_550 = tpu.memref_squeeze %dma_wait3A_549 : memref<1x1x1x1024xf32, #tpu.memory_space<hbm>> -> memref<1024xf32, #tpu.memory_space<hbm>>
    %dma_wait3A_551 = arith.constant 0 : i32
    %dma_wait3A_552 = tpu.memref_slice %arg6[%add3A_542, %dma_wait3A_544, %select_n3A_288, %dma_wait3A_551] : memref<200x8x32x1024xf32, #tpu.memory_space<hbm>> -> memref<1x1x1x1024xf32, #tpu.memory_space<hbm>>
    %dma_wait3A_553 = tpu.memref_squeeze %dma_wait3A_552 : memref<1x1x1x1024xf32, #tpu.memory_space<hbm>> -> memref<1024xf32, #tpu.memory_space<hbm>>
    %dma_wait3A_554 = arith.constant 3072 : i32
    %dma_wait3A_555 = tpu.memref_slice %arg13[%dma_wait3A_543, %dma_wait3A_554] : memref<4x8192xf32, #tpu.memory_space<vmem>> -> memref<1x1024xf32, #tpu.memory_space<vmem>>
    %dma_wait3A_556 = tpu.memref_squeeze %dma_wait3A_555 : memref<1x1024xf32, #tpu.memory_space<vmem>> -> memref<1024xf32, #tpu.memory_space<vmem>>
    tpu.wait_dma2 semaphore(%arg20 : memref<!tpu.dma_semaphore, #tpu.memory_space<semaphore_mem>>) src(%dma_wait3A_556 : memref<1024xf32, #tpu.memory_space<vmem>>) dst(%dma_wait3A_553 : memref<1024xf32, #tpu.memory_space<hbm>>)
    %mul3A_557 = arith.constant 8 : i32
    %mul3A_558 = arith.muli %select_n3A_248, %mul3A_557 : i32
    %mul3A_559 = arith.constant 4 : i32
    %mul3A_560 = arith.muli %mul3A_559, %select_n3A_304 : i32
    %add3A_561 = arith.addi %mul3A_558, %mul3A_560 : i32
    %add3A_562 = arith.constant 1 : i32
    %add3A_563 = arith.addi %add3A_561, %add3A_562 : i32
    %dma_wait3A_564 = arith.constant 1 : i32
    %dma_wait3A_565 = arith.constant 4 : i32
    %dma_wait3A_566 = arith.constant 4096 : i32
    %dma_wait3A_567 = tpu.memref_slice %arg13[%dma_wait3A_564, %dma_wait3A_566] : memref<4x8192xf32, #tpu.memory_space<vmem>> -> memref<1x1024xf32, #tpu.memory_space<vmem>>
    %dma_wait3A_568 = tpu.memref_squeeze %dma_wait3A_567 : memref<1x1024xf32, #tpu.memory_space<vmem>> -> memref<1024xf32, #tpu.memory_space<vmem>>
    %dma_wait3A_569 = arith.constant 0 : i32
    %dma_wait3A_570 = tpu.memref_slice %arg6[%add3A_563, %dma_wait3A_565, %select_n3A_288, %dma_wait3A_569] : memref<200x8x32x1024xf32, #tpu.memory_space<hbm>> -> memref<1x1x1x1024xf32, #tpu.memory_space<hbm>>
    %dma_wait3A_571 = tpu.memref_squeeze %dma_wait3A_570 : memref<1x1x1x1024xf32, #tpu.memory_space<hbm>> -> memref<1024xf32, #tpu.memory_space<hbm>>
    %dma_wait3A_572 = arith.constant 0 : i32
    %dma_wait3A_573 = tpu.memref_slice %arg6[%add3A_563, %dma_wait3A_565, %select_n3A_288, %dma_wait3A_572] : memref<200x8x32x1024xf32, #tpu.memory_space<hbm>> -> memref<1x1x1x1024xf32, #tpu.memory_space<hbm>>
    %dma_wait3A_574 = tpu.memref_squeeze %dma_wait3A_573 : memref<1x1x1x1024xf32, #tpu.memory_space<hbm>> -> memref<1024xf32, #tpu.memory_space<hbm>>
    %dma_wait3A_575 = arith.constant 4096 : i32
    %dma_wait3A_576 = tpu.memref_slice %arg13[%dma_wait3A_564, %dma_wait3A_575] : memref<4x8192xf32, #tpu.memory_space<vmem>> -> memref<1x1024xf32, #tpu.memory_space<vmem>>
    %dma_wait3A_577 = tpu.memref_squeeze %dma_wait3A_576 : memref<1x1024xf32, #tpu.memory_space<vmem>> -> memref<1024xf32, #tpu.memory_space<vmem>>
    tpu.wait_dma2 semaphore(%arg20 : memref<!tpu.dma_semaphore, #tpu.memory_space<semaphore_mem>>) src(%dma_wait3A_577 : memref<1024xf32, #tpu.memory_space<vmem>>) dst(%dma_wait3A_574 : memref<1024xf32, #tpu.memory_space<hbm>>)
    %mul3A_578 = arith.constant 8 : i32
    %mul3A_579 = arith.muli %select_n3A_248, %mul3A_578 : i32
    %mul3A_580 = arith.constant 4 : i32
    %mul3A_581 = arith.muli %mul3A_580, %select_n3A_304 : i32
    %add3A_582 = arith.addi %mul3A_579, %mul3A_581 : i32
    %add3A_583 = arith.constant 1 : i32
    %add3A_584 = arith.addi %add3A_582, %add3A_583 : i32
    %dma_wait3A_585 = arith.constant 1 : i32
    %dma_wait3A_586 = arith.constant 5 : i32
    %dma_wait3A_587 = arith.constant 5120 : i32
    %dma_wait3A_588 = tpu.memref_slice %arg13[%dma_wait3A_585, %dma_wait3A_587] : memref<4x8192xf32, #tpu.memory_space<vmem>> -> memref<1x1024xf32, #tpu.memory_space<vmem>>
    %dma_wait3A_589 = tpu.memref_squeeze %dma_wait3A_588 : memref<1x1024xf32, #tpu.memory_space<vmem>> -> memref<1024xf32, #tpu.memory_space<vmem>>
    %dma_wait3A_590 = arith.constant 0 : i32
    %dma_wait3A_591 = tpu.memref_slice %arg6[%add3A_584, %dma_wait3A_586, %select_n3A_288, %dma_wait3A_590] : memref<200x8x32x1024xf32, #tpu.memory_space<hbm>> -> memref<1x1x1x1024xf32, #tpu.memory_space<hbm>>
    %dma_wait3A_592 = tpu.memref_squeeze %dma_wait3A_591 : memref<1x1x1x1024xf32, #tpu.memory_space<hbm>> -> memref<1024xf32, #tpu.memory_space<hbm>>
    %dma_wait3A_593 = arith.constant 0 : i32
    %dma_wait3A_594 = tpu.memref_slice %arg6[%add3A_584, %dma_wait3A_586, %select_n3A_288, %dma_wait3A_593] : memref<200x8x32x1024xf32, #tpu.memory_space<hbm>> -> memref<1x1x1x1024xf32, #tpu.memory_space<hbm>>
    %dma_wait3A_595 = tpu.memref_squeeze %dma_wait3A_594 : memref<1x1x1x1024xf32, #tpu.memory_space<hbm>> -> memref<1024xf32, #tpu.memory_space<hbm>>
    %dma_wait3A_596 = arith.constant 5120 : i32
    %dma_wait3A_597 = tpu.memref_slice %arg13[%dma_wait3A_585, %dma_wait3A_596] : memref<4x8192xf32, #tpu.memory_space<vmem>> -> memref<1x1024xf32, #tpu.memory_space<vmem>>
    %dma_wait3A_598 = tpu.memref_squeeze %dma_wait3A_597 : memref<1x1024xf32, #tpu.memory_space<vmem>> -> memref<1024xf32, #tpu.memory_space<vmem>>
    tpu.wait_dma2 semaphore(%arg20 : memref<!tpu.dma_semaphore, #tpu.memory_space<semaphore_mem>>) src(%dma_wait3A_598 : memref<1024xf32, #tpu.memory_space<vmem>>) dst(%dma_wait3A_595 : memref<1024xf32, #tpu.memory_space<hbm>>)
    %mul3A_599 = arith.constant 8 : i32
    %mul3A_600 = arith.muli %select_n3A_248, %mul3A_599 : i32
    %mul3A_601 = arith.constant 4 : i32
    %mul3A_602 = arith.muli %mul3A_601, %select_n3A_304 : i32
    %add3A_603 = arith.addi %mul3A_600, %mul3A_602 : i32
    %add3A_604 = arith.constant 1 : i32
    %add3A_605 = arith.addi %add3A_603, %add3A_604 : i32
    %dma_wait3A_606 = arith.constant 1 : i32
    %dma_wait3A_607 = arith.constant 6 : i32
    %dma_wait3A_608 = arith.constant 6144 : i32
    %dma_wait3A_609 = tpu.memref_slice %arg13[%dma_wait3A_606, %dma_wait3A_608] : memref<4x8192xf32, #tpu.memory_space<vmem>> -> memref<1x1024xf32, #tpu.memory_space<vmem>>
    %dma_wait3A_610 = tpu.memref_squeeze %dma_wait3A_609 : memref<1x1024xf32, #tpu.memory_space<vmem>> -> memref<1024xf32, #tpu.memory_space<vmem>>
    %dma_wait3A_611 = arith.constant 0 : i32
    %dma_wait3A_612 = tpu.memref_slice %arg6[%add3A_605, %dma_wait3A_607, %select_n3A_288, %dma_wait3A_611] : memref<200x8x32x1024xf32, #tpu.memory_space<hbm>> -> memref<1x1x1x1024xf32, #tpu.memory_space<hbm>>
    %dma_wait3A_613 = tpu.memref_squeeze %dma_wait3A_612 : memref<1x1x1x1024xf32, #tpu.memory_space<hbm>> -> memref<1024xf32, #tpu.memory_space<hbm>>
    %dma_wait3A_614 = arith.constant 0 : i32
    %dma_wait3A_615 = tpu.memref_slice %arg6[%add3A_605, %dma_wait3A_607, %select_n3A_288, %dma_wait3A_614] : memref<200x8x32x1024xf32, #tpu.memory_space<hbm>> -> memref<1x1x1x1024xf32, #tpu.memory_space<hbm>>
    %dma_wait3A_616 = tpu.memref_squeeze %dma_wait3A_615 : memref<1x1x1x1024xf32, #tpu.memory_space<hbm>> -> memref<1024xf32, #tpu.memory_space<hbm>>
    %dma_wait3A_617 = arith.constant 6144 : i32
    %dma_wait3A_618 = tpu.memref_slice %arg13[%dma_wait3A_606, %dma_wait3A_617] : memref<4x8192xf32, #tpu.memory_space<vmem>> -> memref<1x1024xf32, #tpu.memory_space<vmem>>
    %dma_wait3A_619 = tpu.memref_squeeze %dma_wait3A_618 : memref<1x1024xf32, #tpu.memory_space<vmem>> -> memref<1024xf32, #tpu.memory_space<vmem>>
    tpu.wait_dma2 semaphore(%arg20 : memref<!tpu.dma_semaphore, #tpu.memory_space<semaphore_mem>>) src(%dma_wait3A_619 : memref<1024xf32, #tpu.memory_space<vmem>>) dst(%dma_wait3A_616 : memref<1024xf32, #tpu.memory_space<hbm>>)
    %mul3A_620 = arith.constant 8 : i32
    %mul3A_621 = arith.muli %select_n3A_248, %mul3A_620 : i32
    %mul3A_622 = arith.constant 4 : i32
    %mul3A_623 = arith.muli %mul3A_622, %select_n3A_304 : i32
    %add3A_624 = arith.addi %mul3A_621, %mul3A_623 : i32
    %add3A_625 = arith.constant 1 : i32
    %add3A_626 = arith.addi %add3A_624, %add3A_625 : i32
    %dma_wait3A_627 = arith.constant 1 : i32
    %dma_wait3A_628 = arith.constant 7 : i32
    %dma_wait3A_629 = arith.constant 7168 : i32
    %dma_wait3A_630 = tpu.memref_slice %arg13[%dma_wait3A_627, %dma_wait3A_629] : memref<4x8192xf32, #tpu.memory_space<vmem>> -> memref<1x1024xf32, #tpu.memory_space<vmem>>
    %dma_wait3A_631 = tpu.memref_squeeze %dma_wait3A_630 : memref<1x1024xf32, #tpu.memory_space<vmem>> -> memref<1024xf32, #tpu.memory_space<vmem>>
    %dma_wait3A_632 = arith.constant 0 : i32
    %dma_wait3A_633 = tpu.memref_slice %arg6[%add3A_626, %dma_wait3A_628, %select_n3A_288, %dma_wait3A_632] : memref<200x8x32x1024xf32, #tpu.memory_space<hbm>> -> memref<1x1x1x1024xf32, #tpu.memory_space<hbm>>
    %dma_wait3A_634 = tpu.memref_squeeze %dma_wait3A_633 : memref<1x1x1x1024xf32, #tpu.memory_space<hbm>> -> memref<1024xf32, #tpu.memory_space<hbm>>
    %dma_wait3A_635 = arith.constant 0 : i32
    %dma_wait3A_636 = tpu.memref_slice %arg6[%add3A_626, %dma_wait3A_628, %select_n3A_288, %dma_wait3A_635] : memref<200x8x32x1024xf32, #tpu.memory_space<hbm>> -> memref<1x1x1x1024xf32, #tpu.memory_space<hbm>>
    %dma_wait3A_637 = tpu.memref_squeeze %dma_wait3A_636 : memref<1x1x1x1024xf32, #tpu.memory_space<hbm>> -> memref<1024xf32, #tpu.memory_space<hbm>>
    %dma_wait3A_638 = arith.constant 7168 : i32
    %dma_wait3A_639 = tpu.memref_slice %arg13[%dma_wait3A_627, %dma_wait3A_638] : memref<4x8192xf32, #tpu.memory_space<vmem>> -> memref<1x1024xf32, #tpu.memory_space<vmem>>
    %dma_wait3A_640 = tpu.memref_squeeze %dma_wait3A_639 : memref<1x1024xf32, #tpu.memory_space<vmem>> -> memref<1024xf32, #tpu.memory_space<vmem>>
    tpu.wait_dma2 semaphore(%arg20 : memref<!tpu.dma_semaphore, #tpu.memory_space<semaphore_mem>>) src(%dma_wait3A_640 : memref<1024xf32, #tpu.memory_space<vmem>>) dst(%dma_wait3A_637 : memref<1024xf32, #tpu.memory_space<hbm>>)
    %mul3A_641 = arith.constant 8 : i32
    %mul3A_642 = arith.muli %select_n3A_248, %mul3A_641 : i32
    %mul3A_643 = arith.constant 4 : i32
    %mul3A_644 = arith.muli %mul3A_643, %select_n3A_304 : i32
    %add3A_645 = arith.addi %mul3A_642, %mul3A_644 : i32
    %add3A_646 = arith.constant 2 : i32
    %add3A_647 = arith.addi %add3A_645, %add3A_646 : i32
    %dma_wait3A_648 = arith.constant 2 : i32
    %dma_wait3A_649 = arith.constant 0 : i32
    %dma_wait3A_650 = arith.constant 0 : i32
    %dma_wait3A_651 = tpu.memref_slice %arg13[%dma_wait3A_648, %dma_wait3A_650] : memref<4x8192xf32, #tpu.memory_space<vmem>> -> memref<1x1024xf32, #tpu.memory_space<vmem>>
    %dma_wait3A_652 = tpu.memref_squeeze %dma_wait3A_651 : memref<1x1024xf32, #tpu.memory_space<vmem>> -> memref<1024xf32, #tpu.memory_space<vmem>>
    %dma_wait3A_653 = arith.constant 0 : i32
    %dma_wait3A_654 = tpu.memref_slice %arg6[%add3A_647, %dma_wait3A_649, %select_n3A_288, %dma_wait3A_653] : memref<200x8x32x1024xf32, #tpu.memory_space<hbm>> -> memref<1x1x1x1024xf32, #tpu.memory_space<hbm>>
    %dma_wait3A_655 = tpu.memref_squeeze %dma_wait3A_654 : memref<1x1x1x1024xf32, #tpu.memory_space<hbm>> -> memref<1024xf32, #tpu.memory_space<hbm>>
    %dma_wait3A_656 = arith.constant 0 : i32
    %dma_wait3A_657 = tpu.memref_slice %arg6[%add3A_647, %dma_wait3A_649, %select_n3A_288, %dma_wait3A_656] : memref<200x8x32x1024xf32, #tpu.memory_space<hbm>> -> memref<1x1x1x1024xf32, #tpu.memory_space<hbm>>
    %dma_wait3A_658 = tpu.memref_squeeze %dma_wait3A_657 : memref<1x1x1x1024xf32, #tpu.memory_space<hbm>> -> memref<1024xf32, #tpu.memory_space<hbm>>
    %dma_wait3A_659 = arith.constant 0 : i32
    %dma_wait3A_660 = tpu.memref_slice %arg13[%dma_wait3A_648, %dma_wait3A_659] : memref<4x8192xf32, #tpu.memory_space<vmem>> -> memref<1x1024xf32, #tpu.memory_space<vmem>>
    %dma_wait3A_661 = tpu.memref_squeeze %dma_wait3A_660 : memref<1x1024xf32, #tpu.memory_space<vmem>> -> memref<1024xf32, #tpu.memory_space<vmem>>
    tpu.wait_dma2 semaphore(%arg20 : memref<!tpu.dma_semaphore, #tpu.memory_space<semaphore_mem>>) src(%dma_wait3A_661 : memref<1024xf32, #tpu.memory_space<vmem>>) dst(%dma_wait3A_658 : memref<1024xf32, #tpu.memory_space<hbm>>)
    %mul3A_662 = arith.constant 8 : i32
    %mul3A_663 = arith.muli %select_n3A_248, %mul3A_662 : i32
    %mul3A_664 = arith.constant 4 : i32
    %mul3A_665 = arith.muli %mul3A_664, %select_n3A_304 : i32
    %add3A_666 = arith.addi %mul3A_663, %mul3A_665 : i32
    %add3A_667 = arith.constant 2 : i32
    %add3A_668 = arith.addi %add3A_666, %add3A_667 : i32
    %dma_wait3A_669 = arith.constant 2 : i32
    %dma_wait3A_670 = arith.constant 1 : i32
    %dma_wait3A_671 = arith.constant 1024 : i32
    %dma_wait3A_672 = tpu.memref_slice %arg13[%dma_wait3A_669, %dma_wait3A_671] : memref<4x8192xf32, #tpu.memory_space<vmem>> -> memref<1x1024xf32, #tpu.memory_space<vmem>>
    %dma_wait3A_673 = tpu.memref_squeeze %dma_wait3A_672 : memref<1x1024xf32, #tpu.memory_space<vmem>> -> memref<1024xf32, #tpu.memory_space<vmem>>
    %dma_wait3A_674 = arith.constant 0 : i32
    %dma_wait3A_675 = tpu.memref_slice %arg6[%add3A_668, %dma_wait3A_670, %select_n3A_288, %dma_wait3A_674] : memref<200x8x32x1024xf32, #tpu.memory_space<hbm>> -> memref<1x1x1x1024xf32, #tpu.memory_space<hbm>>
    %dma_wait3A_676 = tpu.memref_squeeze %dma_wait3A_675 : memref<1x1x1x1024xf32, #tpu.memory_space<hbm>> -> memref<1024xf32, #tpu.memory_space<hbm>>
    %dma_wait3A_677 = arith.constant 0 : i32
    %dma_wait3A_678 = tpu.memref_slice %arg6[%add3A_668, %dma_wait3A_670, %select_n3A_288, %dma_wait3A_677] : memref<200x8x32x1024xf32, #tpu.memory_space<hbm>> -> memref<1x1x1x1024xf32, #tpu.memory_space<hbm>>
    %dma_wait3A_679 = tpu.memref_squeeze %dma_wait3A_678 : memref<1x1x1x1024xf32, #tpu.memory_space<hbm>> -> memref<1024xf32, #tpu.memory_space<hbm>>
    %dma_wait3A_680 = arith.constant 1024 : i32
    %dma_wait3A_681 = tpu.memref_slice %arg13[%dma_wait3A_669, %dma_wait3A_680] : memref<4x8192xf32, #tpu.memory_space<vmem>> -> memref<1x1024xf32, #tpu.memory_space<vmem>>
    %dma_wait3A_682 = tpu.memref_squeeze %dma_wait3A_681 : memref<1x1024xf32, #tpu.memory_space<vmem>> -> memref<1024xf32, #tpu.memory_space<vmem>>
    tpu.wait_dma2 semaphore(%arg20 : memref<!tpu.dma_semaphore, #tpu.memory_space<semaphore_mem>>) src(%dma_wait3A_682 : memref<1024xf32, #tpu.memory_space<vmem>>) dst(%dma_wait3A_679 : memref<1024xf32, #tpu.memory_space<hbm>>)
    %mul3A_683 = arith.constant 8 : i32
    %mul3A_684 = arith.muli %select_n3A_248, %mul3A_683 : i32
    %mul3A_685 = arith.constant 4 : i32
    %mul3A_686 = arith.muli %mul3A_685, %select_n3A_304 : i32
    %add3A_687 = arith.addi %mul3A_684, %mul3A_686 : i32
    %add3A_688 = arith.constant 2 : i32
    %add3A_689 = arith.addi %add3A_687, %add3A_688 : i32
    %dma_wait3A_690 = arith.constant 2 : i32
    %dma_wait3A_691 = arith.constant 2 : i32
    %dma_wait3A_692 = arith.constant 2048 : i32
    %dma_wait3A_693 = tpu.memref_slice %arg13[%dma_wait3A_690, %dma_wait3A_692] : memref<4x8192xf32, #tpu.memory_space<vmem>> -> memref<1x1024xf32, #tpu.memory_space<vmem>>
    %dma_wait3A_694 = tpu.memref_squeeze %dma_wait3A_693 : memref<1x1024xf32, #tpu.memory_space<vmem>> -> memref<1024xf32, #tpu.memory_space<vmem>>
    %dma_wait3A_695 = arith.constant 0 : i32
    %dma_wait3A_696 = tpu.memref_slice %arg6[%add3A_689, %dma_wait3A_691, %select_n3A_288, %dma_wait3A_695] : memref<200x8x32x1024xf32, #tpu.memory_space<hbm>> -> memref<1x1x1x1024xf32, #tpu.memory_space<hbm>>
    %dma_wait3A_697 = tpu.memref_squeeze %dma_wait3A_696 : memref<1x1x1x1024xf32, #tpu.memory_space<hbm>> -> memref<1024xf32, #tpu.memory_space<hbm>>
    %dma_wait3A_698 = arith.constant 0 : i32
    %dma_wait3A_699 = tpu.memref_slice %arg6[%add3A_689, %dma_wait3A_691, %select_n3A_288, %dma_wait3A_698] : memref<200x8x32x1024xf32, #tpu.memory_space<hbm>> -> memref<1x1x1x1024xf32, #tpu.memory_space<hbm>>
    %dma_wait3A_700 = tpu.memref_squeeze %dma_wait3A_699 : memref<1x1x1x1024xf32, #tpu.memory_space<hbm>> -> memref<1024xf32, #tpu.memory_space<hbm>>
    %dma_wait3A_701 = arith.constant 2048 : i32
    %dma_wait3A_702 = tpu.memref_slice %arg13[%dma_wait3A_690, %dma_wait3A_701] : memref<4x8192xf32, #tpu.memory_space<vmem>> -> memref<1x1024xf32, #tpu.memory_space<vmem>>
    %dma_wait3A_703 = tpu.memref_squeeze %dma_wait3A_702 : memref<1x1024xf32, #tpu.memory_space<vmem>> -> memref<1024xf32, #tpu.memory_space<vmem>>
    tpu.wait_dma2 semaphore(%arg20 : memref<!tpu.dma_semaphore, #tpu.memory_space<semaphore_mem>>) src(%dma_wait3A_703 : memref<1024xf32, #tpu.memory_space<vmem>>) dst(%dma_wait3A_700 : memref<1024xf32, #tpu.memory_space<hbm>>)
    %mul3A_704 = arith.constant 8 : i32
    %mul3A_705 = arith.muli %select_n3A_248, %mul3A_704 : i32
    %mul3A_706 = arith.constant 4 : i32
    %mul3A_707 = arith.muli %mul3A_706, %select_n3A_304 : i32
    %add3A_708 = arith.addi %mul3A_705, %mul3A_707 : i32
    %add3A_709 = arith.constant 2 : i32
    %add3A_710 = arith.addi %add3A_708, %add3A_709 : i32
    %dma_wait3A_711 = arith.constant 2 : i32
    %dma_wait3A_712 = arith.constant 3 : i32
    %dma_wait3A_713 = arith.constant 3072 : i32
    %dma_wait3A_714 = tpu.memref_slice %arg13[%dma_wait3A_711, %dma_wait3A_713] : memref<4x8192xf32, #tpu.memory_space<vmem>> -> memref<1x1024xf32, #tpu.memory_space<vmem>>
    %dma_wait3A_715 = tpu.memref_squeeze %dma_wait3A_714 : memref<1x1024xf32, #tpu.memory_space<vmem>> -> memref<1024xf32, #tpu.memory_space<vmem>>
    %dma_wait3A_716 = arith.constant 0 : i32
    %dma_wait3A_717 = tpu.memref_slice %arg6[%add3A_710, %dma_wait3A_712, %select_n3A_288, %dma_wait3A_716] : memref<200x8x32x1024xf32, #tpu.memory_space<hbm>> -> memref<1x1x1x1024xf32, #tpu.memory_space<hbm>>
    %dma_wait3A_718 = tpu.memref_squeeze %dma_wait3A_717 : memref<1x1x1x1024xf32, #tpu.memory_space<hbm>> -> memref<1024xf32, #tpu.memory_space<hbm>>
    %dma_wait3A_719 = arith.constant 0 : i32
    %dma_wait3A_720 = tpu.memref_slice %arg6[%add3A_710, %dma_wait3A_712, %select_n3A_288, %dma_wait3A_719] : memref<200x8x32x1024xf32, #tpu.memory_space<hbm>> -> memref<1x1x1x1024xf32, #tpu.memory_space<hbm>>
    %dma_wait3A_721 = tpu.memref_squeeze %dma_wait3A_720 : memref<1x1x1x1024xf32, #tpu.memory_space<hbm>> -> memref<1024xf32, #tpu.memory_space<hbm>>
    %dma_wait3A_722 = arith.constant 3072 : i32
    %dma_wait3A_723 = tpu.memref_slice %arg13[%dma_wait3A_711, %dma_wait3A_722] : memref<4x8192xf32, #tpu.memory_space<vmem>> -> memref<1x1024xf32, #tpu.memory_space<vmem>>
    %dma_wait3A_724 = tpu.memref_squeeze %dma_wait3A_723 : memref<1x1024xf32, #tpu.memory_space<vmem>> -> memref<1024xf32, #tpu.memory_space<vmem>>
    tpu.wait_dma2 semaphore(%arg20 : memref<!tpu.dma_semaphore, #tpu.memory_space<semaphore_mem>>) src(%dma_wait3A_724 : memref<1024xf32, #tpu.memory_space<vmem>>) dst(%dma_wait3A_721 : memref<1024xf32, #tpu.memory_space<hbm>>)
    %mul3A_725 = arith.constant 8 : i32
    %mul3A_726 = arith.muli %select_n3A_248, %mul3A_725 : i32
    %mul3A_727 = arith.constant 4 : i32
    %mul3A_728 = arith.muli %mul3A_727, %select_n3A_304 : i32
    %add3A_729 = arith.addi %mul3A_726, %mul3A_728 : i32
    %add3A_730 = arith.constant 2 : i32
    %add3A_731 = arith.addi %add3A_729, %add3A_730 : i32
    %dma_wait3A_732 = arith.constant 2 : i32
    %dma_wait3A_733 = arith.constant 4 : i32
    %dma_wait3A_734 = arith.constant 4096 : i32
    %dma_wait3A_735 = tpu.memref_slice %arg13[%dma_wait3A_732, %dma_wait3A_734] : memref<4x8192xf32, #tpu.memory_space<vmem>> -> memref<1x1024xf32, #tpu.memory_space<vmem>>
    %dma_wait3A_736 = tpu.memref_squeeze %dma_wait3A_735 : memref<1x1024xf32, #tpu.memory_space<vmem>> -> memref<1024xf32, #tpu.memory_space<vmem>>
    %dma_wait3A_737 = arith.constant 0 : i32
    %dma_wait3A_738 = tpu.memref_slice %arg6[%add3A_731, %dma_wait3A_733, %select_n3A_288, %dma_wait3A_737] : memref<200x8x32x1024xf32, #tpu.memory_space<hbm>> -> memref<1x1x1x1024xf32, #tpu.memory_space<hbm>>
    %dma_wait3A_739 = tpu.memref_squeeze %dma_wait3A_738 : memref<1x1x1x1024xf32, #tpu.memory_space<hbm>> -> memref<1024xf32, #tpu.memory_space<hbm>>
    %dma_wait3A_740 = arith.constant 0 : i32
    %dma_wait3A_741 = tpu.memref_slice %arg6[%add3A_731, %dma_wait3A_733, %select_n3A_288, %dma_wait3A_740] : memref<200x8x32x1024xf32, #tpu.memory_space<hbm>> -> memref<1x1x1x1024xf32, #tpu.memory_space<hbm>>
    %dma_wait3A_742 = tpu.memref_squeeze %dma_wait3A_741 : memref<1x1x1x1024xf32, #tpu.memory_space<hbm>> -> memref<1024xf32, #tpu.memory_space<hbm>>
    %dma_wait3A_743 = arith.constant 4096 : i32
    %dma_wait3A_744 = tpu.memref_slice %arg13[%dma_wait3A_732, %dma_wait3A_743] : memref<4x8192xf32, #tpu.memory_space<vmem>> -> memref<1x1024xf32, #tpu.memory_space<vmem>>
    %dma_wait3A_745 = tpu.memref_squeeze %dma_wait3A_744 : memref<1x1024xf32, #tpu.memory_space<vmem>> -> memref<1024xf32, #tpu.memory_space<vmem>>
    tpu.wait_dma2 semaphore(%arg20 : memref<!tpu.dma_semaphore, #tpu.memory_space<semaphore_mem>>) src(%dma_wait3A_745 : memref<1024xf32, #tpu.memory_space<vmem>>) dst(%dma_wait3A_742 : memref<1024xf32, #tpu.memory_space<hbm>>)
    %mul3A_746 = arith.constant 8 : i32
    %mul3A_747 = arith.muli %select_n3A_248, %mul3A_746 : i32
    %mul3A_748 = arith.constant 4 : i32
    %mul3A_749 = arith.muli %mul3A_748, %select_n3A_304 : i32
    %add3A_750 = arith.addi %mul3A_747, %mul3A_749 : i32
    %add3A_751 = arith.constant 2 : i32
    %add3A_752 = arith.addi %add3A_750, %add3A_751 : i32
    %dma_wait3A_753 = arith.constant 2 : i32
    %dma_wait3A_754 = arith.constant 5 : i32
    %dma_wait3A_755 = arith.constant 5120 : i32
    %dma_wait3A_756 = tpu.memref_slice %arg13[%dma_wait3A_753, %dma_wait3A_755] : memref<4x8192xf32, #tpu.memory_space<vmem>> -> memref<1x1024xf32, #tpu.memory_space<vmem>>
    %dma_wait3A_757 = tpu.memref_squeeze %dma_wait3A_756 : memref<1x1024xf32, #tpu.memory_space<vmem>> -> memref<1024xf32, #tpu.memory_space<vmem>>
    %dma_wait3A_758 = arith.constant 0 : i32
    %dma_wait3A_759 = tpu.memref_slice %arg6[%add3A_752, %dma_wait3A_754, %select_n3A_288, %dma_wait3A_758] : memref<200x8x32x1024xf32, #tpu.memory_space<hbm>> -> memref<1x1x1x1024xf32, #tpu.memory_space<hbm>>
    %dma_wait3A_760 = tpu.memref_squeeze %dma_wait3A_759 : memref<1x1x1x1024xf32, #tpu.memory_space<hbm>> -> memref<1024xf32, #tpu.memory_space<hbm>>
    %dma_wait3A_761 = arith.constant 0 : i32
    %dma_wait3A_762 = tpu.memref_slice %arg6[%add3A_752, %dma_wait3A_754, %select_n3A_288, %dma_wait3A_761] : memref<200x8x32x1024xf32, #tpu.memory_space<hbm>> -> memref<1x1x1x1024xf32, #tpu.memory_space<hbm>>
    %dma_wait3A_763 = tpu.memref_squeeze %dma_wait3A_762 : memref<1x1x1x1024xf32, #tpu.memory_space<hbm>> -> memref<1024xf32, #tpu.memory_space<hbm>>
    %dma_wait3A_764 = arith.constant 5120 : i32
    %dma_wait3A_765 = tpu.memref_slice %arg13[%dma_wait3A_753, %dma_wait3A_764] : memref<4x8192xf32, #tpu.memory_space<vmem>> -> memref<1x1024xf32, #tpu.memory_space<vmem>>
    %dma_wait3A_766 = tpu.memref_squeeze %dma_wait3A_765 : memref<1x1024xf32, #tpu.memory_space<vmem>> -> memref<1024xf32, #tpu.memory_space<vmem>>
    tpu.wait_dma2 semaphore(%arg20 : memref<!tpu.dma_semaphore, #tpu.memory_space<semaphore_mem>>) src(%dma_wait3A_766 : memref<1024xf32, #tpu.memory_space<vmem>>) dst(%dma_wait3A_763 : memref<1024xf32, #tpu.memory_space<hbm>>)
    %mul3A_767 = arith.constant 8 : i32
    %mul3A_768 = arith.muli %select_n3A_248, %mul3A_767 : i32
    %mul3A_769 = arith.constant 4 : i32
    %mul3A_770 = arith.muli %mul3A_769, %select_n3A_304 : i32
    %add3A_771 = arith.addi %mul3A_768, %mul3A_770 : i32
    %add3A_772 = arith.constant 2 : i32
    %add3A_773 = arith.addi %add3A_771, %add3A_772 : i32
    %dma_wait3A_774 = arith.constant 2 : i32
    %dma_wait3A_775 = arith.constant 6 : i32
    %dma_wait3A_776 = arith.constant 6144 : i32
    %dma_wait3A_777 = tpu.memref_slice %arg13[%dma_wait3A_774, %dma_wait3A_776] : memref<4x8192xf32, #tpu.memory_space<vmem>> -> memref<1x1024xf32, #tpu.memory_space<vmem>>
    %dma_wait3A_778 = tpu.memref_squeeze %dma_wait3A_777 : memref<1x1024xf32, #tpu.memory_space<vmem>> -> memref<1024xf32, #tpu.memory_space<vmem>>
    %dma_wait3A_779 = arith.constant 0 : i32
    %dma_wait3A_780 = tpu.memref_slice %arg6[%add3A_773, %dma_wait3A_775, %select_n3A_288, %dma_wait3A_779] : memref<200x8x32x1024xf32, #tpu.memory_space<hbm>> -> memref<1x1x1x1024xf32, #tpu.memory_space<hbm>>
    %dma_wait3A_781 = tpu.memref_squeeze %dma_wait3A_780 : memref<1x1x1x1024xf32, #tpu.memory_space<hbm>> -> memref<1024xf32, #tpu.memory_space<hbm>>
    %dma_wait3A_782 = arith.constant 0 : i32
    %dma_wait3A_783 = tpu.memref_slice %arg6[%add3A_773, %dma_wait3A_775, %select_n3A_288, %dma_wait3A_782] : memref<200x8x32x1024xf32, #tpu.memory_space<hbm>> -> memref<1x1x1x1024xf32, #tpu.memory_space<hbm>>
    %dma_wait3A_784 = tpu.memref_squeeze %dma_wait3A_783 : memref<1x1x1x1024xf32, #tpu.memory_space<hbm>> -> memref<1024xf32, #tpu.memory_space<hbm>>
    %dma_wait3A_785 = arith.constant 6144 : i32
    %dma_wait3A_786 = tpu.memref_slice %arg13[%dma_wait3A_774, %dma_wait3A_785] : memref<4x8192xf32, #tpu.memory_space<vmem>> -> memref<1x1024xf32, #tpu.memory_space<vmem>>
    %dma_wait3A_787 = tpu.memref_squeeze %dma_wait3A_786 : memref<1x1024xf32, #tpu.memory_space<vmem>> -> memref<1024xf32, #tpu.memory_space<vmem>>
    tpu.wait_dma2 semaphore(%arg20 : memref<!tpu.dma_semaphore, #tpu.memory_space<semaphore_mem>>) src(%dma_wait3A_787 : memref<1024xf32, #tpu.memory_space<vmem>>) dst(%dma_wait3A_784 : memref<1024xf32, #tpu.memory_space<hbm>>)
    %mul3A_788 = arith.constant 8 : i32
    %mul3A_789 = arith.muli %select_n3A_248, %mul3A_788 : i32
    %mul3A_790 = arith.constant 4 : i32
    %mul3A_791 = arith.muli %mul3A_790, %select_n3A_304 : i32
    %add3A_792 = arith.addi %mul3A_789, %mul3A_791 : i32
    %add3A_793 = arith.constant 2 : i32
    %add3A_794 = arith.addi %add3A_792, %add3A_793 : i32
    %dma_wait3A_795 = arith.constant 2 : i32
    %dma_wait3A_796 = arith.constant 7 : i32
    %dma_wait3A_797 = arith.constant 7168 : i32
    %dma_wait3A_798 = tpu.memref_slice %arg13[%dma_wait3A_795, %dma_wait3A_797] : memref<4x8192xf32, #tpu.memory_space<vmem>> -> memref<1x1024xf32, #tpu.memory_space<vmem>>
    %dma_wait3A_799 = tpu.memref_squeeze %dma_wait3A_798 : memref<1x1024xf32, #tpu.memory_space<vmem>> -> memref<1024xf32, #tpu.memory_space<vmem>>
    %dma_wait3A_800 = arith.constant 0 : i32
    %dma_wait3A_801 = tpu.memref_slice %arg6[%add3A_794, %dma_wait3A_796, %select_n3A_288, %dma_wait3A_800] : memref<200x8x32x1024xf32, #tpu.memory_space<hbm>> -> memref<1x1x1x1024xf32, #tpu.memory_space<hbm>>
    %dma_wait3A_802 = tpu.memref_squeeze %dma_wait3A_801 : memref<1x1x1x1024xf32, #tpu.memory_space<hbm>> -> memref<1024xf32, #tpu.memory_space<hbm>>
    %dma_wait3A_803 = arith.constant 0 : i32
    %dma_wait3A_804 = tpu.memref_slice %arg6[%add3A_794, %dma_wait3A_796, %select_n3A_288, %dma_wait3A_803] : memref<200x8x32x1024xf32, #tpu.memory_space<hbm>> -> memref<1x1x1x1024xf32, #tpu.memory_space<hbm>>
    %dma_wait3A_805 = tpu.memref_squeeze %dma_wait3A_804 : memref<1x1x1x1024xf32, #tpu.memory_space<hbm>> -> memref<1024xf32, #tpu.memory_space<hbm>>
    %dma_wait3A_806 = arith.constant 7168 : i32
    %dma_wait3A_807 = tpu.memref_slice %arg13[%dma_wait3A_795, %dma_wait3A_806] : memref<4x8192xf32, #tpu.memory_space<vmem>> -> memref<1x1024xf32, #tpu.memory_space<vmem>>
    %dma_wait3A_808 = tpu.memref_squeeze %dma_wait3A_807 : memref<1x1024xf32, #tpu.memory_space<vmem>> -> memref<1024xf32, #tpu.memory_space<vmem>>
    tpu.wait_dma2 semaphore(%arg20 : memref<!tpu.dma_semaphore, #tpu.memory_space<semaphore_mem>>) src(%dma_wait3A_808 : memref<1024xf32, #tpu.memory_space<vmem>>) dst(%dma_wait3A_805 : memref<1024xf32, #tpu.memory_space<hbm>>)
    %mul3A_809 = arith.constant 8 : i32
    %mul3A_810 = arith.muli %select_n3A_248, %mul3A_809 : i32
    %mul3A_811 = arith.constant 4 : i32
    %mul3A_812 = arith.muli %mul3A_811, %select_n3A_304 : i32
    %add3A_813 = arith.addi %mul3A_810, %mul3A_812 : i32
    %add3A_814 = arith.constant 3 : i32
    %add3A_815 = arith.addi %add3A_813, %add3A_814 : i32
    %dma_wait3A_816 = arith.constant 3 : i32
    %dma_wait3A_817 = arith.constant 0 : i32
    %dma_wait3A_818 = arith.constant 0 : i32
    %dma_wait3A_819 = tpu.memref_slice %arg13[%dma_wait3A_816, %dma_wait3A_818] : memref<4x8192xf32, #tpu.memory_space<vmem>> -> memref<1x1024xf32, #tpu.memory_space<vmem>>
    %dma_wait3A_820 = tpu.memref_squeeze %dma_wait3A_819 : memref<1x1024xf32, #tpu.memory_space<vmem>> -> memref<1024xf32, #tpu.memory_space<vmem>>
    %dma_wait3A_821 = arith.constant 0 : i32
    %dma_wait3A_822 = tpu.memref_slice %arg6[%add3A_815, %dma_wait3A_817, %select_n3A_288, %dma_wait3A_821] : memref<200x8x32x1024xf32, #tpu.memory_space<hbm>> -> memref<1x1x1x1024xf32, #tpu.memory_space<hbm>>
    %dma_wait3A_823 = tpu.memref_squeeze %dma_wait3A_822 : memref<1x1x1x1024xf32, #tpu.memory_space<hbm>> -> memref<1024xf32, #tpu.memory_space<hbm>>
    %dma_wait3A_824 = arith.constant 0 : i32
    %dma_wait3A_825 = tpu.memref_slice %arg6[%add3A_815, %dma_wait3A_817, %select_n3A_288, %dma_wait3A_824] : memref<200x8x32x1024xf32, #tpu.memory_space<hbm>> -> memref<1x1x1x1024xf32, #tpu.memory_space<hbm>>
    %dma_wait3A_826 = tpu.memref_squeeze %dma_wait3A_825 : memref<1x1x1x1024xf32, #tpu.memory_space<hbm>> -> memref<1024xf32, #tpu.memory_space<hbm>>
    %dma_wait3A_827 = arith.constant 0 : i32
    %dma_wait3A_828 = tpu.memref_slice %arg13[%dma_wait3A_816, %dma_wait3A_827] : memref<4x8192xf32, #tpu.memory_space<vmem>> -> memref<1x1024xf32, #tpu.memory_space<vmem>>
    %dma_wait3A_829 = tpu.memref_squeeze %dma_wait3A_828 : memref<1x1024xf32, #tpu.memory_space<vmem>> -> memref<1024xf32, #tpu.memory_space<vmem>>
    tpu.wait_dma2 semaphore(%arg20 : memref<!tpu.dma_semaphore, #tpu.memory_space<semaphore_mem>>) src(%dma_wait3A_829 : memref<1024xf32, #tpu.memory_space<vmem>>) dst(%dma_wait3A_826 : memref<1024xf32, #tpu.memory_space<hbm>>)
    %mul3A_830 = arith.constant 8 : i32
    %mul3A_831 = arith.muli %select_n3A_248, %mul3A_830 : i32
    %mul3A_832 = arith.constant 4 : i32
    %mul3A_833 = arith.muli %mul3A_832, %select_n3A_304 : i32
    %add3A_834 = arith.addi %mul3A_831, %mul3A_833 : i32
    %add3A_835 = arith.constant 3 : i32
    %add3A_836 = arith.addi %add3A_834, %add3A_835 : i32
    %dma_wait3A_837 = arith.constant 3 : i32
    %dma_wait3A_838 = arith.constant 1 : i32
    %dma_wait3A_839 = arith.constant 1024 : i32
    %dma_wait3A_840 = tpu.memref_slice %arg13[%dma_wait3A_837, %dma_wait3A_839] : memref<4x8192xf32, #tpu.memory_space<vmem>> -> memref<1x1024xf32, #tpu.memory_space<vmem>>
    %dma_wait3A_841 = tpu.memref_squeeze %dma_wait3A_840 : memref<1x1024xf32, #tpu.memory_space<vmem>> -> memref<1024xf32, #tpu.memory_space<vmem>>
    %dma_wait3A_842 = arith.constant 0 : i32
    %dma_wait3A_843 = tpu.memref_slice %arg6[%add3A_836, %dma_wait3A_838, %select_n3A_288, %dma_wait3A_842] : memref<200x8x32x1024xf32, #tpu.memory_space<hbm>> -> memref<1x1x1x1024xf32, #tpu.memory_space<hbm>>
    %dma_wait3A_844 = tpu.memref_squeeze %dma_wait3A_843 : memref<1x1x1x1024xf32, #tpu.memory_space<hbm>> -> memref<1024xf32, #tpu.memory_space<hbm>>
    %dma_wait3A_845 = arith.constant 0 : i32
    %dma_wait3A_846 = tpu.memref_slice %arg6[%add3A_836, %dma_wait3A_838, %select_n3A_288, %dma_wait3A_845] : memref<200x8x32x1024xf32, #tpu.memory_space<hbm>> -> memref<1x1x1x1024xf32, #tpu.memory_space<hbm>>
    %dma_wait3A_847 = tpu.memref_squeeze %dma_wait3A_846 : memref<1x1x1x1024xf32, #tpu.memory_space<hbm>> -> memref<1024xf32, #tpu.memory_space<hbm>>
    %dma_wait3A_848 = arith.constant 1024 : i32
    %dma_wait3A_849 = tpu.memref_slice %arg13[%dma_wait3A_837, %dma_wait3A_848] : memref<4x8192xf32, #tpu.memory_space<vmem>> -> memref<1x1024xf32, #tpu.memory_space<vmem>>
    %dma_wait3A_850 = tpu.memref_squeeze %dma_wait3A_849 : memref<1x1024xf32, #tpu.memory_space<vmem>> -> memref<1024xf32, #tpu.memory_space<vmem>>
    tpu.wait_dma2 semaphore(%arg20 : memref<!tpu.dma_semaphore, #tpu.memory_space<semaphore_mem>>) src(%dma_wait3A_850 : memref<1024xf32, #tpu.memory_space<vmem>>) dst(%dma_wait3A_847 : memref<1024xf32, #tpu.memory_space<hbm>>)
    %mul3A_851 = arith.constant 8 : i32
    %mul3A_852 = arith.muli %select_n3A_248, %mul3A_851 : i32
    %mul3A_853 = arith.constant 4 : i32
    %mul3A_854 = arith.muli %mul3A_853, %select_n3A_304 : i32
    %add3A_855 = arith.addi %mul3A_852, %mul3A_854 : i32
    %add3A_856 = arith.constant 3 : i32
    %add3A_857 = arith.addi %add3A_855, %add3A_856 : i32
    %dma_wait3A_858 = arith.constant 3 : i32
    %dma_wait3A_859 = arith.constant 2 : i32
    %dma_wait3A_860 = arith.constant 2048 : i32
    %dma_wait3A_861 = tpu.memref_slice %arg13[%dma_wait3A_858, %dma_wait3A_860] : memref<4x8192xf32, #tpu.memory_space<vmem>> -> memref<1x1024xf32, #tpu.memory_space<vmem>>
    %dma_wait3A_862 = tpu.memref_squeeze %dma_wait3A_861 : memref<1x1024xf32, #tpu.memory_space<vmem>> -> memref<1024xf32, #tpu.memory_space<vmem>>
    %dma_wait3A_863 = arith.constant 0 : i32
    %dma_wait3A_864 = tpu.memref_slice %arg6[%add3A_857, %dma_wait3A_859, %select_n3A_288, %dma_wait3A_863] : memref<200x8x32x1024xf32, #tpu.memory_space<hbm>> -> memref<1x1x1x1024xf32, #tpu.memory_space<hbm>>
    %dma_wait3A_865 = tpu.memref_squeeze %dma_wait3A_864 : memref<1x1x1x1024xf32, #tpu.memory_space<hbm>> -> memref<1024xf32, #tpu.memory_space<hbm>>
    %dma_wait3A_866 = arith.constant 0 : i32
    %dma_wait3A_867 = tpu.memref_slice %arg6[%add3A_857, %dma_wait3A_859, %select_n3A_288, %dma_wait3A_866] : memref<200x8x32x1024xf32, #tpu.memory_space<hbm>> -> memref<1x1x1x1024xf32, #tpu.memory_space<hbm>>
    %dma_wait3A_868 = tpu.memref_squeeze %dma_wait3A_867 : memref<1x1x1x1024xf32, #tpu.memory_space<hbm>> -> memref<1024xf32, #tpu.memory_space<hbm>>
    %dma_wait3A_869 = arith.constant 2048 : i32
    %dma_wait3A_870 = tpu.memref_slice %arg13[%dma_wait3A_858, %dma_wait3A_869] : memref<4x8192xf32, #tpu.memory_space<vmem>> -> memref<1x1024xf32, #tpu.memory_space<vmem>>
    %dma_wait3A_871 = tpu.memref_squeeze %dma_wait3A_870 : memref<1x1024xf32, #tpu.memory_space<vmem>> -> memref<1024xf32, #tpu.memory_space<vmem>>
    tpu.wait_dma2 semaphore(%arg20 : memref<!tpu.dma_semaphore, #tpu.memory_space<semaphore_mem>>) src(%dma_wait3A_871 : memref<1024xf32, #tpu.memory_space<vmem>>) dst(%dma_wait3A_868 : memref<1024xf32, #tpu.memory_space<hbm>>)
    %mul3A_872 = arith.constant 8 : i32
    %mul3A_873 = arith.muli %select_n3A_248, %mul3A_872 : i32
    %mul3A_874 = arith.constant 4 : i32
    %mul3A_875 = arith.muli %mul3A_874, %select_n3A_304 : i32
    %add3A_876 = arith.addi %mul3A_873, %mul3A_875 : i32
    %add3A_877 = arith.constant 3 : i32
    %add3A_878 = arith.addi %add3A_876, %add3A_877 : i32
    %dma_wait3A_879 = arith.constant 3 : i32
    %dma_wait3A_880 = arith.constant 3 : i32
    %dma_wait3A_881 = arith.constant 3072 : i32
    %dma_wait3A_882 = tpu.memref_slice %arg13[%dma_wait3A_879, %dma_wait3A_881] : memref<4x8192xf32, #tpu.memory_space<vmem>> -> memref<1x1024xf32, #tpu.memory_space<vmem>>
    %dma_wait3A_883 = tpu.memref_squeeze %dma_wait3A_882 : memref<1x1024xf32, #tpu.memory_space<vmem>> -> memref<1024xf32, #tpu.memory_space<vmem>>
    %dma_wait3A_884 = arith.constant 0 : i32
    %dma_wait3A_885 = tpu.memref_slice %arg6[%add3A_878, %dma_wait3A_880, %select_n3A_288, %dma_wait3A_884] : memref<200x8x32x1024xf32, #tpu.memory_space<hbm>> -> memref<1x1x1x1024xf32, #tpu.memory_space<hbm>>
    %dma_wait3A_886 = tpu.memref_squeeze %dma_wait3A_885 : memref<1x1x1x1024xf32, #tpu.memory_space<hbm>> -> memref<1024xf32, #tpu.memory_space<hbm>>
    %dma_wait3A_887 = arith.constant 0 : i32
    %dma_wait3A_888 = tpu.memref_slice %arg6[%add3A_878, %dma_wait3A_880, %select_n3A_288, %dma_wait3A_887] : memref<200x8x32x1024xf32, #tpu.memory_space<hbm>> -> memref<1x1x1x1024xf32, #tpu.memory_space<hbm>>
    %dma_wait3A_889 = tpu.memref_squeeze %dma_wait3A_888 : memref<1x1x1x1024xf32, #tpu.memory_space<hbm>> -> memref<1024xf32, #tpu.memory_space<hbm>>
    %dma_wait3A_890 = arith.constant 3072 : i32
    %dma_wait3A_891 = tpu.memref_slice %arg13[%dma_wait3A_879, %dma_wait3A_890] : memref<4x8192xf32, #tpu.memory_space<vmem>> -> memref<1x1024xf32, #tpu.memory_space<vmem>>
    %dma_wait3A_892 = tpu.memref_squeeze %dma_wait3A_891 : memref<1x1024xf32, #tpu.memory_space<vmem>> -> memref<1024xf32, #tpu.memory_space<vmem>>
    tpu.wait_dma2 semaphore(%arg20 : memref<!tpu.dma_semaphore, #tpu.memory_space<semaphore_mem>>) src(%dma_wait3A_892 : memref<1024xf32, #tpu.memory_space<vmem>>) dst(%dma_wait3A_889 : memref<1024xf32, #tpu.memory_space<hbm>>)
    %mul3A_893 = arith.constant 8 : i32
    %mul3A_894 = arith.muli %select_n3A_248, %mul3A_893 : i32
    %mul3A_895 = arith.constant 4 : i32
    %mul3A_896 = arith.muli %mul3A_895, %select_n3A_304 : i32
    %add3A_897 = arith.addi %mul3A_894, %mul3A_896 : i32
    %add3A_898 = arith.constant 3 : i32
    %add3A_899 = arith.addi %add3A_897, %add3A_898 : i32
    %dma_wait3A_900 = arith.constant 3 : i32
    %dma_wait3A_901 = arith.constant 4 : i32
    %dma_wait3A_902 = arith.constant 4096 : i32
    %dma_wait3A_903 = tpu.memref_slice %arg13[%dma_wait3A_900, %dma_wait3A_902] : memref<4x8192xf32, #tpu.memory_space<vmem>> -> memref<1x1024xf32, #tpu.memory_space<vmem>>
    %dma_wait3A_904 = tpu.memref_squeeze %dma_wait3A_903 : memref<1x1024xf32, #tpu.memory_space<vmem>> -> memref<1024xf32, #tpu.memory_space<vmem>>
    %dma_wait3A_905 = arith.constant 0 : i32
    %dma_wait3A_906 = tpu.memref_slice %arg6[%add3A_899, %dma_wait3A_901, %select_n3A_288, %dma_wait3A_905] : memref<200x8x32x1024xf32, #tpu.memory_space<hbm>> -> memref<1x1x1x1024xf32, #tpu.memory_space<hbm>>
    %dma_wait3A_907 = tpu.memref_squeeze %dma_wait3A_906 : memref<1x1x1x1024xf32, #tpu.memory_space<hbm>> -> memref<1024xf32, #tpu.memory_space<hbm>>
    %dma_wait3A_908 = arith.constant 0 : i32
    %dma_wait3A_909 = tpu.memref_slice %arg6[%add3A_899, %dma_wait3A_901, %select_n3A_288, %dma_wait3A_908] : memref<200x8x32x1024xf32, #tpu.memory_space<hbm>> -> memref<1x1x1x1024xf32, #tpu.memory_space<hbm>>
    %dma_wait3A_910 = tpu.memref_squeeze %dma_wait3A_909 : memref<1x1x1x1024xf32, #tpu.memory_space<hbm>> -> memref<1024xf32, #tpu.memory_space<hbm>>
    %dma_wait3A_911 = arith.constant 4096 : i32
    %dma_wait3A_912 = tpu.memref_slice %arg13[%dma_wait3A_900, %dma_wait3A_911] : memref<4x8192xf32, #tpu.memory_space<vmem>> -> memref<1x1024xf32, #tpu.memory_space<vmem>>
    %dma_wait3A_913 = tpu.memref_squeeze %dma_wait3A_912 : memref<1x1024xf32, #tpu.memory_space<vmem>> -> memref<1024xf32, #tpu.memory_space<vmem>>
    tpu.wait_dma2 semaphore(%arg20 : memref<!tpu.dma_semaphore, #tpu.memory_space<semaphore_mem>>) src(%dma_wait3A_913 : memref<1024xf32, #tpu.memory_space<vmem>>) dst(%dma_wait3A_910 : memref<1024xf32, #tpu.memory_space<hbm>>)
    %mul3A_914 = arith.constant 8 : i32
    %mul3A_915 = arith.muli %select_n3A_248, %mul3A_914 : i32
    %mul3A_916 = arith.constant 4 : i32
    %mul3A_917 = arith.muli %mul3A_916, %select_n3A_304 : i32
    %add3A_918 = arith.addi %mul3A_915, %mul3A_917 : i32
    %add3A_919 = arith.constant 3 : i32
    %add3A_920 = arith.addi %add3A_918, %add3A_919 : i32
    %dma_wait3A_921 = arith.constant 3 : i32
    %dma_wait3A_922 = arith.constant 5 : i32
    %dma_wait3A_923 = arith.constant 5120 : i32
    %dma_wait3A_924 = tpu.memref_slice %arg13[%dma_wait3A_921, %dma_wait3A_923] : memref<4x8192xf32, #tpu.memory_space<vmem>> -> memref<1x1024xf32, #tpu.memory_space<vmem>>
    %dma_wait3A_925 = tpu.memref_squeeze %dma_wait3A_924 : memref<1x1024xf32, #tpu.memory_space<vmem>> -> memref<1024xf32, #tpu.memory_space<vmem>>
    %dma_wait3A_926 = arith.constant 0 : i32
    %dma_wait3A_927 = tpu.memref_slice %arg6[%add3A_920, %dma_wait3A_922, %select_n3A_288, %dma_wait3A_926] : memref<200x8x32x1024xf32, #tpu.memory_space<hbm>> -> memref<1x1x1x1024xf32, #tpu.memory_space<hbm>>
    %dma_wait3A_928 = tpu.memref_squeeze %dma_wait3A_927 : memref<1x1x1x1024xf32, #tpu.memory_space<hbm>> -> memref<1024xf32, #tpu.memory_space<hbm>>
    %dma_wait3A_929 = arith.constant 0 : i32
    %dma_wait3A_930 = tpu.memref_slice %arg6[%add3A_920, %dma_wait3A_922, %select_n3A_288, %dma_wait3A_929] : memref<200x8x32x1024xf32, #tpu.memory_space<hbm>> -> memref<1x1x1x1024xf32, #tpu.memory_space<hbm>>
    %dma_wait3A_931 = tpu.memref_squeeze %dma_wait3A_930 : memref<1x1x1x1024xf32, #tpu.memory_space<hbm>> -> memref<1024xf32, #tpu.memory_space<hbm>>
    %dma_wait3A_932 = arith.constant 5120 : i32
    %dma_wait3A_933 = tpu.memref_slice %arg13[%dma_wait3A_921, %dma_wait3A_932] : memref<4x8192xf32, #tpu.memory_space<vmem>> -> memref<1x1024xf32, #tpu.memory_space<vmem>>
    %dma_wait3A_934 = tpu.memref_squeeze %dma_wait3A_933 : memref<1x1024xf32, #tpu.memory_space<vmem>> -> memref<1024xf32, #tpu.memory_space<vmem>>
    tpu.wait_dma2 semaphore(%arg20 : memref<!tpu.dma_semaphore, #tpu.memory_space<semaphore_mem>>) src(%dma_wait3A_934 : memref<1024xf32, #tpu.memory_space<vmem>>) dst(%dma_wait3A_931 : memref<1024xf32, #tpu.memory_space<hbm>>)
    %mul3A_935 = arith.constant 8 : i32
    %mul3A_936 = arith.muli %select_n3A_248, %mul3A_935 : i32
    %mul3A_937 = arith.constant 4 : i32
    %mul3A_938 = arith.muli %mul3A_937, %select_n3A_304 : i32
    %add3A_939 = arith.addi %mul3A_936, %mul3A_938 : i32
    %add3A_940 = arith.constant 3 : i32
    %add3A_941 = arith.addi %add3A_939, %add3A_940 : i32
    %dma_wait3A_942 = arith.constant 3 : i32
    %dma_wait3A_943 = arith.constant 6 : i32
    %dma_wait3A_944 = arith.constant 6144 : i32
    %dma_wait3A_945 = tpu.memref_slice %arg13[%dma_wait3A_942, %dma_wait3A_944] : memref<4x8192xf32, #tpu.memory_space<vmem>> -> memref<1x1024xf32, #tpu.memory_space<vmem>>
    %dma_wait3A_946 = tpu.memref_squeeze %dma_wait3A_945 : memref<1x1024xf32, #tpu.memory_space<vmem>> -> memref<1024xf32, #tpu.memory_space<vmem>>
    %dma_wait3A_947 = arith.constant 0 : i32
    %dma_wait3A_948 = tpu.memref_slice %arg6[%add3A_941, %dma_wait3A_943, %select_n3A_288, %dma_wait3A_947] : memref<200x8x32x1024xf32, #tpu.memory_space<hbm>> -> memref<1x1x1x1024xf32, #tpu.memory_space<hbm>>
    %dma_wait3A_949 = tpu.memref_squeeze %dma_wait3A_948 : memref<1x1x1x1024xf32, #tpu.memory_space<hbm>> -> memref<1024xf32, #tpu.memory_space<hbm>>
    %dma_wait3A_950 = arith.constant 0 : i32
    %dma_wait3A_951 = tpu.memref_slice %arg6[%add3A_941, %dma_wait3A_943, %select_n3A_288, %dma_wait3A_950] : memref<200x8x32x1024xf32, #tpu.memory_space<hbm>> -> memref<1x1x1x1024xf32, #tpu.memory_space<hbm>>
    %dma_wait3A_952 = tpu.memref_squeeze %dma_wait3A_951 : memref<1x1x1x1024xf32, #tpu.memory_space<hbm>> -> memref<1024xf32, #tpu.memory_space<hbm>>
    %dma_wait3A_953 = arith.constant 6144 : i32
    %dma_wait3A_954 = tpu.memref_slice %arg13[%dma_wait3A_942, %dma_wait3A_953] : memref<4x8192xf32, #tpu.memory_space<vmem>> -> memref<1x1024xf32, #tpu.memory_space<vmem>>
    %dma_wait3A_955 = tpu.memref_squeeze %dma_wait3A_954 : memref<1x1024xf32, #tpu.memory_space<vmem>> -> memref<1024xf32, #tpu.memory_space<vmem>>
    tpu.wait_dma2 semaphore(%arg20 : memref<!tpu.dma_semaphore, #tpu.memory_space<semaphore_mem>>) src(%dma_wait3A_955 : memref<1024xf32, #tpu.memory_space<vmem>>) dst(%dma_wait3A_952 : memref<1024xf32, #tpu.memory_space<hbm>>)
    %mul3A_956 = arith.constant 8 : i32
    %mul3A_957 = arith.muli %select_n3A_248, %mul3A_956 : i32
    %mul3A_958 = arith.constant 4 : i32
    %mul3A_959 = arith.muli %mul3A_958, %select_n3A_304 : i32
    %add3A_960 = arith.addi %mul3A_957, %mul3A_959 : i32
    %add3A_961 = arith.constant 3 : i32
    %add3A_962 = arith.addi %add3A_960, %add3A_961 : i32
    %dma_wait3A_963 = arith.constant 3 : i32
    %dma_wait3A_964 = arith.constant 7 : i32
    %dma_wait3A_965 = arith.constant 7168 : i32
    %dma_wait3A_966 = tpu.memref_slice %arg13[%dma_wait3A_963, %dma_wait3A_965] : memref<4x8192xf32, #tpu.memory_space<vmem>> -> memref<1x1024xf32, #tpu.memory_space<vmem>>
    %dma_wait3A_967 = tpu.memref_squeeze %dma_wait3A_966 : memref<1x1024xf32, #tpu.memory_space<vmem>> -> memref<1024xf32, #tpu.memory_space<vmem>>
    %dma_wait3A_968 = arith.constant 0 : i32
    %dma_wait3A_969 = tpu.memref_slice %arg6[%add3A_962, %dma_wait3A_964, %select_n3A_288, %dma_wait3A_968] : memref<200x8x32x1024xf32, #tpu.memory_space<hbm>> -> memref<1x1x1x1024xf32, #tpu.memory_space<hbm>>
    %dma_wait3A_970 = tpu.memref_squeeze %dma_wait3A_969 : memref<1x1x1x1024xf32, #tpu.memory_space<hbm>> -> memref<1024xf32, #tpu.memory_space<hbm>>
    %dma_wait3A_971 = arith.constant 0 : i32
    %dma_wait3A_972 = tpu.memref_slice %arg6[%add3A_962, %dma_wait3A_964, %select_n3A_288, %dma_wait3A_971] : memref<200x8x32x1024xf32, #tpu.memory_space<hbm>> -> memref<1x1x1x1024xf32, #tpu.memory_space<hbm>>
    %dma_wait3A_973 = tpu.memref_squeeze %dma_wait3A_972 : memref<1x1x1x1024xf32, #tpu.memory_space<hbm>> -> memref<1024xf32, #tpu.memory_space<hbm>>
    %dma_wait3A_974 = arith.constant 7168 : i32
    %dma_wait3A_975 = tpu.memref_slice %arg13[%dma_wait3A_963, %dma_wait3A_974] : memref<4x8192xf32, #tpu.memory_space<vmem>> -> memref<1x1024xf32, #tpu.memory_space<vmem>>
    %dma_wait3A_976 = tpu.memref_squeeze %dma_wait3A_975 : memref<1x1024xf32, #tpu.memory_space<vmem>> -> memref<1024xf32, #tpu.memory_space<vmem>>
    tpu.wait_dma2 semaphore(%arg20 : memref<!tpu.dma_semaphore, #tpu.memory_space<semaphore_mem>>) src(%dma_wait3A_976 : memref<1024xf32, #tpu.memory_space<vmem>>) dst(%dma_wait3A_973 : memref<1024xf32, #tpu.memory_space<hbm>>)
    return
  }
}

</mosaic_0001>

<sc_bundles>
// kernel: kernel.3.cloned.1.call-start
scs
__scs_entry_jumppad:
0x0: {  	(pc) =	sbr.rel $0x88, $3  }
0x1: {  	(tag) =	ssettag $0x0;
	lr =	simm.s32 $0x1  }
0x2: {  	[smem:$0x3F9D] =	sst lr;
	_ =	strace $0xD0000000  }
0x3: {  	_ = 	snop  }
0x4: {  	_ = 	snop  }
0x5: {  	_ = 	snop  }
0x6: {  	_ = 	snop  }
0x7: {  	_ = 	snop  }
__scs_overlays_trampoline_lowered:
0x8: {  	[smem:$0x3FAC] =	sst s0  }
0x9: {  	[smem:$0x3FAD] =	sst s1  }
0xa: {  	[smem:$0x3FAE] =	sst s2  }
0xb: {  	[smem:$0x3FAF] =	sst s3  }
0xc: {  	[smem:$0x3FB0] =	sst s4  }
0xd: {  	[smem:$0x3FB1] =	sst s5  }
0xe: {  	[smem:$0x3FB2] =	sst s6  }
0xf: {  	[smem:$0x3FB3] =	sst s7  }
0x10: {  	[smem:$0x3FB4] =	sst s8  }
0x11: {  	[smem:$0x3FB5] =	sst s9;
	s0 =	simm.s32 @!p0 $0x0  }
0x12: {  	s1 =	sld [smem:$0x3F9B];
	s0 =	simm.s32 @p0 $0x1  }
0x13: {  	[smem:$0x3FB6] =	sst s0;
	s0 =	simm.s32 @!p1 $0x0  }
0x14: {  	s2 =	sld [smem:$0x3F9A];
	s0 =	simm.s32 @p1 $0x1  }
0x15: {  	[smem:$0x3FB7] =	sst s0;
	s0 =	simm.s32 @!p2 $0x0  }
0x16: {  	s3 =	sld [smem:$0x3FDB];
	s0 =	simm.s32 @p2 $0x1  }
0x17: {  	s4 =	simm.s32 $0x1BF5;
	[smem:$0x3FB9] =	sst s0  }
0x18: {  	s0 =	sld [smem:$0x3F9C];
	_ =	swait.ge [sflag:s4], $0x0  }
0x19: {  	s7 =	sld [smem:$0x3F9D]  }
0x1a: {  	s8 =	sadd.s32 $0xFFFFE003, lr  }
0x1b: {  	s9 =	sadd.s32 $0xFFFFFEF7, lr;
	s5 =	simm.s32 $0xFFFFFFFF;
	p2 =	slt.u32 s8, $0xFFFFF086  }
0x1c: {  	p1 =	slt.u32 s9, $0xF7A;
	s5 =	simm.s32 @!p2 $0x0  }
0x1d: {  	s5 =	simm.s32 @p1 $0x1;
	p0 =	seq.s32 s7, s2  }
0x1e: {  	s7 =	smul.u32 @!p0 $0xF7A, s2;
	p2 =	seq.s32 @!p0 s5, $0x0  }
0x1f: {  	s9 =	smul.u32 $0xF7A, s1;
	s8 =	simm.s32 @!p0 $0x1BF5;
	p2 =	por !p2, p0  }
0x20: {  	[sflag:s8] =	ssyncset.s32 @!p0 $0xFFFFF086;
	s6 =	sadd.s32 @!p0 s3, s7;
	s7 =	simm.s32 @!p0 $0x108  }
0x21: {  	s3 =	sadd.s32 s3, s9;
	s6 =	sadd.s32 @!p0 $0x88, s6;
	s7 =	simm.s32 @p2 $0x1082  }
0x22: {  	[simem:s7], [sflag:s8] =	dma.local @!p0 [hbm:s6], $0xF7A  }
0x23: {  	s9 =	sor.u32 $0xD0000000, s2;
	s6 =	simm.s32 $0x108;
	_ =	swait.ge @!p0 [sflag:s8], $0x0  }
0x24: {  	s3 =	sadd.s32 $0x88, s3;
	s6 =	simm.s32 @!p1 $0x1082;
	[sflag:s4] =	ssyncset.s32 $0xFFFFF086  }
0x25: {  	[simem:s6], [sflag:s4] =	dma.local [hbm:s3], $0xF7A  }
0x26: {  	[smem:$0x3F9D] =	sst s1;
	(tag) =	ssettag s2;
	_ =	strace s9  }
0x27: {  	s1 =	sld [smem:$0x3FAD]  }
0x28: {  	s2 =	sld [smem:$0x3FAE]  }
0x29: {  	s4 =	sld [smem:$0x3FB0]  }
0x2a: {  	p0 =	seq.s32 s5, $0x0;
	s5 =	sld [smem:$0x3FB1]  }
0x2b: {  	s6 =	sld [smem:$0x3FB2]  }
0x2c: {  	s7 =	sld [smem:$0x3FB3]  }
0x2d: {  	s3 =	simm.s32 $0x108;
	s8 =	sld [smem:$0x3FB4]  }
0x2e: {  	s3 =	simm.s32 @!p0 $0x1082;
	s9 =	sld [smem:$0x3FB5]  }
0x2f: {  	lr =	sadd.s32 s0, s3;
	s0 =	sld [smem:$0x3FAC]  }
0x30: {  	s3 =	sld [smem:$0x3FAF]  }
0x31: {  	[smem:$0x3FB8] =	sst s10  }
0x32: {  	s10 =	sld [smem:$0x3FB6];
	_ =	sdelay $0x3  }
0x33: {  	p0 =	seq.s32 s10, $0x1;
	s10 =	sld [smem:$0x3FB8];
	_ =	sdelay $0x3  }
0x34: {  	[smem:$0x3FB8] =	sst s10  }
0x35: {  	s10 =	sld [smem:$0x3FB7];
	_ =	sdelay $0x3  }
0x36: {  	p1 =	seq.s32 s10, $0x1;
	s10 =	sld [smem:$0x3FB8];
	_ =	sdelay $0x3  }
0x37: {  	[smem:$0x3FB8] =	sst s10  }
0x38: {  	s10 =	sld [smem:$0x3FB9]  }
0x39: {  	_ = 	snop;
	(pc) =	sbr.ind lr, $3  }
0x3a: {  	_ = 	snop  }
0x3b: {  	_ = 	snop  }
0x3c: {  	p2 =	seq.s32 s10, $0x1;
	s10 =	sld [smem:$0x3FB8]  }
0x3d: {  	_ =	shalt  }
0x3e: {  	_ =	shalt  }
0x3f: {  	_ =	shalt  }
0x40: {  	_ =	shalt  }
0x41: {  	_ =	shalt  }
0x42: {  	_ =	shalt  }
0x43: {  	_ =	shalt  }
0x44: {  	_ =	shalt  }
0x45: {  	_ =	shalt  }
0x46: {  	_ =	shalt  }
0x47: {  	_ =	shalt  }
0x48: {  	_ =	shalt  }
0x49: {  	_ =	shalt  }
0x4a: {  	_ =	shalt  }
0x4b: {  	_ =	shalt  }
0x4c: {  	_ =	shalt  }
0x4d: {  	_ =	shalt  }
0x4e: {  	_ =	shalt  }
0x4f: {  	_ =	shalt  }
0x50: {  	_ =	shalt  }
0x51: {  	_ =	shalt  }
0x52: {  	_ =	shalt  }
0x53: {  	_ =	shalt  }
0x54: {  	_ =	shalt  }
0x55: {  	_ =	shalt  }
0x56: {  	_ =	shalt  }
0x57: {  	_ =	shalt  }
0x58: {  	_ =	shalt  }
0x59: {  	_ =	shalt  }
0x5a: {  	_ =	shalt  }
0x5b: {  	_ =	shalt  }
0x5c: {  	_ =	shalt  }
0x5d: {  	_ =	shalt  }
0x5e: {  	_ =	shalt  }
0x5f: {  	_ =	shalt  }
0x60: {  	_ =	shalt  }
0x61: {  	_ =	shalt  }
0x62: {  	_ =	shalt  }
0x63: {  	_ =	shalt  }
0x64: {  	_ =	shalt  }
0x65: {  	_ =	shalt  }
0x66: {  	_ =	shalt  }
0x67: {  	_ =	shalt  }
0x68: {  	_ =	shalt  }
0x69: {  	_ =	shalt  }
0x6a: {  	_ =	shalt  }
0x6b: {  	_ =	shalt  }
0x6c: {  	_ =	shalt  }
0x6d: {  	_ =	shalt  }
0x6e: {  	_ =	shalt  }
0x6f: {  	_ =	shalt  }
0x70: {  	_ =	shalt  }
0x71: {  	_ =	shalt  }
0x72: {  	_ =	shalt  }
0x73: {  	_ =	shalt  }
0x74: {  	_ =	shalt  }
0x75: {  	_ =	shalt  }
0x76: {  	_ =	shalt  }
0x77: {  	_ =	shalt  }
0x78: {  	_ =	shalt  }
0x79: {  	_ =	shalt  }
0x7a: {  	_ =	shalt  }
0x7b: {  	_ =	shalt  }
0x7c: {  	_ =	shalt  }
0x7d: {  	_ =	shalt  }
0x7e: {  	_ =	shalt  }
0x7f: {  	_ =	shalt  }
0x80: {  	_ =	shalt  }
0x81: {  	_ =	shalt  }
0x82: {  	_ =	shalt  }
0x83: {  	_ =	shalt  }
0x84: {  	_ =	shalt  }
0x85: {  	_ =	shalt  }
0x86: {  	_ =	shalt  }
0x87: {  	_ =	shalt  }
.Lfunc_end0:
.L_simem_size_0:
called_computation_lowered:
.L_overlay_start_0:
0x88: {  	s2 =	sld [smem:$0x3FD9]  }
0x89: {  	s3 =	sld [smem:$0x3FFE];
	_ =	sdelay $0x1  }
0x8a: {  	s1 =	srdreg.scid  }
0x8b: {  	s0 =	sand.u32 $0x1, s1  }
0x8c: {  	s17 =	sshll.u32 s0, $0xA;
	s2 =	sadd.s32 s3, s2  }
0x8d: {  	s2 =	sadd.s32 s2, s17  }
0x8e: {  	[smem:$0x3FC4] =	sst s2  }
0x8f: {  	_ = 	snop  }
0x90: {  	s2 =	sld [smem:$0x3FC9]  }
0x91: {  	s18 =	sld [smem:$0x3FC8]  }
0x92: {  	s4 =	sld [smem:$0x3FD0];
	(tm) =	ssettm $0x1  }
0x93: {  	s5 =	sld [smem:$0x3FFB];
	_ =	sdelay $0x3  }
0x94: {  	_ =	strace s5  }
0x95: {  	s5 =	sld [smem:$0x3FFC];
	_ =	sdelay $0x3  }
0x96: {  	_ =	strace s5  }
0x97: {  	s5 =	sld [smem:$0x3FFD];
	_ =	sdelay $0x3  }
0x98: {  	_ =	strace s5  }
0x99: {  	_ =	strace $0x8FFFFFFF  }
0x9a: {  	s19 =	sld [smem:$0x3FDB];
	_ =	sdelay $0x1  }
0x9b: {  	s6 =	simm.s32 $_scs_section_size  }
0x9c: {  	s7 =	simm.s32 $_size__tile_overlayer_lowered;
	s8 =	simm.s32 $_tile_overlayer_lowered  }
0x9d: {  	s22 =	simm.s32 $0x1BFF;
	s21 =	sshll.u32 s8, $0x1;
	s5 =	sadd.s32 s6, s19  }
0x9e: {  	s9 =	simm.s32 $0x0;
	s20 =	sshll.u32 s7, $0x1;
	s7 =	sadd.s32 s21, s5  }
0x9f: {  	[timem:s9], [sflag:s22] =	dma.local [hbm:s7], s20  }
0xa0: {  	_ =	swait.ge [sflag:s22], s20  }
0xa1: {  	s6 =	ssub.s32 $0x0, s20;
	[sflag:s22] =	ssyncset.done $0x0  }
0xa2: {  	[sflag:s22] =	ssyncadd.s32 s6;
	_ =	sdelay $0x1  }
0xa3: {  	s23 =	simm.s32 $0x1B8B  }
0xa4: {  	_ =	swait.ge [sflag:s23], $0x1  }
0xa5: {  	[sflag:s23] =	ssyncset.done $0x0  }
0xa6: {  	s25 =	simm.s32 $0x1B8E;
	s24 =	sld [smem:$0x3FFE];
	[sflag:s23] =	ssyncadd.s32 $0xFFFFFFFF  }
0xa7: {  	s26 =	simm.s32 $execute0_lowered;
	[smem:$0x3FD2] =	sst s25  }
0xa8: {  	s7 =	sshll.u32 s26, $0x1;
	_ =	strace $0x80000046;
	[dreg:$0x1] =	wrdreg $0xFFFFFFFF  }
0xa9: {  	s28 =	simm.s32 $_size_execute0_lowered;
	s5 =	sadd.s32 s5, s7;
	[dreg:$0x0] =	wrdreg $0x0  }
0xaa: {  	s7 =	sshll.u32 s28, $0x1;
	[dreg:$0x2] =	wrdreg s5  }
0xab: {  	[dreg:$0x3] =	wrdreg s7  }
0xac: {  	[dreg:$0x4] =	wrdreg $0xC0  }
0xad: {  	_ =	task [dreg:s9], $0x5FFFF  }
0xae: {  	[dreg:$0x1] =	wrdreg $0xFFFFFFFF  }
0xaf: {  	[dreg:$0x0] =	wrdreg $0x60  }
0xb0: {  	[dreg:$0x2] =	wrdreg s2  }
0xb1: {  	[dreg:$0x3] =	wrdreg s18  }
0xb2: {  	[dreg:$0x4] =	wrdreg s24  }
0xb3: {  	[dreg:$0x5] =	wrdreg s4  }
0xb4: {  	[dreg:$0x6] =	wrdreg $0x9  }
0xb5: {  	_ =	task.clear_ibuf [dreg:s9], $0x7FFFF;
	_ =	strace $0x90000046  }
0xb6: {  	s29 =	simm.s32 $0x9;
	_ =	strace $0x80000048  }
0xb7: {  	_ =	swait.ge [sflag:s29], $0x1  }
0xb8: {  	[sflag:s29] =	ssyncadd.s32 $0xFFFFFFFF  }
0xb9: {  	_ =	strace $0x90000048  }
0xba: {  	_ =	sfence  }
0xbb: {  	s30 =	sld [smem:$0x0];
	_ =	sdelay $0x2  }
0xbc: {  	s31 =	sshll.u32 s1, $0xD;
	s1 =	sshrl.u32 s1, $0x2  }
0xbd: {  	s3 =	sand.u32 $0x4000, s31;
	s1 =	sadd.s32 s1, s30  }
0xbe: {  	s0 =	sor.u32 s3, s0;
	s1 =	sshll.u32 s1, $0x11  }
0xbf: {  	s0 =	sor.u32 s1, s0  }
0xc0: {  	s0 =	sadd.s32 $0x8F2B, s0  }
0xc1: {  	[sflag:s0] =	ssyncadd.remote.s32 $0x1  }
0xc2: {  	_ =	sfence.sel $0xFFFF  }
0xc3: {  	[dreg:$0x0] =	wrdreg $0xFFFFFFFF;
	(pc) =	sbr.abs _section_cstart, $3  }
0xc4: {  	[dreg:$0x1] =	wrdreg $0xFFFFFFFF  }
0xc5: {  	_ =	task.clear_ibuf [dreg:s9], $0x2FFFF;
	_ =	strace $0x9FFFFFFF  }
0xc6: {  	(tm) =	ssettm $0x7FFFFFFF  }
0xc7: {  	_ =	shalt  }
tec
execute0_lowered:
.L_overlay_start_1:
0x0: {  	(tag) =	ssettag $0x1  }
0x1: {  	s4 =	rddreg [dreg:$0x0]  }
0x2: {  	s6 =	rddreg [dreg:$0x1]  }
0x3: {  	s0 =	rddreg [dreg:$0x2]  }
0x4: {  	s10 =	rddreg [dreg:$0x3];
	s5 =	simm.s32 $0x0  }
0x5: {  	[smem:$0x7FF] =	sst s5;
	s26 =	sadd.s32 $0x1000, s10  }
0x6: {  	s11 =	sadd.s32 $0x6000, s10;
	_ =	strace $0x80000047;
	[dreg:$0xa] =	wrdreg s26  }
0x7: {  	s12 =	sadd.s32 $0x7000, s10;
	[dreg:$0xf] =	wrdreg s11  }
0x8: {  	s13 =	sadd.s32 $0x8000, s10;
	[dreg:$0x10] =	wrdreg s12  }
0x9: {  	s14 =	sadd.s32 $0x9000, s10;
	[dreg:$0x11] =	wrdreg s13  }
0xa: {  	s15 =	sadd.s32 $0xA000, s10;
	[dreg:$0x12] =	wrdreg s14  }
0xb: {  	s16 =	sadd.s32 $0xB000, s10;
	[dreg:$0x13] =	wrdreg s15  }
0xc: {  	s17 =	sadd.s32 $0xC000, s10;
	[dreg:$0x14] =	wrdreg s16  }
0xd: {  	s18 =	sadd.s32 $0xD000, s10;
	[dreg:$0x16] =	wrdreg s17  }
0xe: {  	s19 =	sadd.s32 $0xE000, s10;
	[dreg:$0x17] =	wrdreg s18  }
0xf: {  	s20 =	sadd.s32 $0xF000, s10;
	[dreg:$0x18] =	wrdreg s19  }
0x10: {  	s21 =	sadd.s32 $0x10000, s10;
	[dreg:$0x19] =	wrdreg s20  }
0x11: {  	[dreg:$0x1a] =	wrdreg s21;
	s26 =	sadd.s32 $0x15000, s10  }
0x12: {  	s11 =	sadd.s32 $0x1B000, s10;
	[dreg:$0x1f] =	wrdreg s26  }
0x13: {  	s12 =	sadd.s32 $0x1C000, s10;
	[smem:$0x7D9] =	sst s11  }
0x14: {  	s13 =	sadd.s32 $0x1D000, s10;
	[smem:$0x7DA] =	sst s12  }
0x15: {  	s14 =	sadd.s32 $0x1E000, s10;
	[smem:$0x7DB] =	sst s13  }
0x16: {  	s15 =	sadd.s32 $0x1F000, s10;
	[smem:$0x7DC] =	sst s14  }
0x17: {  	s16 =	sadd.s32 $0x20000, s10;
	[smem:$0x7DD] =	sst s15  }
0x18: {  	s17 =	sadd.s32 $0x21000, s10;
	[smem:$0x7DE] =	sst s16  }
0x19: {  	s18 =	sadd.s32 $0x22000, s10;
	[smem:$0x7DF] =	sst s17  }
0x1a: {  	s19 =	sadd.s32 $0x23000, s10;
	[smem:$0x7E0] =	sst s18  }
0x1b: {  	s20 =	sadd.s32 $0x24000, s10;
	[smem:$0x7E1] =	sst s19  }
0x1c: {  	s21 =	sadd.s32 $0x25000, s10;
	[smem:$0x7E2] =	sst s20  }
0x1d: {  	[smem:$0x7E3] =	sst s21;
	s26 =	sadd.s32 $0x2A000, s10  }
0x1e: {  	s11 =	sadd.s32 $0x30000, s10;
	[smem:$0x7E8] =	sst s26  }
0x1f: {  	s12 =	sadd.s32 $0x31000, s10;
	[smem:$0x7EE] =	sst s11  }
0x20: {  	s13 =	sadd.s32 $0x32000, s10;
	[smem:$0x7EF] =	sst s12  }
0x21: {  	s14 =	sadd.s32 $0x33000, s10;
	[smem:$0x7F0] =	sst s13  }
0x22: {  	s1 =	srdreg.scid;
	s15 =	sadd.s32 $0x34000, s10;
	[smem:$0x7F1] =	sst s14  }
0x23: {  	s2 =	stileid.u32;
	s16 =	sadd.s32 $0x35000, s10;
	[smem:$0x7F2] =	sst s15  }
0x24: {  	s1 =	sand.u32 $0x1, s1;
	s17 =	sadd.s32 $0x36000, s10;
	[smem:$0x7F3] =	sst s16  }
0x25: {  	s2 =	sshll.u32 s2, $0x1;
	s18 =	sadd.s32 $0x37000, s10;
	[smem:$0x7F4] =	sst s17  }
0x26: {  	s2 =	sor.u32 s1, s2;
	s19 =	sadd.s32 $0x38000, s10;
	[smem:$0x7F5] =	sst s18  }
0x27: {  	s1 =	ssub.s32 $0x2, s1;
	s20 =	sadd.s32 $0x39000, s10;
	[smem:$0x7F6] =	sst s19  }
0x28: {  	s9 =	smul.u32 $0x32, s2;
	s21 =	sadd.s32 $0x3A000, s10;
	[smem:$0x7F7] =	sst s20  }
0x29: {  	s3 =	sshrl.u32 s1, $0x1;
	s2 =	smul.u32 $0xC80, s2;
	[smem:$0x7F8] =	sst s21  }
0x2a: {  	s22 =	ssub.s32 s1, s3;
	s3 =	sadd.s32 $0x3000, s10;
	[dreg:$0x5] =	wrdreg s9  }
0x2b: {  	s26 =	sadd.s32 $0x3F000, s10;
	[dreg:$0xc] =	wrdreg s3  }
0x2c: {  	s7 =	sadd.s32 $0xF42A00, s0;
	s23 =	sadd.s32 s4, s2;
	[smem:$0x7FD] =	sst s26  }
0x2d: {  	s24 =	sor.u32 $0x40, s2;
	s2 =	sadd.s32 s6, s2;
	[dreg:$0x6] =	wrdreg s23  }
0x2e: {  	s8 =	sadd.s32 $0x600, s0;
	s0 =	smax.u32 s22, $0x1;
	[dreg:$0x7] =	wrdreg s2  }
0x2f: {  	s22 =	sadd.s32 $0x11000, s10;
	[dreg:$0x15] =	wrdreg s0  }
0x30: {  	s3 =	sadd.s32 $0x18000, s10;
	[dreg:$0x1b] =	wrdreg s22  }
0x31: {  	s25 =	sadd.s32 s4, s24;
	[smem:$0x7D6] =	sst s3  }
0x32: {  	s1 =	sadd.s32 s6, s24;
	[dreg:$0x8] =	wrdreg s25  }
0x33: {  	s2 =	sadd.s32 $0x2000, s10;
	[dreg:$0x9] =	wrdreg s1  }
0x34: {  	s4 =	sadd.s32 $0x4000, s10;
	[dreg:$0xb] =	wrdreg s2  }
0x35: {  	s6 =	sadd.s32 $0x5000, s10;
	[dreg:$0xd] =	wrdreg s4  }
0x36: {  	s23 =	sadd.s32 $0x12000, s10;
	[dreg:$0xe] =	wrdreg s6  }
0x37: {  	s24 =	sadd.s32 $0x13000, s10;
	[dreg:$0x1c] =	wrdreg s23  }
0x38: {  	s28 =	simm.s32 $0x5;
	s22 =	sadd.s32 $0x26000, s10;
	[dreg:$0x1d] =	wrdreg s24  }
0x39: {  	s29 =	simm.s32 $0x10800;
	s3 =	sadd.s32 $0x2D000, s10;
	[smem:$0x7E4] =	sst s22  }
0x3a: {  	s30 =	simm.s32 $0x16400;
	s25 =	sadd.s32 $0x14000, s10;
	[smem:$0x7EB] =	sst s3  }
0x3b: {  	s31 =	simm.s32 $0x16800;
	s1 =	sadd.s32 $0x16000, s10;
	[dreg:$0x1e] =	wrdreg s25  }
0x3c: {  	s17 =	simm.s32 $0x10C00;
	s2 =	sadd.s32 $0x17000, s10;
	[smem:$0x7D4] =	sst s1  }
0x3d: {  	s18 =	simm.s32 $0x15000;
	s4 =	sadd.s32 $0x19000, s10;
	[smem:$0x7D5] =	sst s2  }
0x3e: {  	s19 =	simm.s32 $0x15400;
	s6 =	sadd.s32 $0x1A000, s10;
	[smem:$0x7D7] =	sst s4  }
0x3f: {  	s20 =	simm.s32 $0x15800;
	s23 =	sadd.s32 $0x27000, s10;
	[smem:$0x7D8] =	sst s6  }
0x40: {  	s21 =	simm.s32 $0x15C00;
	s24 =	sadd.s32 $0x28000, s10;
	[smem:$0x7E5] =	sst s23  }
0x41: {  	s11 =	simm.s32 $0x17800;
	s22 =	sadd.s32 $0x3B000, s10;
	[smem:$0x7E6] =	sst s24  }
0x42: {  	s12 =	simm.s32 $0x17C00;
	s25 =	sadd.s32 $0x29000, s10;
	[smem:$0x7F9] =	sst s22  }
0x43: {  	s13 =	simm.s32 $0x18000;
	s1 =	sadd.s32 $0x2B000, s10;
	[smem:$0x7E7] =	sst s25  }
0x44: {  	s9 =	sadd.s32 $0x32, s9;
	s2 =	sadd.s32 $0x2C000, s10;
	[smem:$0x7E9] =	sst s1  }
0x45: {  	s26 =	simm.s32 $0x2;
	s4 =	sadd.s32 $0x2E000, s10;
	[smem:$0x7EA] =	sst s2  }
0x46: {  	s0 =	simm.s32 $0x17000;
	s6 =	sadd.s32 $0x2F000, s10;
	[smem:$0x7EC] =	sst s4  }
0x47: {  	s3 =	simm.s32 $0x16C00;
	s23 =	sadd.s32 $0x3C000, s10;
	[smem:$0x7ED] =	sst s6  }
0x48: {  	v0 =	vlaneseq.u32;
	s24 =	sadd.s32 $0x3D000, s10;
	s22 =	simm.s32 $0x16000;
	[smem:$0x7FA] =	sst s23  }
0x49: {  	v0 =	vmul.u32 $0x80, v0;
	[smem:$0x7FB] =	sst s24;
	s25 =	sadd.s32 $0x3E000, s10;
	s24 =	simm.s32 $0x3  }
0x4a: {  	s10 =	simm.s32 $0x17400;
	s4 =	simm.s32 $0x6;
	s1 =	simm.s32 $0x7  }
0x4b: {  	v1 =	vor.u32 $0x800, v0;
	v2 =	vor.u32 $0x1000, v0;
	v3 =	vor.u32 $0x1800, v0;
	s6 =	simm.s32 $0x0;
	[smem:$0x7FC] =	sst s25;
	s25 =	simm.s32 $0x18400  }
.LBB2_1:
0x4c: {  	[smem:$0x7D3] =	sst s6  }
0x4d: {  	s2 =	rddreg [dreg:$0x6]  }
0x4e: {  	[tilespmem:s5], [sflag:$0x1] =	stream.linear.gather [hbm4b:s2+s5], $0x200, $0x38;
	[tilespmem:$0x18800] =	vst v63  }
0x4f: {  	s15 =	rddreg [dreg:$0x7];
	s6 =	simm.s32 $0x400  }
0x50: {  	[tilespmem:s6], [sflag:$0x1] =	stream.linear.gather [hbm4b:s15+s5], $0x200, $0x38;
	[tilespmem:$0x18800] =	vst v63  }
0x51: {  	s16 =	rddreg [dreg:$0x8];
	s14 =	simm.s32 $0x200  }
0x52: {  	[tilespmem:s14], [sflag:$0x2] =	stream.linear.gather [hbm4b:s16+s5], $0x200, $0x38;
	[tilespmem:$0x18800] =	vst v63  }
0x53: {  	s23 =	rddreg [dreg:$0x9];
	s15 =	simm.s32 $0x600;
	s16 =	simm.s32 $0x1  }
0x54: {  	[tilespmem:s15], [sflag:$0x2] =	stream.linear.gather [hbm4b:s23+s5], $0x200, $0x38;
	[tilespmem:$0x18800] =	vst v63  }
0x55: {  	_ =	swait.ge [sflag:s16], $0x200  }
0x56: {  	[sflag:s16] =	ssyncset.done $0x0  }
0x57: {  	[sflag:s16] =	ssyncadd.s32 $0xFFFFFE00  }
0x58: {  	_ =	swait.ge [sflag:s16], $0x200  }
0x59: {  	[sflag:s16] =	ssyncset.done $0x0  }
0x5a: {  	s2 =	simm.s32 $0x0;
	s23 =	simm.s32 $0x800;
	[sflag:s16] =	ssyncadd.s32 $0xFFFFFE00  }
0x5b: {  	[tilespmem:s23], [sflag:$0x3] =	stream.indirect.gather [hbm4b:s8+s14], $0x40, s6, s14, $0xb8;
	[tilespmem:$0x18800] =	vst v63  }
.LBB2_2:
0x5c: {  	_ =	swait.ge [sflag:s24], $0x8000  }
0x5d: {  	[sflag:s24] =	ssyncset.done $0x0  }
0x5e: {  	s6 =	simm.s32 $0x200;
	s14 =	simm.s32 $0x800;
	[sflag:s24] =	ssyncadd.s32 $0xFFFF8000  }
0x5f: {  	[tilespmem:s14], [sflag:$0x5] =	stream.indirect.gather.add.f32 [hbm:s7], $0x40, s5, s6, $0xb8;
	[tilespmem:$0x18800] =	vst v63  }
0x60: {  	_ =	swait.ge [sflag:s26], $0x200  }
0x61: {  	[sflag:s26] =	ssyncset.done $0x0  }
0x62: {  	[sflag:s26] =	ssyncadd.s32 $0xFFFFFE00  }
0x63: {  	_ =	swait.ge [sflag:s26], $0x200  }
0x64: {  	s23 =	simm.s32 $0x600;
	p0 =	seq.s32 s2, $0x0;
	[sflag:s26] =	ssyncset.done $0x0  }
.Ltmp0:
0x65: {  	s15 =	simm.s32 $0x8800;
	[sflag:s26] =	ssyncadd.s32 $0xFFFFFE00;
	(pc) =	sbr.rel @p0 .LBB2_4-.Ltmp0, $4  }
0x66: {  	[tilespmem:s15], [sflag:$0x4] =	stream.indirect.gather [hbm4b:s8+s6], $0x40, s23, s6, $0xb8;
	[tilespmem:$0x18800] =	vst v63  }
0x67: {  	_ =	swait.ge [sflag:s28], $0x8000  }
0x68: {  	[sflag:s28] =	ssyncset.done $0x0  }
0x69: {  	[sflag:s28] =	ssyncadd.s32 $0xFFFF8000  }
0x6a: {  	_ =	swait.ge [sflag:s1], $0x400  }
0x6b: {  	[sflag:s1] =	ssyncset.done $0x0  }
0x6c: {  	[sflag:s1] =	ssyncadd.s32 $0xFFFFFC00  }
0x6d: {  	_ =	swait.ge [sflag:s1], $0x400  }
0x6e: {  	[sflag:s1] =	ssyncset.done $0x0  }
0x6f: {  	[sflag:s1] =	ssyncadd.s32 $0xFFFFFC00  }
0x70: {  	_ =	swait.ge [sflag:s1], $0x400  }
0x71: {  	[sflag:s1] =	ssyncset.done $0x0  }
0x72: {  	[sflag:s1] =	ssyncadd.s32 $0xFFFFFC00  }
0x73: {  	_ =	swait.ge [sflag:s1], $0x400  }
0x74: {  	[sflag:s1] =	ssyncset.done $0x0  }
0x75: {  	[sflag:s1] =	ssyncadd.s32 $0xFFFFFC00  }
0x76: {  	_ =	swait.ge [sflag:s1], $0x400  }
0x77: {  	[sflag:s1] =	ssyncset.done $0x0  }
0x78: {  	[sflag:s1] =	ssyncadd.s32 $0xFFFFFC00  }
0x79: {  	_ =	swait.ge [sflag:s1], $0x400  }
0x7a: {  	[sflag:s1] =	ssyncset.done $0x0  }
0x7b: {  	[sflag:s1] =	ssyncadd.s32 $0xFFFFFC00  }
0x7c: {  	_ =	swait.ge [sflag:s1], $0x400  }
0x7d: {  	[sflag:s1] =	ssyncset.done $0x0  }
0x7e: {  	[sflag:s1] =	ssyncadd.s32 $0xFFFFFC00  }
0x7f: {  	_ =	swait.ge [sflag:s1], $0x400  }
0x80: {  	[sflag:s1] =	ssyncset.done $0x0  }
0x81: {  	[sflag:s1] =	ssyncadd.s32 $0xFFFFFC00  }
0x82: {  	_ =	swait.ge [sflag:s1], $0x400  }
0x83: {  	[sflag:s1] =	ssyncset.done $0x0  }
0x84: {  	[sflag:s1] =	ssyncadd.s32 $0xFFFFFC00  }
0x85: {  	_ =	swait.ge [sflag:s1], $0x400  }
0x86: {  	[sflag:s1] =	ssyncset.done $0x0  }
0x87: {  	[sflag:s1] =	ssyncadd.s32 $0xFFFFFC00  }
0x88: {  	_ =	swait.ge [sflag:s1], $0x400  }
0x89: {  	[sflag:s1] =	ssyncset.done $0x0  }
0x8a: {  	[sflag:s1] =	ssyncadd.s32 $0xFFFFFC00  }
0x8b: {  	_ =	swait.ge [sflag:s1], $0x400  }
0x8c: {  	[sflag:s1] =	ssyncset.done $0x0  }
0x8d: {  	[sflag:s1] =	ssyncadd.s32 $0xFFFFFC00  }
0x8e: {  	_ =	swait.ge [sflag:s1], $0x400  }
0x8f: {  	[sflag:s1] =	ssyncset.done $0x0  }
0x90: {  	[sflag:s1] =	ssyncadd.s32 $0xFFFFFC00  }
0x91: {  	_ =	swait.ge [sflag:s1], $0x400  }
0x92: {  	[sflag:s1] =	ssyncset.done $0x0  }
0x93: {  	[sflag:s1] =	ssyncadd.s32 $0xFFFFFC00  }
0x94: {  	_ =	swait.ge [sflag:s1], $0x400  }
0x95: {  	[sflag:s1] =	ssyncset.done $0x0  }
0x96: {  	[sflag:s1] =	ssyncadd.s32 $0xFFFFFC00  }
0x97: {  	_ =	swait.ge [sflag:s1], $0x400  }
0x98: {  	[sflag:s1] =	ssyncset.done $0x0  }
0x99: {  	[sflag:s1] =	ssyncadd.s32 $0xFFFFFC00  }
0x9a: {  	_ =	swait.ge [sflag:s1], $0x400  }
0x9b: {  	[sflag:s1] =	ssyncset.done $0x0  }
0x9c: {  	[sflag:s1] =	ssyncadd.s32 $0xFFFFFC00  }
0x9d: {  	_ =	swait.ge [sflag:s1], $0x400  }
0x9e: {  	[sflag:s1] =	ssyncset.done $0x0  }
0x9f: {  	[sflag:s1] =	ssyncadd.s32 $0xFFFFFC00  }
0xa0: {  	_ =	swait.ge [sflag:s1], $0x400  }
0xa1: {  	[sflag:s1] =	ssyncset.done $0x0  }
0xa2: {  	[sflag:s1] =	ssyncadd.s32 $0xFFFFFC00  }
0xa3: {  	_ =	swait.ge [sflag:s1], $0x400  }
0xa4: {  	[sflag:s1] =	ssyncset.done $0x0  }
0xa5: {  	[sflag:s1] =	ssyncadd.s32 $0xFFFFFC00  }
0xa6: {  	_ =	swait.ge [sflag:s1], $0x400  }
0xa7: {  	[sflag:s1] =	ssyncset.done $0x0  }
0xa8: {  	[sflag:s1] =	ssyncadd.s32 $0xFFFFFC00  }
0xa9: {  	_ =	swait.ge [sflag:s1], $0x400  }
0xaa: {  	[sflag:s1] =	ssyncset.done $0x0  }
0xab: {  	[sflag:s1] =	ssyncadd.s32 $0xFFFFFC00  }
0xac: {  	_ =	swait.ge [sflag:s1], $0x400  }
0xad: {  	[sflag:s1] =	ssyncset.done $0x0  }
0xae: {  	[sflag:s1] =	ssyncadd.s32 $0xFFFFFC00  }
0xaf: {  	_ =	swait.ge [sflag:s1], $0x400  }
0xb0: {  	[sflag:s1] =	ssyncset.done $0x0  }
0xb1: {  	[sflag:s1] =	ssyncadd.s32 $0xFFFFFC00  }
0xb2: {  	_ =	swait.ge [sflag:s1], $0x400  }
0xb3: {  	[sflag:s1] =	ssyncset.done $0x0  }
0xb4: {  	[sflag:s1] =	ssyncadd.s32 $0xFFFFFC00  }
0xb5: {  	_ =	swait.ge [sflag:s1], $0x400  }
0xb6: {  	[sflag:s1] =	ssyncset.done $0x0  }
0xb7: {  	[sflag:s1] =	ssyncadd.s32 $0xFFFFFC00  }
0xb8: {  	_ =	swait.ge [sflag:s1], $0x400  }
0xb9: {  	[sflag:s1] =	ssyncset.done $0x0  }
0xba: {  	[sflag:s1] =	ssyncadd.s32 $0xFFFFFC00  }
0xbb: {  	_ =	swait.ge [sflag:s1], $0x400  }
0xbc: {  	[sflag:s1] =	ssyncset.done $0x0  }
0xbd: {  	[sflag:s1] =	ssyncadd.s32 $0xFFFFFC00  }
0xbe: {  	_ =	swait.ge [sflag:s1], $0x400  }
0xbf: {  	[sflag:s1] =	ssyncset.done $0x0  }
0xc0: {  	[sflag:s1] =	ssyncadd.s32 $0xFFFFFC00  }
0xc1: {  	_ =	swait.ge [sflag:s1], $0x400  }
0xc2: {  	[sflag:s1] =	ssyncset.done $0x0  }
0xc3: {  	[sflag:s1] =	ssyncadd.s32 $0xFFFFFC00  }
0xc4: {  	_ =	swait.ge [sflag:s1], $0x400  }
0xc5: {  	[sflag:s1] =	ssyncset.done $0x0  }
0xc6: {  	[sflag:s1] =	ssyncadd.s32 $0xFFFFFC00  }
0xc7: {  	_ =	swait.ge [sflag:s1], $0x400  }
0xc8: {  	[sflag:s1] =	ssyncset.done $0x0  }
0xc9: {  	[sflag:s1] =	ssyncadd.s32 $0xFFFFFC00  }
.LBB2_4:
0xca: {  	s6 =	simm.s32 $0x0;
	s14 =	simm.s32 $0x0  }
0xcb: {  	s6 =	sand.u32 $0x7F, s6;
	s15 =	sand.u32 $0xFFFFE000, s14  }
0xcc: {  	s14 =	simm.s32 $0x820;
	s16 =	sor.u32 s6, s15  }
0xcd: {  	v4 =	vld [tilespmem:s14+$0xFFFFFFE0];
	v5 =	vor.u32 s16, v0;
	_ =	sdelay $0x4  }
0xce: {  	[tilespmem:v5+s29+$0x0] =	vst.idx.msk $0xffff, v4  }
0xcf: {  	v5 =	vor.u32 s16, v1;
	v4 =	vld [tilespmem:s14+$0xFFFFFFF0];
	_ =	sdelay $0x4  }
0xd0: {  	[tilespmem:v5+s29+$0x0] =	vst.idx.msk $0xffff, v4  }
0xd1: {  	v5 =	vor.u32 s16, v2;
	v4 =	vld [tilespmem:s14+$0x0];
	_ =	sdelay $0x4  }
0xd2: {  	[tilespmem:v5+s29+$0x0] =	vst.idx.msk $0xffff, v4  }
0xd3: {  	v5 =	vor.u32 s16, v3;
	v4 =	vld [tilespmem:s14+$0x10]  }
0xd4: {  	s23 =	rddreg [dreg:$0x5];
	s15 =	sshll.u32 s2, $0x1  }
0xd5: {  	s6 =	sadd.s32 s23, s15  }
0xd6: {  	s15 =	simm.s32 $0x1;
	s23 =	simm.s32 $0x2;
	s16 =	simm.s32 $0x40  }
.LBB2_5:
0xd7: {  	p0 =	sne.s32 s23, $0x1FF;
	s15 =	sand.u32 $0x7F, s15;
	s16 =	sand.u32 $0xFFFFE000, s16  }
0xd8: {  	s14 =	sadd.s32 $0x40, s14;
	s16 =	sor.u32 s15, s16;
	[tilespmem:v5+s29+$0x0] =	vst.idx.msk $0xffff, v4;
	s15 =	smov.u32 s23  }
0xd9: {  	v4 =	vld [tilespmem:s14+$0xFFFFFFE0];
	v5 =	vor.u32 s16, v0;
	_ =	sdelay $0x4  }
0xda: {  	[tilespmem:v5+s29+$0x0] =	vst.idx.msk $0xffff, v4  }
0xdb: {  	v5 =	vor.u32 s16, v1;
	v4 =	vld [tilespmem:s14+$0xFFFFFFF0];
	_ =	sdelay $0x4  }
0xdc: {  	[tilespmem:v5+s29+$0x0] =	vst.idx.msk $0xffff, v4  }
0xdd: {  	v5 =	vor.u32 s16, v2;
	v4 =	vld [tilespmem:s14+$0x0];
	_ =	sdelay $0x4  }
.Ltmp1:
0xde: {  	[tilespmem:v5+s29+$0x0] =	vst.idx.msk $0xffff, v4;
	(pc) =	sbr.rel @p0 .LBB2_5-.Ltmp1, $2  }
0xdf: {  	v5 =	vor.u32 s16, v3;
	v4 =	vld [tilespmem:s14+$0x10];
	_ =	sdelay $0x2  }
0xe0: {  	s23 =	sadd.s32 $0x1, s23;
	s16 =	sshll.u32 s15, $0x6  }
0xe1: {  	_ =	sdelay $0x2  }
0xe2: {  	s15 =	sand.u32 $0x7F, s15;
	s16 =	sand.u32 $0xFFFFE000, s16  }
0xe3: {  	s14 =	sadd.s32 $0x40, s14;
	s15 =	sor.u32 s15, s16;
	[tilespmem:v5+s29+$0x0] =	vst.idx.msk $0xffff, v4  }
0xe4: {  	v4 =	vld [tilespmem:s14+$0xFFFFFFE0];
	v5 =	vor.u32 s15, v0;
	_ =	sdelay $0x4  }
0xe5: {  	[tilespmem:v5+s29+$0x0] =	vst.idx.msk $0xffff, v4  }
0xe6: {  	v5 =	vor.u32 s15, v1;
	v4 =	vld [tilespmem:s14+$0xFFFFFFF0];
	_ =	sdelay $0x4  }
0xe7: {  	[tilespmem:v5+s29+$0x0] =	vst.idx.msk $0xffff, v4  }
0xe8: {  	v5 =	vor.u32 s15, v2;
	v4 =	vld [tilespmem:s14+$0x0];
	_ =	sdelay $0x4  }
0xe9: {  	[tilespmem:v5+s29+$0x0] =	vst.idx.msk $0xffff, v4  }
0xea: {  	v5 =	vor.u32 s15, v3;
	v4 =	vld [tilespmem:s14+$0x10]  }
0xeb: {  	s16 =	sshll.u32 s6, $0x9;
	s15 =	sshll.u32 s6, $0xF  }
0xec: {  	s14 =	sand.u32 $0x7FE00000, s15;
	s15 =	sand.u32 $0x7C00, s16  }
0xed: {  	s14 =	sor.u32 s15, s14  }
0xee: {  	s23 =	rddreg [dreg:$0x3];
	s14 =	sshrl.u32 s14, $0x3  }
0xef: {  	s16 =	rddreg [dreg:$0xa];
	s15 =	sadd.s32 s23, s14;
	[tilespmem:v5+s29+$0x0] =	vst.idx.msk $0xffff, v4  }
0xf0: {  	[hbm4b:s15+s5] =	stream.linear.scatter [tilespmem:s29], [sflag:$0x7], $0x400, $0x38;
	[tilespmem:$0x18800] =	vst v63  }
0xf1: {  	s15 =	sadd.s32 s14, s16  }
0xf2: {  	[hbm4b:s15+s5] =	stream.linear.scatter [tilespmem:s17], [sflag:$0x7], $0x400, $0x38;
	[tilespmem:$0x18800] =	vst v63  }
0xf3: {  	s17 =	rddreg [dreg:$0xb]  }
0xf4: {  	s23 =	simm.s32 $0x11000;
	s15 =	sadd.s32 s14, s17;
	s17 =	rddreg [dreg:$0xc]  }
0xf5: {  	[hbm4b:s15+s5] =	stream.linear.scatter [tilespmem:s23], [sflag:$0x7], $0x400, $0x38;
	[tilespmem:$0x18800] =	vst v63  }
0xf6: {  	s15 =	sadd.s32 s14, s17;
	s23 =	simm.s32 $0x11400;
	s17 =	rddreg [dreg:$0xd]  }
0xf7: {  	[hbm4b:s15+s5] =	stream.linear.scatter [tilespmem:s23], [sflag:$0x7], $0x400, $0x38;
	[tilespmem:$0x18800] =	vst v63  }
0xf8: {  	s15 =	sadd.s32 s14, s17;
	s23 =	simm.s32 $0x11800;
	s17 =	rddreg [dreg:$0xe]  }
0xf9: {  	[hbm4b:s15+s5] =	stream.linear.scatter [tilespmem:s23], [sflag:$0x7], $0x400, $0x38;
	[tilespmem:$0x18800] =	vst v63  }
0xfa: {  	s15 =	sadd.s32 s14, s17;
	s23 =	simm.s32 $0x11C00;
	s17 =	rddreg [dreg:$0xf]  }
0xfb: {  	[hbm4b:s15+s5] =	stream.linear.scatter [tilespmem:s23], [sflag:$0x7], $0x400, $0x38;
	[tilespmem:$0x18800] =	vst v63  }
0xfc: {  	s15 =	sadd.s32 s14, s17;
	s23 =	simm.s32 $0x12000;
	s17 =	rddreg [dreg:$0x10]  }
0xfd: {  	[hbm4b:s15+s5] =	stream.linear.scatter [tilespmem:s23], [sflag:$0x7], $0x400, $0x38;
	[tilespmem:$0x18800] =	vst v63  }
0xfe: {  	s15 =	sadd.s32 s14, s17;
	s23 =	simm.s32 $0x12400;
	s17 =	rddreg [dreg:$0x11]  }
0xff: {  	[hbm4b:s15+s5] =	stream.linear.scatter [tilespmem:s23], [sflag:$0x7], $0x400, $0x38;
	[tilespmem:$0x18800] =	vst v63  }
0x100: {  	s15 =	sadd.s32 s14, s17;
	s23 =	simm.s32 $0x12800;
	s17 =	rddreg [dreg:$0x12]  }
0x101: {  	[hbm4b:s15+s5] =	stream.linear.scatter [tilespmem:s23], [sflag:$0x7], $0x400, $0x38;
	[tilespmem:$0x18800] =	vst v63  }
0x102: {  	s15 =	sadd.s32 s14, s17;
	s23 =	simm.s32 $0x12C00;
	s17 =	rddreg [dreg:$0x13]  }
0x103: {  	[hbm4b:s15+s5] =	stream.linear.scatter [tilespmem:s23], [sflag:$0x7], $0x400, $0x38;
	[tilespmem:$0x18800] =	vst v63  }
0x104: {  	s15 =	sadd.s32 s14, s17;
	s23 =	simm.s32 $0x13000;
	s17 =	rddreg [dreg:$0x14]  }
0x105: {  	[hbm4b:s15+s5] =	stream.linear.scatter [tilespmem:s23], [sflag:$0x7], $0x400, $0x38;
	[tilespmem:$0x18800] =	vst v63  }
0x106: {  	s15 =	sadd.s32 s14, s17;
	s23 =	simm.s32 $0x13400;
	s17 =	rddreg [dreg:$0x16]  }
0x107: {  	[hbm4b:s15+s5] =	stream.linear.scatter [tilespmem:s23], [sflag:$0x7], $0x400, $0x38;
	[tilespmem:$0x18800] =	vst v63  }
0x108: {  	s15 =	sadd.s32 s14, s17;
	s23 =	simm.s32 $0x13800;
	s17 =	rddreg [dreg:$0x17]  }
0x109: {  	[hbm4b:s15+s5] =	stream.linear.scatter [tilespmem:s23], [sflag:$0x7], $0x400, $0x38;
	[tilespmem:$0x18800] =	vst v63  }
0x10a: {  	s15 =	sadd.s32 s14, s17;
	s23 =	simm.s32 $0x13C00;
	s17 =	rddreg [dreg:$0x18]  }
0x10b: {  	[hbm4b:s15+s5] =	stream.linear.scatter [tilespmem:s23], [sflag:$0x7], $0x400, $0x38;
	[tilespmem:$0x18800] =	vst v63  }
0x10c: {  	s15 =	sadd.s32 s14, s17;
	s23 =	simm.s32 $0x14000;
	s17 =	rddreg [dreg:$0x19]  }
0x10d: {  	[hbm4b:s15+s5] =	stream.linear.scatter [tilespmem:s23], [sflag:$0x7], $0x400, $0x38;
	[tilespmem:$0x18800] =	vst v63  }
0x10e: {  	s15 =	sadd.s32 s14, s17;
	s23 =	simm.s32 $0x14400;
	s17 =	rddreg [dreg:$0x1a]  }
0x10f: {  	[hbm4b:s15+s5] =	stream.linear.scatter [tilespmem:s23], [sflag:$0x7], $0x400, $0x38;
	[tilespmem:$0x18800] =	vst v63  }
0x110: {  	s16 =	rddreg [dreg:$0x1b];
	s15 =	sadd.s32 s14, s17;
	s23 =	simm.s32 $0x14800  }
0x111: {  	[hbm4b:s15+s5] =	stream.linear.scatter [tilespmem:s23], [sflag:$0x7], $0x400, $0x38;
	[tilespmem:$0x18800] =	vst v63  }
0x112: {  	s23 =	rddreg [dreg:$0x1c]  }
0x113: {  	s17 =	simm.s32 $0x14C00;
	s15 =	sadd.s32 s14, s16;
	s16 =	rddreg [dreg:$0x1d]  }
0x114: {  	[hbm4b:s15+s5] =	stream.linear.scatter [tilespmem:s17], [sflag:$0x7], $0x400, $0x38;
	[tilespmem:$0x18800] =	vst v63  }
0x115: {  	s15 =	sadd.s32 s14, s23;
	s17 =	rddreg [dreg:$0x1e]  }
0x116: {  	[hbm4b:s15+s5] =	stream.linear.scatter [tilespmem:s18], [sflag:$0x7], $0x400, $0x38;
	[tilespmem:$0x18800] =	vst v63  }
0x117: {  	s23 =	rddreg [dreg:$0x1f];
	s15 =	sadd.s32 s14, s16  }
0x118: {  	[hbm4b:s15+s5] =	stream.linear.scatter [tilespmem:s19], [sflag:$0x7], $0x400, $0x38;
	[tilespmem:$0x18800] =	vst v63  }
0x119: {  	s16 =	sld [smem:$0x7D4];
	s15 =	sadd.s32 s14, s17  }
0x11a: {  	[hbm4b:s15+s5] =	stream.linear.scatter [tilespmem:s20], [sflag:$0x7], $0x400, $0x38;
	[tilespmem:$0x18800] =	vst v63  }
0x11b: {  	s17 =	sld [smem:$0x7D5];
	s15 =	sadd.s32 s14, s23  }
0x11c: {  	[hbm4b:s15+s5] =	stream.linear.scatter [tilespmem:s21], [sflag:$0x7], $0x400, $0x38;
	[tilespmem:$0x18800] =	vst v63  }
0x11d: {  	s23 =	sld [smem:$0x7D6];
	s15 =	sadd.s32 s14, s16  }
0x11e: {  	[hbm4b:s15+s5] =	stream.linear.scatter [tilespmem:s22], [sflag:$0x7], $0x400, $0x38;
	[tilespmem:$0x18800] =	vst v63  }
0x11f: {  	s16 =	sld [smem:$0x7D7];
	s15 =	sadd.s32 s14, s17  }
0x120: {  	[hbm4b:s15+s5] =	stream.linear.scatter [tilespmem:s30], [sflag:$0x7], $0x400, $0x38;
	[tilespmem:$0x18800] =	vst v63  }
0x121: {  	s17 =	sld [smem:$0x7D8];
	s15 =	sadd.s32 s14, s23  }
0x122: {  	[hbm4b:s15+s5] =	stream.linear.scatter [tilespmem:s31], [sflag:$0x7], $0x400, $0x38;
	[tilespmem:$0x18800] =	vst v63  }
0x123: {  	s23 =	sld [smem:$0x7D9];
	s15 =	sadd.s32 s14, s16  }
0x124: {  	[hbm4b:s15+s5] =	stream.linear.scatter [tilespmem:s3], [sflag:$0x7], $0x400, $0x38;
	[tilespmem:$0x18800] =	vst v63  }
0x125: {  	s16 =	sld [smem:$0x7DA];
	s15 =	sadd.s32 s14, s17  }
0x126: {  	[hbm4b:s15+s5] =	stream.linear.scatter [tilespmem:s0], [sflag:$0x7], $0x400, $0x38;
	[tilespmem:$0x18800] =	vst v63  }
0x127: {  	s17 =	sld [smem:$0x7DB];
	s15 =	sadd.s32 s14, s23  }
0x128: {  	[hbm4b:s15+s5] =	stream.linear.scatter [tilespmem:s10], [sflag:$0x7], $0x400, $0x38;
	[tilespmem:$0x18800] =	vst v63  }
0x129: {  	s23 =	sld [smem:$0x7DC];
	s15 =	sadd.s32 s14, s16  }
0x12a: {  	[hbm4b:s15+s5] =	stream.linear.scatter [tilespmem:s11], [sflag:$0x7], $0x400, $0x38;
	[tilespmem:$0x18800] =	vst v63  }
0x12b: {  	s16 =	sld [smem:$0x7DD];
	s15 =	sadd.s32 s14, s17  }
0x12c: {  	[hbm4b:s15+s5] =	stream.linear.scatter [tilespmem:s12], [sflag:$0x7], $0x400, $0x38;
	[tilespmem:$0x18800] =	vst v63  }
0x12d: {  	s15 =	sadd.s32 s14, s23  }
0x12e: {  	[hbm4b:s15+s5] =	stream.linear.scatter [tilespmem:s13], [sflag:$0x7], $0x400, $0x38;
	[tilespmem:$0x18800] =	vst v63  }
0x12f: {  	s15 =	sadd.s32 s14, s16  }
0x130: {  	[hbm4b:s15+s5] =	stream.linear.scatter [tilespmem:s25], [sflag:$0x7], $0x400, $0x38;
	[tilespmem:$0x18800] =	vst v63  }
0x131: {  	s15 =	sadd.s32 $0x2, s6  }
0x132: {  	p0 =	sge.u32 s15, s9  }
0x133: {  	s16 =	simm.s32 @p0 $0x4  }
0x134: {  	_ =	swait.ge @p0 [sflag:s16], $0x8000  }
0x135: {  	s17 =	simm.s32 @p0 $0x8800;
	[sflag:s16] =	ssyncset.done @p0 $0x0  }
0x136: {  	s15 =	sshll.u32 @!p0 s15, $0x6;
	[sflag:s16] =	ssyncadd.s32 @p0 $0xFFFF8000;
	s16 =	simm.s32 @p0 $0x200  }
0x137: {  	[tilespmem:s17], [sflag:$0x6] =	stream.indirect.gather.add.f32 @p0 [hbm:s7], $0x40, s16, s16, $0xb8;
	[tilespmem:$0x18800] =	vst v63  }
0x138: {  	s15 =	sand.u32 @!p0 $0xFFFFF80, s15;
	s16 =	rddreg [dreg:$0x0]  }
0x139: {  	s17 =	simm.s32 @!p0 $0x0;
	s16 =	sadd.s32 @!p0 s16, s15  }
0x13a: {  	[tilespmem:s17], [sflag:$0x1] =	stream.linear.gather @!p0 [hbm4b:s16+s17], $0x200, $0x38;
	[tilespmem:$0x18800] =	vst v63  }
0x13b: {  	s16 =	rddreg [dreg:$0x1]  }
0x13c: {  	s15 =	sadd.s32 @!p0 s16, s15;
	s16 =	simm.s32 @!p0 $0x400  }
0x13d: {  	[tilespmem:s16], [sflag:$0x1] =	stream.linear.gather @!p0 [hbm4b:s15+s17], $0x200, $0x38;
	[tilespmem:$0x18800] =	vst v63  }
0x13e: {  	s15 =	simm.s32 @!p0 $0x4  }
0x13f: {  	_ =	swait.ge @!p0 [sflag:s15], $0x8000  }
0x140: {  	[sflag:s15] =	ssyncset.done @!p0 $0x0  }
0x141: {  	s17 =	simm.s32 @!p0 $0x8800;
	[sflag:s15] =	ssyncadd.s32 @!p0 $0xFFFF8000;
	s15 =	simm.s32 @!p0 $0x200  }
0x142: {  	[tilespmem:s17], [sflag:$0x6] =	stream.indirect.gather.add.f32 @!p0 [hbm:s7], $0x40, s15, s15, $0xb8;
	[tilespmem:$0x18800] =	vst v63  }
0x143: {  	s17 =	simm.s32 @!p0 $0x1  }
0x144: {  	_ =	swait.ge @!p0 [sflag:s17], $0x200  }
0x145: {  	[sflag:s17] =	ssyncset.done @!p0 $0x0  }
0x146: {  	[sflag:s17] =	ssyncadd.s32 @!p0 $0xFFFFFE00  }
0x147: {  	_ =	swait.ge @!p0 [sflag:s17], $0x200  }
0x148: {  	[sflag:s17] =	ssyncset.done @!p0 $0x0  }
0x149: {  	[sflag:s17] =	ssyncadd.s32 @!p0 $0xFFFFFE00;
	s17 =	simm.s32 @!p0 $0x800  }
0x14a: {  	[tilespmem:s17], [sflag:$0x3] =	stream.indirect.gather @!p0 [hbm4b:s8+s15], $0x40, s16, s15, $0xb8;
	[tilespmem:$0x18800] =	vst v63  }
0x14b: {  	_ =	swait.ge [sflag:s4], $0x8000  }
0x14c: {  	[sflag:s4] =	ssyncset.done $0x0  }
0x14d: {  	[sflag:s4] =	ssyncadd.s32 $0xFFFF8000  }
0x14e: {  	_ =	swait.ge [sflag:s1], $0x400  }
0x14f: {  	[sflag:s1] =	ssyncset.done $0x0  }
0x150: {  	[sflag:s1] =	ssyncadd.s32 $0xFFFFFC00  }
0x151: {  	_ =	swait.ge [sflag:s1], $0x400  }
0x152: {  	[sflag:s1] =	ssyncset.done $0x0  }
0x153: {  	[sflag:s1] =	ssyncadd.s32 $0xFFFFFC00  }
0x154: {  	_ =	swait.ge [sflag:s1], $0x400  }
0x155: {  	[sflag:s1] =	ssyncset.done $0x0  }
0x156: {  	[sflag:s1] =	ssyncadd.s32 $0xFFFFFC00  }
0x157: {  	_ =	swait.ge [sflag:s1], $0x400  }
0x158: {  	[sflag:s1] =	ssyncset.done $0x0  }
0x159: {  	[sflag:s1] =	ssyncadd.s32 $0xFFFFFC00  }
0x15a: {  	_ =	swait.ge [sflag:s1], $0x400  }
0x15b: {  	[sflag:s1] =	ssyncset.done $0x0  }
0x15c: {  	[sflag:s1] =	ssyncadd.s32 $0xFFFFFC00  }
0x15d: {  	_ =	swait.ge [sflag:s1], $0x400  }
0x15e: {  	[sflag:s1] =	ssyncset.done $0x0  }
0x15f: {  	[sflag:s1] =	ssyncadd.s32 $0xFFFFFC00  }
0x160: {  	_ =	swait.ge [sflag:s1], $0x400  }
0x161: {  	[sflag:s1] =	ssyncset.done $0x0  }
0x162: {  	[sflag:s1] =	ssyncadd.s32 $0xFFFFFC00  }
0x163: {  	_ =	swait.ge [sflag:s1], $0x400  }
0x164: {  	[sflag:s1] =	ssyncset.done $0x0  }
0x165: {  	[sflag:s1] =	ssyncadd.s32 $0xFFFFFC00  }
0x166: {  	_ =	swait.ge [sflag:s1], $0x400  }
0x167: {  	[sflag:s1] =	ssyncset.done $0x0  }
0x168: {  	[sflag:s1] =	ssyncadd.s32 $0xFFFFFC00  }
0x169: {  	_ =	swait.ge [sflag:s1], $0x400  }
0x16a: {  	[sflag:s1] =	ssyncset.done $0x0  }
0x16b: {  	[sflag:s1] =	ssyncadd.s32 $0xFFFFFC00  }
0x16c: {  	_ =	swait.ge [sflag:s1], $0x400  }
0x16d: {  	[sflag:s1] =	ssyncset.done $0x0  }
0x16e: {  	[sflag:s1] =	ssyncadd.s32 $0xFFFFFC00  }
0x16f: {  	_ =	swait.ge [sflag:s1], $0x400  }
0x170: {  	[sflag:s1] =	ssyncset.done $0x0  }
0x171: {  	[sflag:s1] =	ssyncadd.s32 $0xFFFFFC00  }
0x172: {  	_ =	swait.ge [sflag:s1], $0x400  }
0x173: {  	[sflag:s1] =	ssyncset.done $0x0  }
0x174: {  	[sflag:s1] =	ssyncadd.s32 $0xFFFFFC00  }
0x175: {  	_ =	swait.ge [sflag:s1], $0x400  }
0x176: {  	[sflag:s1] =	ssyncset.done $0x0  }
0x177: {  	[sflag:s1] =	ssyncadd.s32 $0xFFFFFC00  }
0x178: {  	_ =	swait.ge [sflag:s1], $0x400  }
0x179: {  	[sflag:s1] =	ssyncset.done $0x0  }
0x17a: {  	[sflag:s1] =	ssyncadd.s32 $0xFFFFFC00  }
0x17b: {  	_ =	swait.ge [sflag:s1], $0x400  }
0x17c: {  	[sflag:s1] =	ssyncset.done $0x0  }
0x17d: {  	[sflag:s1] =	ssyncadd.s32 $0xFFFFFC00  }
0x17e: {  	_ =	swait.ge [sflag:s1], $0x400  }
0x17f: {  	[sflag:s1] =	ssyncset.done $0x0  }
0x180: {  	[sflag:s1] =	ssyncadd.s32 $0xFFFFFC00  }
0x181: {  	_ =	swait.ge [sflag:s1], $0x400  }
0x182: {  	[sflag:s1] =	ssyncset.done $0x0  }
0x183: {  	[sflag:s1] =	ssyncadd.s32 $0xFFFFFC00  }
0x184: {  	_ =	swait.ge [sflag:s1], $0x400  }
0x185: {  	[sflag:s1] =	ssyncset.done $0x0  }
0x186: {  	[sflag:s1] =	ssyncadd.s32 $0xFFFFFC00  }
0x187: {  	_ =	swait.ge [sflag:s1], $0x400  }
0x188: {  	[sflag:s1] =	ssyncset.done $0x0  }
0x189: {  	[sflag:s1] =	ssyncadd.s32 $0xFFFFFC00  }
0x18a: {  	_ =	swait.ge [sflag:s1], $0x400  }
0x18b: {  	[sflag:s1] =	ssyncset.done $0x0  }
0x18c: {  	[sflag:s1] =	ssyncadd.s32 $0xFFFFFC00  }
0x18d: {  	_ =	swait.ge [sflag:s1], $0x400  }
0x18e: {  	[sflag:s1] =	ssyncset.done $0x0  }
0x18f: {  	[sflag:s1] =	ssyncadd.s32 $0xFFFFFC00  }
0x190: {  	_ =	swait.ge [sflag:s1], $0x400  }
0x191: {  	[sflag:s1] =	ssyncset.done $0x0  }
0x192: {  	[sflag:s1] =	ssyncadd.s32 $0xFFFFFC00  }
0x193: {  	_ =	swait.ge [sflag:s1], $0x400  }
0x194: {  	[sflag:s1] =	ssyncset.done $0x0  }
0x195: {  	[sflag:s1] =	ssyncadd.s32 $0xFFFFFC00  }
0x196: {  	_ =	swait.ge [sflag:s1], $0x400  }
0x197: {  	[sflag:s1] =	ssyncset.done $0x0  }
0x198: {  	[sflag:s1] =	ssyncadd.s32 $0xFFFFFC00  }
0x199: {  	_ =	swait.ge [sflag:s1], $0x400  }
0x19a: {  	[sflag:s1] =	ssyncset.done $0x0  }
0x19b: {  	[sflag:s1] =	ssyncadd.s32 $0xFFFFFC00  }
0x19c: {  	_ =	swait.ge [sflag:s1], $0x400  }
0x19d: {  	[sflag:s1] =	ssyncset.done $0x0  }
0x19e: {  	[sflag:s1] =	ssyncadd.s32 $0xFFFFFC00  }
0x19f: {  	_ =	swait.ge [sflag:s1], $0x400  }
0x1a0: {  	[sflag:s1] =	ssyncset.done $0x0  }
0x1a1: {  	[sflag:s1] =	ssyncadd.s32 $0xFFFFFC00  }
0x1a2: {  	_ =	swait.ge [sflag:s1], $0x400  }
0x1a3: {  	[sflag:s1] =	ssyncset.done $0x0  }
0x1a4: {  	[sflag:s1] =	ssyncadd.s32 $0xFFFFFC00  }
0x1a5: {  	_ =	swait.ge [sflag:s1], $0x400  }
0x1a6: {  	[sflag:s1] =	ssyncset.done $0x0  }
0x1a7: {  	[sflag:s1] =	ssyncadd.s32 $0xFFFFFC00  }
0x1a8: {  	_ =	swait.ge [sflag:s1], $0x400  }
0x1a9: {  	[sflag:s1] =	ssyncset.done $0x0  }
0x1aa: {  	[sflag:s1] =	ssyncadd.s32 $0xFFFFFC00  }
0x1ab: {  	s23 =	simm.s32 $0x0;
	s17 =	simm.s32 $0x0;
	_ =	swait.ge [sflag:s1], $0x400  }
0x1ac: {  	s16 =	sand.u32 $0xFFFFE000, s23;
	s15 =	sand.u32 $0x7F, s17;
	[sflag:s1] =	ssyncset.done $0x0  }
0x1ad: {  	s23 =	simm.s32 $0x8820;
	s15 =	sor.u32 s15, s16;
	[sflag:s1] =	ssyncadd.s32 $0xFFFFFC00  }
0x1ae: {  	v5 =	vor.u32 s15, v0;
	v4 =	vld [tilespmem:s23+$0xFFFFFFE0];
	_ =	sdelay $0x4  }
0x1af: {  	[tilespmem:v5+s29+$0x0] =	vst.idx.msk $0xffff, v4  }
0x1b0: {  	v5 =	vor.u32 s15, v1;
	v4 =	vld [tilespmem:s23+$0xFFFFFFF0];
	_ =	sdelay $0x4  }
0x1b1: {  	[tilespmem:v5+s29+$0x0] =	vst.idx.msk $0xffff, v4  }
0x1b2: {  	v5 =	vor.u32 s15, v2;
	v4 =	vld [tilespmem:s23+$0x0];
	_ =	sdelay $0x4  }
0x1b3: {  	[tilespmem:v5+s29+$0x0] =	vst.idx.msk $0xffff, v4  }
0x1b4: {  	v5 =	vor.u32 s15, v3;
	v4 =	vld [tilespmem:s23+$0x10];
	_ =	sdelay $0x2  }
0x1b5: {  	s17 =	simm.s32 $0x40;
	s16 =	simm.s32 $0x1;
	s15 =	simm.s32 $0x2  }
.LBB2_7:
0x1b6: {  	p0 =	sne.s32 s15, $0x1FF;
	s16 =	sand.u32 $0x7F, s16;
	s17 =	sand.u32 $0xFFFFE000, s17  }
0x1b7: {  	s23 =	sadd.s32 $0x40, s23;
	s17 =	sor.u32 s16, s17;
	[tilespmem:v5+s29+$0x0] =	vst.idx.msk $0xffff, v4;
	s16 =	smov.u32 s15  }
0x1b8: {  	v4 =	vld [tilespmem:s23+$0xFFFFFFE0];
	v5 =	vor.u32 s17, v0;
	_ =	sdelay $0x4  }
0x1b9: {  	[tilespmem:v5+s29+$0x0] =	vst.idx.msk $0xffff, v4  }
0x1ba: {  	v5 =	vor.u32 s17, v1;
	v4 =	vld [tilespmem:s23+$0xFFFFFFF0];
	_ =	sdelay $0x4  }
0x1bb: {  	[tilespmem:v5+s29+$0x0] =	vst.idx.msk $0xffff, v4  }
0x1bc: {  	v5 =	vor.u32 s17, v2;
	v4 =	vld [tilespmem:s23+$0x0];
	_ =	sdelay $0x4  }
.Ltmp2:
0x1bd: {  	[tilespmem:v5+s29+$0x0] =	vst.idx.msk $0xffff, v4;
	(pc) =	sbr.rel @p0 .LBB2_7-.Ltmp2, $2  }
0x1be: {  	v5 =	vor.u32 s17, v3;
	v4 =	vld [tilespmem:s23+$0x10];
	_ =	sdelay $0x2  }
0x1bf: {  	s15 =	sadd.s32 $0x1, s15;
	s17 =	sshll.u32 s16, $0x6  }
0x1c0: {  	_ =	sdelay $0x2  }
0x1c1: {  	s15 =	sand.u32 $0x7F, s16;
	s17 =	sand.u32 $0xFFFFE000, s17  }
0x1c2: {  	s23 =	sadd.s32 $0x40, s23;
	s15 =	sor.u32 s15, s17;
	[tilespmem:v5+s29+$0x0] =	vst.idx.msk $0xffff, v4  }
0x1c3: {  	v4 =	vld [tilespmem:s23+$0xFFFFFFE0];
	v5 =	vor.u32 s15, v0;
	_ =	sdelay $0x4  }
0x1c4: {  	[tilespmem:v5+s29+$0x0] =	vst.idx.msk $0xffff, v4  }
0x1c5: {  	v5 =	vor.u32 s15, v1;
	v4 =	vld [tilespmem:s23+$0xFFFFFFF0];
	_ =	sdelay $0x4  }
0x1c6: {  	[tilespmem:v5+s29+$0x0] =	vst.idx.msk $0xffff, v4  }
0x1c7: {  	v5 =	vor.u32 s15, v2;
	v4 =	vld [tilespmem:s23+$0x0];
	_ =	sdelay $0x4  }
0x1c8: {  	[tilespmem:v5+s29+$0x0] =	vst.idx.msk $0xffff, v4  }
0x1c9: {  	v5 =	vor.u32 s15, v3;
	v4 =	vld [tilespmem:s23+$0x10];
	_ =	sdelay $0x1  }
0x1ca: {  	s17 =	sld [smem:$0x7DE];
	_ =	sdelay $0x1  }
0x1cb: {  	s23 =	sld [smem:$0x7DF]  }
0x1cc: {  	s16 =	sld [smem:$0x7E0];
	s15 =	sadd.s32 s14, s17;
	[tilespmem:v5+s29+$0x0] =	vst.idx.msk $0xffff, v4  }
0x1cd: {  	[hbm4b:s15+s5] =	stream.linear.scatter [tilespmem:s29], [sflag:$0x7], $0x400, $0x38;
	[tilespmem:$0x18800] =	vst v63  }
0x1ce: {  	s17 =	simm.s32 $0x10C00;
	s15 =	sadd.s32 s14, s23  }
0x1cf: {  	[hbm4b:s15+s5] =	stream.linear.scatter [tilespmem:s17], [sflag:$0x7], $0x400, $0x38;
	[tilespmem:$0x18800] =	vst v63  }
0x1d0: {  	s15 =	sadd.s32 s14, s16;
	s16 =	sld [smem:$0x7E1]  }
0x1d1: {  	s23 =	simm.s32 $0x11000  }
0x1d2: {  	[hbm4b:s15+s5] =	stream.linear.scatter [tilespmem:s23], [sflag:$0x7], $0x400, $0x38;
	[tilespmem:$0x18800] =	vst v63  }
0x1d3: {  	s15 =	sadd.s32 s14, s16;
	s16 =	sld [smem:$0x7E2]  }
0x1d4: {  	s23 =	simm.s32 $0x11400  }
0x1d5: {  	[hbm4b:s15+s5] =	stream.linear.scatter [tilespmem:s23], [sflag:$0x7], $0x400, $0x38;
	[tilespmem:$0x18800] =	vst v63  }
0x1d6: {  	s15 =	sadd.s32 s14, s16;
	s16 =	sld [smem:$0x7E3]  }
0x1d7: {  	s23 =	simm.s32 $0x11800  }
0x1d8: {  	[hbm4b:s15+s5] =	stream.linear.scatter [tilespmem:s23], [sflag:$0x7], $0x400, $0x38;
	[tilespmem:$0x18800] =	vst v63  }
0x1d9: {  	s15 =	sadd.s32 s14, s16;
	s16 =	sld [smem:$0x7E4]  }
0x1da: {  	s23 =	simm.s32 $0x11C00  }
0x1db: {  	[hbm4b:s15+s5] =	stream.linear.scatter [tilespmem:s23], [sflag:$0x7], $0x400, $0x38;
	[tilespmem:$0x18800] =	vst v63  }
0x1dc: {  	s15 =	sadd.s32 s14, s16;
	s16 =	sld [smem:$0x7E5]  }
0x1dd: {  	s23 =	simm.s32 $0x12000  }
0x1de: {  	[hbm4b:s15+s5] =	stream.linear.scatter [tilespmem:s23], [sflag:$0x7], $0x400, $0x38;
	[tilespmem:$0x18800] =	vst v63  }
0x1df: {  	s15 =	sadd.s32 s14, s16;
	s16 =	sld [smem:$0x7E6]  }
0x1e0: {  	s23 =	simm.s32 $0x12400  }
0x1e1: {  	[hbm4b:s15+s5] =	stream.linear.scatter [tilespmem:s23], [sflag:$0x7], $0x400, $0x38;
	[tilespmem:$0x18800] =	vst v63  }
0x1e2: {  	s15 =	sadd.s32 s14, s16;
	s16 =	sld [smem:$0x7E7]  }
0x1e3: {  	s23 =	simm.s32 $0x12800  }
0x1e4: {  	[hbm4b:s15+s5] =	stream.linear.scatter [tilespmem:s23], [sflag:$0x7], $0x400, $0x38;
	[tilespmem:$0x18800] =	vst v63  }
0x1e5: {  	s15 =	sadd.s32 s14, s16;
	s16 =	sld [smem:$0x7E8]  }
0x1e6: {  	s23 =	simm.s32 $0x12C00  }
0x1e7: {  	[hbm4b:s15+s5] =	stream.linear.scatter [tilespmem:s23], [sflag:$0x7], $0x400, $0x38;
	[tilespmem:$0x18800] =	vst v63  }
0x1e8: {  	s15 =	sadd.s32 s14, s16;
	s16 =	sld [smem:$0x7E9]  }
0x1e9: {  	s23 =	simm.s32 $0x13000  }
0x1ea: {  	[hbm4b:s15+s5] =	stream.linear.scatter [tilespmem:s23], [sflag:$0x7], $0x400, $0x38;
	[tilespmem:$0x18800] =	vst v63  }
0x1eb: {  	s15 =	sadd.s32 s14, s16;
	s16 =	sld [smem:$0x7EA]  }
0x1ec: {  	s23 =	simm.s32 $0x13400  }
0x1ed: {  	[hbm4b:s15+s5] =	stream.linear.scatter [tilespmem:s23], [sflag:$0x7], $0x400, $0x38;
	[tilespmem:$0x18800] =	vst v63  }
0x1ee: {  	s15 =	sadd.s32 s14, s16;
	s16 =	sld [smem:$0x7EB]  }
0x1ef: {  	s23 =	simm.s32 $0x13800  }
0x1f0: {  	[hbm4b:s15+s5] =	stream.linear.scatter [tilespmem:s23], [sflag:$0x7], $0x400, $0x38;
	[tilespmem:$0x18800] =	vst v63  }
0x1f1: {  	s15 =	sadd.s32 s14, s16;
	s16 =	sld [smem:$0x7EC]  }
0x1f2: {  	s23 =	simm.s32 $0x13C00  }
0x1f3: {  	[hbm4b:s15+s5] =	stream.linear.scatter [tilespmem:s23], [sflag:$0x7], $0x400, $0x38;
	[tilespmem:$0x18800] =	vst v63  }
0x1f4: {  	s15 =	sadd.s32 s14, s16;
	s16 =	sld [smem:$0x7ED]  }
0x1f5: {  	s23 =	simm.s32 $0x14000  }
0x1f6: {  	[hbm4b:s15+s5] =	stream.linear.scatter [tilespmem:s23], [sflag:$0x7], $0x400, $0x38;
	[tilespmem:$0x18800] =	vst v63  }
0x1f7: {  	s15 =	sadd.s32 s14, s16;
	s16 =	sld [smem:$0x7EE]  }
0x1f8: {  	s23 =	simm.s32 $0x14400  }
0x1f9: {  	[hbm4b:s15+s5] =	stream.linear.scatter [tilespmem:s23], [sflag:$0x7], $0x400, $0x38;
	[tilespmem:$0x18800] =	vst v63  }
0x1fa: {  	s15 =	sadd.s32 s14, s16;
	s16 =	sld [smem:$0x7EF]  }
0x1fb: {  	s23 =	simm.s32 $0x14800  }
0x1fc: {  	[hbm4b:s15+s5] =	stream.linear.scatter [tilespmem:s23], [sflag:$0x7], $0x400, $0x38;
	[tilespmem:$0x18800] =	vst v63  }
0x1fd: {  	s23 =	simm.s32 $0x14C00;
	s15 =	sadd.s32 s14, s16  }
0x1fe: {  	[hbm4b:s15+s5] =	stream.linear.scatter [tilespmem:s23], [sflag:$0x7], $0x400, $0x38;
	[tilespmem:$0x18800] =	vst v63  }
0x1ff: {  	s23 =	sld [smem:$0x7F0];
	_ =	sdelay $0x1  }
0x200: {  	s16 =	sld [smem:$0x7F1]  }
0x201: {  	s15 =	sadd.s32 s14, s23;
	s23 =	sld [smem:$0x7F2]  }
0x202: {  	[hbm4b:s15+s5] =	stream.linear.scatter [tilespmem:s18], [sflag:$0x7], $0x400, $0x38;
	[tilespmem:$0x18800] =	vst v63  }
0x203: {  	s15 =	sadd.s32 s14, s16;
	s16 =	sld [smem:$0x7F3]  }
0x204: {  	[hbm4b:s15+s5] =	stream.linear.scatter [tilespmem:s19], [sflag:$0x7], $0x400, $0x38;
	[tilespmem:$0x18800] =	vst v63  }
0x205: {  	s15 =	sadd.s32 s14, s23;
	s23 =	sld [smem:$0x7F4]  }
0x206: {  	[hbm4b:s15+s5] =	stream.linear.scatter [tilespmem:s20], [sflag:$0x7], $0x400, $0x38;
	[tilespmem:$0x18800] =	vst v63  }
0x207: {  	s15 =	sadd.s32 s14, s16;
	s16 =	sld [smem:$0x7F5]  }
0x208: {  	[hbm4b:s15+s5] =	stream.linear.scatter [tilespmem:s21], [sflag:$0x7], $0x400, $0x38;
	[tilespmem:$0x18800] =	vst v63  }
0x209: {  	s15 =	sadd.s32 s14, s23;
	s23 =	sld [smem:$0x7F6]  }
0x20a: {  	[hbm4b:s15+s5] =	stream.linear.scatter [tilespmem:s22], [sflag:$0x7], $0x400, $0x38;
	[tilespmem:$0x18800] =	vst v63  }
0x20b: {  	s15 =	sadd.s32 s14, s16;
	s16 =	sld [smem:$0x7F7]  }
0x20c: {  	[hbm4b:s15+s5] =	stream.linear.scatter [tilespmem:s30], [sflag:$0x7], $0x400, $0x38;
	[tilespmem:$0x18800] =	vst v63  }
0x20d: {  	s15 =	sadd.s32 s14, s23;
	s23 =	sld [smem:$0x7F8]  }
0x20e: {  	[hbm4b:s15+s5] =	stream.linear.scatter [tilespmem:s31], [sflag:$0x7], $0x400, $0x38;
	[tilespmem:$0x18800] =	vst v63  }
0x20f: {  	s15 =	sadd.s32 s14, s16;
	s16 =	sld [smem:$0x7F9]  }
0x210: {  	[hbm4b:s15+s5] =	stream.linear.scatter [tilespmem:s3], [sflag:$0x7], $0x400, $0x38;
	[tilespmem:$0x18800] =	vst v63  }
0x211: {  	s15 =	sadd.s32 s14, s23;
	s23 =	sld [smem:$0x7FA]  }
0x212: {  	[hbm4b:s15+s5] =	stream.linear.scatter [tilespmem:s0], [sflag:$0x7], $0x400, $0x38;
	[tilespmem:$0x18800] =	vst v63  }
0x213: {  	s15 =	sadd.s32 s14, s16;
	s16 =	sld [smem:$0x7FB]  }
0x214: {  	[hbm4b:s15+s5] =	stream.linear.scatter [tilespmem:s10], [sflag:$0x7], $0x400, $0x38;
	[tilespmem:$0x18800] =	vst v63  }
0x215: {  	s6 =	sadd.s32 $0x3, s6;
	s15 =	sadd.s32 s14, s23;
	s23 =	sld [smem:$0x7FC]  }
0x216: {  	[hbm4b:s15+s5] =	stream.linear.scatter [tilespmem:s11], [sflag:$0x7], $0x400, $0x38;
	[tilespmem:$0x18800] =	vst v63  }
0x217: {  	p0 =	sge.u32 s6, s9;
	s15 =	sadd.s32 s14, s16;
	s16 =	sld [smem:$0x7FD]  }
0x218: {  	[hbm4b:s15+s5] =	stream.linear.scatter [tilespmem:s12], [sflag:$0x7], $0x400, $0x38;
	[tilespmem:$0x18800] =	vst v63  }
0x219: {  	s6 =	sshll.u32 @!p0 s6, $0x6;
	s15 =	sadd.s32 s14, s23  }
0x21a: {  	[hbm4b:s15+s5] =	stream.linear.scatter [tilespmem:s13], [sflag:$0x7], $0x400, $0x38;
	[tilespmem:$0x18800] =	vst v63  }
0x21b: {  	s6 =	sand.u32 @!p0 $0xFFFFFC0, s6;
	s23 =	sadd.s32 s14, s16;
	s14 =	rddreg [dreg:$0x0]  }
0x21c: {  	[hbm4b:s23+s5] =	stream.linear.scatter [tilespmem:s25], [sflag:$0x7], $0x400, $0x38;
	[tilespmem:$0x18800] =	vst v63  }
0x21d: {  	s16 =	simm.s32 @!p0 $0x200;
	s14 =	sadd.s32 @!p0 s14, s6;
	s15 =	simm.s32 @!p0 $0x0  }
0x21e: {  	[tilespmem:s16], [sflag:$0x2] =	stream.linear.gather @!p0 [hbm4b:s14+s15], $0x200, $0x38;
	[tilespmem:$0x18800] =	vst v63  }
0x21f: {  	s14 =	rddreg [dreg:$0x1]  }
0x220: {  	s2 =	sadd.s32 $0x1, s2;
	s6 =	sadd.s32 @!p0 s14, s6;
	s14 =	simm.s32 @!p0 $0x600  }
0x221: {  	[tilespmem:s14], [sflag:$0x2] =	stream.linear.gather @!p0 [hbm4b:s6+s15], $0x200, $0x38;
	[tilespmem:$0x18800] =	vst v63  }
0x222: {  	p0 =	sne.s32 s2, $0x19  }
.Ltmp3:
0x223: {  	_ = 	snop;
	(pc) =	sbr.rel @p0 .LBB2_2-.Ltmp3, $1  }
0x224: {  	_ =	sdelay $0x3  }
0x225: {  	_ =	swait.ge [sflag:s1], $0x400  }
0x226: {  	[sflag:s1] =	ssyncset.done $0x0  }
0x227: {  	[sflag:s1] =	ssyncadd.s32 $0xFFFFFC00  }
0x228: {  	_ =	swait.ge [sflag:s1], $0x400  }
0x229: {  	[sflag:s1] =	ssyncset.done $0x0  }
0x22a: {  	[sflag:s1] =	ssyncadd.s32 $0xFFFFFC00  }
0x22b: {  	_ =	swait.ge [sflag:s1], $0x400  }
0x22c: {  	[sflag:s1] =	ssyncset.done $0x0  }
0x22d: {  	[sflag:s1] =	ssyncadd.s32 $0xFFFFFC00  }
0x22e: {  	_ =	swait.ge [sflag:s1], $0x400  }
0x22f: {  	[sflag:s1] =	ssyncset.done $0x0  }
0x230: {  	[sflag:s1] =	ssyncadd.s32 $0xFFFFFC00  }
0x231: {  	_ =	swait.ge [sflag:s1], $0x400  }
0x232: {  	[sflag:s1] =	ssyncset.done $0x0  }
0x233: {  	[sflag:s1] =	ssyncadd.s32 $0xFFFFFC00  }
0x234: {  	_ =	swait.ge [sflag:s1], $0x400  }
0x235: {  	[sflag:s1] =	ssyncset.done $0x0  }
0x236: {  	[sflag:s1] =	ssyncadd.s32 $0xFFFFFC00  }
0x237: {  	_ =	swait.ge [sflag:s1], $0x400  }
0x238: {  	[sflag:s1] =	ssyncset.done $0x0  }
0x239: {  	[sflag:s1] =	ssyncadd.s32 $0xFFFFFC00  }
0x23a: {  	_ =	swait.ge [sflag:s1], $0x400  }
0x23b: {  	[sflag:s1] =	ssyncset.done $0x0  }
0x23c: {  	[sflag:s1] =	ssyncadd.s32 $0xFFFFFC00  }
0x23d: {  	_ =	swait.ge [sflag:s1], $0x400  }
0x23e: {  	[sflag:s1] =	ssyncset.done $0x0  }
0x23f: {  	[sflag:s1] =	ssyncadd.s32 $0xFFFFFC00  }
0x240: {  	_ =	swait.ge [sflag:s1], $0x400  }
0x241: {  	[sflag:s1] =	ssyncset.done $0x0  }
0x242: {  	[sflag:s1] =	ssyncadd.s32 $0xFFFFFC00  }
0x243: {  	_ =	swait.ge [sflag:s1], $0x400  }
0x244: {  	[sflag:s1] =	ssyncset.done $0x0  }
0x245: {  	[sflag:s1] =	ssyncadd.s32 $0xFFFFFC00  }
0x246: {  	_ =	swait.ge [sflag:s1], $0x400  }
0x247: {  	[sflag:s1] =	ssyncset.done $0x0  }
0x248: {  	[sflag:s1] =	ssyncadd.s32 $0xFFFFFC00  }
0x249: {  	_ =	swait.ge [sflag:s1], $0x400  }
0x24a: {  	[sflag:s1] =	ssyncset.done $0x0  }
0x24b: {  	[sflag:s1] =	ssyncadd.s32 $0xFFFFFC00  }
0x24c: {  	_ =	swait.ge [sflag:s1], $0x400  }
0x24d: {  	[sflag:s1] =	ssyncset.done $0x0  }
0x24e: {  	[sflag:s1] =	ssyncadd.s32 $0xFFFFFC00  }
0x24f: {  	_ =	swait.ge [sflag:s1], $0x400  }
0x250: {  	[sflag:s1] =	ssyncset.done $0x0  }
0x251: {  	[sflag:s1] =	ssyncadd.s32 $0xFFFFFC00  }
0x252: {  	_ =	swait.ge [sflag:s1], $0x400  }
0x253: {  	[sflag:s1] =	ssyncset.done $0x0  }
0x254: {  	[sflag:s1] =	ssyncadd.s32 $0xFFFFFC00  }
0x255: {  	_ =	swait.ge [sflag:s1], $0x400  }
0x256: {  	[sflag:s1] =	ssyncset.done $0x0  }
0x257: {  	[sflag:s1] =	ssyncadd.s32 $0xFFFFFC00  }
0x258: {  	_ =	swait.ge [sflag:s1], $0x400  }
0x259: {  	[sflag:s1] =	ssyncset.done $0x0  }
0x25a: {  	[sflag:s1] =	ssyncadd.s32 $0xFFFFFC00  }
0x25b: {  	_ =	swait.ge [sflag:s1], $0x400  }
0x25c: {  	[sflag:s1] =	ssyncset.done $0x0  }
0x25d: {  	[sflag:s1] =	ssyncadd.s32 $0xFFFFFC00  }
0x25e: {  	_ =	swait.ge [sflag:s1], $0x400  }
0x25f: {  	[sflag:s1] =	ssyncset.done $0x0  }
0x260: {  	[sflag:s1] =	ssyncadd.s32 $0xFFFFFC00  }
0x261: {  	_ =	swait.ge [sflag:s1], $0x400  }
0x262: {  	[sflag:s1] =	ssyncset.done $0x0  }
0x263: {  	[sflag:s1] =	ssyncadd.s32 $0xFFFFFC00  }
0x264: {  	_ =	swait.ge [sflag:s1], $0x400  }
0x265: {  	[sflag:s1] =	ssyncset.done $0x0  }
0x266: {  	[sflag:s1] =	ssyncadd.s32 $0xFFFFFC00  }
0x267: {  	_ =	swait.ge [sflag:s1], $0x400  }
0x268: {  	[sflag:s1] =	ssyncset.done $0x0  }
0x269: {  	[sflag:s1] =	ssyncadd.s32 $0xFFFFFC00  }
0x26a: {  	_ =	swait.ge [sflag:s1], $0x400  }
0x26b: {  	[sflag:s1] =	ssyncset.done $0x0  }
0x26c: {  	[sflag:s1] =	ssyncadd.s32 $0xFFFFFC00  }
0x26d: {  	_ =	swait.ge [sflag:s1], $0x400  }
0x26e: {  	[sflag:s1] =	ssyncset.done $0x0  }
0x26f: {  	[sflag:s1] =	ssyncadd.s32 $0xFFFFFC00  }
0x270: {  	_ =	swait.ge [sflag:s1], $0x400  }
0x271: {  	[sflag:s1] =	ssyncset.done $0x0  }
0x272: {  	[sflag:s1] =	ssyncadd.s32 $0xFFFFFC00  }
0x273: {  	_ =	swait.ge [sflag:s1], $0x400  }
0x274: {  	[sflag:s1] =	ssyncset.done $0x0  }
0x275: {  	[sflag:s1] =	ssyncadd.s32 $0xFFFFFC00  }
0x276: {  	_ =	swait.ge [sflag:s1], $0x400  }
0x277: {  	[sflag:s1] =	ssyncset.done $0x0  }
0x278: {  	[sflag:s1] =	ssyncadd.s32 $0xFFFFFC00  }
0x279: {  	_ =	swait.ge [sflag:s1], $0x400  }
0x27a: {  	[sflag:s1] =	ssyncset.done $0x0  }
0x27b: {  	[sflag:s1] =	ssyncadd.s32 $0xFFFFFC00  }
0x27c: {  	_ =	swait.ge [sflag:s1], $0x400  }
0x27d: {  	[sflag:s1] =	ssyncset.done $0x0  }
0x27e: {  	[sflag:s1] =	ssyncadd.s32 $0xFFFFFC00  }
0x27f: {  	_ =	swait.ge [sflag:s1], $0x400  }
0x280: {  	[sflag:s1] =	ssyncset.done $0x0  }
0x281: {  	[sflag:s1] =	ssyncadd.s32 $0xFFFFFC00  }
0x282: {  	_ =	swait.ge [sflag:s1], $0x400  }
0x283: {  	s6 =	sld [smem:$0x7D3];
	_ =	sdelay $0x2  }
0x284: {  	s2 =	rddreg [dreg:$0x15];
	s6 =	sadd.s32 $0x1, s6  }
0x285: {  	p0 =	sne.s32 s6, s2  }
.Ltmp4:
0x286: {  	_ = 	snop;
	(pc) =	sbr.rel @p0 .LBB2_1-.Ltmp4, $3  }
0x287: {  	_ =	sdelay $0x1  }
0x288: {  	[sflag:s1] =	ssyncset.done $0x0  }
0x289: {  	[sflag:s1] =	ssyncadd.s32 $0xFFFFFC00  }
0x28a: {  	_ =	sfence.sel $0x180000  }
0x28b: {  	[bflag:$0x0] =	sbarrier.arrive $0xFFFF  }
0x28c: {  	_ =	strace $0x90000047  }
0x28d: {  	s0 =	stileid.u32;
	[bflag:$0x2] =	sbarrier.arrive $0xFFFF  }
0x28e: {  	p0 =	sne.s32 s0, $0x0;
	s0 =	rddreg [dreg:$0x4]  }
0x28f: {  	s0 =	sadd.s32 @!p0 $0x100000, s0  }
0x290: {  	[sflag:s0] =	ssyncadd.tile.s32 @!p0 $0x1;
	_ =	shalt  }
.Lfunc_end2:
_tile_overlayer_lowered:
.L_overlay_start_2:
0x291: {  	(tag) =	ssettag $0x2  }
0x292: {  	s0 =	rddreg [dreg:$0x0];
	s2 =	stileid.u32  }
0x293: {  	s1 =	rddreg [dreg:$0x1];
	p0 =	sne.s32 s2, $0x0  }
0x294: {  	s3 =	rddreg [dreg:$0x2];
	[bflag:$0x3] =	sbarrier.arrive $0xFFFF;
	s2 =	simm.s32 @!p0 $0x1C08  }
0x295: {  	[timem:s3], [sflag:s2] =	dma.local @!p0 [hbm:s0], s1  }
0x296: {  	s0 =	simm.s32 @!p0 $0x8  }
0x297: {  	_ =	swait.ge @!p0 [sflag:s0], s1  }
0x298: {  	s1 =	ssub.s32 @!p0 $0x0, s1;
	[sflag:s0] =	ssyncset.done @!p0 $0x0  }
0x299: {  	[sflag:s0] =	ssyncadd.s32 @!p0 s1  }
0x29a: {  	[bflag:$0x3] =	sbarrier.arrive $0xFFFF  }
0x29b: {  	_ =	shalt  }

</sc_bundles>
